<compile_context>
chip_gen: v7x
topology: tpu7x:2x2x1
jax: 0.10.2.dev20260603
libtpu: 0.0.44.dev20260713+nightly
codegen_flags: <defaults>
</compile_context>

<pallas_src>
import jax
import jax.numpy as jnp
import numpy as np
from jax import lax
from jax.experimental import pallas as pl
from jax.experimental.pallas import tpu as pltpu
from jax.experimental.pallas import tpu_sc as plsc

N = 50000
E = 800000
S = 5
M0 = 8
M1 = 8
NB = 8
H = 64
L = 2
RMAX = 5.0
AVG_NEI = 16.0

NP = 50176
EP = 819200
R = 128
NG = EP // R
KB = 10
NC = 2
NS = 16
ROWS_T = NP // NS
BT = 8192
PW = 32
INV_SQRT3 = 1.0 / np.sqrt(3.0)

_SC_MESH = plsc.VectorSubcoreMesh(core_axis_name="c", subcore_axis_name="s")


def _prep0_body(spec_ref, wemb_ref, wlin_ref, wrs_ref, wrg_ref, t_ref, r_ref):
    spec = spec_ref[...]
    attr = (spec == lax.broadcasted_iota(jnp.int32, (spec.shape[0], S), 1))
    attr = attr.astype(jnp.float32)
    h_s = attr @ wemb_ref[...]
    t_ref[...] = jnp.concatenate(
        [h_s @ wlin_ref[...] / np.sqrt(M0),
         jnp.zeros((h_s.shape[0], 3 * M1), jnp.float32)], axis=1)
    res_s = jnp.zeros((h_s.shape[0], M0), jnp.float32)
    res_g = jnp.zeros((h_s.shape[0], M1), jnp.float32)
    for k in range(S):
        mk = attr[:, k:k + 1]
        res_s = res_s + (h_s @ wrs_ref[k]) * mk
        res_g = res_g + (h_s @ wrg_ref[k]) * mk
    r_ref[...] = jnp.concatenate(
        [res_s / np.sqrt(M0 * S), res_g / np.sqrt(M0 * S)], axis=1)


def _node_prep0(spec_p, W_embed, W_lin_s0, wrs0, wrg0):
    BN = NP // 64
    return pl.pallas_call(
        _prep0_body,
        grid=(64,),
        in_specs=[
            pl.BlockSpec((BN, 1), lambda i: (i, 0)),
            pl.BlockSpec((S, M0), lambda i: (0, 0)),
            pl.BlockSpec((M0, M0), lambda i: (0, 0)),
            pl.BlockSpec((S, M0, M0), lambda i: (0, 0, 0)),
            pl.BlockSpec((S, M0, M1), lambda i: (0, 0, 0)),
        ],
        out_specs=[
            pl.BlockSpec((BN, 4 * M0), lambda i: (i, 0)),
            pl.BlockSpec((BN, 2 * M0), lambda i: (i, 0)),
        ],
        out_shape=[
            jax.ShapeDtypeStruct((NP, 4 * M0), jnp.float32),
            jax.ShapeDtypeStruct((NP, 2 * M0), jnp.float32),
        ],
    )(spec_p, W_embed, W_lin_s0, wrs0, wrg0)


def _gather_body(t_ref, idx_ref, out_ref, idxb, rows, isem0, isem1,
                 gsem, ssem0, ssem1):
    c = lax.axis_index("c")
    s = lax.axis_index("s")
    wid = s * NC + c
    gpw = NG // (NC * NS)
    nit = gpw // KB
    isem = (isem0, isem1)
    ssem = (ssem0, ssem1)

    pltpu.async_copy(idx_ref.at[pl.ds(wid * gpw, KB)], idxb.at[0], isem0)

    def body(jj, _):
        for par in range(2):
            j = jj * 2 + par
            gb = wid * gpw + j * KB
            pltpu.make_async_copy(
                idx_ref.at[pl.ds(0, KB)], idxb.at[par], isem[par]).wait()

            @pl.when(j >= 2)
            def _():
                pltpu.make_async_copy(
                    rows.at[par], out_ref.at[pl.ds(0, KB)], ssem[par]).wait()

            @pl.when(j + 1 < nit)
            def _():
                pltpu.async_copy(idx_ref.at[pl.ds(gb + KB, KB)],
                                 idxb.at[1 - par], isem[1 - par])

            descs = [pltpu.async_copy(t_ref.at[idxb.at[par, b]],
                                      rows.at[par, b], gsem)
                     for b in range(KB)]
            for d in descs:
                d.wait()
            pltpu.async_copy(rows.at[par], out_ref.at[pl.ds(gb, KB)],
                             ssem[par])
        return 0

    lax.fori_loop(0, nit // 2, body, 0)
    pltpu.make_async_copy(rows.at[0], out_ref.at[pl.ds(0, KB)], ssem0).wait()
    pltpu.make_async_copy(rows.at[1], out_ref.at[pl.ds(0, KB)], ssem1).wait()


_gather = pl.kernel(
    _gather_body,
    out_type=jax.ShapeDtypeStruct((NG, R, 4 * M0), jnp.float32),
    mesh=_SC_MESH,
    scratch_types=[
        pltpu.VMEM((2, KB, R), jnp.int32),
        pltpu.VMEM((2, KB, R, 4 * M0), jnp.float32),
        pltpu.SemaphoreType.DMA,
        pltpu.SemaphoreType.DMA,
        pltpu.SemaphoreType.DMA,
        pltpu.SemaphoreType.DMA,
        pltpu.SemaphoreType.DMA,
    ],
    compiler_params=pltpu.CompilerParams(use_tc_tiling_on_sc=False),
)


def _w_body(evt_ref, wm1t_ref, wm2t_ref, wm3t_ref, w_ref):
    vt = evt_ref[...]
    vx = vt[0:1]
    vy = vt[1:2]
    vz = vt[2:3]
    r = jnp.sqrt(vx * vx + vy * vy + vz * vz + 1e-12)
    x = r / RMAX
    x2 = x * x
    x4 = x2 * x2
    x5 = x4 * x
    env = 1.0 - 21.0 * x5 + 35.0 * x5 * x - 15.0 * x5 * x2
    env = jnp.where(x < 1.0, env, 0.0)
    nvec = lax.broadcasted_iota(jnp.int32, (NB, 1), 0).astype(jnp.float32) + 1.0
    bess = np.sqrt(2.0 / RMAX) * jnp.sin(nvec * np.pi * r / RMAX) / r
    emb = bess * env

    h1 = jax.nn.silu(wm1t_ref[...] @ emb)
    h2 = jax.nn.silu(wm2t_ref[...] @ h1)
    w_ref[...] = wm3t_ref[...] @ h2


def _w_stage(evt_p, wm1t, wm2t, wm3t):
    nblk = EP // BT
    return pl.pallas_call(
        _w_body,
        grid=(nblk,),
        in_specs=[
            pl.BlockSpec((3, BT), lambda i: (0, i)),
            pl.BlockSpec((H, NB), lambda i: (0, 0)),
            pl.BlockSpec((H, H), lambda i: (0, 0)),
            pl.BlockSpec((4 * M0, H), lambda i: (0, 0)),
        ],
        out_specs=pl.BlockSpec((4 * M0, BT), lambda i: (0, i)),
        out_shape=jax.ShapeDtypeStruct((4 * M0, EP), jnp.float32),
    )(evt_p, wm1t, wm2t, wm3t)


def _edge_body(evt_ref, g_ref, w_ref, q_ref):
    vt = evt_ref[...]
    vx = vt[0:1]
    vy = vt[1:2]
    vz = vt[2:3]
    r = jnp.sqrt(vx * vx + vy * vy + vz * vz + 1e-12)
    yx = vx / r
    yy = vy / r
    yz = vz / r
    w = w_ref[...]

    gp = g_ref[...]
    gt = jnp.concatenate(
        [jnp.transpose(gp[:, 32 * qq:32 * qq + 32]) for qq in range(4)],
        axis=1)
    es = gt[0:8]
    evx = gt[8:16]
    evy = gt[16:24]
    evz = gt[24:32]

    dot = evx * yx + evy * yy + evz * yz
    m_s = jnp.concatenate([w[0:8] * es, w[24:32] * dot * INV_SQRT3],
                          axis=0)
    a = w[8:16] * es
    w3 = w[16:24]
    mvx = jnp.concatenate([a * yx, w3 * evx], axis=0)
    mvy = jnp.concatenate([a * yy, w3 * evy], axis=0)
    mvz = jnp.concatenate([a * yz, w3 * evz], axis=0)

    qt0 = jnp.concatenate([m_s, mvx], axis=0)
    qt1 = jnp.concatenate([mvy, mvz], axis=0)
    B4 = BT // 4
    q_ref[0] = jnp.concatenate(
        [jnp.transpose(qt0[:, qq * B4:(qq + 1) * B4]) for qq in range(4)],
        axis=1)
    q_ref[1] = jnp.concatenate(
        [jnp.transpose(qt1[:, qq * B4:(qq + 1) * B4]) for qq in range(4)],
        axis=1)


def _edge_stage(evt_p, g_flat, w_all):
    nblk = EP // BT
    return pl.pallas_call(
        _edge_body,
        grid=(nblk,),
        in_specs=[
            pl.BlockSpec((3, BT), lambda i: (0, i)),
            pl.BlockSpec((BT // 4, 128), lambda i: (i, 0)),
            pl.BlockSpec((4 * M0, BT), lambda i: (0, i)),
        ],
        out_specs=pl.BlockSpec((NC, BT // 4, 128), lambda i: (0, i, 0)),
        out_shape=jax.ShapeDtypeStruct((NC, EP // 4, 128), jnp.float32),
    )(evt_p, g_flat, w_all)


KB2 = 2


def _scatter_body(q_ref, ridx_ref, z_ref, out_ref, idxb, buf, table,
                  li0, li1, lq0, lq1):
    c = lax.axis_index("c")
    s = lax.axis_index("s")
    r0 = s * ROWS_T
    li = (li0, li1)
    lq = (lq0, lq1)

    pltpu.sync_copy(z_ref.at[pl.ds(r0, ROWS_T)], table.at[pl.ds(r0, ROWS_T)])
    plsc.subcore_barrier()

    gpw = NG // NS
    nit = gpw // KB2
    gb0 = s * gpw

    pltpu.async_copy(ridx_ref.at[pl.ds(gb0, KB2)], idxb.at[0], li0)
    pltpu.async_copy(q_ref.at[c, pl.ds(gb0, KB2)], buf.at[0], lq0)

    def body(jj, _):
        for par in range(2):
            j = jj * 2 + par
            gb = gb0 + j * KB2
            pltpu.make_async_copy(
                ridx_ref.at[pl.ds(0, KB2)], idxb.at[par], li[par]).wait()
            pltpu.make_async_copy(
                q_ref.at[c, pl.ds(0, KB2)], buf.at[par], lq[par]).wait()

            @pl.when(j + 1 < nit)
            def _():
                pltpu.async_copy(ridx_ref.at[pl.ds(gb + KB2, KB2)],
                                 idxb.at[1 - par], li[1 - par])
                pltpu.async_copy(q_ref.at[c, pl.ds(gb + KB2, KB2)],
                                 buf.at[1 - par], lq[1 - par])

            for b in range(KB2):
                pltpu.sync_copy(buf.at[par, b], table.at[idxb.at[par, b]],
                                add=True)
        return 0

    lax.fori_loop(0, nit // 2, body, 0)
    plsc.subcore_barrier()

    pltpu.sync_copy(table.at[pl.ds(r0, ROWS_T)],
                    out_ref.at[c, pl.ds(r0, ROWS_T)])


_scatter = pl.kernel(
    _scatter_body,
    out_type=jax.ShapeDtypeStruct((NC, NP, PW), jnp.float32),
    mesh=_SC_MESH,
    scratch_types=[
        pltpu.VMEM((2, KB2, R), jnp.int32),
        pltpu.VMEM((2, KB2, R, PW), jnp.float32),
        pltpu.VMEM_SHARED((NP, PW), jnp.float32),
        pltpu.SemaphoreType.DMA,
        pltpu.SemaphoreType.DMA,
        pltpu.SemaphoreType.DMA,
        pltpu.SemaphoreType.DMA,
    ],
    compiler_params=pltpu.CompilerParams(use_tc_tiling_on_sc=False),
)


def _update_core(agg_ref, r_ref, rv_ref, wos_ref, wov_ref):
    agg0 = agg_ref[0]
    agg1 = agg_ref[1]
    inv4 = 1.0 / np.sqrt(M0 + M1)
    agg_s = agg0[:, 0:16] / AVG_NEI
    out_s = (agg_s @ wos_ref[...]) * inv4 + r_ref[...]
    wov = wov_ref[...]
    rv = rv_ref[...]
    out_vx = ((agg0[:, 16:32] / AVG_NEI) @ wov) * inv4 + rv[:, 0:8]
    out_vy = ((agg1[:, 0:16] / AVG_NEI) @ wov) * inv4 + rv[:, 8:16]
    out_vz = ((agg1[:, 16:32] / AVG_NEI) @ wov) * inv4 + rv[:, 16:24]
    hs = jax.nn.silu(out_s[:, 0:M0])
    gate = jax.nn.silu(out_s[:, M0:2 * M0])
    return hs, out_vx * gate, out_vy * gate, out_vz * gate


def _update_mid_body(agg_ref, r_ref, rv_ref, spec_ref, wos_ref, wov_ref,
                     wls_ref, wlv_ref, wrs_ref, wrg_ref, wrv_ref,
                     t_ref, rn_ref, rvn_ref):
    hs, vx, vy, vz = _update_core(agg_ref, r_ref, rv_ref, wos_ref, wov_ref)
    spec = spec_ref[...]
    attr = (spec == lax.broadcasted_iota(jnp.int32, (spec.shape[0], S), 1))
    attr = attr.astype(jnp.float32)
    res_s = jnp.zeros_like(hs)
    res_g = jnp.zeros_like(hs)
    res_vx = jnp.zeros_like(hs)
    res_vy = jnp.zeros_like(hs)
    res_vz = jnp.zeros_like(hs)
    for k in range(S):
        mk = attr[:, k:k + 1]
        res_s = res_s + (hs @ wrs_ref[k]) * mk
        res_g = res_g + (hs @ wrg_ref[k]) * mk
        res_vx = res_vx + (vx @ wrv_ref[k]) * mk
        res_vy = res_vy + (vy @ wrv_ref[k]) * mk
        res_vz = res_vz + (vz @ wrv_ref[k]) * mk
    inv_s = 1.0 / np.sqrt(M0 * S)
    inv_v = 1.0 / np.sqrt(M1 * S)
    rn_ref[...] = jnp.concatenate([res_s * inv_s, res_g * inv_s], axis=1)
    rvn_ref[...] = jnp.concatenate(
        [res_vx * inv_v, res_vy * inv_v, res_vz * inv_v], axis=1)
    wl_s = wls_ref[...]
    wl_v = wlv_ref[...]
    t_ref[...] = jnp.concatenate(
        [hs @ wl_s / np.sqrt(M0), vx @ wl_v / np.sqrt(M1),
         vy @ wl_v / np.sqrt(M1), vz @ wl_v / np.sqrt(M1)], axis=1)


def _update_last_body(agg_ref, r_ref, rv_ref, wos_ref, wov_ref,
                      wf1_ref, wf2_ref, e_ref):
    hs, _, _, _ = _update_core(agg_ref, r_ref, rv_ref, wos_ref, wov_ref)
    e_ref[...] = (hs @ wf1_ref[...]) @ wf2_ref[...]


def _node_update_mid(agg, rcur, rvcur, spec_p, wos, wov, wls, wlv,
                     wrs, wrg, wrv):
    BN = NP // 64
    return pl.pallas_call(
        _update_mid_body,
        grid=(64,),
        in_specs=[
            pl.BlockSpec((NC, BN, PW), lambda i: (0, i, 0)),
            pl.BlockSpec((BN, 16), lambda i: (i, 0)),
            pl.BlockSpec((BN, 24), lambda i: (i, 0)),
            pl.BlockSpec((BN, 1), lambda i: (i, 0)),
            pl.BlockSpec((2 * M0, 2 * M0), lambda i: (0, 0)),
            pl.BlockSpec((2 * M0, M1), lambda i: (0, 0)),
            pl.BlockSpec((M0, M0), lambda i: (0, 0)),
            pl.BlockSpec((M1, M1), lambda i: (0, 0)),
            pl.BlockSpec((S, M0, M0), lambda i: (0, 0, 0)),
            pl.BlockSpec((S, M0, M1), lambda i: (0, 0, 0)),
            pl.BlockSpec((S, M1, M1), lambda i: (0, 0, 0)),
        ],
        out_specs=[
            pl.BlockSpec((BN, 4 * M0), lambda i: (i, 0)),
            pl.BlockSpec((BN, 2 * M0), lambda i: (i, 0)),
            pl.BlockSpec((BN, 3 * M1), lambda i: (i, 0)),
        ],
        out_shape=[
            jax.ShapeDtypeStruct((NP, 4 * M0), jnp.float32),
            jax.ShapeDtypeStruct((NP, 2 * M0), jnp.float32),
            jax.ShapeDtypeStruct((NP, 3 * M1), jnp.float32),
        ],
    )(agg, rcur, rvcur, spec_p, wos, wov, wls, wlv, wrs, wrg, wrv)


def _node_update_last(agg, rcur, rvcur, wos, wov, wf1, wf2):
    BN = NP // 64
    return pl.pallas_call(
        _update_last_body,
        grid=(64,),
        in_specs=[
            pl.BlockSpec((NC, BN, PW), lambda i: (0, i, 0)),
            pl.BlockSpec((BN, 16), lambda i: (i, 0)),
            pl.BlockSpec((BN, 24), lambda i: (i, 0)),
            pl.BlockSpec((2 * M0, 2 * M0), lambda i: (0, 0)),
            pl.BlockSpec((2 * M0, M1), lambda i: (0, 0)),
            pl.BlockSpec((M0, M0 // 2), lambda i: (0, 0)),
            pl.BlockSpec((M0 // 2, 1), lambda i: (0, 0)),
        ],
        out_specs=pl.BlockSpec((BN, 1), lambda i: (i, 0)),
        out_shape=jax.ShapeDtypeStruct((NP, 1), jnp.float32),
    )(agg, rcur, rvcur, wos, wov, wf1, wf2)


def kernel(edge_vectors, node_species, senders, receivers, W_embed, W_res_s,
           W_res_g, W_res_v, W_lin_s, W_lin_v, Wm1, Wm2, Wm3, W_out_s,
           W_out_v, W_f1, W_f2):
    f32 = jnp.float32
    spec_p = jnp.concatenate(
        [node_species.astype(jnp.int32), jnp.zeros((NP - N,), jnp.int32)]
    ).reshape(NP, 1)
    pad_vec = jnp.broadcast_to(jnp.array([2.0 * RMAX, 0.0, 0.0], f32),
                               (EP - E, 3))
    evt_p = jnp.concatenate([edge_vectors, pad_vec], axis=0).T
    def _interleave(a):
        return (a.reshape(EP // BT, 4, BT // 4).transpose(0, 2, 1)
                .reshape(NG, R))

    send_p = _interleave(jnp.concatenate(
        [senders.astype(jnp.int32), jnp.zeros((EP - E,), jnp.int32)]))
    recv_p = _interleave(jnp.concatenate(
        [receivers.astype(jnp.int32), jnp.zeros((EP - E,), jnp.int32)]))
    zeros_tab = jnp.zeros((NP, PW), f32)

    wrs = [W_res_s[l].transpose(1, 0, 2) for l in range(L)]
    wrg = [W_res_g[l].transpose(1, 0, 2) for l in range(L)]
    wrv = [W_res_v[l].transpose(1, 0, 2) for l in range(L)]

    t, rcur = _node_prep0(spec_p, W_embed, W_lin_s[0], wrs[0], wrg[0])
    rvcur = jnp.zeros((NP, 3 * M1), f32)

    w0 = _w_stage(evt_p, Wm1[0].T, Wm2[0].T, Wm3[0].T)
    wlist = [w0, None]

    for l in range(L):
        g = _gather(t, send_p).reshape(EP // 4, 128)
        q = _edge_stage(evt_p, g, wlist[l])
        if l == 0:
            wlist[1] = _w_stage(evt_p, Wm1[1].T, Wm2[1].T, Wm3[1].T)
        agg = _scatter(q.reshape(NC, NG, R, PW), recv_p, zeros_tab)
        if l < L - 1:
            t, rcur, rvcur = _node_update_mid(
                agg, rcur, rvcur, spec_p, W_out_s[l], W_out_v[l],
                W_lin_s[l + 1], W_lin_v[l + 1],
                wrs[l + 1], wrg[l + 1], wrv[l + 1])
        else:
            e = _node_update_last(agg, rcur, rvcur, W_out_s[l], W_out_v[l],
                                  W_f1, W_f2)
    return e[:N, 0]

# --- scband reference (transcript-rebuilt; emitter-appended) ---
"""Pipeline reference for scband-nequip-block-2259152798306 (READ-ONLY COPY).

The authoritative reference and input builder live on the scoring server;
editing this copy changes nothing except your own understanding.
"""

import jax, jax.numpy as jnp
import numpy as np

N = 50000
E = 800000
S = 5
M0 = 8
M1 = 8
NB = 8
H = 64
L = 2
RMAX = 5.0
AVG_NEI = 16.0
NTPW = 2 * M0 + 2 * M1


def setup_inputs(seed: int = 0) -> dict:
    key = jax.random.key(seed)
    ks = jax.random.split(key, 20)
    inp = {}
    inp['edge_vectors'] = jax.random.normal(ks[0], (E, 3), dtype=jnp.float32) * 2.0
    inp['node_species'] = jax.random.randint(ks[1], (N,), 0, S)
    inp['senders'] = jax.random.randint(ks[2], (E,), 0, N)
    inp['receivers'] = jax.random.randint(ks[3], (E,), 0, N)
    inp['W_embed'] = jax.random.normal(ks[4], (S, M0), dtype=jnp.float32) / np.sqrt(S)
    inp['W_res_s'] = jax.random.normal(ks[5], (L, M0, S, M0), dtype=jnp.float32)
    inp['W_res_g'] = jax.random.normal(ks[6], (L, M0, S, M1), dtype=jnp.float32)
    inp['W_res_v'] = jax.random.normal(ks[7], (L, M1, S, M1), dtype=jnp.float32)
    inp['W_lin_s'] = jax.random.normal(ks[8], (L, M0, M0), dtype=jnp.float32)
    inp['W_lin_v'] = jax.random.normal(ks[9], (L, M1, M1), dtype=jnp.float32)
    inp['Wm1'] = jax.random.normal(ks[10], (L, NB, H), dtype=jnp.float32) * (4.0 / np.sqrt(NB))
    inp['Wm2'] = jax.random.normal(ks[11], (L, H, H), dtype=jnp.float32) * (4.0 / np.sqrt(H))
    inp['Wm3'] = jax.random.normal(ks[12], (L, H, NTPW), dtype=jnp.float32) * (4.0 / np.sqrt(H))
    inp['W_out_s'] = jax.random.normal(ks[13], (L, M0 + M1, M0 + M1), dtype=jnp.float32)
    inp['W_out_v'] = jax.random.normal(ks[14], (L, M0 + M1, M1), dtype=jnp.float32)
    inp['W_f1'] = jax.random.normal(ks[15], (M0, M0 // 2), dtype=jnp.float32) / np.sqrt(M0)
    inp['W_f2'] = jax.random.normal(ks[16], (M0 // 2, 1), dtype=jnp.float32) / np.sqrt(M0 // 2)
    return inp


def reference(edge_vectors, node_species, senders, receivers, W_embed, W_res_s, W_res_g, W_res_v,
              W_lin_s, W_lin_v, Wm1, Wm2, Wm3, W_out_s, W_out_v, W_f1, W_f2):
    # node attrs: one-hot species, irreps Sx0e
    attr = jax.nn.one_hot(node_species, S, dtype=jnp.float32)
    # initial Linear embedding: only 0e->0e path exists; 1o chunk starts at zero
    h_s = attr @ W_embed
    h_v = jnp.zeros((N, M1, 3), dtype=jnp.float32)
    # edge scalars: safe norm
    r = jnp.sqrt(jnp.sum(edge_vectors * edge_vectors, axis=-1) + 1e-12)
    # spherical harmonics up to l_max=1 (component normalization): Y0=1, Y1=unit vector
    Y1 = edge_vectors / r[:, None]
    # Bessel radial basis
    nvec = jnp.arange(1, NB + 1, dtype=jnp.float32)
    bess = jnp.sqrt(2.0 / RMAX) * jnp.sin(nvec[None, :] * jnp.pi * r[:, None] / RMAX) / r[:, None]
    # polynomial envelope (p=5)
    x = r / RMAX
    p = 5.0
    env = 1.0 - (p + 1.0) * (p + 2.0) / 2.0 * x ** p + p * (p + 2.0) * x ** (p + 1.0) - p * (p + 1.0) / 2.0 * x ** (p + 2.0)
    env = jnp.where(x < 1.0, env, 0.0)
    edge_emb = bess * env[:, None]

    for l in range(L):
        # residual: FullyConnectedTensorProduct(node_feats, node_attrs) -> h_out irreps
        res_s = jnp.einsum('ni,nk,iko->no', h_s, attr, W_res_s[l]) / np.sqrt(M0 * S)
        res_g = jnp.einsum('ni,nk,iko->no', h_s, attr, W_res_g[l]) / np.sqrt(M0 * S)
        res_v = jnp.einsum('nic,nk,iko->noc', h_v, attr, W_res_v[l]) / np.sqrt(M1 * S)
        # Linear on node feats (per-irrep mixing)
        hs = h_s @ W_lin_s[l] / np.sqrt(M0)
        hv = jnp.einsum('nic,io->noc', h_v, W_lin_v[l]) / np.sqrt(M1)
        # gather sender features onto edges
        es = hs[senders]
        ev = hv[senders]
        # radial MLP (swish, no bias) producing per-edge tensor-product weights
        w = jax.nn.silu(jnp.einsum('eb,bh->eh', edge_emb, Wm1[l]))
        w = jax.nn.silu(jnp.einsum('eh,hg->eg', w, Wm2[l]))
        w = jnp.einsum('eh,ho->eo', w, Wm3[l])
        w1 = w[:, :M0]
        w2 = w[:, M0:2 * M0]
        w3 = w[:, 2 * M0:2 * M0 + M1]
        w4 = w[:, 2 * M0 + M1:]
        # uvu tensor product paths with edge SH (l_max=1)
        m_s1 = w1 * es  # 0e x 0e -> 0e
        m_s2 = w4 * jnp.sum(ev * Y1[:, None, :], axis=-1) / np.sqrt(3.0)  # 1o x 1o -> 0e
        m_v1 = (w2 * es)[:, :, None] * Y1[:, None, :]  # 0e x 1o -> 1o
        m_v2 = w3[:, :, None] * ev  # 1o x 0e -> 1o
        msg_s = jnp.concatenate([m_s1, m_s2], axis=1)  # (E, M0+M1)
        msg_v = jnp.concatenate([m_v1, m_v2], axis=1)  # (E, M0+M1, 3)
        # scatter-sum over receivers + neighbor normalization
        agg_s = jax.ops.segment_sum(msg_s, receivers, num_segments=N) / AVG_NEI
        agg_v = jax.ops.segment_sum(msg_v, receivers, num_segments=N) / AVG_NEI
        # Linear to h_out irreps (scalars + gate scalars, vectors)
        out_s = agg_s @ W_out_s[l] / np.sqrt(M0 + M1)
        out_v = jnp.einsum('nic,io->noc', agg_v, W_out_v[l]) / np.sqrt(M0 + M1)
        # residual connection
        out_s = out_s + jnp.concatenate([res_s, res_g], axis=1)
        out_v = out_v + res_v
        # gate: even scalars -> swish; gates (0e) -> swish applied then multiply vectors
        h_s = jax.nn.silu(out_s[:, :M0])
        gates = jax.nn.silu(out_s[:, M0:])
        h_v = out_v * gates[:, :, None]

    # readout: Linear to (M0//2)x0e then 1x0e
    z = h_s @ W_f1
    e = z @ W_f2
    return jnp.ravel(e)

if __name__ == "__main__":
    import jax
    _d = setup_inputs()
    print(jax.jit(kernel)(*tuple(_d.values())))

</pallas_src>

<mosaic_0001>
#map = affine_map<(d0, d1) -> (0, 0, 0, 0)>
#map1 = affine_map<(d0, d1) -> (0, 0)>
#map2 = affine_map<(d0, d1) -> (0, 0, 0)>
module attributes {stable_mosaic.version = 14 : i64} {
  func.func @_scatter_body(%arg0: i32, %arg1: i32, %arg2: memref<2x6400x128x32xf32, #tpu.memory_space<hbm>>, %arg3: memref<6400x128xi32, #tpu.memory_space<hbm>>, %arg4: memref<50176x32xf32, #tpu.memory_space<hbm>>, %arg5: memref<2x50176x32xf32, #tpu.memory_space<hbm>>, %arg6: memref<2x2x128xi32, #tpu.memory_space<vmem>>, %arg7: memref<2x2x128x32xf32, #tpu.memory_space<vmem>>, %arg8: memref<50176x32xf32, #tpu.memory_space<vmem_shared>>, %arg9: memref<!tpu.dma_semaphore, #tpu.memory_space<semaphore_mem>>, %arg10: memref<!tpu.dma_semaphore, #tpu.memory_space<semaphore_mem>>, %arg11: memref<!tpu.dma_semaphore, #tpu.memory_space<semaphore_mem>>, %arg12: memref<!tpu.dma_semaphore, #tpu.memory_space<semaphore_mem>>) attributes {dimension_semantics = [#tpu.dimension_semantics<core_parallel>, #tpu.dimension_semantics<subcore_parallel>], iteration_bounds = array<i64: 2, 16>, scalar_prefetch = 0 : i64, scratch_operands = 7 : i64, tpu.core_type = #tpu.core_type<sc_vector_subcore>, window_params = [{transform_indices = #map}, {transform_indices = #map1}, {transform_indices = #map1}, {transform_indices = #map2}]} {
    %mul3A = arith.constant 3136 : i32
    %mul3A_0 = arith.muli %arg1, %mul3A : i32
    "tpu.region"() ({
      %run_scoped3A = tpu.sem_alloc : memref<!tpu.dma_semaphore, #tpu.memory_space<semaphore_mem>>
      %dma_start3A_41 = arith.constant 0 : i32
      %dma_start3A_42 = tpu.memref_slice %arg8[%mul3A_0, %dma_start3A_41] : memref<50176x32xf32, #tpu.memory_space<vmem_shared>> -> memref<3136x32xf32, #tpu.memory_space<vmem_shared>>
      %dma_start3A_43 = arith.constant 0 : i32
      %dma_start3A_44 = tpu.memref_slice %arg4[%mul3A_0, %dma_start3A_43] : memref<50176x32xf32, #tpu.memory_space<hbm>> -> memref<3136x32xf32, #tpu.memory_space<hbm>>
      tpu.enqueue_dma source(%dma_start3A_44 : memref<3136x32xf32, #tpu.memory_space<hbm>>) target(%dma_start3A_42 : memref<3136x32xf32, #tpu.memory_space<vmem_shared>>) target_semaphore(%run_scoped3A : memref<!tpu.dma_semaphore, #tpu.memory_space<semaphore_mem>>)
      %dma_wait3A = arith.constant 0 : i32
      %dma_wait3A_45 = tpu.memref_slice %arg8[%mul3A_0, %dma_wait3A] : memref<50176x32xf32, #tpu.memory_space<vmem_shared>> -> memref<3136x32xf32, #tpu.memory_space<vmem_shared>>
      %dma_wait3A_46 = arith.constant 0 : i32
      %dma_wait3A_47 = tpu.memref_slice %arg4[%mul3A_0, %dma_wait3A_46] : memref<50176x32xf32, #tpu.memory_space<hbm>> -> memref<3136x32xf32, #tpu.memory_space<hbm>>
      tpu.wait_dma2 semaphore(%run_scoped3A : memref<!tpu.dma_semaphore, #tpu.memory_space<semaphore_mem>>) src(%dma_wait3A_47 : memref<3136x32xf32, #tpu.memory_space<hbm>>) dst(%dma_wait3A_45 : memref<3136x32xf32, #tpu.memory_space<vmem_shared>>)
      tpu.yield
    }) : () -> ()
    %barrier3A = arith.constant 0 : index
    tpu.barrier barrier_id(%barrier3A)
    %mul3A_1 = arith.constant 400 : i32
    %mul3A_2 = arith.muli %arg1, %mul3A_1 : i32
    %dma_start3A = arith.constant 0 : i32
    %dma_start3A_3 = arith.constant 0 : i32
    %dma_start3A_4 = arith.constant 0 : i32
    %dma_start3A_5 = tpu.memref_slice %arg6[%dma_start3A, %dma_start3A_3, %dma_start3A_4] : memref<2x2x128xi32, #tpu.memory_space<vmem>> -> memref<1x2x128xi32, #tpu.memory_space<vmem>>
    %dma_start3A_6 = tpu.memref_squeeze %dma_start3A_5 : memref<1x2x128xi32, #tpu.memory_space<vmem>> -> memref<2x128xi32, #tpu.memory_space<vmem>>
    %dma_start3A_7 = arith.constant 0 : i32
    %dma_start3A_8 = tpu.memref_slice %arg3[%mul3A_2, %dma_start3A_7] : memref<6400x128xi32, #tpu.memory_space<hbm>> -> memref<2x128xi32, #tpu.memory_space<hbm>>
    %dma_start3A_9 = arith.constant 0 : i32
    %dma_start3A_10 = arith.constant 0 : i32
    %dma_start3A_11 = tpu.memref_slice %arg6[%dma_start3A, %dma_start3A_9, %dma_start3A_10] : memref<2x2x128xi32, #tpu.memory_space<vmem>> -> memref<1x2x128xi32, #tpu.memory_space<vmem>>
    %dma_start3A_12 = tpu.memref_squeeze %dma_start3A_11 : memref<1x2x128xi32, #tpu.memory_space<vmem>> -> memref<2x128xi32, #tpu.memory_space<vmem>>
    %dma_start3A_13 = arith.constant 0 : i32
    %dma_start3A_14 = tpu.memref_slice %arg3[%mul3A_2, %dma_start3A_13] : memref<6400x128xi32, #tpu.memory_space<hbm>> -> memref<2x128xi32, #tpu.memory_space<hbm>>
    tpu.enqueue_dma source(%dma_start3A_14 : memref<2x128xi32, #tpu.memory_space<hbm>>) target(%dma_start3A_12 : memref<2x128xi32, #tpu.memory_space<vmem>>) target_semaphore(%arg9 : memref<!tpu.dma_semaphore, #tpu.memory_space<semaphore_mem>>)
    %dma_start3A_15 = arith.constant 0 : i32
    %dma_start3A_16 = arith.constant 0 : i32
    %dma_start3A_17 = arith.constant 0 : i32
    %dma_start3A_18 = arith.constant 0 : i32
    %dma_start3A_19 = tpu.memref_slice %arg7[%dma_start3A_15, %dma_start3A_16, %dma_start3A_17, %dma_start3A_18] : memref<2x2x128x32xf32, #tpu.memory_space<vmem>> -> memref<1x2x128x32xf32, #tpu.memory_space<vmem>>
    %dma_start3A_20 = tpu.memref_squeeze %dma_start3A_19 : memref<1x2x128x32xf32, #tpu.memory_space<vmem>> -> memref<2x128x32xf32, #tpu.memory_space<vmem>>
    %dma_start3A_21 = arith.constant 0 : i32
    %dma_start3A_22 = arith.constant 0 : i32
    %dma_start3A_23 = tpu.memref_slice %arg2[%arg0, %mul3A_2, %dma_start3A_21, %dma_start3A_22] : memref<2x6400x128x32xf32, #tpu.memory_space<hbm>> -> memref<1x2x128x32xf32, #tpu.memory_space<hbm>>
    %dma_start3A_24 = tpu.memref_squeeze %dma_start3A_23 : memref<1x2x128x32xf32, #tpu.memory_space<hbm>> -> memref<2x128x32xf32, #tpu.memory_space<hbm>>
    %dma_start3A_25 = arith.constant 0 : i32
    %dma_start3A_26 = arith.constant 0 : i32
    %dma_start3A_27 = arith.constant 0 : i32
    %dma_start3A_28 = tpu.memref_slice %arg7[%dma_start3A_15, %dma_start3A_25, %dma_start3A_26, %dma_start3A_27] : memref<2x2x128x32xf32, #tpu.memory_space<vmem>> -> memref<1x2x128x32xf32, #tpu.memory_space<vmem>>
    %dma_start3A_29 = tpu.memref_squeeze %dma_start3A_28 : memref<1x2x128x32xf32, #tpu.memory_space<vmem>> -> memref<2x128x32xf32, #tpu.memory_space<vmem>>
    %dma_start3A_30 = arith.constant 0 : i32
    %dma_start3A_31 = arith.constant 0 : i32
    %dma_start3A_32 = tpu.memref_slice %arg2[%arg0, %mul3A_2, %dma_start3A_30, %dma_start3A_31] : memref<2x6400x128x32xf32, #tpu.memory_space<hbm>> -> memref<1x2x128x32xf32, #tpu.memory_space<hbm>>
    %dma_start3A_33 = tpu.memref_squeeze %dma_start3A_32 : memref<1x2x128x32xf32, #tpu.memory_space<hbm>> -> memref<2x128x32xf32, #tpu.memory_space<hbm>>
    tpu.enqueue_dma source(%dma_start3A_33 : memref<2x128x32xf32, #tpu.memory_space<hbm>>) target(%dma_start3A_29 : memref<2x128x32xf32, #tpu.memory_space<vmem>>) target_semaphore(%arg11 : memref<!tpu.dma_semaphore, #tpu.memory_space<semaphore_mem>>)
    %scan3A = arith.constant 0 : i32
    %scan3A_34 = arith.constant 0 : i32
    %scan3A_35 = arith.constant 100 : i32
    %scan3A_36 = arith.addi %scan3A_34, %scan3A_35 : i32
    %scan3A_37 = arith.constant 1 : i32
    %scan3A_38 = scf.for %scan3A_41 = %scan3A_34 to %scan3A_36 step %scan3A_37 iter_args(%scan3A_42 = %scan3A) -> (i32)  : i32 {
      %mul3A_43 = arith.constant 2 : i32
      %mul3A_44 = arith.muli %scan3A_41, %mul3A_43 : i32
      %add3A = arith.constant 0 : i32
      %add3A_45 = arith.addi %mul3A_44, %add3A : i32
      %mul3A_46 = arith.constant 2 : i32
      %mul3A_47 = arith.muli %add3A_45, %mul3A_46 : i32
      %add3A_48 = arith.addi %mul3A_2, %mul3A_47 : i32
      %dma_wait3A = arith.constant 0 : i32
      %dma_wait3A_49 = arith.constant 0 : i32
      %dma_wait3A_50 = arith.constant 0 : i32
      %dma_wait3A_51 = tpu.memref_slice %arg6[%dma_wait3A, %dma_wait3A_49, %dma_wait3A_50] : memref<2x2x128xi32, #tpu.memory_space<vmem>> -> memref<1x2x128xi32, #tpu.memory_space<vmem>>
      %dma_wait3A_52 = tpu.memref_squeeze %dma_wait3A_51 : memref<1x2x128xi32, #tpu.memory_space<vmem>> -> memref<2x128xi32, #tpu.memory_space<vmem>>
      %dma_wait3A_53 = arith.constant 0 : i32
      %dma_wait3A_54 = arith.constant 0 : i32
      %dma_wait3A_55 = tpu.memref_slice %arg3[%dma_wait3A_53, %dma_wait3A_54] : memref<6400x128xi32, #tpu.memory_space<hbm>> -> memref<2x128xi32, #tpu.memory_space<hbm>>
      %dma_wait3A_56 = arith.constant 0 : i32
      %dma_wait3A_57 = arith.constant 0 : i32
      %dma_wait3A_58 = tpu.memref_slice %arg6[%dma_wait3A, %dma_wait3A_56, %dma_wait3A_57] : memref<2x2x128xi32, #tpu.memory_space<vmem>> -> memref<1x2x128xi32, #tpu.memory_space<vmem>>
      %dma_wait3A_59 = tpu.memref_squeeze %dma_wait3A_58 : memref<1x2x128xi32, #tpu.memory_space<vmem>> -> memref<2x128xi32, #tpu.memory_space<vmem>>
      %dma_wait3A_60 = arith.constant 0 : i32
      %dma_wait3A_61 = arith.constant 0 : i32
      %dma_wait3A_62 = tpu.memref_slice %arg3[%dma_wait3A_60, %dma_wait3A_61] : memref<6400x128xi32, #tpu.memory_space<hbm>> -> memref<2x128xi32, #tpu.memory_space<hbm>>
      tpu.wait_dma2 semaphore(%arg9 : memref<!tpu.dma_semaphore, #tpu.memory_space<semaphore_mem>>) src(%dma_wait3A_62 : memref<2x128xi32, #tpu.memory_space<hbm>>) dst(%dma_wait3A_59 : memref<2x128xi32, #tpu.memory_space<vmem>>)
      %dma_wait3A_63 = arith.constant 0 : i32
      %dma_wait3A_64 = arith.constant 0 : i32
      %dma_wait3A_65 = arith.constant 0 : i32
      %dma_wait3A_66 = arith.constant 0 : i32
      %dma_wait3A_67 = tpu.memref_slice %arg7[%dma_wait3A_63, %dma_wait3A_64, %dma_wait3A_65, %dma_wait3A_66] : memref<2x2x128x32xf32, #tpu.memory_space<vmem>> -> memref<1x2x128x32xf32, #tpu.memory_space<vmem>>
      %dma_wait3A_68 = tpu.memref_squeeze %dma_wait3A_67 : memref<1x2x128x32xf32, #tpu.memory_space<vmem>> -> memref<2x128x32xf32, #tpu.memory_space<vmem>>
      %dma_wait3A_69 = arith.constant 0 : i32
      %dma_wait3A_70 = arith.constant 0 : i32
      %dma_wait3A_71 = arith.constant 0 : i32
      %dma_wait3A_72 = tpu.memref_slice %arg2[%arg0, %dma_wait3A_69, %dma_wait3A_70, %dma_wait3A_71] : memref<2x6400x128x32xf32, #tpu.memory_space<hbm>> -> memref<1x2x128x32xf32, #tpu.memory_space<hbm>>
      %dma_wait3A_73 = tpu.memref_squeeze %dma_wait3A_72 : memref<1x2x128x32xf32, #tpu.memory_space<hbm>> -> memref<2x128x32xf32, #tpu.memory_space<hbm>>
      %dma_wait3A_74 = arith.constant 0 : i32
      %dma_wait3A_75 = arith.constant 0 : i32
      %dma_wait3A_76 = arith.constant 0 : i32
      %dma_wait3A_77 = tpu.memref_slice %arg7[%dma_wait3A_63, %dma_wait3A_74, %dma_wait3A_75, %dma_wait3A_76] : memref<2x2x128x32xf32, #tpu.memory_space<vmem>> -> memref<1x2x128x32xf32, #tpu.memory_space<vmem>>
      %dma_wait3A_78 = tpu.memref_squeeze %dma_wait3A_77 : memref<1x2x128x32xf32, #tpu.memory_space<vmem>> -> memref<2x128x32xf32, #tpu.memory_space<vmem>>
      %dma_wait3A_79 = arith.constant 0 : i32
      %dma_wait3A_80 = arith.constant 0 : i32
      %dma_wait3A_81 = arith.constant 0 : i32
      %dma_wait3A_82 = tpu.memref_slice %arg2[%arg0, %dma_wait3A_79, %dma_wait3A_80, %dma_wait3A_81] : memref<2x6400x128x32xf32, #tpu.memory_space<hbm>> -> memref<1x2x128x32xf32, #tpu.memory_space<hbm>>
      %dma_wait3A_83 = tpu.memref_squeeze %dma_wait3A_82 : memref<1x2x128x32xf32, #tpu.memory_space<hbm>> -> memref<2x128x32xf32, #tpu.memory_space<hbm>>
      tpu.wait_dma2 semaphore(%arg11 : memref<!tpu.dma_semaphore, #tpu.memory_space<semaphore_mem>>) src(%dma_wait3A_83 : memref<2x128x32xf32, #tpu.memory_space<hbm>>) dst(%dma_wait3A_78 : memref<2x128x32xf32, #tpu.memory_space<vmem>>)
      %add3A_84 = arith.constant 1 : i32
      %add3A_85 = arith.addi %add3A_45, %add3A_84 : i32
      %lt3A = arith.constant 200 : i32
      %lt3A_86 = arith.cmpi slt, %add3A_85, %lt3A : i32
      %convert_element_type3A = arith.extui %lt3A_86 : i1 to i32
      %cond3A = arith.constant 0 : i32
      %cond3A_87 = arith.cmpi ne, %convert_element_type3A, %cond3A : i32
      scf.if %cond3A_87 {
        %add3A_154 = arith.constant 2 : i32
        %add3A_155 = arith.addi %add3A_48, %add3A_154 : i32
        %dma_start3A_156 = arith.constant 1 : i32
        %dma_start3A_157 = arith.constant 0 : i32
        %dma_start3A_158 = arith.constant 0 : i32
        %dma_start3A_159 = tpu.memref_slice %arg6[%dma_start3A_156, %dma_start3A_157, %dma_start3A_158] : memref<2x2x128xi32, #tpu.memory_space<vmem>> -> memref<1x2x128xi32, #tpu.memory_space<vmem>>
        %dma_start3A_160 = tpu.memref_squeeze %dma_start3A_159 : memref<1x2x128xi32, #tpu.memory_space<vmem>> -> memref<2x128xi32, #tpu.memory_space<vmem>>
        %dma_start3A_161 = arith.constant 0 : i32
        %dma_start3A_162 = tpu.memref_slice %arg3[%add3A_155, %dma_start3A_161] : memref<6400x128xi32, #tpu.memory_space<hbm>> -> memref<2x128xi32, #tpu.memory_space<hbm>>
        %dma_start3A_163 = arith.constant 0 : i32
        %dma_start3A_164 = arith.constant 0 : i32
        %dma_start3A_165 = tpu.memref_slice %arg6[%dma_start3A_156, %dma_start3A_163, %dma_start3A_164] : memref<2x2x128xi32, #tpu.memory_space<vmem>> -> memref<1x2x128xi32, #tpu.memory_space<vmem>>
        %dma_start3A_166 = tpu.memref_squeeze %dma_start3A_165 : memref<1x2x128xi32, #tpu.memory_space<vmem>> -> memref<2x128xi32, #tpu.memory_space<vmem>>
        %dma_start3A_167 = arith.constant 0 : i32
        %dma_start3A_168 = tpu.memref_slice %arg3[%add3A_155, %dma_start3A_167] : memref<6400x128xi32, #tpu.memory_space<hbm>> -> memref<2x128xi32, #tpu.memory_space<hbm>>
        tpu.enqueue_dma source(%dma_start3A_168 : memref<2x128xi32, #tpu.memory_space<hbm>>) target(%dma_start3A_166 : memref<2x128xi32, #tpu.memory_space<vmem>>) target_semaphore(%arg10 : memref<!tpu.dma_semaphore, #tpu.memory_space<semaphore_mem>>)
        %add3A_169 = arith.constant 2 : i32
        %add3A_170 = arith.addi %add3A_48, %add3A_169 : i32
        %dma_start3A_171 = arith.constant 1 : i32
        %dma_start3A_172 = arith.constant 0 : i32
        %dma_start3A_173 = arith.constant 0 : i32
        %dma_start3A_174 = arith.constant 0 : i32
        %dma_start3A_175 = tpu.memref_slice %arg7[%dma_start3A_171, %dma_start3A_172, %dma_start3A_173, %dma_start3A_174] : memref<2x2x128x32xf32, #tpu.memory_space<vmem>> -> memref<1x2x128x32xf32, #tpu.memory_space<vmem>>
        %dma_start3A_176 = tpu.memref_squeeze %dma_start3A_175 : memref<1x2x128x32xf32, #tpu.memory_space<vmem>> -> memref<2x128x32xf32, #tpu.memory_space<vmem>>
        %dma_start3A_177 = arith.constant 0 : i32
        %dma_start3A_178 = arith.constant 0 : i32
        %dma_start3A_179 = tpu.memref_slice %arg2[%arg0, %add3A_170, %dma_start3A_177, %dma_start3A_178] : memref<2x6400x128x32xf32, #tpu.memory_space<hbm>> -> memref<1x2x128x32xf32, #tpu.memory_space<hbm>>
        %dma_start3A_180 = tpu.memref_squeeze %dma_start3A_179 : memref<1x2x128x32xf32, #tpu.memory_space<hbm>> -> memref<2x128x32xf32, #tpu.memory_space<hbm>>
        %dma_start3A_181 = arith.constant 0 : i32
        %dma_start3A_182 = arith.constant 0 : i32
        %dma_start3A_183 = arith.constant 0 : i32
        %dma_start3A_184 = tpu.memref_slice %arg7[%dma_start3A_171, %dma_start3A_181, %dma_start3A_182, %dma_start3A_183] : memref<2x2x128x32xf32, #tpu.memory_space<vmem>> -> memref<1x2x128x32xf32, #tpu.memory_space<vmem>>
        %dma_start3A_185 = tpu.memref_squeeze %dma_start3A_184 : memref<1x2x128x32xf32, #tpu.memory_space<vmem>> -> memref<2x128x32xf32, #tpu.memory_space<vmem>>
        %dma_start3A_186 = arith.constant 0 : i32
        %dma_start3A_187 = arith.constant 0 : i32
        %dma_start3A_188 = tpu.memref_slice %arg2[%arg0, %add3A_170, %dma_start3A_186, %dma_start3A_187] : memref<2x6400x128x32xf32, #tpu.memory_space<hbm>> -> memref<1x2x128x32xf32, #tpu.memory_space<hbm>>
        %dma_start3A_189 = tpu.memref_squeeze %dma_start3A_188 : memref<1x2x128x32xf32, #tpu.memory_space<hbm>> -> memref<2x128x32xf32, #tpu.memory_space<hbm>>
        tpu.enqueue_dma source(%dma_start3A_189 : memref<2x128x32xf32, #tpu.memory_space<hbm>>) target(%dma_start3A_185 : memref<2x128x32xf32, #tpu.memory_space<vmem>>) target_semaphore(%arg12 : memref<!tpu.dma_semaphore, #tpu.memory_space<semaphore_mem>>)
      } else {
      }
      %run_scoped3A = arith.constant 0 : i32
      %run_scoped3A_88 = arith.constant 0 : i32
      %run_scoped3A_89 = arith.constant 0 : i32
      %run_scoped3A_90 = arith.constant 0 : i32
      "tpu.region"() ({
        %run_scoped3A_154 = tpu.sem_alloc : memref<!tpu.dma_semaphore, #tpu.memory_space<semaphore_mem>>
        %dma_start3A_155 = arith.constant 0 : i32
        %dma_start3A_156 = arith.constant 0 : i32
        %dma_start3A_157 = tpu.memref_slice %arg7[%run_scoped3A, %run_scoped3A_88, %dma_start3A_155, %dma_start3A_156] : memref<2x2x128x32xf32, #tpu.memory_space<vmem>> -> memref<1x1x128x32xf32, #tpu.memory_space<vmem>>
        %dma_start3A_158 = tpu.memref_squeeze %dma_start3A_157 : memref<1x1x128x32xf32, #tpu.memory_space<vmem>> -> memref<128x32xf32, #tpu.memory_space<vmem>>
        %dma_start3A_159 = arith.constant 0 : i32
        %dma_start3A_160 = tpu.memref_slice %arg6[%run_scoped3A_89, %run_scoped3A_90, %dma_start3A_159] : memref<2x2x128xi32, #tpu.memory_space<vmem>> -> memref<1x1x128xi32, #tpu.memory_space<vmem>>
        %dma_start3A_161 = tpu.memref_squeeze %dma_start3A_160 : memref<1x1x128xi32, #tpu.memory_space<vmem>> -> memref<128xi32, #tpu.memory_space<vmem>>
        %dma_start3A_162 = arith.constant 0 : i32
        %dma_start3A_163 = arith.constant 0 : i32
        %dma_start3A_164 = tpu.memref_slice %arg8[%dma_start3A_162, %dma_start3A_163] : memref<50176x32xf32, #tpu.memory_space<vmem_shared>> -> memref<50176x32xf32, #tpu.memory_space<vmem_shared>>
        tpu.enqueue_indirect_dma source(%dma_start3A_158 : memref<128x32xf32, #tpu.memory_space<vmem>>) target(%dma_start3A_164 : memref<50176x32xf32, #tpu.memory_space<vmem_shared>>) offsets(%dma_start3A_161 : memref<128xi32, #tpu.memory_space<vmem>>) semaphore(%run_scoped3A_154 : memref<!tpu.dma_semaphore, #tpu.memory_space<semaphore_mem>>) {add = true}
        %dma_wait3A_165 = arith.constant 0 : i32
        %dma_wait3A_166 = arith.constant 0 : i32
        %dma_wait3A_167 = tpu.memref_slice %arg7[%run_scoped3A, %run_scoped3A_88, %dma_wait3A_165, %dma_wait3A_166] : memref<2x2x128x32xf32, #tpu.memory_space<vmem>> -> memref<1x1x128x32xf32, #tpu.memory_space<vmem>>
        %dma_wait3A_168 = tpu.memref_squeeze %dma_wait3A_167 : memref<1x1x128x32xf32, #tpu.memory_space<vmem>> -> memref<128x32xf32, #tpu.memory_space<vmem>>
        %dma_wait3A_169 = arith.constant 0 : i32
        %dma_wait3A_170 = tpu.memref_slice %arg6[%run_scoped3A_89, %run_scoped3A_90, %dma_wait3A_169] : memref<2x2x128xi32, #tpu.memory_space<vmem>> -> memref<1x1x128xi32, #tpu.memory_space<vmem>>
        %dma_wait3A_171 = tpu.memref_squeeze %dma_wait3A_170 : memref<1x1x128xi32, #tpu.memory_space<vmem>> -> memref<128xi32, #tpu.memory_space<vmem>>
        %dma_wait3A_172 = arith.constant 0 : i32
        %dma_wait3A_173 = arith.constant 0 : i32
        %dma_wait3A_174 = tpu.memref_slice %arg8[%dma_wait3A_172, %dma_wait3A_173] : memref<50176x32xf32, #tpu.memory_space<vmem_shared>> -> memref<50176x32xf32, #tpu.memory_space<vmem_shared>>
        tpu.wait_indirect_dma semaphore(%run_scoped3A_154 : memref<!tpu.dma_semaphore, #tpu.memory_space<semaphore_mem>>) src(%dma_wait3A_168 : memref<128x32xf32, #tpu.memory_space<vmem>>) dst(%dma_wait3A_174 : memref<50176x32xf32, #tpu.memory_space<vmem_shared>>)
        tpu.yield
      }) : () -> ()
      %run_scoped3A_91 = arith.constant 0 : i32
      %run_scoped3A_92 = arith.constant 1 : i32
      %run_scoped3A_93 = arith.constant 0 : i32
      %run_scoped3A_94 = arith.constant 1 : i32
      "tpu.region"() ({
        %run_scoped3A_154 = tpu.sem_alloc : memref<!tpu.dma_semaphore, #tpu.memory_space<semaphore_mem>>
        %dma_start3A_155 = arith.constant 0 : i32
        %dma_start3A_156 = arith.constant 0 : i32
        %dma_start3A_157 = tpu.memref_slice %arg7[%run_scoped3A_91, %run_scoped3A_92, %dma_start3A_155, %dma_start3A_156] : memref<2x2x128x32xf32, #tpu.memory_space<vmem>> -> memref<1x1x128x32xf32, #tpu.memory_space<vmem>>
        %dma_start3A_158 = tpu.memref_squeeze %dma_start3A_157 : memref<1x1x128x32xf32, #tpu.memory_space<vmem>> -> memref<128x32xf32, #tpu.memory_space<vmem>>
        %dma_start3A_159 = arith.constant 0 : i32
        %dma_start3A_160 = tpu.memref_slice %arg6[%run_scoped3A_93, %run_scoped3A_94, %dma_start3A_159] : memref<2x2x128xi32, #tpu.memory_space<vmem>> -> memref<1x1x128xi32, #tpu.memory_space<vmem>>
        %dma_start3A_161 = tpu.memref_squeeze %dma_start3A_160 : memref<1x1x128xi32, #tpu.memory_space<vmem>> -> memref<128xi32, #tpu.memory_space<vmem>>
        %dma_start3A_162 = arith.constant 0 : i32
        %dma_start3A_163 = arith.constant 0 : i32
        %dma_start3A_164 = tpu.memref_slice %arg8[%dma_start3A_162, %dma_start3A_163] : memref<50176x32xf32, #tpu.memory_space<vmem_shared>> -> memref<50176x32xf32, #tpu.memory_space<vmem_shared>>
        tpu.enqueue_indirect_dma source(%dma_start3A_158 : memref<128x32xf32, #tpu.memory_space<vmem>>) target(%dma_start3A_164 : memref<50176x32xf32, #tpu.memory_space<vmem_shared>>) offsets(%dma_start3A_161 : memref<128xi32, #tpu.memory_space<vmem>>) semaphore(%run_scoped3A_154 : memref<!tpu.dma_semaphore, #tpu.memory_space<semaphore_mem>>) {add = true}
        %dma_wait3A_165 = arith.constant 0 : i32
        %dma_wait3A_166 = arith.constant 0 : i32
        %dma_wait3A_167 = tpu.memref_slice %arg7[%run_scoped3A_91, %run_scoped3A_92, %dma_wait3A_165, %dma_wait3A_166] : memref<2x2x128x32xf32, #tpu.memory_space<vmem>> -> memref<1x1x128x32xf32, #tpu.memory_space<vmem>>
        %dma_wait3A_168 = tpu.memref_squeeze %dma_wait3A_167 : memref<1x1x128x32xf32, #tpu.memory_space<vmem>> -> memref<128x32xf32, #tpu.memory_space<vmem>>
        %dma_wait3A_169 = arith.constant 0 : i32
        %dma_wait3A_170 = tpu.memref_slice %arg6[%run_scoped3A_93, %run_scoped3A_94, %dma_wait3A_169] : memref<2x2x128xi32, #tpu.memory_space<vmem>> -> memref<1x1x128xi32, #tpu.memory_space<vmem>>
        %dma_wait3A_171 = tpu.memref_squeeze %dma_wait3A_170 : memref<1x1x128xi32, #tpu.memory_space<vmem>> -> memref<128xi32, #tpu.memory_space<vmem>>
        %dma_wait3A_172 = arith.constant 0 : i32
        %dma_wait3A_173 = arith.constant 0 : i32
        %dma_wait3A_174 = tpu.memref_slice %arg8[%dma_wait3A_172, %dma_wait3A_173] : memref<50176x32xf32, #tpu.memory_space<vmem_shared>> -> memref<50176x32xf32, #tpu.memory_space<vmem_shared>>
        tpu.wait_indirect_dma semaphore(%run_scoped3A_154 : memref<!tpu.dma_semaphore, #tpu.memory_space<semaphore_mem>>) src(%dma_wait3A_168 : memref<128x32xf32, #tpu.memory_space<vmem>>) dst(%dma_wait3A_174 : memref<50176x32xf32, #tpu.memory_space<vmem_shared>>)
        tpu.yield
      }) : () -> ()
      %mul3A_95 = arith.constant 2 : i32
      %mul3A_96 = arith.muli %scan3A_41, %mul3A_95 : i32
      %add3A_97 = arith.constant 1 : i32
      %add3A_98 = arith.addi %mul3A_96, %add3A_97 : i32
      %mul3A_99 = arith.constant 2 : i32
      %mul3A_100 = arith.muli %add3A_98, %mul3A_99 : i32
      %add3A_101 = arith.addi %mul3A_2, %mul3A_100 : i32
      %dma_wait3A_102 = arith.constant 1 : i32
      %dma_wait3A_103 = arith.constant 0 : i32
      %dma_wait3A_104 = arith.constant 0 : i32
      %dma_wait3A_105 = tpu.memref_slice %arg6[%dma_wait3A_102, %dma_wait3A_103, %dma_wait3A_104] : memref<2x2x128xi32, #tpu.memory_space<vmem>> -> memref<1x2x128xi32, #tpu.memory_space<vmem>>
      %dma_wait3A_106 = tpu.memref_squeeze %dma_wait3A_105 : memref<1x2x128xi32, #tpu.memory_space<vmem>> -> memref<2x128xi32, #tpu.memory_space<vmem>>
      %dma_wait3A_107 = arith.constant 0 : i32
      %dma_wait3A_108 = arith.constant 0 : i32
      %dma_wait3A_109 = tpu.memref_slice %arg3[%dma_wait3A_107, %dma_wait3A_108] : memref<6400x128xi32, #tpu.memory_space<hbm>> -> memref<2x128xi32, #tpu.memory_space<hbm>>
      %dma_wait3A_110 = arith.constant 0 : i32
      %dma_wait3A_111 = arith.constant 0 : i32
      %dma_wait3A_112 = tpu.memref_slice %arg6[%dma_wait3A_102, %dma_wait3A_110, %dma_wait3A_111] : memref<2x2x128xi32, #tpu.memory_space<vmem>> -> memref<1x2x128xi32, #tpu.memory_space<vmem>>
      %dma_wait3A_113 = tpu.memref_squeeze %dma_wait3A_112 : memref<1x2x128xi32, #tpu.memory_space<vmem>> -> memref<2x128xi32, #tpu.memory_space<vmem>>
      %dma_wait3A_114 = arith.constant 0 : i32
      %dma_wait3A_115 = arith.constant 0 : i32
      %dma_wait3A_116 = tpu.memref_slice %arg3[%dma_wait3A_114, %dma_wait3A_115] : memref<6400x128xi32, #tpu.memory_space<hbm>> -> memref<2x128xi32, #tpu.memory_space<hbm>>
      tpu.wait_dma2 semaphore(%arg10 : memref<!tpu.dma_semaphore, #tpu.memory_space<semaphore_mem>>) src(%dma_wait3A_116 : memref<2x128xi32, #tpu.memory_space<hbm>>) dst(%dma_wait3A_113 : memref<2x128xi32, #tpu.memory_space<vmem>>)
      %dma_wait3A_117 = arith.constant 1 : i32
      %dma_wait3A_118 = arith.constant 0 : i32
      %dma_wait3A_119 = arith.constant 0 : i32
      %dma_wait3A_120 = arith.constant 0 : i32
      %dma_wait3A_121 = tpu.memref_slice %arg7[%dma_wait3A_117, %dma_wait3A_118, %dma_wait3A_119, %dma_wait3A_120] : memref<2x2x128x32xf32, #tpu.memory_space<vmem>> -> memref<1x2x128x32xf32, #tpu.memory_space<vmem>>
      %dma_wait3A_122 = tpu.memref_squeeze %dma_wait3A_121 : memref<1x2x128x32xf32, #tpu.memory_space<vmem>> -> memref<2x128x32xf32, #tpu.memory_space<vmem>>
      %dma_wait3A_123 = arith.constant 0 : i32
      %dma_wait3A_124 = arith.constant 0 : i32
      %dma_wait3A_125 = arith.constant 0 : i32
      %dma_wait3A_126 = tpu.memref_slice %arg2[%arg0, %dma_wait3A_123, %dma_wait3A_124, %dma_wait3A_125] : memref<2x6400x128x32xf32, #tpu.memory_space<hbm>> -> memref<1x2x128x32xf32, #tpu.memory_space<hbm>>
      %dma_wait3A_127 = tpu.memref_squeeze %dma_wait3A_126 : memref<1x2x128x32xf32, #tpu.memory_space<hbm>> -> memref<2x128x32xf32, #tpu.memory_space<hbm>>
      %dma_wait3A_128 = arith.constant 0 : i32
      %dma_wait3A_129 = arith.constant 0 : i32
      %dma_wait3A_130 = arith.constant 0 : i32
      %dma_wait3A_131 = tpu.memref_slice %arg7[%dma_wait3A_117, %dma_wait3A_128, %dma_wait3A_129, %dma_wait3A_130] : memref<2x2x128x32xf32, #tpu.memory_space<vmem>> -> memref<1x2x128x32xf32, #tpu.memory_space<vmem>>
      %dma_wait3A_132 = tpu.memref_squeeze %dma_wait3A_131 : memref<1x2x128x32xf32, #tpu.memory_space<vmem>> -> memref<2x128x32xf32, #tpu.memory_space<vmem>>
      %dma_wait3A_133 = arith.constant 0 : i32
      %dma_wait3A_134 = arith.constant 0 : i32
      %dma_wait3A_135 = arith.constant 0 : i32
      %dma_wait3A_136 = tpu.memref_slice %arg2[%arg0, %dma_wait3A_133, %dma_wait3A_134, %dma_wait3A_135] : memref<2x6400x128x32xf32, #tpu.memory_space<hbm>> -> memref<1x2x128x32xf32, #tpu.memory_space<hbm>>
      %dma_wait3A_137 = tpu.memref_squeeze %dma_wait3A_136 : memref<1x2x128x32xf32, #tpu.memory_space<hbm>> -> memref<2x128x32xf32, #tpu.memory_space<hbm>>
      tpu.wait_dma2 semaphore(%arg12 : memref<!tpu.dma_semaphore, #tpu.memory_space<semaphore_mem>>) src(%dma_wait3A_137 : memref<2x128x32xf32, #tpu.memory_space<hbm>>) dst(%dma_wait3A_132 : memref<2x128x32xf32, #tpu.memory_space<vmem>>)
      %add3A_138 = arith.constant 1 : i32
      %add3A_139 = arith.addi %add3A_98, %add3A_138 : i32
      %lt3A_140 = arith.constant 200 : i32
      %lt3A_141 = arith.cmpi slt, %add3A_139, %lt3A_140 : i32
      %convert_element_type3A_142 = arith.extui %lt3A_141 : i1 to i32
      %cond3A_143 = arith.constant 0 : i32
      %cond3A_144 = arith.cmpi ne, %convert_element_type3A_142, %cond3A_143 : i32
      scf.if %cond3A_144 {
        %add3A_154 = arith.constant 2 : i32
        %add3A_155 = arith.addi %add3A_101, %add3A_154 : i32
        %dma_start3A_156 = arith.constant 0 : i32
        %dma_start3A_157 = arith.constant 0 : i32
        %dma_start3A_158 = arith.constant 0 : i32
        %dma_start3A_159 = tpu.memref_slice %arg6[%dma_start3A_156, %dma_start3A_157, %dma_start3A_158] : memref<2x2x128xi32, #tpu.memory_space<vmem>> -> memref<1x2x128xi32, #tpu.memory_space<vmem>>
        %dma_start3A_160 = tpu.memref_squeeze %dma_start3A_159 : memref<1x2x128xi32, #tpu.memory_space<vmem>> -> memref<2x128xi32, #tpu.memory_space<vmem>>
        %dma_start3A_161 = arith.constant 0 : i32
        %dma_start3A_162 = tpu.memref_slice %arg3[%add3A_155, %dma_start3A_161] : memref<6400x128xi32, #tpu.memory_space<hbm>> -> memref<2x128xi32, #tpu.memory_space<hbm>>
        %dma_start3A_163 = arith.constant 0 : i32
        %dma_start3A_164 = arith.constant 0 : i32
        %dma_start3A_165 = tpu.memref_slice %arg6[%dma_start3A_156, %dma_start3A_163, %dma_start3A_164] : memref<2x2x128xi32, #tpu.memory_space<vmem>> -> memref<1x2x128xi32, #tpu.memory_space<vmem>>
        %dma_start3A_166 = tpu.memref_squeeze %dma_start3A_165 : memref<1x2x128xi32, #tpu.memory_space<vmem>> -> memref<2x128xi32, #tpu.memory_space<vmem>>
        %dma_start3A_167 = arith.constant 0 : i32
        %dma_start3A_168 = tpu.memref_slice %arg3[%add3A_155, %dma_start3A_167] : memref<6400x128xi32, #tpu.memory_space<hbm>> -> memref<2x128xi32, #tpu.memory_space<hbm>>
        tpu.enqueue_dma source(%dma_start3A_168 : memref<2x128xi32, #tpu.memory_space<hbm>>) target(%dma_start3A_166 : memref<2x128xi32, #tpu.memory_space<vmem>>) target_semaphore(%arg9 : memref<!tpu.dma_semaphore, #tpu.memory_space<semaphore_mem>>)
        %add3A_169 = arith.constant 2 : i32
        %add3A_170 = arith.addi %add3A_101, %add3A_169 : i32
        %dma_start3A_171 = arith.constant 0 : i32
        %dma_start3A_172 = arith.constant 0 : i32
        %dma_start3A_173 = arith.constant 0 : i32
        %dma_start3A_174 = arith.constant 0 : i32
        %dma_start3A_175 = tpu.memref_slice %arg7[%dma_start3A_171, %dma_start3A_172, %dma_start3A_173, %dma_start3A_174] : memref<2x2x128x32xf32, #tpu.memory_space<vmem>> -> memref<1x2x128x32xf32, #tpu.memory_space<vmem>>
        %dma_start3A_176 = tpu.memref_squeeze %dma_start3A_175 : memref<1x2x128x32xf32, #tpu.memory_space<vmem>> -> memref<2x128x32xf32, #tpu.memory_space<vmem>>
        %dma_start3A_177 = arith.constant 0 : i32
        %dma_start3A_178 = arith.constant 0 : i32
        %dma_start3A_179 = tpu.memref_slice %arg2[%arg0, %add3A_170, %dma_start3A_177, %dma_start3A_178] : memref<2x6400x128x32xf32, #tpu.memory_space<hbm>> -> memref<1x2x128x32xf32, #tpu.memory_space<hbm>>
        %dma_start3A_180 = tpu.memref_squeeze %dma_start3A_179 : memref<1x2x128x32xf32, #tpu.memory_space<hbm>> -> memref<2x128x32xf32, #tpu.memory_space<hbm>>
        %dma_start3A_181 = arith.constant 0 : i32
        %dma_start3A_182 = arith.constant 0 : i32
        %dma_start3A_183 = arith.constant 0 : i32
        %dma_start3A_184 = tpu.memref_slice %arg7[%dma_start3A_171, %dma_start3A_181, %dma_start3A_182, %dma_start3A_183] : memref<2x2x128x32xf32, #tpu.memory_space<vmem>> -> memref<1x2x128x32xf32, #tpu.memory_space<vmem>>
        %dma_start3A_185 = tpu.memref_squeeze %dma_start3A_184 : memref<1x2x128x32xf32, #tpu.memory_space<vmem>> -> memref<2x128x32xf32, #tpu.memory_space<vmem>>
        %dma_start3A_186 = arith.constant 0 : i32
        %dma_start3A_187 = arith.constant 0 : i32
        %dma_start3A_188 = tpu.memref_slice %arg2[%arg0, %add3A_170, %dma_start3A_186, %dma_start3A_187] : memref<2x6400x128x32xf32, #tpu.memory_space<hbm>> -> memref<1x2x128x32xf32, #tpu.memory_space<hbm>>
        %dma_start3A_189 = tpu.memref_squeeze %dma_start3A_188 : memref<1x2x128x32xf32, #tpu.memory_space<hbm>> -> memref<2x128x32xf32, #tpu.memory_space<hbm>>
        tpu.enqueue_dma source(%dma_start3A_189 : memref<2x128x32xf32, #tpu.memory_space<hbm>>) target(%dma_start3A_185 : memref<2x128x32xf32, #tpu.memory_space<vmem>>) target_semaphore(%arg11 : memref<!tpu.dma_semaphore, #tpu.memory_space<semaphore_mem>>)
      } else {
      }
      %run_scoped3A_145 = arith.constant 1 : i32
      %run_scoped3A_146 = arith.constant 0 : i32
      %run_scoped3A_147 = arith.constant 1 : i32
      %run_scoped3A_148 = arith.constant 0 : i32
      "tpu.region"() ({
        %run_scoped3A_154 = tpu.sem_alloc : memref<!tpu.dma_semaphore, #tpu.memory_space<semaphore_mem>>
        %dma_start3A_155 = arith.constant 0 : i32
        %dma_start3A_156 = arith.constant 0 : i32
        %dma_start3A_157 = tpu.memref_slice %arg7[%run_scoped3A_145, %run_scoped3A_146, %dma_start3A_155, %dma_start3A_156] : memref<2x2x128x32xf32, #tpu.memory_space<vmem>> -> memref<1x1x128x32xf32, #tpu.memory_space<vmem>>
        %dma_start3A_158 = tpu.memref_squeeze %dma_start3A_157 : memref<1x1x128x32xf32, #tpu.memory_space<vmem>> -> memref<128x32xf32, #tpu.memory_space<vmem>>
        %dma_start3A_159 = arith.constant 0 : i32
        %dma_start3A_160 = tpu.memref_slice %arg6[%run_scoped3A_147, %run_scoped3A_148, %dma_start3A_159] : memref<2x2x128xi32, #tpu.memory_space<vmem>> -> memref<1x1x128xi32, #tpu.memory_space<vmem>>
        %dma_start3A_161 = tpu.memref_squeeze %dma_start3A_160 : memref<1x1x128xi32, #tpu.memory_space<vmem>> -> memref<128xi32, #tpu.memory_space<vmem>>
        %dma_start3A_162 = arith.constant 0 : i32
        %dma_start3A_163 = arith.constant 0 : i32
        %dma_start3A_164 = tpu.memref_slice %arg8[%dma_start3A_162, %dma_start3A_163] : memref<50176x32xf32, #tpu.memory_space<vmem_shared>> -> memref<50176x32xf32, #tpu.memory_space<vmem_shared>>
        tpu.enqueue_indirect_dma source(%dma_start3A_158 : memref<128x32xf32, #tpu.memory_space<vmem>>) target(%dma_start3A_164 : memref<50176x32xf32, #tpu.memory_space<vmem_shared>>) offsets(%dma_start3A_161 : memref<128xi32, #tpu.memory_space<vmem>>) semaphore(%run_scoped3A_154 : memref<!tpu.dma_semaphore, #tpu.memory_space<semaphore_mem>>) {add = true}
        %dma_wait3A_165 = arith.constant 0 : i32
        %dma_wait3A_166 = arith.constant 0 : i32
        %dma_wait3A_167 = tpu.memref_slice %arg7[%run_scoped3A_145, %run_scoped3A_146, %dma_wait3A_165, %dma_wait3A_166] : memref<2x2x128x32xf32, #tpu.memory_space<vmem>> -> memref<1x1x128x32xf32, #tpu.memory_space<vmem>>
        %dma_wait3A_168 = tpu.memref_squeeze %dma_wait3A_167 : memref<1x1x128x32xf32, #tpu.memory_space<vmem>> -> memref<128x32xf32, #tpu.memory_space<vmem>>
        %dma_wait3A_169 = arith.constant 0 : i32
        %dma_wait3A_170 = tpu.memref_slice %arg6[%run_scoped3A_147, %run_scoped3A_148, %dma_wait3A_169] : memref<2x2x128xi32, #tpu.memory_space<vmem>> -> memref<1x1x128xi32, #tpu.memory_space<vmem>>
        %dma_wait3A_171 = tpu.memref_squeeze %dma_wait3A_170 : memref<1x1x128xi32, #tpu.memory_space<vmem>> -> memref<128xi32, #tpu.memory_space<vmem>>
        %dma_wait3A_172 = arith.constant 0 : i32
        %dma_wait3A_173 = arith.constant 0 : i32
        %dma_wait3A_174 = tpu.memref_slice %arg8[%dma_wait3A_172, %dma_wait3A_173] : memref<50176x32xf32, #tpu.memory_space<vmem_shared>> -> memref<50176x32xf32, #tpu.memory_space<vmem_shared>>
        tpu.wait_indirect_dma semaphore(%run_scoped3A_154 : memref<!tpu.dma_semaphore, #tpu.memory_space<semaphore_mem>>) src(%dma_wait3A_168 : memref<128x32xf32, #tpu.memory_space<vmem>>) dst(%dma_wait3A_174 : memref<50176x32xf32, #tpu.memory_space<vmem_shared>>)
        tpu.yield
      }) : () -> ()
      %run_scoped3A_149 = arith.constant 1 : i32
      %run_scoped3A_150 = arith.constant 1 : i32
      %run_scoped3A_151 = arith.constant 1 : i32
      %run_scoped3A_152 = arith.constant 1 : i32
      "tpu.region"() ({
        %run_scoped3A_154 = tpu.sem_alloc : memref<!tpu.dma_semaphore, #tpu.memory_space<semaphore_mem>>
        %dma_start3A_155 = arith.constant 0 : i32
        %dma_start3A_156 = arith.constant 0 : i32
        %dma_start3A_157 = tpu.memref_slice %arg7[%run_scoped3A_149, %run_scoped3A_150, %dma_start3A_155, %dma_start3A_156] : memref<2x2x128x32xf32, #tpu.memory_space<vmem>> -> memref<1x1x128x32xf32, #tpu.memory_space<vmem>>
        %dma_start3A_158 = tpu.memref_squeeze %dma_start3A_157 : memref<1x1x128x32xf32, #tpu.memory_space<vmem>> -> memref<128x32xf32, #tpu.memory_space<vmem>>
        %dma_start3A_159 = arith.constant 0 : i32
        %dma_start3A_160 = tpu.memref_slice %arg6[%run_scoped3A_151, %run_scoped3A_152, %dma_start3A_159] : memref<2x2x128xi32, #tpu.memory_space<vmem>> -> memref<1x1x128xi32, #tpu.memory_space<vmem>>
        %dma_start3A_161 = tpu.memref_squeeze %dma_start3A_160 : memref<1x1x128xi32, #tpu.memory_space<vmem>> -> memref<128xi32, #tpu.memory_space<vmem>>
        %dma_start3A_162 = arith.constant 0 : i32
        %dma_start3A_163 = arith.constant 0 : i32
        %dma_start3A_164 = tpu.memref_slice %arg8[%dma_start3A_162, %dma_start3A_163] : memref<50176x32xf32, #tpu.memory_space<vmem_shared>> -> memref<50176x32xf32, #tpu.memory_space<vmem_shared>>
        tpu.enqueue_indirect_dma source(%dma_start3A_158 : memref<128x32xf32, #tpu.memory_space<vmem>>) target(%dma_start3A_164 : memref<50176x32xf32, #tpu.memory_space<vmem_shared>>) offsets(%dma_start3A_161 : memref<128xi32, #tpu.memory_space<vmem>>) semaphore(%run_scoped3A_154 : memref<!tpu.dma_semaphore, #tpu.memory_space<semaphore_mem>>) {add = true}
        %dma_wait3A_165 = arith.constant 0 : i32
        %dma_wait3A_166 = arith.constant 0 : i32
        %dma_wait3A_167 = tpu.memref_slice %arg7[%run_scoped3A_149, %run_scoped3A_150, %dma_wait3A_165, %dma_wait3A_166] : memref<2x2x128x32xf32, #tpu.memory_space<vmem>> -> memref<1x1x128x32xf32, #tpu.memory_space<vmem>>
        %dma_wait3A_168 = tpu.memref_squeeze %dma_wait3A_167 : memref<1x1x128x32xf32, #tpu.memory_space<vmem>> -> memref<128x32xf32, #tpu.memory_space<vmem>>
        %dma_wait3A_169 = arith.constant 0 : i32
        %dma_wait3A_170 = tpu.memref_slice %arg6[%run_scoped3A_151, %run_scoped3A_152, %dma_wait3A_169] : memref<2x2x128xi32, #tpu.memory_space<vmem>> -> memref<1x1x128xi32, #tpu.memory_space<vmem>>
        %dma_wait3A_171 = tpu.memref_squeeze %dma_wait3A_170 : memref<1x1x128xi32, #tpu.memory_space<vmem>> -> memref<128xi32, #tpu.memory_space<vmem>>
        %dma_wait3A_172 = arith.constant 0 : i32
        %dma_wait3A_173 = arith.constant 0 : i32
        %dma_wait3A_174 = tpu.memref_slice %arg8[%dma_wait3A_172, %dma_wait3A_173] : memref<50176x32xf32, #tpu.memory_space<vmem_shared>> -> memref<50176x32xf32, #tpu.memory_space<vmem_shared>>
        tpu.wait_indirect_dma semaphore(%run_scoped3A_154 : memref<!tpu.dma_semaphore, #tpu.memory_space<semaphore_mem>>) src(%dma_wait3A_168 : memref<128x32xf32, #tpu.memory_space<vmem>>) dst(%dma_wait3A_174 : memref<50176x32xf32, #tpu.memory_space<vmem_shared>>)
        tpu.yield
      }) : () -> ()
      %scan3A_153 = arith.constant 0 : i32
      scf.yield %scan3A_153 : i32
    }
    %scan3A_39 = arith.constant 100 : i32
    %barrier3A_40 = arith.constant 0 : index
    tpu.barrier barrier_id(%barrier3A_40)
    "tpu.region"() ({
      %run_scoped3A = tpu.sem_alloc : memref<!tpu.dma_semaphore, #tpu.memory_space<semaphore_mem>>
      %dma_start3A_41 = arith.constant 0 : i32
      %dma_start3A_42 = tpu.memref_slice %arg5[%arg0, %mul3A_0, %dma_start3A_41] : memref<2x50176x32xf32, #tpu.memory_space<hbm>> -> memref<1x3136x32xf32, #tpu.memory_space<hbm>>
      %dma_start3A_43 = tpu.memref_squeeze %dma_start3A_42 : memref<1x3136x32xf32, #tpu.memory_space<hbm>> -> memref<3136x32xf32, #tpu.memory_space<hbm>>
      %dma_start3A_44 = arith.constant 0 : i32
      %dma_start3A_45 = tpu.memref_slice %arg8[%mul3A_0, %dma_start3A_44] : memref<50176x32xf32, #tpu.memory_space<vmem_shared>> -> memref<3136x32xf32, #tpu.memory_space<vmem_shared>>
      tpu.enqueue_dma source(%dma_start3A_45 : memref<3136x32xf32, #tpu.memory_space<vmem_shared>>) target(%dma_start3A_43 : memref<3136x32xf32, #tpu.memory_space<hbm>>) target_semaphore(%run_scoped3A : memref<!tpu.dma_semaphore, #tpu.memory_space<semaphore_mem>>)
      %dma_wait3A = arith.constant 0 : i32
      %dma_wait3A_46 = tpu.memref_slice %arg5[%arg0, %mul3A_0, %dma_wait3A] : memref<2x50176x32xf32, #tpu.memory_space<hbm>> -> memref<1x3136x32xf32, #tpu.memory_space<hbm>>
      %dma_wait3A_47 = tpu.memref_squeeze %dma_wait3A_46 : memref<1x3136x32xf32, #tpu.memory_space<hbm>> -> memref<3136x32xf32, #tpu.memory_space<hbm>>
      %dma_wait3A_48 = arith.constant 0 : i32
      %dma_wait3A_49 = tpu.memref_slice %arg8[%mul3A_0, %dma_wait3A_48] : memref<50176x32xf32, #tpu.memory_space<vmem_shared>> -> memref<3136x32xf32, #tpu.memory_space<vmem_shared>>
      tpu.wait_dma2 semaphore(%run_scoped3A : memref<!tpu.dma_semaphore, #tpu.memory_space<semaphore_mem>>) src(%dma_wait3A_49 : memref<3136x32xf32, #tpu.memory_space<vmem_shared>>) dst(%dma_wait3A_47 : memref<3136x32xf32, #tpu.memory_space<hbm>>)
      tpu.yield
    }) : () -> ()
    return
  }
}

#map = affine_map<(d0, d1) -> (0, 0)>
#map1 = affine_map<(d0, d1) -> (0, 0, 0)>
module attributes {stable_mosaic.version = 14 : i64} {
  func.func @_gather_body(%arg0: i32, %arg1: i32, %arg2: memref<50176x32xf32, #tpu.memory_space<hbm>>, %arg3: memref<6400x128xi32, #tpu.memory_space<hbm>>, %arg4: memref<6400x128x32xf32, #tpu.memory_space<hbm>>, %arg5: memref<2x10x128xi32, #tpu.memory_space<vmem>>, %arg6: memref<2x10x128x32xf32, #tpu.memory_space<vmem>>, %arg7: memref<!tpu.dma_semaphore, #tpu.memory_space<semaphore_mem>>, %arg8: memref<!tpu.dma_semaphore, #tpu.memory_space<semaphore_mem>>, %arg9: memref<!tpu.dma_semaphore, #tpu.memory_space<semaphore_mem>>, %arg10: memref<!tpu.dma_semaphore, #tpu.memory_space<semaphore_mem>>, %arg11: memref<!tpu.dma_semaphore, #tpu.memory_space<semaphore_mem>>) attributes {dimension_semantics = [#tpu.dimension_semantics<core_parallel>, #tpu.dimension_semantics<subcore_parallel>], iteration_bounds = array<i64: 2, 16>, scalar_prefetch = 0 : i64, scratch_operands = 7 : i64, tpu.core_type = #tpu.core_type<sc_vector_subcore>, window_params = [{transform_indices = #map}, {transform_indices = #map}, {transform_indices = #map1}]} {
    %mul3A = arith.constant 2 : i32
    %mul3A_0 = arith.muli %arg1, %mul3A : i32
    %add3A = arith.addi %mul3A_0, %arg0 : i32
    %mul3A_1 = arith.constant 200 : i32
    %mul3A_2 = arith.muli %add3A, %mul3A_1 : i32
    %dma_start3A = arith.constant 0 : i32
    %dma_start3A_3 = arith.constant 0 : i32
    %dma_start3A_4 = arith.constant 0 : i32
    %dma_start3A_5 = tpu.memref_slice %arg5[%dma_start3A, %dma_start3A_3, %dma_start3A_4] : memref<2x10x128xi32, #tpu.memory_space<vmem>> -> memref<1x10x128xi32, #tpu.memory_space<vmem>>
    %dma_start3A_6 = tpu.memref_squeeze %dma_start3A_5 : memref<1x10x128xi32, #tpu.memory_space<vmem>> -> memref<10x128xi32, #tpu.memory_space<vmem>>
    %dma_start3A_7 = arith.constant 0 : i32
    %dma_start3A_8 = tpu.memref_slice %arg3[%mul3A_2, %dma_start3A_7] : memref<6400x128xi32, #tpu.memory_space<hbm>> -> memref<10x128xi32, #tpu.memory_space<hbm>>
    %dma_start3A_9 = arith.constant 0 : i32
    %dma_start3A_10 = arith.constant 0 : i32
    %dma_start3A_11 = tpu.memref_slice %arg5[%dma_start3A, %dma_start3A_9, %dma_start3A_10] : memref<2x10x128xi32, #tpu.memory_space<vmem>> -> memref<1x10x128xi32, #tpu.memory_space<vmem>>
    %dma_start3A_12 = tpu.memref_squeeze %dma_start3A_11 : memref<1x10x128xi32, #tpu.memory_space<vmem>> -> memref<10x128xi32, #tpu.memory_space<vmem>>
    %dma_start3A_13 = arith.constant 0 : i32
    %dma_start3A_14 = tpu.memref_slice %arg3[%mul3A_2, %dma_start3A_13] : memref<6400x128xi32, #tpu.memory_space<hbm>> -> memref<10x128xi32, #tpu.memory_space<hbm>>
    tpu.enqueue_dma source(%dma_start3A_14 : memref<10x128xi32, #tpu.memory_space<hbm>>) target(%dma_start3A_12 : memref<10x128xi32, #tpu.memory_space<vmem>>) target_semaphore(%arg7 : memref<!tpu.dma_semaphore, #tpu.memory_space<semaphore_mem>>)
    %scan3A = arith.constant 0 : i32
    %scan3A_15 = arith.constant 0 : i32
    %scan3A_16 = arith.constant 10 : i32
    %scan3A_17 = arith.addi %scan3A_15, %scan3A_16 : i32
    %scan3A_18 = arith.constant 1 : i32
    %scan3A_19 = scf.for %scan3A_58 = %scan3A_15 to %scan3A_17 step %scan3A_18 iter_args(%scan3A_59 = %scan3A) -> (i32)  : i32 {
      %mul3A_60 = arith.constant 2 : i32
      %mul3A_61 = arith.muli %scan3A_58, %mul3A_60 : i32
      %add3A_62 = arith.constant 0 : i32
      %add3A_63 = arith.addi %mul3A_61, %add3A_62 : i32
      %mul3A_64 = arith.constant 200 : i32
      %mul3A_65 = arith.muli %add3A, %mul3A_64 : i32
      %mul3A_66 = arith.constant 10 : i32
      %mul3A_67 = arith.muli %add3A_63, %mul3A_66 : i32
      %add3A_68 = arith.addi %mul3A_65, %mul3A_67 : i32
      %dma_wait3A_69 = arith.constant 0 : i32
      %dma_wait3A_70 = arith.constant 0 : i32
      %dma_wait3A_71 = arith.constant 0 : i32
      %dma_wait3A_72 = tpu.memref_slice %arg5[%dma_wait3A_69, %dma_wait3A_70, %dma_wait3A_71] : memref<2x10x128xi32, #tpu.memory_space<vmem>> -> memref<1x10x128xi32, #tpu.memory_space<vmem>>
      %dma_wait3A_73 = tpu.memref_squeeze %dma_wait3A_72 : memref<1x10x128xi32, #tpu.memory_space<vmem>> -> memref<10x128xi32, #tpu.memory_space<vmem>>
      %dma_wait3A_74 = arith.constant 0 : i32
      %dma_wait3A_75 = arith.constant 0 : i32
      %dma_wait3A_76 = tpu.memref_slice %arg3[%dma_wait3A_74, %dma_wait3A_75] : memref<6400x128xi32, #tpu.memory_space<hbm>> -> memref<10x128xi32, #tpu.memory_space<hbm>>
      %dma_wait3A_77 = arith.constant 0 : i32
      %dma_wait3A_78 = arith.constant 0 : i32
      %dma_wait3A_79 = tpu.memref_slice %arg5[%dma_wait3A_69, %dma_wait3A_77, %dma_wait3A_78] : memref<2x10x128xi32, #tpu.memory_space<vmem>> -> memref<1x10x128xi32, #tpu.memory_space<vmem>>
      %dma_wait3A_80 = tpu.memref_squeeze %dma_wait3A_79 : memref<1x10x128xi32, #tpu.memory_space<vmem>> -> memref<10x128xi32, #tpu.memory_space<vmem>>
      %dma_wait3A_81 = arith.constant 0 : i32
      %dma_wait3A_82 = arith.constant 0 : i32
      %dma_wait3A_83 = tpu.memref_slice %arg3[%dma_wait3A_81, %dma_wait3A_82] : memref<6400x128xi32, #tpu.memory_space<hbm>> -> memref<10x128xi32, #tpu.memory_space<hbm>>
      tpu.wait_dma2 semaphore(%arg7 : memref<!tpu.dma_semaphore, #tpu.memory_space<semaphore_mem>>) src(%dma_wait3A_83 : memref<10x128xi32, #tpu.memory_space<hbm>>) dst(%dma_wait3A_80 : memref<10x128xi32, #tpu.memory_space<vmem>>)
      %ge3A = arith.constant 2 : i32
      %ge3A_84 = arith.cmpi sge, %add3A_63, %ge3A : i32
      %convert_element_type3A = arith.extui %ge3A_84 : i1 to i32
      %cond3A = arith.constant 0 : i32
      %cond3A_85 = arith.cmpi ne, %convert_element_type3A, %cond3A : i32
      scf.if %cond3A_85 {
        %dma_wait3A_723 = arith.constant 0 : i32
        %dma_wait3A_724 = arith.constant 0 : i32
        %dma_wait3A_725 = arith.constant 0 : i32
        %dma_wait3A_726 = arith.constant 0 : i32
        %dma_wait3A_727 = tpu.memref_slice %arg6[%dma_wait3A_723, %dma_wait3A_724, %dma_wait3A_725, %dma_wait3A_726] : memref<2x10x128x32xf32, #tpu.memory_space<vmem>> -> memref<1x10x128x32xf32, #tpu.memory_space<vmem>>
        %dma_wait3A_728 = tpu.memref_squeeze %dma_wait3A_727 : memref<1x10x128x32xf32, #tpu.memory_space<vmem>> -> memref<10x128x32xf32, #tpu.memory_space<vmem>>
        %dma_wait3A_729 = arith.constant 0 : i32
        %dma_wait3A_730 = arith.constant 0 : i32
        %dma_wait3A_731 = arith.constant 0 : i32
        %dma_wait3A_732 = tpu.memref_slice %arg4[%dma_wait3A_729, %dma_wait3A_730, %dma_wait3A_731] : memref<6400x128x32xf32, #tpu.memory_space<hbm>> -> memref<10x128x32xf32, #tpu.memory_space<hbm>>
        %dma_wait3A_733 = arith.constant 0 : i32
        %dma_wait3A_734 = arith.constant 0 : i32
        %dma_wait3A_735 = arith.constant 0 : i32
        %dma_wait3A_736 = tpu.memref_slice %arg4[%dma_wait3A_733, %dma_wait3A_734, %dma_wait3A_735] : memref<6400x128x32xf32, #tpu.memory_space<hbm>> -> memref<10x128x32xf32, #tpu.memory_space<hbm>>
        %dma_wait3A_737 = arith.constant 0 : i32
        %dma_wait3A_738 = arith.constant 0 : i32
        %dma_wait3A_739 = arith.constant 0 : i32
        %dma_wait3A_740 = tpu.memref_slice %arg6[%dma_wait3A_723, %dma_wait3A_737, %dma_wait3A_738, %dma_wait3A_739] : memref<2x10x128x32xf32, #tpu.memory_space<vmem>> -> memref<1x10x128x32xf32, #tpu.memory_space<vmem>>
        %dma_wait3A_741 = tpu.memref_squeeze %dma_wait3A_740 : memref<1x10x128x32xf32, #tpu.memory_space<vmem>> -> memref<10x128x32xf32, #tpu.memory_space<vmem>>
        tpu.wait_dma2 semaphore(%arg10 : memref<!tpu.dma_semaphore, #tpu.memory_space<semaphore_mem>>) src(%dma_wait3A_741 : memref<10x128x32xf32, #tpu.memory_space<vmem>>) dst(%dma_wait3A_736 : memref<10x128x32xf32, #tpu.memory_space<hbm>>)
      } else {
      }
      %add3A_86 = arith.constant 1 : i32
      %add3A_87 = arith.addi %add3A_63, %add3A_86 : i32
      %lt3A = arith.constant 20 : i32
      %lt3A_88 = arith.cmpi slt, %add3A_87, %lt3A : i32
      %convert_element_type3A_89 = arith.extui %lt3A_88 : i1 to i32
      %cond3A_90 = arith.constant 0 : i32
      %cond3A_91 = arith.cmpi ne, %convert_element_type3A_89, %cond3A_90 : i32
      scf.if %cond3A_91 {
        %add3A_723 = arith.constant 10 : i32
        %add3A_724 = arith.addi %add3A_68, %add3A_723 : i32
        %dma_start3A_725 = arith.constant 1 : i32
        %dma_start3A_726 = arith.constant 0 : i32
        %dma_start3A_727 = arith.constant 0 : i32
        %dma_start3A_728 = tpu.memref_slice %arg5[%dma_start3A_725, %dma_start3A_726, %dma_start3A_727] : memref<2x10x128xi32, #tpu.memory_space<vmem>> -> memref<1x10x128xi32, #tpu.memory_space<vmem>>
        %dma_start3A_729 = tpu.memref_squeeze %dma_start3A_728 : memref<1x10x128xi32, #tpu.memory_space<vmem>> -> memref<10x128xi32, #tpu.memory_space<vmem>>
        %dma_start3A_730 = arith.constant 0 : i32
        %dma_start3A_731 = tpu.memref_slice %arg3[%add3A_724, %dma_start3A_730] : memref<6400x128xi32, #tpu.memory_space<hbm>> -> memref<10x128xi32, #tpu.memory_space<hbm>>
        %dma_start3A_732 = arith.constant 0 : i32
        %dma_start3A_733 = arith.constant 0 : i32
        %dma_start3A_734 = tpu.memref_slice %arg5[%dma_start3A_725, %dma_start3A_732, %dma_start3A_733] : memref<2x10x128xi32, #tpu.memory_space<vmem>> -> memref<1x10x128xi32, #tpu.memory_space<vmem>>
        %dma_start3A_735 = tpu.memref_squeeze %dma_start3A_734 : memref<1x10x128xi32, #tpu.memory_space<vmem>> -> memref<10x128xi32, #tpu.memory_space<vmem>>
        %dma_start3A_736 = arith.constant 0 : i32
        %dma_start3A_737 = tpu.memref_slice %arg3[%add3A_724, %dma_start3A_736] : memref<6400x128xi32, #tpu.memory_space<hbm>> -> memref<10x128xi32, #tpu.memory_space<hbm>>
        tpu.enqueue_dma source(%dma_start3A_737 : memref<10x128xi32, #tpu.memory_space<hbm>>) target(%dma_start3A_735 : memref<10x128xi32, #tpu.memory_space<vmem>>) target_semaphore(%arg8 : memref<!tpu.dma_semaphore, #tpu.memory_space<semaphore_mem>>)
      } else {
      }
      %dma_start3A_92 = arith.constant 0 : i32
      %dma_start3A_93 = arith.constant 0 : i32
      %dma_start3A_94 = arith.constant 0 : i32
      %dma_start3A_95 = arith.constant 0 : i32
      %dma_start3A_96 = arith.constant 0 : i32
      %dma_start3A_97 = arith.constant 0 : i32
      %dma_start3A_98 = tpu.memref_slice %arg6[%dma_start3A_94, %dma_start3A_95, %dma_start3A_96, %dma_start3A_97] : memref<2x10x128x32xf32, #tpu.memory_space<vmem>> -> memref<1x1x128x32xf32, #tpu.memory_space<vmem>>
      %dma_start3A_99 = tpu.memref_squeeze %dma_start3A_98 : memref<1x1x128x32xf32, #tpu.memory_space<vmem>> -> memref<128x32xf32, #tpu.memory_space<vmem>>
      %dma_start3A_100 = arith.constant 0 : i32
      %dma_start3A_101 = tpu.memref_slice %arg5[%dma_start3A_92, %dma_start3A_93, %dma_start3A_100] : memref<2x10x128xi32, #tpu.memory_space<vmem>> -> memref<1x1x128xi32, #tpu.memory_space<vmem>>
      %dma_start3A_102 = tpu.memref_squeeze %dma_start3A_101 : memref<1x1x128xi32, #tpu.memory_space<vmem>> -> memref<128xi32, #tpu.memory_space<vmem>>
      %dma_start3A_103 = arith.constant 0 : i32
      %dma_start3A_104 = arith.constant 0 : i32
      %dma_start3A_105 = tpu.memref_slice %arg2[%dma_start3A_103, %dma_start3A_104] : memref<50176x32xf32, #tpu.memory_space<hbm>> -> memref<50176x32xf32, #tpu.memory_space<hbm>>
      tpu.enqueue_indirect_dma source(%dma_start3A_105 : memref<50176x32xf32, #tpu.memory_space<hbm>>) target(%dma_start3A_99 : memref<128x32xf32, #tpu.memory_space<vmem>>) offsets(%dma_start3A_102 : memref<128xi32, #tpu.memory_space<vmem>>) semaphore(%arg9 : memref<!tpu.dma_semaphore, #tpu.memory_space<semaphore_mem>>)
      %dma_start3A_106 = arith.constant 0 : i32
      %dma_start3A_107 = arith.constant 1 : i32
      %dma_start3A_108 = arith.constant 0 : i32
      %dma_start3A_109 = arith.constant 1 : i32
      %dma_start3A_110 = arith.constant 0 : i32
      %dma_start3A_111 = arith.constant 0 : i32
      %dma_start3A_112 = tpu.memref_slice %arg6[%dma_start3A_108, %dma_start3A_109, %dma_start3A_110, %dma_start3A_111] : memref<2x10x128x32xf32, #tpu.memory_space<vmem>> -> memref<1x1x128x32xf32, #tpu.memory_space<vmem>>
      %dma_start3A_113 = tpu.memref_squeeze %dma_start3A_112 : memref<1x1x128x32xf32, #tpu.memory_space<vmem>> -> memref<128x32xf32, #tpu.memory_space<vmem>>
      %dma_start3A_114 = arith.constant 0 : i32
      %dma_start3A_115 = tpu.memref_slice %arg5[%dma_start3A_106, %dma_start3A_107, %dma_start3A_114] : memref<2x10x128xi32, #tpu.memory_space<vmem>> -> memref<1x1x128xi32, #tpu.memory_space<vmem>>
      %dma_start3A_116 = tpu.memref_squeeze %dma_start3A_115 : memref<1x1x128xi32, #tpu.memory_space<vmem>> -> memref<128xi32, #tpu.memory_space<vmem>>
      %dma_start3A_117 = arith.constant 0 : i32
      %dma_start3A_118 = arith.constant 0 : i32
      %dma_start3A_119 = tpu.memref_slice %arg2[%dma_start3A_117, %dma_start3A_118] : memref<50176x32xf32, #tpu.memory_space<hbm>> -> memref<50176x32xf32, #tpu.memory_space<hbm>>
      tpu.enqueue_indirect_dma source(%dma_start3A_119 : memref<50176x32xf32, #tpu.memory_space<hbm>>) target(%dma_start3A_113 : memref<128x32xf32, #tpu.memory_space<vmem>>) offsets(%dma_start3A_116 : memref<128xi32, #tpu.memory_space<vmem>>) semaphore(%arg9 : memref<!tpu.dma_semaphore, #tpu.memory_space<semaphore_mem>>)
      %dma_start3A_120 = arith.constant 0 : i32
      %dma_start3A_121 = arith.constant 2 : i32
      %dma_start3A_122 = arith.constant 0 : i32
      %dma_start3A_123 = arith.constant 2 : i32
      %dma_start3A_124 = arith.constant 0 : i32
      %dma_start3A_125 = arith.constant 0 : i32
      %dma_start3A_126 = tpu.memref_slice %arg6[%dma_start3A_122, %dma_start3A_123, %dma_start3A_124, %dma_start3A_125] : memref<2x10x128x32xf32, #tpu.memory_space<vmem>> -> memref<1x1x128x32xf32, #tpu.memory_space<vmem>>
      %dma_start3A_127 = tpu.memref_squeeze %dma_start3A_126 : memref<1x1x128x32xf32, #tpu.memory_space<vmem>> -> memref<128x32xf32, #tpu.memory_space<vmem>>
      %dma_start3A_128 = arith.constant 0 : i32
      %dma_start3A_129 = tpu.memref_slice %arg5[%dma_start3A_120, %dma_start3A_121, %dma_start3A_128] : memref<2x10x128xi32, #tpu.memory_space<vmem>> -> memref<1x1x128xi32, #tpu.memory_space<vmem>>
      %dma_start3A_130 = tpu.memref_squeeze %dma_start3A_129 : memref<1x1x128xi32, #tpu.memory_space<vmem>> -> memref<128xi32, #tpu.memory_space<vmem>>
      %dma_start3A_131 = arith.constant 0 : i32
      %dma_start3A_132 = arith.constant 0 : i32
      %dma_start3A_133 = tpu.memref_slice %arg2[%dma_start3A_131, %dma_start3A_132] : memref<50176x32xf32, #tpu.memory_space<hbm>> -> memref<50176x32xf32, #tpu.memory_space<hbm>>
      tpu.enqueue_indirect_dma source(%dma_start3A_133 : memref<50176x32xf32, #tpu.memory_space<hbm>>) target(%dma_start3A_127 : memref<128x32xf32, #tpu.memory_space<vmem>>) offsets(%dma_start3A_130 : memref<128xi32, #tpu.memory_space<vmem>>) semaphore(%arg9 : memref<!tpu.dma_semaphore, #tpu.memory_space<semaphore_mem>>)
      %dma_start3A_134 = arith.constant 0 : i32
      %dma_start3A_135 = arith.constant 3 : i32
      %dma_start3A_136 = arith.constant 0 : i32
      %dma_start3A_137 = arith.constant 3 : i32
      %dma_start3A_138 = arith.constant 0 : i32
      %dma_start3A_139 = arith.constant 0 : i32
      %dma_start3A_140 = tpu.memref_slice %arg6[%dma_start3A_136, %dma_start3A_137, %dma_start3A_138, %dma_start3A_139] : memref<2x10x128x32xf32, #tpu.memory_space<vmem>> -> memref<1x1x128x32xf32, #tpu.memory_space<vmem>>
      %dma_start3A_141 = tpu.memref_squeeze %dma_start3A_140 : memref<1x1x128x32xf32, #tpu.memory_space<vmem>> -> memref<128x32xf32, #tpu.memory_space<vmem>>
      %dma_start3A_142 = arith.constant 0 : i32
      %dma_start3A_143 = tpu.memref_slice %arg5[%dma_start3A_134, %dma_start3A_135, %dma_start3A_142] : memref<2x10x128xi32, #tpu.memory_space<vmem>> -> memref<1x1x128xi32, #tpu.memory_space<vmem>>
      %dma_start3A_144 = tpu.memref_squeeze %dma_start3A_143 : memref<1x1x128xi32, #tpu.memory_space<vmem>> -> memref<128xi32, #tpu.memory_space<vmem>>
      %dma_start3A_145 = arith.constant 0 : i32
      %dma_start3A_146 = arith.constant 0 : i32
      %dma_start3A_147 = tpu.memref_slice %arg2[%dma_start3A_145, %dma_start3A_146] : memref<50176x32xf32, #tpu.memory_space<hbm>> -> memref<50176x32xf32, #tpu.memory_space<hbm>>
      tpu.enqueue_indirect_dma source(%dma_start3A_147 : memref<50176x32xf32, #tpu.memory_space<hbm>>) target(%dma_start3A_141 : memref<128x32xf32, #tpu.memory_space<vmem>>) offsets(%dma_start3A_144 : memref<128xi32, #tpu.memory_space<vmem>>) semaphore(%arg9 : memref<!tpu.dma_semaphore, #tpu.memory_space<semaphore_mem>>)
      %dma_start3A_148 = arith.constant 0 : i32
      %dma_start3A_149 = arith.constant 4 : i32
      %dma_start3A_150 = arith.constant 0 : i32
      %dma_start3A_151 = arith.constant 4 : i32
      %dma_start3A_152 = arith.constant 0 : i32
      %dma_start3A_153 = arith.constant 0 : i32
      %dma_start3A_154 = tpu.memref_slice %arg6[%dma_start3A_150, %dma_start3A_151, %dma_start3A_152, %dma_start3A_153] : memref<2x10x128x32xf32, #tpu.memory_space<vmem>> -> memref<1x1x128x32xf32, #tpu.memory_space<vmem>>
      %dma_start3A_155 = tpu.memref_squeeze %dma_start3A_154 : memref<1x1x128x32xf32, #tpu.memory_space<vmem>> -> memref<128x32xf32, #tpu.memory_space<vmem>>
      %dma_start3A_156 = arith.constant 0 : i32
      %dma_start3A_157 = tpu.memref_slice %arg5[%dma_start3A_148, %dma_start3A_149, %dma_start3A_156] : memref<2x10x128xi32, #tpu.memory_space<vmem>> -> memref<1x1x128xi32, #tpu.memory_space<vmem>>
      %dma_start3A_158 = tpu.memref_squeeze %dma_start3A_157 : memref<1x1x128xi32, #tpu.memory_space<vmem>> -> memref<128xi32, #tpu.memory_space<vmem>>
      %dma_start3A_159 = arith.constant 0 : i32
      %dma_start3A_160 = arith.constant 0 : i32
      %dma_start3A_161 = tpu.memref_slice %arg2[%dma_start3A_159, %dma_start3A_160] : memref<50176x32xf32, #tpu.memory_space<hbm>> -> memref<50176x32xf32, #tpu.memory_space<hbm>>
      tpu.enqueue_indirect_dma source(%dma_start3A_161 : memref<50176x32xf32, #tpu.memory_space<hbm>>) target(%dma_start3A_155 : memref<128x32xf32, #tpu.memory_space<vmem>>) offsets(%dma_start3A_158 : memref<128xi32, #tpu.memory_space<vmem>>) semaphore(%arg9 : memref<!tpu.dma_semaphore, #tpu.memory_space<semaphore_mem>>)
      %dma_start3A_162 = arith.constant 0 : i32
      %dma_start3A_163 = arith.constant 5 : i32
      %dma_start3A_164 = arith.constant 0 : i32
      %dma_start3A_165 = arith.constant 5 : i32
      %dma_start3A_166 = arith.constant 0 : i32
      %dma_start3A_167 = arith.constant 0 : i32
      %dma_start3A_168 = tpu.memref_slice %arg6[%dma_start3A_164, %dma_start3A_165, %dma_start3A_166, %dma_start3A_167] : memref<2x10x128x32xf32, #tpu.memory_space<vmem>> -> memref<1x1x128x32xf32, #tpu.memory_space<vmem>>
      %dma_start3A_169 = tpu.memref_squeeze %dma_start3A_168 : memref<1x1x128x32xf32, #tpu.memory_space<vmem>> -> memref<128x32xf32, #tpu.memory_space<vmem>>
      %dma_start3A_170 = arith.constant 0 : i32
      %dma_start3A_171 = tpu.memref_slice %arg5[%dma_start3A_162, %dma_start3A_163, %dma_start3A_170] : memref<2x10x128xi32, #tpu.memory_space<vmem>> -> memref<1x1x128xi32, #tpu.memory_space<vmem>>
      %dma_start3A_172 = tpu.memref_squeeze %dma_start3A_171 : memref<1x1x128xi32, #tpu.memory_space<vmem>> -> memref<128xi32, #tpu.memory_space<vmem>>
      %dma_start3A_173 = arith.constant 0 : i32
      %dma_start3A_174 = arith.constant 0 : i32
      %dma_start3A_175 = tpu.memref_slice %arg2[%dma_start3A_173, %dma_start3A_174] : memref<50176x32xf32, #tpu.memory_space<hbm>> -> memref<50176x32xf32, #tpu.memory_space<hbm>>
      tpu.enqueue_indirect_dma source(%dma_start3A_175 : memref<50176x32xf32, #tpu.memory_space<hbm>>) target(%dma_start3A_169 : memref<128x32xf32, #tpu.memory_space<vmem>>) offsets(%dma_start3A_172 : memref<128xi32, #tpu.memory_space<vmem>>) semaphore(%arg9 : memref<!tpu.dma_semaphore, #tpu.memory_space<semaphore_mem>>)
      %dma_start3A_176 = arith.constant 0 : i32
      %dma_start3A_177 = arith.constant 6 : i32
      %dma_start3A_178 = arith.constant 0 : i32
      %dma_start3A_179 = arith.constant 6 : i32
      %dma_start3A_180 = arith.constant 0 : i32
      %dma_start3A_181 = arith.constant 0 : i32
      %dma_start3A_182 = tpu.memref_slice %arg6[%dma_start3A_178, %dma_start3A_179, %dma_start3A_180, %dma_start3A_181] : memref<2x10x128x32xf32, #tpu.memory_space<vmem>> -> memref<1x1x128x32xf32, #tpu.memory_space<vmem>>
      %dma_start3A_183 = tpu.memref_squeeze %dma_start3A_182 : memref<1x1x128x32xf32, #tpu.memory_space<vmem>> -> memref<128x32xf32, #tpu.memory_space<vmem>>
      %dma_start3A_184 = arith.constant 0 : i32
      %dma_start3A_185 = tpu.memref_slice %arg5[%dma_start3A_176, %dma_start3A_177, %dma_start3A_184] : memref<2x10x128xi32, #tpu.memory_space<vmem>> -> memref<1x1x128xi32, #tpu.memory_space<vmem>>
      %dma_start3A_186 = tpu.memref_squeeze %dma_start3A_185 : memref<1x1x128xi32, #tpu.memory_space<vmem>> -> memref<128xi32, #tpu.memory_space<vmem>>
      %dma_start3A_187 = arith.constant 0 : i32
      %dma_start3A_188 = arith.constant 0 : i32
      %dma_start3A_189 = tpu.memref_slice %arg2[%dma_start3A_187, %dma_start3A_188] : memref<50176x32xf32, #tpu.memory_space<hbm>> -> memref<50176x32xf32, #tpu.memory_space<hbm>>
      tpu.enqueue_indirect_dma source(%dma_start3A_189 : memref<50176x32xf32, #tpu.memory_space<hbm>>) target(%dma_start3A_183 : memref<128x32xf32, #tpu.memory_space<vmem>>) offsets(%dma_start3A_186 : memref<128xi32, #tpu.memory_space<vmem>>) semaphore(%arg9 : memref<!tpu.dma_semaphore, #tpu.memory_space<semaphore_mem>>)
      %dma_start3A_190 = arith.constant 0 : i32
      %dma_start3A_191 = arith.constant 7 : i32
      %dma_start3A_192 = arith.constant 0 : i32
      %dma_start3A_193 = arith.constant 7 : i32
      %dma_start3A_194 = arith.constant 0 : i32
      %dma_start3A_195 = arith.constant 0 : i32
      %dma_start3A_196 = tpu.memref_slice %arg6[%dma_start3A_192, %dma_start3A_193, %dma_start3A_194, %dma_start3A_195] : memref<2x10x128x32xf32, #tpu.memory_space<vmem>> -> memref<1x1x128x32xf32, #tpu.memory_space<vmem>>
      %dma_start3A_197 = tpu.memref_squeeze %dma_start3A_196 : memref<1x1x128x32xf32, #tpu.memory_space<vmem>> -> memref<128x32xf32, #tpu.memory_space<vmem>>
      %dma_start3A_198 = arith.constant 0 : i32
      %dma_start3A_199 = tpu.memref_slice %arg5[%dma_start3A_190, %dma_start3A_191, %dma_start3A_198] : memref<2x10x128xi32, #tpu.memory_space<vmem>> -> memref<1x1x128xi32, #tpu.memory_space<vmem>>
      %dma_start3A_200 = tpu.memref_squeeze %dma_start3A_199 : memref<1x1x128xi32, #tpu.memory_space<vmem>> -> memref<128xi32, #tpu.memory_space<vmem>>
      %dma_start3A_201 = arith.constant 0 : i32
      %dma_start3A_202 = arith.constant 0 : i32
      %dma_start3A_203 = tpu.memref_slice %arg2[%dma_start3A_201, %dma_start3A_202] : memref<50176x32xf32, #tpu.memory_space<hbm>> -> memref<50176x32xf32, #tpu.memory_space<hbm>>
      tpu.enqueue_indirect_dma source(%dma_start3A_203 : memref<50176x32xf32, #tpu.memory_space<hbm>>) target(%dma_start3A_197 : memref<128x32xf32, #tpu.memory_space<vmem>>) offsets(%dma_start3A_200 : memref<128xi32, #tpu.memory_space<vmem>>) semaphore(%arg9 : memref<!tpu.dma_semaphore, #tpu.memory_space<semaphore_mem>>)
      %dma_start3A_204 = arith.constant 0 : i32
      %dma_start3A_205 = arith.constant 8 : i32
      %dma_start3A_206 = arith.constant 0 : i32
      %dma_start3A_207 = arith.constant 8 : i32
      %dma_start3A_208 = arith.constant 0 : i32
      %dma_start3A_209 = arith.constant 0 : i32
      %dma_start3A_210 = tpu.memref_slice %arg6[%dma_start3A_206, %dma_start3A_207, %dma_start3A_208, %dma_start3A_209] : memref<2x10x128x32xf32, #tpu.memory_space<vmem>> -> memref<1x1x128x32xf32, #tpu.memory_space<vmem>>
      %dma_start3A_211 = tpu.memref_squeeze %dma_start3A_210 : memref<1x1x128x32xf32, #tpu.memory_space<vmem>> -> memref<128x32xf32, #tpu.memory_space<vmem>>
      %dma_start3A_212 = arith.constant 0 : i32
      %dma_start3A_213 = tpu.memref_slice %arg5[%dma_start3A_204, %dma_start3A_205, %dma_start3A_212] : memref<2x10x128xi32, #tpu.memory_space<vmem>> -> memref<1x1x128xi32, #tpu.memory_space<vmem>>
      %dma_start3A_214 = tpu.memref_squeeze %dma_start3A_213 : memref<1x1x128xi32, #tpu.memory_space<vmem>> -> memref<128xi32, #tpu.memory_space<vmem>>
      %dma_start3A_215 = arith.constant 0 : i32
      %dma_start3A_216 = arith.constant 0 : i32
      %dma_start3A_217 = tpu.memref_slice %arg2[%dma_start3A_215, %dma_start3A_216] : memref<50176x32xf32, #tpu.memory_space<hbm>> -> memref<50176x32xf32, #tpu.memory_space<hbm>>
      tpu.enqueue_indirect_dma source(%dma_start3A_217 : memref<50176x32xf32, #tpu.memory_space<hbm>>) target(%dma_start3A_211 : memref<128x32xf32, #tpu.memory_space<vmem>>) offsets(%dma_start3A_214 : memref<128xi32, #tpu.memory_space<vmem>>) semaphore(%arg9 : memref<!tpu.dma_semaphore, #tpu.memory_space<semaphore_mem>>)
      %dma_start3A_218 = arith.constant 0 : i32
      %dma_start3A_219 = arith.constant 9 : i32
      %dma_start3A_220 = arith.constant 0 : i32
      %dma_start3A_221 = arith.constant 9 : i32
      %dma_start3A_222 = arith.constant 0 : i32
      %dma_start3A_223 = arith.constant 0 : i32
      %dma_start3A_224 = tpu.memref_slice %arg6[%dma_start3A_220, %dma_start3A_221, %dma_start3A_222, %dma_start3A_223] : memref<2x10x128x32xf32, #tpu.memory_space<vmem>> -> memref<1x1x128x32xf32, #tpu.memory_space<vmem>>
      %dma_start3A_225 = tpu.memref_squeeze %dma_start3A_224 : memref<1x1x128x32xf32, #tpu.memory_space<vmem>> -> memref<128x32xf32, #tpu.memory_space<vmem>>
      %dma_start3A_226 = arith.constant 0 : i32
      %dma_start3A_227 = tpu.memref_slice %arg5[%dma_start3A_218, %dma_start3A_219, %dma_start3A_226] : memref<2x10x128xi32, #tpu.memory_space<vmem>> -> memref<1x1x128xi32, #tpu.memory_space<vmem>>
      %dma_start3A_228 = tpu.memref_squeeze %dma_start3A_227 : memref<1x1x128xi32, #tpu.memory_space<vmem>> -> memref<128xi32, #tpu.memory_space<vmem>>
      %dma_start3A_229 = arith.constant 0 : i32
      %dma_start3A_230 = arith.constant 0 : i32
      %dma_start3A_231 = tpu.memref_slice %arg2[%dma_start3A_229, %dma_start3A_230] : memref<50176x32xf32, #tpu.memory_space<hbm>> -> memref<50176x32xf32, #tpu.memory_space<hbm>>
      tpu.enqueue_indirect_dma source(%dma_start3A_231 : memref<50176x32xf32, #tpu.memory_space<hbm>>) target(%dma_start3A_225 : memref<128x32xf32, #tpu.memory_space<vmem>>) offsets(%dma_start3A_228 : memref<128xi32, #tpu.memory_space<vmem>>) semaphore(%arg9 : memref<!tpu.dma_semaphore, #tpu.memory_space<semaphore_mem>>)
      %dma_wait3A_232 = arith.constant 0 : i32
      %dma_wait3A_233 = arith.constant 0 : i32
      %dma_wait3A_234 = arith.constant 0 : i32
      %dma_wait3A_235 = arith.constant 0 : i32
      %dma_wait3A_236 = arith.constant 0 : i32
      %dma_wait3A_237 = arith.constant 0 : i32
      %dma_wait3A_238 = tpu.memref_slice %arg6[%dma_wait3A_234, %dma_wait3A_235, %dma_wait3A_236, %dma_wait3A_237] : memref<2x10x128x32xf32, #tpu.memory_space<vmem>> -> memref<1x1x128x32xf32, #tpu.memory_space<vmem>>
      %dma_wait3A_239 = tpu.memref_squeeze %dma_wait3A_238 : memref<1x1x128x32xf32, #tpu.memory_space<vmem>> -> memref<128x32xf32, #tpu.memory_space<vmem>>
      %dma_wait3A_240 = arith.constant 0 : i32
      %dma_wait3A_241 = tpu.memref_slice %arg5[%dma_wait3A_232, %dma_wait3A_233, %dma_wait3A_240] : memref<2x10x128xi32, #tpu.memory_space<vmem>> -> memref<1x1x128xi32, #tpu.memory_space<vmem>>
      %dma_wait3A_242 = tpu.memref_squeeze %dma_wait3A_241 : memref<1x1x128xi32, #tpu.memory_space<vmem>> -> memref<128xi32, #tpu.memory_space<vmem>>
      %dma_wait3A_243 = arith.constant 0 : i32
      %dma_wait3A_244 = arith.constant 0 : i32
      %dma_wait3A_245 = tpu.memref_slice %arg2[%dma_wait3A_243, %dma_wait3A_244] : memref<50176x32xf32, #tpu.memory_space<hbm>> -> memref<50176x32xf32, #tpu.memory_space<hbm>>
      tpu.wait_indirect_dma semaphore(%arg9 : memref<!tpu.dma_semaphore, #tpu.memory_space<semaphore_mem>>) src(%dma_wait3A_245 : memref<50176x32xf32, #tpu.memory_space<hbm>>) dst(%dma_wait3A_239 : memref<128x32xf32, #tpu.memory_space<vmem>>)
      %dma_wait3A_246 = arith.constant 0 : i32
      %dma_wait3A_247 = arith.constant 1 : i32
      %dma_wait3A_248 = arith.constant 0 : i32
      %dma_wait3A_249 = arith.constant 1 : i32
      %dma_wait3A_250 = arith.constant 0 : i32
      %dma_wait3A_251 = arith.constant 0 : i32
      %dma_wait3A_252 = tpu.memref_slice %arg6[%dma_wait3A_248, %dma_wait3A_249, %dma_wait3A_250, %dma_wait3A_251] : memref<2x10x128x32xf32, #tpu.memory_space<vmem>> -> memref<1x1x128x32xf32, #tpu.memory_space<vmem>>
      %dma_wait3A_253 = tpu.memref_squeeze %dma_wait3A_252 : memref<1x1x128x32xf32, #tpu.memory_space<vmem>> -> memref<128x32xf32, #tpu.memory_space<vmem>>
      %dma_wait3A_254 = arith.constant 0 : i32
      %dma_wait3A_255 = tpu.memref_slice %arg5[%dma_wait3A_246, %dma_wait3A_247, %dma_wait3A_254] : memref<2x10x128xi32, #tpu.memory_space<vmem>> -> memref<1x1x128xi32, #tpu.memory_space<vmem>>
      %dma_wait3A_256 = tpu.memref_squeeze %dma_wait3A_255 : memref<1x1x128xi32, #tpu.memory_space<vmem>> -> memref<128xi32, #tpu.memory_space<vmem>>
      %dma_wait3A_257 = arith.constant 0 : i32
      %dma_wait3A_258 = arith.constant 0 : i32
      %dma_wait3A_259 = tpu.memref_slice %arg2[%dma_wait3A_257, %dma_wait3A_258] : memref<50176x32xf32, #tpu.memory_space<hbm>> -> memref<50176x32xf32, #tpu.memory_space<hbm>>
      tpu.wait_indirect_dma semaphore(%arg9 : memref<!tpu.dma_semaphore, #tpu.memory_space<semaphore_mem>>) src(%dma_wait3A_259 : memref<50176x32xf32, #tpu.memory_space<hbm>>) dst(%dma_wait3A_253 : memref<128x32xf32, #tpu.memory_space<vmem>>)
      %dma_wait3A_260 = arith.constant 0 : i32
      %dma_wait3A_261 = arith.constant 2 : i32
      %dma_wait3A_262 = arith.constant 0 : i32
      %dma_wait3A_263 = arith.constant 2 : i32
      %dma_wait3A_264 = arith.constant 0 : i32
      %dma_wait3A_265 = arith.constant 0 : i32
      %dma_wait3A_266 = tpu.memref_slice %arg6[%dma_wait3A_262, %dma_wait3A_263, %dma_wait3A_264, %dma_wait3A_265] : memref<2x10x128x32xf32, #tpu.memory_space<vmem>> -> memref<1x1x128x32xf32, #tpu.memory_space<vmem>>
      %dma_wait3A_267 = tpu.memref_squeeze %dma_wait3A_266 : memref<1x1x128x32xf32, #tpu.memory_space<vmem>> -> memref<128x32xf32, #tpu.memory_space<vmem>>
      %dma_wait3A_268 = arith.constant 0 : i32
      %dma_wait3A_269 = tpu.memref_slice %arg5[%dma_wait3A_260, %dma_wait3A_261, %dma_wait3A_268] : memref<2x10x128xi32, #tpu.memory_space<vmem>> -> memref<1x1x128xi32, #tpu.memory_space<vmem>>
      %dma_wait3A_270 = tpu.memref_squeeze %dma_wait3A_269 : memref<1x1x128xi32, #tpu.memory_space<vmem>> -> memref<128xi32, #tpu.memory_space<vmem>>
      %dma_wait3A_271 = arith.constant 0 : i32
      %dma_wait3A_272 = arith.constant 0 : i32
      %dma_wait3A_273 = tpu.memref_slice %arg2[%dma_wait3A_271, %dma_wait3A_272] : memref<50176x32xf32, #tpu.memory_space<hbm>> -> memref<50176x32xf32, #tpu.memory_space<hbm>>
      tpu.wait_indirect_dma semaphore(%arg9 : memref<!tpu.dma_semaphore, #tpu.memory_space<semaphore_mem>>) src(%dma_wait3A_273 : memref<50176x32xf32, #tpu.memory_space<hbm>>) dst(%dma_wait3A_267 : memref<128x32xf32, #tpu.memory_space<vmem>>)
      %dma_wait3A_274 = arith.constant 0 : i32
      %dma_wait3A_275 = arith.constant 3 : i32
      %dma_wait3A_276 = arith.constant 0 : i32
      %dma_wait3A_277 = arith.constant 3 : i32
      %dma_wait3A_278 = arith.constant 0 : i32
      %dma_wait3A_279 = arith.constant 0 : i32
      %dma_wait3A_280 = tpu.memref_slice %arg6[%dma_wait3A_276, %dma_wait3A_277, %dma_wait3A_278, %dma_wait3A_279] : memref<2x10x128x32xf32, #tpu.memory_space<vmem>> -> memref<1x1x128x32xf32, #tpu.memory_space<vmem>>
      %dma_wait3A_281 = tpu.memref_squeeze %dma_wait3A_280 : memref<1x1x128x32xf32, #tpu.memory_space<vmem>> -> memref<128x32xf32, #tpu.memory_space<vmem>>
      %dma_wait3A_282 = arith.constant 0 : i32
      %dma_wait3A_283 = tpu.memref_slice %arg5[%dma_wait3A_274, %dma_wait3A_275, %dma_wait3A_282] : memref<2x10x128xi32, #tpu.memory_space<vmem>> -> memref<1x1x128xi32, #tpu.memory_space<vmem>>
      %dma_wait3A_284 = tpu.memref_squeeze %dma_wait3A_283 : memref<1x1x128xi32, #tpu.memory_space<vmem>> -> memref<128xi32, #tpu.memory_space<vmem>>
      %dma_wait3A_285 = arith.constant 0 : i32
      %dma_wait3A_286 = arith.constant 0 : i32
      %dma_wait3A_287 = tpu.memref_slice %arg2[%dma_wait3A_285, %dma_wait3A_286] : memref<50176x32xf32, #tpu.memory_space<hbm>> -> memref<50176x32xf32, #tpu.memory_space<hbm>>
      tpu.wait_indirect_dma semaphore(%arg9 : memref<!tpu.dma_semaphore, #tpu.memory_space<semaphore_mem>>) src(%dma_wait3A_287 : memref<50176x32xf32, #tpu.memory_space<hbm>>) dst(%dma_wait3A_281 : memref<128x32xf32, #tpu.memory_space<vmem>>)
      %dma_wait3A_288 = arith.constant 0 : i32
      %dma_wait3A_289 = arith.constant 4 : i32
      %dma_wait3A_290 = arith.constant 0 : i32
      %dma_wait3A_291 = arith.constant 4 : i32
      %dma_wait3A_292 = arith.constant 0 : i32
      %dma_wait3A_293 = arith.constant 0 : i32
      %dma_wait3A_294 = tpu.memref_slice %arg6[%dma_wait3A_290, %dma_wait3A_291, %dma_wait3A_292, %dma_wait3A_293] : memref<2x10x128x32xf32, #tpu.memory_space<vmem>> -> memref<1x1x128x32xf32, #tpu.memory_space<vmem>>
      %dma_wait3A_295 = tpu.memref_squeeze %dma_wait3A_294 : memref<1x1x128x32xf32, #tpu.memory_space<vmem>> -> memref<128x32xf32, #tpu.memory_space<vmem>>
      %dma_wait3A_296 = arith.constant 0 : i32
      %dma_wait3A_297 = tpu.memref_slice %arg5[%dma_wait3A_288, %dma_wait3A_289, %dma_wait3A_296] : memref<2x10x128xi32, #tpu.memory_space<vmem>> -> memref<1x1x128xi32, #tpu.memory_space<vmem>>
      %dma_wait3A_298 = tpu.memref_squeeze %dma_wait3A_297 : memref<1x1x128xi32, #tpu.memory_space<vmem>> -> memref<128xi32, #tpu.memory_space<vmem>>
      %dma_wait3A_299 = arith.constant 0 : i32
      %dma_wait3A_300 = arith.constant 0 : i32
      %dma_wait3A_301 = tpu.memref_slice %arg2[%dma_wait3A_299, %dma_wait3A_300] : memref<50176x32xf32, #tpu.memory_space<hbm>> -> memref<50176x32xf32, #tpu.memory_space<hbm>>
      tpu.wait_indirect_dma semaphore(%arg9 : memref<!tpu.dma_semaphore, #tpu.memory_space<semaphore_mem>>) src(%dma_wait3A_301 : memref<50176x32xf32, #tpu.memory_space<hbm>>) dst(%dma_wait3A_295 : memref<128x32xf32, #tpu.memory_space<vmem>>)
      %dma_wait3A_302 = arith.constant 0 : i32
      %dma_wait3A_303 = arith.constant 5 : i32
      %dma_wait3A_304 = arith.constant 0 : i32
      %dma_wait3A_305 = arith.constant 5 : i32
      %dma_wait3A_306 = arith.constant 0 : i32
      %dma_wait3A_307 = arith.constant 0 : i32
      %dma_wait3A_308 = tpu.memref_slice %arg6[%dma_wait3A_304, %dma_wait3A_305, %dma_wait3A_306, %dma_wait3A_307] : memref<2x10x128x32xf32, #tpu.memory_space<vmem>> -> memref<1x1x128x32xf32, #tpu.memory_space<vmem>>
      %dma_wait3A_309 = tpu.memref_squeeze %dma_wait3A_308 : memref<1x1x128x32xf32, #tpu.memory_space<vmem>> -> memref<128x32xf32, #tpu.memory_space<vmem>>
      %dma_wait3A_310 = arith.constant 0 : i32
      %dma_wait3A_311 = tpu.memref_slice %arg5[%dma_wait3A_302, %dma_wait3A_303, %dma_wait3A_310] : memref<2x10x128xi32, #tpu.memory_space<vmem>> -> memref<1x1x128xi32, #tpu.memory_space<vmem>>
      %dma_wait3A_312 = tpu.memref_squeeze %dma_wait3A_311 : memref<1x1x128xi32, #tpu.memory_space<vmem>> -> memref<128xi32, #tpu.memory_space<vmem>>
      %dma_wait3A_313 = arith.constant 0 : i32
      %dma_wait3A_314 = arith.constant 0 : i32
      %dma_wait3A_315 = tpu.memref_slice %arg2[%dma_wait3A_313, %dma_wait3A_314] : memref<50176x32xf32, #tpu.memory_space<hbm>> -> memref<50176x32xf32, #tpu.memory_space<hbm>>
      tpu.wait_indirect_dma semaphore(%arg9 : memref<!tpu.dma_semaphore, #tpu.memory_space<semaphore_mem>>) src(%dma_wait3A_315 : memref<50176x32xf32, #tpu.memory_space<hbm>>) dst(%dma_wait3A_309 : memref<128x32xf32, #tpu.memory_space<vmem>>)
      %dma_wait3A_316 = arith.constant 0 : i32
      %dma_wait3A_317 = arith.constant 6 : i32
      %dma_wait3A_318 = arith.constant 0 : i32
      %dma_wait3A_319 = arith.constant 6 : i32
      %dma_wait3A_320 = arith.constant 0 : i32
      %dma_wait3A_321 = arith.constant 0 : i32
      %dma_wait3A_322 = tpu.memref_slice %arg6[%dma_wait3A_318, %dma_wait3A_319, %dma_wait3A_320, %dma_wait3A_321] : memref<2x10x128x32xf32, #tpu.memory_space<vmem>> -> memref<1x1x128x32xf32, #tpu.memory_space<vmem>>
      %dma_wait3A_323 = tpu.memref_squeeze %dma_wait3A_322 : memref<1x1x128x32xf32, #tpu.memory_space<vmem>> -> memref<128x32xf32, #tpu.memory_space<vmem>>
      %dma_wait3A_324 = arith.constant 0 : i32
      %dma_wait3A_325 = tpu.memref_slice %arg5[%dma_wait3A_316, %dma_wait3A_317, %dma_wait3A_324] : memref<2x10x128xi32, #tpu.memory_space<vmem>> -> memref<1x1x128xi32, #tpu.memory_space<vmem>>
      %dma_wait3A_326 = tpu.memref_squeeze %dma_wait3A_325 : memref<1x1x128xi32, #tpu.memory_space<vmem>> -> memref<128xi32, #tpu.memory_space<vmem>>
      %dma_wait3A_327 = arith.constant 0 : i32
      %dma_wait3A_328 = arith.constant 0 : i32
      %dma_wait3A_329 = tpu.memref_slice %arg2[%dma_wait3A_327, %dma_wait3A_328] : memref<50176x32xf32, #tpu.memory_space<hbm>> -> memref<50176x32xf32, #tpu.memory_space<hbm>>
      tpu.wait_indirect_dma semaphore(%arg9 : memref<!tpu.dma_semaphore, #tpu.memory_space<semaphore_mem>>) src(%dma_wait3A_329 : memref<50176x32xf32, #tpu.memory_space<hbm>>) dst(%dma_wait3A_323 : memref<128x32xf32, #tpu.memory_space<vmem>>)
      %dma_wait3A_330 = arith.constant 0 : i32
      %dma_wait3A_331 = arith.constant 7 : i32
      %dma_wait3A_332 = arith.constant 0 : i32
      %dma_wait3A_333 = arith.constant 7 : i32
      %dma_wait3A_334 = arith.constant 0 : i32
      %dma_wait3A_335 = arith.constant 0 : i32
      %dma_wait3A_336 = tpu.memref_slice %arg6[%dma_wait3A_332, %dma_wait3A_333, %dma_wait3A_334, %dma_wait3A_335] : memref<2x10x128x32xf32, #tpu.memory_space<vmem>> -> memref<1x1x128x32xf32, #tpu.memory_space<vmem>>
      %dma_wait3A_337 = tpu.memref_squeeze %dma_wait3A_336 : memref<1x1x128x32xf32, #tpu.memory_space<vmem>> -> memref<128x32xf32, #tpu.memory_space<vmem>>
      %dma_wait3A_338 = arith.constant 0 : i32
      %dma_wait3A_339 = tpu.memref_slice %arg5[%dma_wait3A_330, %dma_wait3A_331, %dma_wait3A_338] : memref<2x10x128xi32, #tpu.memory_space<vmem>> -> memref<1x1x128xi32, #tpu.memory_space<vmem>>
      %dma_wait3A_340 = tpu.memref_squeeze %dma_wait3A_339 : memref<1x1x128xi32, #tpu.memory_space<vmem>> -> memref<128xi32, #tpu.memory_space<vmem>>
      %dma_wait3A_341 = arith.constant 0 : i32
      %dma_wait3A_342 = arith.constant 0 : i32
      %dma_wait3A_343 = tpu.memref_slice %arg2[%dma_wait3A_341, %dma_wait3A_342] : memref<50176x32xf32, #tpu.memory_space<hbm>> -> memref<50176x32xf32, #tpu.memory_space<hbm>>
      tpu.wait_indirect_dma semaphore(%arg9 : memref<!tpu.dma_semaphore, #tpu.memory_space<semaphore_mem>>) src(%dma_wait3A_343 : memref<50176x32xf32, #tpu.memory_space<hbm>>) dst(%dma_wait3A_337 : memref<128x32xf32, #tpu.memory_space<vmem>>)
      %dma_wait3A_344 = arith.constant 0 : i32
      %dma_wait3A_345 = arith.constant 8 : i32
      %dma_wait3A_346 = arith.constant 0 : i32
      %dma_wait3A_347 = arith.constant 8 : i32
      %dma_wait3A_348 = arith.constant 0 : i32
      %dma_wait3A_349 = arith.constant 0 : i32
      %dma_wait3A_350 = tpu.memref_slice %arg6[%dma_wait3A_346, %dma_wait3A_347, %dma_wait3A_348, %dma_wait3A_349] : memref<2x10x128x32xf32, #tpu.memory_space<vmem>> -> memref<1x1x128x32xf32, #tpu.memory_space<vmem>>
      %dma_wait3A_351 = tpu.memref_squeeze %dma_wait3A_350 : memref<1x1x128x32xf32, #tpu.memory_space<vmem>> -> memref<128x32xf32, #tpu.memory_space<vmem>>
      %dma_wait3A_352 = arith.constant 0 : i32
      %dma_wait3A_353 = tpu.memref_slice %arg5[%dma_wait3A_344, %dma_wait3A_345, %dma_wait3A_352] : memref<2x10x128xi32, #tpu.memory_space<vmem>> -> memref<1x1x128xi32, #tpu.memory_space<vmem>>
      %dma_wait3A_354 = tpu.memref_squeeze %dma_wait3A_353 : memref<1x1x128xi32, #tpu.memory_space<vmem>> -> memref<128xi32, #tpu.memory_space<vmem>>
      %dma_wait3A_355 = arith.constant 0 : i32
      %dma_wait3A_356 = arith.constant 0 : i32
      %dma_wait3A_357 = tpu.memref_slice %arg2[%dma_wait3A_355, %dma_wait3A_356] : memref<50176x32xf32, #tpu.memory_space<hbm>> -> memref<50176x32xf32, #tpu.memory_space<hbm>>
      tpu.wait_indirect_dma semaphore(%arg9 : memref<!tpu.dma_semaphore, #tpu.memory_space<semaphore_mem>>) src(%dma_wait3A_357 : memref<50176x32xf32, #tpu.memory_space<hbm>>) dst(%dma_wait3A_351 : memref<128x32xf32, #tpu.memory_space<vmem>>)
      %dma_wait3A_358 = arith.constant 0 : i32
      %dma_wait3A_359 = arith.constant 9 : i32
      %dma_wait3A_360 = arith.constant 0 : i32
      %dma_wait3A_361 = arith.constant 9 : i32
      %dma_wait3A_362 = arith.constant 0 : i32
      %dma_wait3A_363 = arith.constant 0 : i32
      %dma_wait3A_364 = tpu.memref_slice %arg6[%dma_wait3A_360, %dma_wait3A_361, %dma_wait3A_362, %dma_wait3A_363] : memref<2x10x128x32xf32, #tpu.memory_space<vmem>> -> memref<1x1x128x32xf32, #tpu.memory_space<vmem>>
      %dma_wait3A_365 = tpu.memref_squeeze %dma_wait3A_364 : memref<1x1x128x32xf32, #tpu.memory_space<vmem>> -> memref<128x32xf32, #tpu.memory_space<vmem>>
      %dma_wait3A_366 = arith.constant 0 : i32
      %dma_wait3A_367 = tpu.memref_slice %arg5[%dma_wait3A_358, %dma_wait3A_359, %dma_wait3A_366] : memref<2x10x128xi32, #tpu.memory_space<vmem>> -> memref<1x1x128xi32, #tpu.memory_space<vmem>>
      %dma_wait3A_368 = tpu.memref_squeeze %dma_wait3A_367 : memref<1x1x128xi32, #tpu.memory_space<vmem>> -> memref<128xi32, #tpu.memory_space<vmem>>
      %dma_wait3A_369 = arith.constant 0 : i32
      %dma_wait3A_370 = arith.constant 0 : i32
      %dma_wait3A_371 = tpu.memref_slice %arg2[%dma_wait3A_369, %dma_wait3A_370] : memref<50176x32xf32, #tpu.memory_space<hbm>> -> memref<50176x32xf32, #tpu.memory_space<hbm>>
      tpu.wait_indirect_dma semaphore(%arg9 : memref<!tpu.dma_semaphore, #tpu.memory_space<semaphore_mem>>) src(%dma_wait3A_371 : memref<50176x32xf32, #tpu.memory_space<hbm>>) dst(%dma_wait3A_365 : memref<128x32xf32, #tpu.memory_space<vmem>>)
      %dma_start3A_372 = arith.constant 0 : i32
      %dma_start3A_373 = arith.constant 0 : i32
      %dma_start3A_374 = arith.constant 0 : i32
      %dma_start3A_375 = arith.constant 0 : i32
      %dma_start3A_376 = tpu.memref_slice %arg6[%dma_start3A_372, %dma_start3A_373, %dma_start3A_374, %dma_start3A_375] : memref<2x10x128x32xf32, #tpu.memory_space<vmem>> -> memref<1x10x128x32xf32, #tpu.memory_space<vmem>>
      %dma_start3A_377 = tpu.memref_squeeze %dma_start3A_376 : memref<1x10x128x32xf32, #tpu.memory_space<vmem>> -> memref<10x128x32xf32, #tpu.memory_space<vmem>>
      %dma_start3A_378 = arith.constant 0 : i32
      %dma_start3A_379 = arith.constant 0 : i32
      %dma_start3A_380 = tpu.memref_slice %arg4[%add3A_68, %dma_start3A_378, %dma_start3A_379] : memref<6400x128x32xf32, #tpu.memory_space<hbm>> -> memref<10x128x32xf32, #tpu.memory_space<hbm>>
      %dma_start3A_381 = arith.constant 0 : i32
      %dma_start3A_382 = arith.constant 0 : i32
      %dma_start3A_383 = tpu.memref_slice %arg4[%add3A_68, %dma_start3A_381, %dma_start3A_382] : memref<6400x128x32xf32, #tpu.memory_space<hbm>> -> memref<10x128x32xf32, #tpu.memory_space<hbm>>
      %dma_start3A_384 = arith.constant 0 : i32
      %dma_start3A_385 = arith.constant 0 : i32
      %dma_start3A_386 = arith.constant 0 : i32
      %dma_start3A_387 = tpu.memref_slice %arg6[%dma_start3A_372, %dma_start3A_384, %dma_start3A_385, %dma_start3A_386] : memref<2x10x128x32xf32, #tpu.memory_space<vmem>> -> memref<1x10x128x32xf32, #tpu.memory_space<vmem>>
      %dma_start3A_388 = tpu.memref_squeeze %dma_start3A_387 : memref<1x10x128x32xf32, #tpu.memory_space<vmem>> -> memref<10x128x32xf32, #tpu.memory_space<vmem>>
      tpu.enqueue_dma source(%dma_start3A_388 : memref<10x128x32xf32, #tpu.memory_space<vmem>>) target(%dma_start3A_383 : memref<10x128x32xf32, #tpu.memory_space<hbm>>) target_semaphore(%arg10 : memref<!tpu.dma_semaphore, #tpu.memory_space<semaphore_mem>>)
      %mul3A_389 = arith.constant 2 : i32
      %mul3A_390 = arith.muli %scan3A_58, %mul3A_389 : i32
      %add3A_391 = arith.constant 1 : i32
      %add3A_392 = arith.addi %mul3A_390, %add3A_391 : i32
      %mul3A_393 = arith.constant 200 : i32
      %mul3A_394 = arith.muli %add3A, %mul3A_393 : i32
      %mul3A_395 = arith.constant 10 : i32
      %mul3A_396 = arith.muli %add3A_392, %mul3A_395 : i32
      %add3A_397 = arith.addi %mul3A_394, %mul3A_396 : i32
      %dma_wait3A_398 = arith.constant 1 : i32
      %dma_wait3A_399 = arith.constant 0 : i32
      %dma_wait3A_400 = arith.constant 0 : i32
      %dma_wait3A_401 = tpu.memref_slice %arg5[%dma_wait3A_398, %dma_wait3A_399, %dma_wait3A_400] : memref<2x10x128xi32, #tpu.memory_space<vmem>> -> memref<1x10x128xi32, #tpu.memory_space<vmem>>
      %dma_wait3A_402 = tpu.memref_squeeze %dma_wait3A_401 : memref<1x10x128xi32, #tpu.memory_space<vmem>> -> memref<10x128xi32, #tpu.memory_space<vmem>>
      %dma_wait3A_403 = arith.constant 0 : i32
      %dma_wait3A_404 = arith.constant 0 : i32
      %dma_wait3A_405 = tpu.memref_slice %arg3[%dma_wait3A_403, %dma_wait3A_404] : memref<6400x128xi32, #tpu.memory_space<hbm>> -> memref<10x128xi32, #tpu.memory_space<hbm>>
      %dma_wait3A_406 = arith.constant 0 : i32
      %dma_wait3A_407 = arith.constant 0 : i32
      %dma_wait3A_408 = tpu.memref_slice %arg5[%dma_wait3A_398, %dma_wait3A_406, %dma_wait3A_407] : memref<2x10x128xi32, #tpu.memory_space<vmem>> -> memref<1x10x128xi32, #tpu.memory_space<vmem>>
      %dma_wait3A_409 = tpu.memref_squeeze %dma_wait3A_408 : memref<1x10x128xi32, #tpu.memory_space<vmem>> -> memref<10x128xi32, #tpu.memory_space<vmem>>
      %dma_wait3A_410 = arith.constant 0 : i32
      %dma_wait3A_411 = arith.constant 0 : i32
      %dma_wait3A_412 = tpu.memref_slice %arg3[%dma_wait3A_410, %dma_wait3A_411] : memref<6400x128xi32, #tpu.memory_space<hbm>> -> memref<10x128xi32, #tpu.memory_space<hbm>>
      tpu.wait_dma2 semaphore(%arg8 : memref<!tpu.dma_semaphore, #tpu.memory_space<semaphore_mem>>) src(%dma_wait3A_412 : memref<10x128xi32, #tpu.memory_space<hbm>>) dst(%dma_wait3A_409 : memref<10x128xi32, #tpu.memory_space<vmem>>)
      %ge3A_413 = arith.constant 2 : i32
      %ge3A_414 = arith.cmpi sge, %add3A_392, %ge3A_413 : i32
      %convert_element_type3A_415 = arith.extui %ge3A_414 : i1 to i32
      %cond3A_416 = arith.constant 0 : i32
      %cond3A_417 = arith.cmpi ne, %convert_element_type3A_415, %cond3A_416 : i32
      scf.if %cond3A_417 {
        %dma_wait3A_723 = arith.constant 1 : i32
        %dma_wait3A_724 = arith.constant 0 : i32
        %dma_wait3A_725 = arith.constant 0 : i32
        %dma_wait3A_726 = arith.constant 0 : i32
        %dma_wait3A_727 = tpu.memref_slice %arg6[%dma_wait3A_723, %dma_wait3A_724, %dma_wait3A_725, %dma_wait3A_726] : memref<2x10x128x32xf32, #tpu.memory_space<vmem>> -> memref<1x10x128x32xf32, #tpu.memory_space<vmem>>
        %dma_wait3A_728 = tpu.memref_squeeze %dma_wait3A_727 : memref<1x10x128x32xf32, #tpu.memory_space<vmem>> -> memref<10x128x32xf32, #tpu.memory_space<vmem>>
        %dma_wait3A_729 = arith.constant 0 : i32
        %dma_wait3A_730 = arith.constant 0 : i32
        %dma_wait3A_731 = arith.constant 0 : i32
        %dma_wait3A_732 = tpu.memref_slice %arg4[%dma_wait3A_729, %dma_wait3A_730, %dma_wait3A_731] : memref<6400x128x32xf32, #tpu.memory_space<hbm>> -> memref<10x128x32xf32, #tpu.memory_space<hbm>>
        %dma_wait3A_733 = arith.constant 0 : i32
        %dma_wait3A_734 = arith.constant 0 : i32
        %dma_wait3A_735 = arith.constant 0 : i32
        %dma_wait3A_736 = tpu.memref_slice %arg4[%dma_wait3A_733, %dma_wait3A_734, %dma_wait3A_735] : memref<6400x128x32xf32, #tpu.memory_space<hbm>> -> memref<10x128x32xf32, #tpu.memory_space<hbm>>
        %dma_wait3A_737 = arith.constant 0 : i32
        %dma_wait3A_738 = arith.constant 0 : i32
        %dma_wait3A_739 = arith.constant 0 : i32
        %dma_wait3A_740 = tpu.memref_slice %arg6[%dma_wait3A_723, %dma_wait3A_737, %dma_wait3A_738, %dma_wait3A_739] : memref<2x10x128x32xf32, #tpu.memory_space<vmem>> -> memref<1x10x128x32xf32, #tpu.memory_space<vmem>>
        %dma_wait3A_741 = tpu.memref_squeeze %dma_wait3A_740 : memref<1x10x128x32xf32, #tpu.memory_space<vmem>> -> memref<10x128x32xf32, #tpu.memory_space<vmem>>
        tpu.wait_dma2 semaphore(%arg11 : memref<!tpu.dma_semaphore, #tpu.memory_space<semaphore_mem>>) src(%dma_wait3A_741 : memref<10x128x32xf32, #tpu.memory_space<vmem>>) dst(%dma_wait3A_736 : memref<10x128x32xf32, #tpu.memory_space<hbm>>)
      } else {
      }
      %add3A_418 = arith.constant 1 : i32
      %add3A_419 = arith.addi %add3A_392, %add3A_418 : i32
      %lt3A_420 = arith.constant 20 : i32
      %lt3A_421 = arith.cmpi slt, %add3A_419, %lt3A_420 : i32
      %convert_element_type3A_422 = arith.extui %lt3A_421 : i1 to i32
      %cond3A_423 = arith.constant 0 : i32
      %cond3A_424 = arith.cmpi ne, %convert_element_type3A_422, %cond3A_423 : i32
      scf.if %cond3A_424 {
        %add3A_723 = arith.constant 10 : i32
        %add3A_724 = arith.addi %add3A_397, %add3A_723 : i32
        %dma_start3A_725 = arith.constant 0 : i32
        %dma_start3A_726 = arith.constant 0 : i32
        %dma_start3A_727 = arith.constant 0 : i32
        %dma_start3A_728 = tpu.memref_slice %arg5[%dma_start3A_725, %dma_start3A_726, %dma_start3A_727] : memref<2x10x128xi32, #tpu.memory_space<vmem>> -> memref<1x10x128xi32, #tpu.memory_space<vmem>>
        %dma_start3A_729 = tpu.memref_squeeze %dma_start3A_728 : memref<1x10x128xi32, #tpu.memory_space<vmem>> -> memref<10x128xi32, #tpu.memory_space<vmem>>
        %dma_start3A_730 = arith.constant 0 : i32
        %dma_start3A_731 = tpu.memref_slice %arg3[%add3A_724, %dma_start3A_730] : memref<6400x128xi32, #tpu.memory_space<hbm>> -> memref<10x128xi32, #tpu.memory_space<hbm>>
        %dma_start3A_732 = arith.constant 0 : i32
        %dma_start3A_733 = arith.constant 0 : i32
        %dma_start3A_734 = tpu.memref_slice %arg5[%dma_start3A_725, %dma_start3A_732, %dma_start3A_733] : memref<2x10x128xi32, #tpu.memory_space<vmem>> -> memref<1x10x128xi32, #tpu.memory_space<vmem>>
        %dma_start3A_735 = tpu.memref_squeeze %dma_start3A_734 : memref<1x10x128xi32, #tpu.memory_space<vmem>> -> memref<10x128xi32, #tpu.memory_space<vmem>>
        %dma_start3A_736 = arith.constant 0 : i32
        %dma_start3A_737 = tpu.memref_slice %arg3[%add3A_724, %dma_start3A_736] : memref<6400x128xi32, #tpu.memory_space<hbm>> -> memref<10x128xi32, #tpu.memory_space<hbm>>
        tpu.enqueue_dma source(%dma_start3A_737 : memref<10x128xi32, #tpu.memory_space<hbm>>) target(%dma_start3A_735 : memref<10x128xi32, #tpu.memory_space<vmem>>) target_semaphore(%arg7 : memref<!tpu.dma_semaphore, #tpu.memory_space<semaphore_mem>>)
      } else {
      }
      %dma_start3A_425 = arith.constant 1 : i32
      %dma_start3A_426 = arith.constant 0 : i32
      %dma_start3A_427 = arith.constant 1 : i32
      %dma_start3A_428 = arith.constant 0 : i32
      %dma_start3A_429 = arith.constant 0 : i32
      %dma_start3A_430 = arith.constant 0 : i32
      %dma_start3A_431 = tpu.memref_slice %arg6[%dma_start3A_427, %dma_start3A_428, %dma_start3A_429, %dma_start3A_430] : memref<2x10x128x32xf32, #tpu.memory_space<vmem>> -> memref<1x1x128x32xf32, #tpu.memory_space<vmem>>
      %dma_start3A_432 = tpu.memref_squeeze %dma_start3A_431 : memref<1x1x128x32xf32, #tpu.memory_space<vmem>> -> memref<128x32xf32, #tpu.memory_space<vmem>>
      %dma_start3A_433 = arith.constant 0 : i32
      %dma_start3A_434 = tpu.memref_slice %arg5[%dma_start3A_425, %dma_start3A_426, %dma_start3A_433] : memref<2x10x128xi32, #tpu.memory_space<vmem>> -> memref<1x1x128xi32, #tpu.memory_space<vmem>>
      %dma_start3A_435 = tpu.memref_squeeze %dma_start3A_434 : memref<1x1x128xi32, #tpu.memory_space<vmem>> -> memref<128xi32, #tpu.memory_space<vmem>>
      %dma_start3A_436 = arith.constant 0 : i32
      %dma_start3A_437 = arith.constant 0 : i32
      %dma_start3A_438 = tpu.memref_slice %arg2[%dma_start3A_436, %dma_start3A_437] : memref<50176x32xf32, #tpu.memory_space<hbm>> -> memref<50176x32xf32, #tpu.memory_space<hbm>>
      tpu.enqueue_indirect_dma source(%dma_start3A_438 : memref<50176x32xf32, #tpu.memory_space<hbm>>) target(%dma_start3A_432 : memref<128x32xf32, #tpu.memory_space<vmem>>) offsets(%dma_start3A_435 : memref<128xi32, #tpu.memory_space<vmem>>) semaphore(%arg9 : memref<!tpu.dma_semaphore, #tpu.memory_space<semaphore_mem>>)
      %dma_start3A_439 = arith.constant 1 : i32
      %dma_start3A_440 = arith.constant 1 : i32
      %dma_start3A_441 = arith.constant 1 : i32
      %dma_start3A_442 = arith.constant 1 : i32
      %dma_start3A_443 = arith.constant 0 : i32
      %dma_start3A_444 = arith.constant 0 : i32
      %dma_start3A_445 = tpu.memref_slice %arg6[%dma_start3A_441, %dma_start3A_442, %dma_start3A_443, %dma_start3A_444] : memref<2x10x128x32xf32, #tpu.memory_space<vmem>> -> memref<1x1x128x32xf32, #tpu.memory_space<vmem>>
      %dma_start3A_446 = tpu.memref_squeeze %dma_start3A_445 : memref<1x1x128x32xf32, #tpu.memory_space<vmem>> -> memref<128x32xf32, #tpu.memory_space<vmem>>
      %dma_start3A_447 = arith.constant 0 : i32
      %dma_start3A_448 = tpu.memref_slice %arg5[%dma_start3A_439, %dma_start3A_440, %dma_start3A_447] : memref<2x10x128xi32, #tpu.memory_space<vmem>> -> memref<1x1x128xi32, #tpu.memory_space<vmem>>
      %dma_start3A_449 = tpu.memref_squeeze %dma_start3A_448 : memref<1x1x128xi32, #tpu.memory_space<vmem>> -> memref<128xi32, #tpu.memory_space<vmem>>
      %dma_start3A_450 = arith.constant 0 : i32
      %dma_start3A_451 = arith.constant 0 : i32
      %dma_start3A_452 = tpu.memref_slice %arg2[%dma_start3A_450, %dma_start3A_451] : memref<50176x32xf32, #tpu.memory_space<hbm>> -> memref<50176x32xf32, #tpu.memory_space<hbm>>
      tpu.enqueue_indirect_dma source(%dma_start3A_452 : memref<50176x32xf32, #tpu.memory_space<hbm>>) target(%dma_start3A_446 : memref<128x32xf32, #tpu.memory_space<vmem>>) offsets(%dma_start3A_449 : memref<128xi32, #tpu.memory_space<vmem>>) semaphore(%arg9 : memref<!tpu.dma_semaphore, #tpu.memory_space<semaphore_mem>>)
      %dma_start3A_453 = arith.constant 1 : i32
      %dma_start3A_454 = arith.constant 2 : i32
      %dma_start3A_455 = arith.constant 1 : i32
      %dma_start3A_456 = arith.constant 2 : i32
      %dma_start3A_457 = arith.constant 0 : i32
      %dma_start3A_458 = arith.constant 0 : i32
      %dma_start3A_459 = tpu.memref_slice %arg6[%dma_start3A_455, %dma_start3A_456, %dma_start3A_457, %dma_start3A_458] : memref<2x10x128x32xf32, #tpu.memory_space<vmem>> -> memref<1x1x128x32xf32, #tpu.memory_space<vmem>>
      %dma_start3A_460 = tpu.memref_squeeze %dma_start3A_459 : memref<1x1x128x32xf32, #tpu.memory_space<vmem>> -> memref<128x32xf32, #tpu.memory_space<vmem>>
      %dma_start3A_461 = arith.constant 0 : i32
      %dma_start3A_462 = tpu.memref_slice %arg5[%dma_start3A_453, %dma_start3A_454, %dma_start3A_461] : memref<2x10x128xi32, #tpu.memory_space<vmem>> -> memref<1x1x128xi32, #tpu.memory_space<vmem>>
      %dma_start3A_463 = tpu.memref_squeeze %dma_start3A_462 : memref<1x1x128xi32, #tpu.memory_space<vmem>> -> memref<128xi32, #tpu.memory_space<vmem>>
      %dma_start3A_464 = arith.constant 0 : i32
      %dma_start3A_465 = arith.constant 0 : i32
      %dma_start3A_466 = tpu.memref_slice %arg2[%dma_start3A_464, %dma_start3A_465] : memref<50176x32xf32, #tpu.memory_space<hbm>> -> memref<50176x32xf32, #tpu.memory_space<hbm>>
      tpu.enqueue_indirect_dma source(%dma_start3A_466 : memref<50176x32xf32, #tpu.memory_space<hbm>>) target(%dma_start3A_460 : memref<128x32xf32, #tpu.memory_space<vmem>>) offsets(%dma_start3A_463 : memref<128xi32, #tpu.memory_space<vmem>>) semaphore(%arg9 : memref<!tpu.dma_semaphore, #tpu.memory_space<semaphore_mem>>)
      %dma_start3A_467 = arith.constant 1 : i32
      %dma_start3A_468 = arith.constant 3 : i32
      %dma_start3A_469 = arith.constant 1 : i32
      %dma_start3A_470 = arith.constant 3 : i32
      %dma_start3A_471 = arith.constant 0 : i32
      %dma_start3A_472 = arith.constant 0 : i32
      %dma_start3A_473 = tpu.memref_slice %arg6[%dma_start3A_469, %dma_start3A_470, %dma_start3A_471, %dma_start3A_472] : memref<2x10x128x32xf32, #tpu.memory_space<vmem>> -> memref<1x1x128x32xf32, #tpu.memory_space<vmem>>
      %dma_start3A_474 = tpu.memref_squeeze %dma_start3A_473 : memref<1x1x128x32xf32, #tpu.memory_space<vmem>> -> memref<128x32xf32, #tpu.memory_space<vmem>>
      %dma_start3A_475 = arith.constant 0 : i32
      %dma_start3A_476 = tpu.memref_slice %arg5[%dma_start3A_467, %dma_start3A_468, %dma_start3A_475] : memref<2x10x128xi32, #tpu.memory_space<vmem>> -> memref<1x1x128xi32, #tpu.memory_space<vmem>>
      %dma_start3A_477 = tpu.memref_squeeze %dma_start3A_476 : memref<1x1x128xi32, #tpu.memory_space<vmem>> -> memref<128xi32, #tpu.memory_space<vmem>>
      %dma_start3A_478 = arith.constant 0 : i32
      %dma_start3A_479 = arith.constant 0 : i32
      %dma_start3A_480 = tpu.memref_slice %arg2[%dma_start3A_478, %dma_start3A_479] : memref<50176x32xf32, #tpu.memory_space<hbm>> -> memref<50176x32xf32, #tpu.memory_space<hbm>>
      tpu.enqueue_indirect_dma source(%dma_start3A_480 : memref<50176x32xf32, #tpu.memory_space<hbm>>) target(%dma_start3A_474 : memref<128x32xf32, #tpu.memory_space<vmem>>) offsets(%dma_start3A_477 : memref<128xi32, #tpu.memory_space<vmem>>) semaphore(%arg9 : memref<!tpu.dma_semaphore, #tpu.memory_space<semaphore_mem>>)
      %dma_start3A_481 = arith.constant 1 : i32
      %dma_start3A_482 = arith.constant 4 : i32
      %dma_start3A_483 = arith.constant 1 : i32
      %dma_start3A_484 = arith.constant 4 : i32
      %dma_start3A_485 = arith.constant 0 : i32
      %dma_start3A_486 = arith.constant 0 : i32
      %dma_start3A_487 = tpu.memref_slice %arg6[%dma_start3A_483, %dma_start3A_484, %dma_start3A_485, %dma_start3A_486] : memref<2x10x128x32xf32, #tpu.memory_space<vmem>> -> memref<1x1x128x32xf32, #tpu.memory_space<vmem>>
      %dma_start3A_488 = tpu.memref_squeeze %dma_start3A_487 : memref<1x1x128x32xf32, #tpu.memory_space<vmem>> -> memref<128x32xf32, #tpu.memory_space<vmem>>
      %dma_start3A_489 = arith.constant 0 : i32
      %dma_start3A_490 = tpu.memref_slice %arg5[%dma_start3A_481, %dma_start3A_482, %dma_start3A_489] : memref<2x10x128xi32, #tpu.memory_space<vmem>> -> memref<1x1x128xi32, #tpu.memory_space<vmem>>
      %dma_start3A_491 = tpu.memref_squeeze %dma_start3A_490 : memref<1x1x128xi32, #tpu.memory_space<vmem>> -> memref<128xi32, #tpu.memory_space<vmem>>
      %dma_start3A_492 = arith.constant 0 : i32
      %dma_start3A_493 = arith.constant 0 : i32
      %dma_start3A_494 = tpu.memref_slice %arg2[%dma_start3A_492, %dma_start3A_493] : memref<50176x32xf32, #tpu.memory_space<hbm>> -> memref<50176x32xf32, #tpu.memory_space<hbm>>
      tpu.enqueue_indirect_dma source(%dma_start3A_494 : memref<50176x32xf32, #tpu.memory_space<hbm>>) target(%dma_start3A_488 : memref<128x32xf32, #tpu.memory_space<vmem>>) offsets(%dma_start3A_491 : memref<128xi32, #tpu.memory_space<vmem>>) semaphore(%arg9 : memref<!tpu.dma_semaphore, #tpu.memory_space<semaphore_mem>>)
      %dma_start3A_495 = arith.constant 1 : i32
      %dma_start3A_496 = arith.constant 5 : i32
      %dma_start3A_497 = arith.constant 1 : i32
      %dma_start3A_498 = arith.constant 5 : i32
      %dma_start3A_499 = arith.constant 0 : i32
      %dma_start3A_500 = arith.constant 0 : i32
      %dma_start3A_501 = tpu.memref_slice %arg6[%dma_start3A_497, %dma_start3A_498, %dma_start3A_499, %dma_start3A_500] : memref<2x10x128x32xf32, #tpu.memory_space<vmem>> -> memref<1x1x128x32xf32, #tpu.memory_space<vmem>>
      %dma_start3A_502 = tpu.memref_squeeze %dma_start3A_501 : memref<1x1x128x32xf32, #tpu.memory_space<vmem>> -> memref<128x32xf32, #tpu.memory_space<vmem>>
      %dma_start3A_503 = arith.constant 0 : i32
      %dma_start3A_504 = tpu.memref_slice %arg5[%dma_start3A_495, %dma_start3A_496, %dma_start3A_503] : memref<2x10x128xi32, #tpu.memory_space<vmem>> -> memref<1x1x128xi32, #tpu.memory_space<vmem>>
      %dma_start3A_505 = tpu.memref_squeeze %dma_start3A_504 : memref<1x1x128xi32, #tpu.memory_space<vmem>> -> memref<128xi32, #tpu.memory_space<vmem>>
      %dma_start3A_506 = arith.constant 0 : i32
      %dma_start3A_507 = arith.constant 0 : i32
      %dma_start3A_508 = tpu.memref_slice %arg2[%dma_start3A_506, %dma_start3A_507] : memref<50176x32xf32, #tpu.memory_space<hbm>> -> memref<50176x32xf32, #tpu.memory_space<hbm>>
      tpu.enqueue_indirect_dma source(%dma_start3A_508 : memref<50176x32xf32, #tpu.memory_space<hbm>>) target(%dma_start3A_502 : memref<128x32xf32, #tpu.memory_space<vmem>>) offsets(%dma_start3A_505 : memref<128xi32, #tpu.memory_space<vmem>>) semaphore(%arg9 : memref<!tpu.dma_semaphore, #tpu.memory_space<semaphore_mem>>)
      %dma_start3A_509 = arith.constant 1 : i32
      %dma_start3A_510 = arith.constant 6 : i32
      %dma_start3A_511 = arith.constant 1 : i32
      %dma_start3A_512 = arith.constant 6 : i32
      %dma_start3A_513 = arith.constant 0 : i32
      %dma_start3A_514 = arith.constant 0 : i32
      %dma_start3A_515 = tpu.memref_slice %arg6[%dma_start3A_511, %dma_start3A_512, %dma_start3A_513, %dma_start3A_514] : memref<2x10x128x32xf32, #tpu.memory_space<vmem>> -> memref<1x1x128x32xf32, #tpu.memory_space<vmem>>
      %dma_start3A_516 = tpu.memref_squeeze %dma_start3A_515 : memref<1x1x128x32xf32, #tpu.memory_space<vmem>> -> memref<128x32xf32, #tpu.memory_space<vmem>>
      %dma_start3A_517 = arith.constant 0 : i32
      %dma_start3A_518 = tpu.memref_slice %arg5[%dma_start3A_509, %dma_start3A_510, %dma_start3A_517] : memref<2x10x128xi32, #tpu.memory_space<vmem>> -> memref<1x1x128xi32, #tpu.memory_space<vmem>>
      %dma_start3A_519 = tpu.memref_squeeze %dma_start3A_518 : memref<1x1x128xi32, #tpu.memory_space<vmem>> -> memref<128xi32, #tpu.memory_space<vmem>>
      %dma_start3A_520 = arith.constant 0 : i32
      %dma_start3A_521 = arith.constant 0 : i32
      %dma_start3A_522 = tpu.memref_slice %arg2[%dma_start3A_520, %dma_start3A_521] : memref<50176x32xf32, #tpu.memory_space<hbm>> -> memref<50176x32xf32, #tpu.memory_space<hbm>>
      tpu.enqueue_indirect_dma source(%dma_start3A_522 : memref<50176x32xf32, #tpu.memory_space<hbm>>) target(%dma_start3A_516 : memref<128x32xf32, #tpu.memory_space<vmem>>) offsets(%dma_start3A_519 : memref<128xi32, #tpu.memory_space<vmem>>) semaphore(%arg9 : memref<!tpu.dma_semaphore, #tpu.memory_space<semaphore_mem>>)
      %dma_start3A_523 = arith.constant 1 : i32
      %dma_start3A_524 = arith.constant 7 : i32
      %dma_start3A_525 = arith.constant 1 : i32
      %dma_start3A_526 = arith.constant 7 : i32
      %dma_start3A_527 = arith.constant 0 : i32
      %dma_start3A_528 = arith.constant 0 : i32
      %dma_start3A_529 = tpu.memref_slice %arg6[%dma_start3A_525, %dma_start3A_526, %dma_start3A_527, %dma_start3A_528] : memref<2x10x128x32xf32, #tpu.memory_space<vmem>> -> memref<1x1x128x32xf32, #tpu.memory_space<vmem>>
      %dma_start3A_530 = tpu.memref_squeeze %dma_start3A_529 : memref<1x1x128x32xf32, #tpu.memory_space<vmem>> -> memref<128x32xf32, #tpu.memory_space<vmem>>
      %dma_start3A_531 = arith.constant 0 : i32
      %dma_start3A_532 = tpu.memref_slice %arg5[%dma_start3A_523, %dma_start3A_524, %dma_start3A_531] : memref<2x10x128xi32, #tpu.memory_space<vmem>> -> memref<1x1x128xi32, #tpu.memory_space<vmem>>
      %dma_start3A_533 = tpu.memref_squeeze %dma_start3A_532 : memref<1x1x128xi32, #tpu.memory_space<vmem>> -> memref<128xi32, #tpu.memory_space<vmem>>
      %dma_start3A_534 = arith.constant 0 : i32
      %dma_start3A_535 = arith.constant 0 : i32
      %dma_start3A_536 = tpu.memref_slice %arg2[%dma_start3A_534, %dma_start3A_535] : memref<50176x32xf32, #tpu.memory_space<hbm>> -> memref<50176x32xf32, #tpu.memory_space<hbm>>
      tpu.enqueue_indirect_dma source(%dma_start3A_536 : memref<50176x32xf32, #tpu.memory_space<hbm>>) target(%dma_start3A_530 : memref<128x32xf32, #tpu.memory_space<vmem>>) offsets(%dma_start3A_533 : memref<128xi32, #tpu.memory_space<vmem>>) semaphore(%arg9 : memref<!tpu.dma_semaphore, #tpu.memory_space<semaphore_mem>>)
      %dma_start3A_537 = arith.constant 1 : i32
      %dma_start3A_538 = arith.constant 8 : i32
      %dma_start3A_539 = arith.constant 1 : i32
      %dma_start3A_540 = arith.constant 8 : i32
      %dma_start3A_541 = arith.constant 0 : i32
      %dma_start3A_542 = arith.constant 0 : i32
      %dma_start3A_543 = tpu.memref_slice %arg6[%dma_start3A_539, %dma_start3A_540, %dma_start3A_541, %dma_start3A_542] : memref<2x10x128x32xf32, #tpu.memory_space<vmem>> -> memref<1x1x128x32xf32, #tpu.memory_space<vmem>>
      %dma_start3A_544 = tpu.memref_squeeze %dma_start3A_543 : memref<1x1x128x32xf32, #tpu.memory_space<vmem>> -> memref<128x32xf32, #tpu.memory_space<vmem>>
      %dma_start3A_545 = arith.constant 0 : i32
      %dma_start3A_546 = tpu.memref_slice %arg5[%dma_start3A_537, %dma_start3A_538, %dma_start3A_545] : memref<2x10x128xi32, #tpu.memory_space<vmem>> -> memref<1x1x128xi32, #tpu.memory_space<vmem>>
      %dma_start3A_547 = tpu.memref_squeeze %dma_start3A_546 : memref<1x1x128xi32, #tpu.memory_space<vmem>> -> memref<128xi32, #tpu.memory_space<vmem>>
      %dma_start3A_548 = arith.constant 0 : i32
      %dma_start3A_549 = arith.constant 0 : i32
      %dma_start3A_550 = tpu.memref_slice %arg2[%dma_start3A_548, %dma_start3A_549] : memref<50176x32xf32, #tpu.memory_space<hbm>> -> memref<50176x32xf32, #tpu.memory_space<hbm>>
      tpu.enqueue_indirect_dma source(%dma_start3A_550 : memref<50176x32xf32, #tpu.memory_space<hbm>>) target(%dma_start3A_544 : memref<128x32xf32, #tpu.memory_space<vmem>>) offsets(%dma_start3A_547 : memref<128xi32, #tpu.memory_space<vmem>>) semaphore(%arg9 : memref<!tpu.dma_semaphore, #tpu.memory_space<semaphore_mem>>)
      %dma_start3A_551 = arith.constant 1 : i32
      %dma_start3A_552 = arith.constant 9 : i32
      %dma_start3A_553 = arith.constant 1 : i32
      %dma_start3A_554 = arith.constant 9 : i32
      %dma_start3A_555 = arith.constant 0 : i32
      %dma_start3A_556 = arith.constant 0 : i32
      %dma_start3A_557 = tpu.memref_slice %arg6[%dma_start3A_553, %dma_start3A_554, %dma_start3A_555, %dma_start3A_556] : memref<2x10x128x32xf32, #tpu.memory_space<vmem>> -> memref<1x1x128x32xf32, #tpu.memory_space<vmem>>
      %dma_start3A_558 = tpu.memref_squeeze %dma_start3A_557 : memref<1x1x128x32xf32, #tpu.memory_space<vmem>> -> memref<128x32xf32, #tpu.memory_space<vmem>>
      %dma_start3A_559 = arith.constant 0 : i32
      %dma_start3A_560 = tpu.memref_slice %arg5[%dma_start3A_551, %dma_start3A_552, %dma_start3A_559] : memref<2x10x128xi32, #tpu.memory_space<vmem>> -> memref<1x1x128xi32, #tpu.memory_space<vmem>>
      %dma_start3A_561 = tpu.memref_squeeze %dma_start3A_560 : memref<1x1x128xi32, #tpu.memory_space<vmem>> -> memref<128xi32, #tpu.memory_space<vmem>>
      %dma_start3A_562 = arith.constant 0 : i32
      %dma_start3A_563 = arith.constant 0 : i32
      %dma_start3A_564 = tpu.memref_slice %arg2[%dma_start3A_562, %dma_start3A_563] : memref<50176x32xf32, #tpu.memory_space<hbm>> -> memref<50176x32xf32, #tpu.memory_space<hbm>>
      tpu.enqueue_indirect_dma source(%dma_start3A_564 : memref<50176x32xf32, #tpu.memory_space<hbm>>) target(%dma_start3A_558 : memref<128x32xf32, #tpu.memory_space<vmem>>) offsets(%dma_start3A_561 : memref<128xi32, #tpu.memory_space<vmem>>) semaphore(%arg9 : memref<!tpu.dma_semaphore, #tpu.memory_space<semaphore_mem>>)
      %dma_wait3A_565 = arith.constant 1 : i32
      %dma_wait3A_566 = arith.constant 0 : i32
      %dma_wait3A_567 = arith.constant 1 : i32
      %dma_wait3A_568 = arith.constant 0 : i32
      %dma_wait3A_569 = arith.constant 0 : i32
      %dma_wait3A_570 = arith.constant 0 : i32
      %dma_wait3A_571 = tpu.memref_slice %arg6[%dma_wait3A_567, %dma_wait3A_568, %dma_wait3A_569, %dma_wait3A_570] : memref<2x10x128x32xf32, #tpu.memory_space<vmem>> -> memref<1x1x128x32xf32, #tpu.memory_space<vmem>>
      %dma_wait3A_572 = tpu.memref_squeeze %dma_wait3A_571 : memref<1x1x128x32xf32, #tpu.memory_space<vmem>> -> memref<128x32xf32, #tpu.memory_space<vmem>>
      %dma_wait3A_573 = arith.constant 0 : i32
      %dma_wait3A_574 = tpu.memref_slice %arg5[%dma_wait3A_565, %dma_wait3A_566, %dma_wait3A_573] : memref<2x10x128xi32, #tpu.memory_space<vmem>> -> memref<1x1x128xi32, #tpu.memory_space<vmem>>
      %dma_wait3A_575 = tpu.memref_squeeze %dma_wait3A_574 : memref<1x1x128xi32, #tpu.memory_space<vmem>> -> memref<128xi32, #tpu.memory_space<vmem>>
      %dma_wait3A_576 = arith.constant 0 : i32
      %dma_wait3A_577 = arith.constant 0 : i32
      %dma_wait3A_578 = tpu.memref_slice %arg2[%dma_wait3A_576, %dma_wait3A_577] : memref<50176x32xf32, #tpu.memory_space<hbm>> -> memref<50176x32xf32, #tpu.memory_space<hbm>>
      tpu.wait_indirect_dma semaphore(%arg9 : memref<!tpu.dma_semaphore, #tpu.memory_space<semaphore_mem>>) src(%dma_wait3A_578 : memref<50176x32xf32, #tpu.memory_space<hbm>>) dst(%dma_wait3A_572 : memref<128x32xf32, #tpu.memory_space<vmem>>)
      %dma_wait3A_579 = arith.constant 1 : i32
      %dma_wait3A_580 = arith.constant 1 : i32
      %dma_wait3A_581 = arith.constant 1 : i32
      %dma_wait3A_582 = arith.constant 1 : i32
      %dma_wait3A_583 = arith.constant 0 : i32
      %dma_wait3A_584 = arith.constant 0 : i32
      %dma_wait3A_585 = tpu.memref_slice %arg6[%dma_wait3A_581, %dma_wait3A_582, %dma_wait3A_583, %dma_wait3A_584] : memref<2x10x128x32xf32, #tpu.memory_space<vmem>> -> memref<1x1x128x32xf32, #tpu.memory_space<vmem>>
      %dma_wait3A_586 = tpu.memref_squeeze %dma_wait3A_585 : memref<1x1x128x32xf32, #tpu.memory_space<vmem>> -> memref<128x32xf32, #tpu.memory_space<vmem>>
      %dma_wait3A_587 = arith.constant 0 : i32
      %dma_wait3A_588 = tpu.memref_slice %arg5[%dma_wait3A_579, %dma_wait3A_580, %dma_wait3A_587] : memref<2x10x128xi32, #tpu.memory_space<vmem>> -> memref<1x1x128xi32, #tpu.memory_space<vmem>>
      %dma_wait3A_589 = tpu.memref_squeeze %dma_wait3A_588 : memref<1x1x128xi32, #tpu.memory_space<vmem>> -> memref<128xi32, #tpu.memory_space<vmem>>
      %dma_wait3A_590 = arith.constant 0 : i32
      %dma_wait3A_591 = arith.constant 0 : i32
      %dma_wait3A_592 = tpu.memref_slice %arg2[%dma_wait3A_590, %dma_wait3A_591] : memref<50176x32xf32, #tpu.memory_space<hbm>> -> memref<50176x32xf32, #tpu.memory_space<hbm>>
      tpu.wait_indirect_dma semaphore(%arg9 : memref<!tpu.dma_semaphore, #tpu.memory_space<semaphore_mem>>) src(%dma_wait3A_592 : memref<50176x32xf32, #tpu.memory_space<hbm>>) dst(%dma_wait3A_586 : memref<128x32xf32, #tpu.memory_space<vmem>>)
      %dma_wait3A_593 = arith.constant 1 : i32
      %dma_wait3A_594 = arith.constant 2 : i32
      %dma_wait3A_595 = arith.constant 1 : i32
      %dma_wait3A_596 = arith.constant 2 : i32
      %dma_wait3A_597 = arith.constant 0 : i32
      %dma_wait3A_598 = arith.constant 0 : i32
      %dma_wait3A_599 = tpu.memref_slice %arg6[%dma_wait3A_595, %dma_wait3A_596, %dma_wait3A_597, %dma_wait3A_598] : memref<2x10x128x32xf32, #tpu.memory_space<vmem>> -> memref<1x1x128x32xf32, #tpu.memory_space<vmem>>
      %dma_wait3A_600 = tpu.memref_squeeze %dma_wait3A_599 : memref<1x1x128x32xf32, #tpu.memory_space<vmem>> -> memref<128x32xf32, #tpu.memory_space<vmem>>
      %dma_wait3A_601 = arith.constant 0 : i32
      %dma_wait3A_602 = tpu.memref_slice %arg5[%dma_wait3A_593, %dma_wait3A_594, %dma_wait3A_601] : memref<2x10x128xi32, #tpu.memory_space<vmem>> -> memref<1x1x128xi32, #tpu.memory_space<vmem>>
      %dma_wait3A_603 = tpu.memref_squeeze %dma_wait3A_602 : memref<1x1x128xi32, #tpu.memory_space<vmem>> -> memref<128xi32, #tpu.memory_space<vmem>>
      %dma_wait3A_604 = arith.constant 0 : i32
      %dma_wait3A_605 = arith.constant 0 : i32
      %dma_wait3A_606 = tpu.memref_slice %arg2[%dma_wait3A_604, %dma_wait3A_605] : memref<50176x32xf32, #tpu.memory_space<hbm>> -> memref<50176x32xf32, #tpu.memory_space<hbm>>
      tpu.wait_indirect_dma semaphore(%arg9 : memref<!tpu.dma_semaphore, #tpu.memory_space<semaphore_mem>>) src(%dma_wait3A_606 : memref<50176x32xf32, #tpu.memory_space<hbm>>) dst(%dma_wait3A_600 : memref<128x32xf32, #tpu.memory_space<vmem>>)
      %dma_wait3A_607 = arith.constant 1 : i32
      %dma_wait3A_608 = arith.constant 3 : i32
      %dma_wait3A_609 = arith.constant 1 : i32
      %dma_wait3A_610 = arith.constant 3 : i32
      %dma_wait3A_611 = arith.constant 0 : i32
      %dma_wait3A_612 = arith.constant 0 : i32
      %dma_wait3A_613 = tpu.memref_slice %arg6[%dma_wait3A_609, %dma_wait3A_610, %dma_wait3A_611, %dma_wait3A_612] : memref<2x10x128x32xf32, #tpu.memory_space<vmem>> -> memref<1x1x128x32xf32, #tpu.memory_space<vmem>>
      %dma_wait3A_614 = tpu.memref_squeeze %dma_wait3A_613 : memref<1x1x128x32xf32, #tpu.memory_space<vmem>> -> memref<128x32xf32, #tpu.memory_space<vmem>>
      %dma_wait3A_615 = arith.constant 0 : i32
      %dma_wait3A_616 = tpu.memref_slice %arg5[%dma_wait3A_607, %dma_wait3A_608, %dma_wait3A_615] : memref<2x10x128xi32, #tpu.memory_space<vmem>> -> memref<1x1x128xi32, #tpu.memory_space<vmem>>
      %dma_wait3A_617 = tpu.memref_squeeze %dma_wait3A_616 : memref<1x1x128xi32, #tpu.memory_space<vmem>> -> memref<128xi32, #tpu.memory_space<vmem>>
      %dma_wait3A_618 = arith.constant 0 : i32
      %dma_wait3A_619 = arith.constant 0 : i32
      %dma_wait3A_620 = tpu.memref_slice %arg2[%dma_wait3A_618, %dma_wait3A_619] : memref<50176x32xf32, #tpu.memory_space<hbm>> -> memref<50176x32xf32, #tpu.memory_space<hbm>>
      tpu.wait_indirect_dma semaphore(%arg9 : memref<!tpu.dma_semaphore, #tpu.memory_space<semaphore_mem>>) src(%dma_wait3A_620 : memref<50176x32xf32, #tpu.memory_space<hbm>>) dst(%dma_wait3A_614 : memref<128x32xf32, #tpu.memory_space<vmem>>)
      %dma_wait3A_621 = arith.constant 1 : i32
      %dma_wait3A_622 = arith.constant 4 : i32
      %dma_wait3A_623 = arith.constant 1 : i32
      %dma_wait3A_624 = arith.constant 4 : i32
      %dma_wait3A_625 = arith.constant 0 : i32
      %dma_wait3A_626 = arith.constant 0 : i32
      %dma_wait3A_627 = tpu.memref_slice %arg6[%dma_wait3A_623, %dma_wait3A_624, %dma_wait3A_625, %dma_wait3A_626] : memref<2x10x128x32xf32, #tpu.memory_space<vmem>> -> memref<1x1x128x32xf32, #tpu.memory_space<vmem>>
      %dma_wait3A_628 = tpu.memref_squeeze %dma_wait3A_627 : memref<1x1x128x32xf32, #tpu.memory_space<vmem>> -> memref<128x32xf32, #tpu.memory_space<vmem>>
      %dma_wait3A_629 = arith.constant 0 : i32
      %dma_wait3A_630 = tpu.memref_slice %arg5[%dma_wait3A_621, %dma_wait3A_622, %dma_wait3A_629] : memref<2x10x128xi32, #tpu.memory_space<vmem>> -> memref<1x1x128xi32, #tpu.memory_space<vmem>>
      %dma_wait3A_631 = tpu.memref_squeeze %dma_wait3A_630 : memref<1x1x128xi32, #tpu.memory_space<vmem>> -> memref<128xi32, #tpu.memory_space<vmem>>
      %dma_wait3A_632 = arith.constant 0 : i32
      %dma_wait3A_633 = arith.constant 0 : i32
      %dma_wait3A_634 = tpu.memref_slice %arg2[%dma_wait3A_632, %dma_wait3A_633] : memref<50176x32xf32, #tpu.memory_space<hbm>> -> memref<50176x32xf32, #tpu.memory_space<hbm>>
      tpu.wait_indirect_dma semaphore(%arg9 : memref<!tpu.dma_semaphore, #tpu.memory_space<semaphore_mem>>) src(%dma_wait3A_634 : memref<50176x32xf32, #tpu.memory_space<hbm>>) dst(%dma_wait3A_628 : memref<128x32xf32, #tpu.memory_space<vmem>>)
      %dma_wait3A_635 = arith.constant 1 : i32
      %dma_wait3A_636 = arith.constant 5 : i32
      %dma_wait3A_637 = arith.constant 1 : i32
      %dma_wait3A_638 = arith.constant 5 : i32
      %dma_wait3A_639 = arith.constant 0 : i32
      %dma_wait3A_640 = arith.constant 0 : i32
      %dma_wait3A_641 = tpu.memref_slice %arg6[%dma_wait3A_637, %dma_wait3A_638, %dma_wait3A_639, %dma_wait3A_640] : memref<2x10x128x32xf32, #tpu.memory_space<vmem>> -> memref<1x1x128x32xf32, #tpu.memory_space<vmem>>
      %dma_wait3A_642 = tpu.memref_squeeze %dma_wait3A_641 : memref<1x1x128x32xf32, #tpu.memory_space<vmem>> -> memref<128x32xf32, #tpu.memory_space<vmem>>
      %dma_wait3A_643 = arith.constant 0 : i32
      %dma_wait3A_644 = tpu.memref_slice %arg5[%dma_wait3A_635, %dma_wait3A_636, %dma_wait3A_643] : memref<2x10x128xi32, #tpu.memory_space<vmem>> -> memref<1x1x128xi32, #tpu.memory_space<vmem>>
      %dma_wait3A_645 = tpu.memref_squeeze %dma_wait3A_644 : memref<1x1x128xi32, #tpu.memory_space<vmem>> -> memref<128xi32, #tpu.memory_space<vmem>>
      %dma_wait3A_646 = arith.constant 0 : i32
      %dma_wait3A_647 = arith.constant 0 : i32
      %dma_wait3A_648 = tpu.memref_slice %arg2[%dma_wait3A_646, %dma_wait3A_647] : memref<50176x32xf32, #tpu.memory_space<hbm>> -> memref<50176x32xf32, #tpu.memory_space<hbm>>
      tpu.wait_indirect_dma semaphore(%arg9 : memref<!tpu.dma_semaphore, #tpu.memory_space<semaphore_mem>>) src(%dma_wait3A_648 : memref<50176x32xf32, #tpu.memory_space<hbm>>) dst(%dma_wait3A_642 : memref<128x32xf32, #tpu.memory_space<vmem>>)
      %dma_wait3A_649 = arith.constant 1 : i32
      %dma_wait3A_650 = arith.constant 6 : i32
      %dma_wait3A_651 = arith.constant 1 : i32
      %dma_wait3A_652 = arith.constant 6 : i32
      %dma_wait3A_653 = arith.constant 0 : i32
      %dma_wait3A_654 = arith.constant 0 : i32
      %dma_wait3A_655 = tpu.memref_slice %arg6[%dma_wait3A_651, %dma_wait3A_652, %dma_wait3A_653, %dma_wait3A_654] : memref<2x10x128x32xf32, #tpu.memory_space<vmem>> -> memref<1x1x128x32xf32, #tpu.memory_space<vmem>>
      %dma_wait3A_656 = tpu.memref_squeeze %dma_wait3A_655 : memref<1x1x128x32xf32, #tpu.memory_space<vmem>> -> memref<128x32xf32, #tpu.memory_space<vmem>>
      %dma_wait3A_657 = arith.constant 0 : i32
      %dma_wait3A_658 = tpu.memref_slice %arg5[%dma_wait3A_649, %dma_wait3A_650, %dma_wait3A_657] : memref<2x10x128xi32, #tpu.memory_space<vmem>> -> memref<1x1x128xi32, #tpu.memory_space<vmem>>
      %dma_wait3A_659 = tpu.memref_squeeze %dma_wait3A_658 : memref<1x1x128xi32, #tpu.memory_space<vmem>> -> memref<128xi32, #tpu.memory_space<vmem>>
      %dma_wait3A_660 = arith.constant 0 : i32
      %dma_wait3A_661 = arith.constant 0 : i32
      %dma_wait3A_662 = tpu.memref_slice %arg2[%dma_wait3A_660, %dma_wait3A_661] : memref<50176x32xf32, #tpu.memory_space<hbm>> -> memref<50176x32xf32, #tpu.memory_space<hbm>>
      tpu.wait_indirect_dma semaphore(%arg9 : memref<!tpu.dma_semaphore, #tpu.memory_space<semaphore_mem>>) src(%dma_wait3A_662 : memref<50176x32xf32, #tpu.memory_space<hbm>>) dst(%dma_wait3A_656 : memref<128x32xf32, #tpu.memory_space<vmem>>)
      %dma_wait3A_663 = arith.constant 1 : i32
      %dma_wait3A_664 = arith.constant 7 : i32
      %dma_wait3A_665 = arith.constant 1 : i32
      %dma_wait3A_666 = arith.constant 7 : i32
      %dma_wait3A_667 = arith.constant 0 : i32
      %dma_wait3A_668 = arith.constant 0 : i32
      %dma_wait3A_669 = tpu.memref_slice %arg6[%dma_wait3A_665, %dma_wait3A_666, %dma_wait3A_667, %dma_wait3A_668] : memref<2x10x128x32xf32, #tpu.memory_space<vmem>> -> memref<1x1x128x32xf32, #tpu.memory_space<vmem>>
      %dma_wait3A_670 = tpu.memref_squeeze %dma_wait3A_669 : memref<1x1x128x32xf32, #tpu.memory_space<vmem>> -> memref<128x32xf32, #tpu.memory_space<vmem>>
      %dma_wait3A_671 = arith.constant 0 : i32
      %dma_wait3A_672 = tpu.memref_slice %arg5[%dma_wait3A_663, %dma_wait3A_664, %dma_wait3A_671] : memref<2x10x128xi32, #tpu.memory_space<vmem>> -> memref<1x1x128xi32, #tpu.memory_space<vmem>>
      %dma_wait3A_673 = tpu.memref_squeeze %dma_wait3A_672 : memref<1x1x128xi32, #tpu.memory_space<vmem>> -> memref<128xi32, #tpu.memory_space<vmem>>
      %dma_wait3A_674 = arith.constant 0 : i32
      %dma_wait3A_675 = arith.constant 0 : i32
      %dma_wait3A_676 = tpu.memref_slice %arg2[%dma_wait3A_674, %dma_wait3A_675] : memref<50176x32xf32, #tpu.memory_space<hbm>> -> memref<50176x32xf32, #tpu.memory_space<hbm>>
      tpu.wait_indirect_dma semaphore(%arg9 : memref<!tpu.dma_semaphore, #tpu.memory_space<semaphore_mem>>) src(%dma_wait3A_676 : memref<50176x32xf32, #tpu.memory_space<hbm>>) dst(%dma_wait3A_670 : memref<128x32xf32, #tpu.memory_space<vmem>>)
      %dma_wait3A_677 = arith.constant 1 : i32
      %dma_wait3A_678 = arith.constant 8 : i32
      %dma_wait3A_679 = arith.constant 1 : i32
      %dma_wait3A_680 = arith.constant 8 : i32
      %dma_wait3A_681 = arith.constant 0 : i32
      %dma_wait3A_682 = arith.constant 0 : i32
      %dma_wait3A_683 = tpu.memref_slice %arg6[%dma_wait3A_679, %dma_wait3A_680, %dma_wait3A_681, %dma_wait3A_682] : memref<2x10x128x32xf32, #tpu.memory_space<vmem>> -> memref<1x1x128x32xf32, #tpu.memory_space<vmem>>
      %dma_wait3A_684 = tpu.memref_squeeze %dma_wait3A_683 : memref<1x1x128x32xf32, #tpu.memory_space<vmem>> -> memref<128x32xf32, #tpu.memory_space<vmem>>
      %dma_wait3A_685 = arith.constant 0 : i32
      %dma_wait3A_686 = tpu.memref_slice %arg5[%dma_wait3A_677, %dma_wait3A_678, %dma_wait3A_685] : memref<2x10x128xi32, #tpu.memory_space<vmem>> -> memref<1x1x128xi32, #tpu.memory_space<vmem>>
      %dma_wait3A_687 = tpu.memref_squeeze %dma_wait3A_686 : memref<1x1x128xi32, #tpu.memory_space<vmem>> -> memref<128xi32, #tpu.memory_space<vmem>>
      %dma_wait3A_688 = arith.constant 0 : i32
      %dma_wait3A_689 = arith.constant 0 : i32
      %dma_wait3A_690 = tpu.memref_slice %arg2[%dma_wait3A_688, %dma_wait3A_689] : memref<50176x32xf32, #tpu.memory_space<hbm>> -> memref<50176x32xf32, #tpu.memory_space<hbm>>
      tpu.wait_indirect_dma semaphore(%arg9 : memref<!tpu.dma_semaphore, #tpu.memory_space<semaphore_mem>>) src(%dma_wait3A_690 : memref<50176x32xf32, #tpu.memory_space<hbm>>) dst(%dma_wait3A_684 : memref<128x32xf32, #tpu.memory_space<vmem>>)
      %dma_wait3A_691 = arith.constant 1 : i32
      %dma_wait3A_692 = arith.constant 9 : i32
      %dma_wait3A_693 = arith.constant 1 : i32
      %dma_wait3A_694 = arith.constant 9 : i32
      %dma_wait3A_695 = arith.constant 0 : i32
      %dma_wait3A_696 = arith.constant 0 : i32
      %dma_wait3A_697 = tpu.memref_slice %arg6[%dma_wait3A_693, %dma_wait3A_694, %dma_wait3A_695, %dma_wait3A_696] : memref<2x10x128x32xf32, #tpu.memory_space<vmem>> -> memref<1x1x128x32xf32, #tpu.memory_space<vmem>>
      %dma_wait3A_698 = tpu.memref_squeeze %dma_wait3A_697 : memref<1x1x128x32xf32, #tpu.memory_space<vmem>> -> memref<128x32xf32, #tpu.memory_space<vmem>>
      %dma_wait3A_699 = arith.constant 0 : i32
      %dma_wait3A_700 = tpu.memref_slice %arg5[%dma_wait3A_691, %dma_wait3A_692, %dma_wait3A_699] : memref<2x10x128xi32, #tpu.memory_space<vmem>> -> memref<1x1x128xi32, #tpu.memory_space<vmem>>
      %dma_wait3A_701 = tpu.memref_squeeze %dma_wait3A_700 : memref<1x1x128xi32, #tpu.memory_space<vmem>> -> memref<128xi32, #tpu.memory_space<vmem>>
      %dma_wait3A_702 = arith.constant 0 : i32
      %dma_wait3A_703 = arith.constant 0 : i32
      %dma_wait3A_704 = tpu.memref_slice %arg2[%dma_wait3A_702, %dma_wait3A_703] : memref<50176x32xf32, #tpu.memory_space<hbm>> -> memref<50176x32xf32, #tpu.memory_space<hbm>>
      tpu.wait_indirect_dma semaphore(%arg9 : memref<!tpu.dma_semaphore, #tpu.memory_space<semaphore_mem>>) src(%dma_wait3A_704 : memref<50176x32xf32, #tpu.memory_space<hbm>>) dst(%dma_wait3A_698 : memref<128x32xf32, #tpu.memory_space<vmem>>)
      %dma_start3A_705 = arith.constant 1 : i32
      %dma_start3A_706 = arith.constant 0 : i32
      %dma_start3A_707 = arith.constant 0 : i32
      %dma_start3A_708 = arith.constant 0 : i32
      %dma_start3A_709 = tpu.memref_slice %arg6[%dma_start3A_705, %dma_start3A_706, %dma_start3A_707, %dma_start3A_708] : memref<2x10x128x32xf32, #tpu.memory_space<vmem>> -> memref<1x10x128x32xf32, #tpu.memory_space<vmem>>
      %dma_start3A_710 = tpu.memref_squeeze %dma_start3A_709 : memref<1x10x128x32xf32, #tpu.memory_space<vmem>> -> memref<10x128x32xf32, #tpu.memory_space<vmem>>
      %dma_start3A_711 = arith.constant 0 : i32
      %dma_start3A_712 = arith.constant 0 : i32
      %dma_start3A_713 = tpu.memref_slice %arg4[%add3A_397, %dma_start3A_711, %dma_start3A_712] : memref<6400x128x32xf32, #tpu.memory_space<hbm>> -> memref<10x128x32xf32, #tpu.memory_space<hbm>>
      %dma_start3A_714 = arith.constant 0 : i32
      %dma_start3A_715 = arith.constant 0 : i32
      %dma_start3A_716 = tpu.memref_slice %arg4[%add3A_397, %dma_start3A_714, %dma_start3A_715] : memref<6400x128x32xf32, #tpu.memory_space<hbm>> -> memref<10x128x32xf32, #tpu.memory_space<hbm>>
      %dma_start3A_717 = arith.constant 0 : i32
      %dma_start3A_718 = arith.constant 0 : i32
      %dma_start3A_719 = arith.constant 0 : i32
      %dma_start3A_720 = tpu.memref_slice %arg6[%dma_start3A_705, %dma_start3A_717, %dma_start3A_718, %dma_start3A_719] : memref<2x10x128x32xf32, #tpu.memory_space<vmem>> -> memref<1x10x128x32xf32, #tpu.memory_space<vmem>>
      %dma_start3A_721 = tpu.memref_squeeze %dma_start3A_720 : memref<1x10x128x32xf32, #tpu.memory_space<vmem>> -> memref<10x128x32xf32, #tpu.memory_space<vmem>>
      tpu.enqueue_dma source(%dma_start3A_721 : memref<10x128x32xf32, #tpu.memory_space<vmem>>) target(%dma_start3A_716 : memref<10x128x32xf32, #tpu.memory_space<hbm>>) target_semaphore(%arg11 : memref<!tpu.dma_semaphore, #tpu.memory_space<semaphore_mem>>)
      %scan3A_722 = arith.constant 0 : i32
      scf.yield %scan3A_722 : i32
    }
    %scan3A_20 = arith.constant 10 : i32
    %dma_wait3A = arith.constant 0 : i32
    %dma_wait3A_21 = arith.constant 0 : i32
    %dma_wait3A_22 = arith.constant 0 : i32
    %dma_wait3A_23 = arith.constant 0 : i32
    %dma_wait3A_24 = tpu.memref_slice %arg6[%dma_wait3A, %dma_wait3A_21, %dma_wait3A_22, %dma_wait3A_23] : memref<2x10x128x32xf32, #tpu.memory_space<vmem>> -> memref<1x10x128x32xf32, #tpu.memory_space<vmem>>
    %dma_wait3A_25 = tpu.memref_squeeze %dma_wait3A_24 : memref<1x10x128x32xf32, #tpu.memory_space<vmem>> -> memref<10x128x32xf32, #tpu.memory_space<vmem>>
    %dma_wait3A_26 = arith.constant 0 : i32
    %dma_wait3A_27 = arith.constant 0 : i32
    %dma_wait3A_28 = arith.constant 0 : i32
    %dma_wait3A_29 = tpu.memref_slice %arg4[%dma_wait3A_26, %dma_wait3A_27, %dma_wait3A_28] : memref<6400x128x32xf32, #tpu.memory_space<hbm>> -> memref<10x128x32xf32, #tpu.memory_space<hbm>>
    %dma_wait3A_30 = arith.constant 0 : i32
    %dma_wait3A_31 = arith.constant 0 : i32
    %dma_wait3A_32 = arith.constant 0 : i32
    %dma_wait3A_33 = tpu.memref_slice %arg4[%dma_wait3A_30, %dma_wait3A_31, %dma_wait3A_32] : memref<6400x128x32xf32, #tpu.memory_space<hbm>> -> memref<10x128x32xf32, #tpu.memory_space<hbm>>
    %dma_wait3A_34 = arith.constant 0 : i32
    %dma_wait3A_35 = arith.constant 0 : i32
    %dma_wait3A_36 = arith.constant 0 : i32
    %dma_wait3A_37 = tpu.memref_slice %arg6[%dma_wait3A, %dma_wait3A_34, %dma_wait3A_35, %dma_wait3A_36] : memref<2x10x128x32xf32, #tpu.memory_space<vmem>> -> memref<1x10x128x32xf32, #tpu.memory_space<vmem>>
    %dma_wait3A_38 = tpu.memref_squeeze %dma_wait3A_37 : memref<1x10x128x32xf32, #tpu.memory_space<vmem>> -> memref<10x128x32xf32, #tpu.memory_space<vmem>>
    tpu.wait_dma2 semaphore(%arg10 : memref<!tpu.dma_semaphore, #tpu.memory_space<semaphore_mem>>) src(%dma_wait3A_38 : memref<10x128x32xf32, #tpu.memory_space<vmem>>) dst(%dma_wait3A_33 : memref<10x128x32xf32, #tpu.memory_space<hbm>>)
    %dma_wait3A_39 = arith.constant 1 : i32
    %dma_wait3A_40 = arith.constant 0 : i32
    %dma_wait3A_41 = arith.constant 0 : i32
    %dma_wait3A_42 = arith.constant 0 : i32
    %dma_wait3A_43 = tpu.memref_slice %arg6[%dma_wait3A_39, %dma_wait3A_40, %dma_wait3A_41, %dma_wait3A_42] : memref<2x10x128x32xf32, #tpu.memory_space<vmem>> -> memref<1x10x128x32xf32, #tpu.memory_space<vmem>>
    %dma_wait3A_44 = tpu.memref_squeeze %dma_wait3A_43 : memref<1x10x128x32xf32, #tpu.memory_space<vmem>> -> memref<10x128x32xf32, #tpu.memory_space<vmem>>
    %dma_wait3A_45 = arith.constant 0 : i32
    %dma_wait3A_46 = arith.constant 0 : i32
    %dma_wait3A_47 = arith.constant 0 : i32
    %dma_wait3A_48 = tpu.memref_slice %arg4[%dma_wait3A_45, %dma_wait3A_46, %dma_wait3A_47] : memref<6400x128x32xf32, #tpu.memory_space<hbm>> -> memref<10x128x32xf32, #tpu.memory_space<hbm>>
    %dma_wait3A_49 = arith.constant 0 : i32
    %dma_wait3A_50 = arith.constant 0 : i32
    %dma_wait3A_51 = arith.constant 0 : i32
    %dma_wait3A_52 = tpu.memref_slice %arg4[%dma_wait3A_49, %dma_wait3A_50, %dma_wait3A_51] : memref<6400x128x32xf32, #tpu.memory_space<hbm>> -> memref<10x128x32xf32, #tpu.memory_space<hbm>>
    %dma_wait3A_53 = arith.constant 0 : i32
    %dma_wait3A_54 = arith.constant 0 : i32
    %dma_wait3A_55 = arith.constant 0 : i32
    %dma_wait3A_56 = tpu.memref_slice %arg6[%dma_wait3A_39, %dma_wait3A_53, %dma_wait3A_54, %dma_wait3A_55] : memref<2x10x128x32xf32, #tpu.memory_space<vmem>> -> memref<1x10x128x32xf32, #tpu.memory_space<vmem>>
    %dma_wait3A_57 = tpu.memref_squeeze %dma_wait3A_56 : memref<1x10x128x32xf32, #tpu.memory_space<vmem>> -> memref<10x128x32xf32, #tpu.memory_space<vmem>>
    tpu.wait_dma2 semaphore(%arg11 : memref<!tpu.dma_semaphore, #tpu.memory_space<semaphore_mem>>) src(%dma_wait3A_57 : memref<10x128x32xf32, #tpu.memory_space<vmem>>) dst(%dma_wait3A_52 : memref<10x128x32xf32, #tpu.memory_space<hbm>>)
    return
  }
}

#map = affine_map<(d0, d1) -> (0, 0)>
#map1 = affine_map<(d0, d1) -> (0, 0, 0)>
module attributes {stable_mosaic.version = 14 : i64} {
  func.func @_gather_body(%arg0: i32, %arg1: i32, %arg2: memref<50176x32xf32, #tpu.memory_space<hbm>>, %arg3: memref<6400x128xi32, #tpu.memory_space<hbm>>, %arg4: memref<6400x128x32xf32, #tpu.memory_space<hbm>>, %arg5: memref<2x10x128xi32, #tpu.memory_space<vmem>>, %arg6: memref<2x10x128x32xf32, #tpu.memory_space<vmem>>, %arg7: memref<!tpu.dma_semaphore, #tpu.memory_space<semaphore_mem>>, %arg8: memref<!tpu.dma_semaphore, #tpu.memory_space<semaphore_mem>>, %arg9: memref<!tpu.dma_semaphore, #tpu.memory_space<semaphore_mem>>, %arg10: memref<!tpu.dma_semaphore, #tpu.memory_space<semaphore_mem>>, %arg11: memref<!tpu.dma_semaphore, #tpu.memory_space<semaphore_mem>>) attributes {dimension_semantics = [#tpu.dimension_semantics<core_parallel>, #tpu.dimension_semantics<subcore_parallel>], iteration_bounds = array<i64: 2, 16>, scalar_prefetch = 0 : i64, scratch_operands = 7 : i64, tpu.core_type = #tpu.core_type<sc_vector_subcore>, window_params = [{transform_indices = #map}, {transform_indices = #map}, {transform_indices = #map1}]} {
    %mul3A = arith.constant 2 : i32
    %mul3A_0 = arith.muli %arg1, %mul3A : i32
    %add3A = arith.addi %mul3A_0, %arg0 : i32
    %mul3A_1 = arith.constant 200 : i32
    %mul3A_2 = arith.muli %add3A, %mul3A_1 : i32
    %dma_start3A = arith.constant 0 : i32
    %dma_start3A_3 = arith.constant 0 : i32
    %dma_start3A_4 = arith.constant 0 : i32
    %dma_start3A_5 = tpu.memref_slice %arg5[%dma_start3A, %dma_start3A_3, %dma_start3A_4] : memref<2x10x128xi32, #tpu.memory_space<vmem>> -> memref<1x10x128xi32, #tpu.memory_space<vmem>>
    %dma_start3A_6 = tpu.memref_squeeze %dma_start3A_5 : memref<1x10x128xi32, #tpu.memory_space<vmem>> -> memref<10x128xi32, #tpu.memory_space<vmem>>
    %dma_start3A_7 = arith.constant 0 : i32
    %dma_start3A_8 = tpu.memref_slice %arg3[%mul3A_2, %dma_start3A_7] : memref<6400x128xi32, #tpu.memory_space<hbm>> -> memref<10x128xi32, #tpu.memory_space<hbm>>
    %dma_start3A_9 = arith.constant 0 : i32
    %dma_start3A_10 = arith.constant 0 : i32
    %dma_start3A_11 = tpu.memref_slice %arg5[%dma_start3A, %dma_start3A_9, %dma_start3A_10] : memref<2x10x128xi32, #tpu.memory_space<vmem>> -> memref<1x10x128xi32, #tpu.memory_space<vmem>>
    %dma_start3A_12 = tpu.memref_squeeze %dma_start3A_11 : memref<1x10x128xi32, #tpu.memory_space<vmem>> -> memref<10x128xi32, #tpu.memory_space<vmem>>
    %dma_start3A_13 = arith.constant 0 : i32
    %dma_start3A_14 = tpu.memref_slice %arg3[%mul3A_2, %dma_start3A_13] : memref<6400x128xi32, #tpu.memory_space<hbm>> -> memref<10x128xi32, #tpu.memory_space<hbm>>
    tpu.enqueue_dma source(%dma_start3A_14 : memref<10x128xi32, #tpu.memory_space<hbm>>) target(%dma_start3A_12 : memref<10x128xi32, #tpu.memory_space<vmem>>) target_semaphore(%arg7 : memref<!tpu.dma_semaphore, #tpu.memory_space<semaphore_mem>>)
    %scan3A = arith.constant 0 : i32
    %scan3A_15 = arith.constant 0 : i32
    %scan3A_16 = arith.constant 10 : i32
    %scan3A_17 = arith.addi %scan3A_15, %scan3A_16 : i32
    %scan3A_18 = arith.constant 1 : i32
    %scan3A_19 = scf.for %scan3A_58 = %scan3A_15 to %scan3A_17 step %scan3A_18 iter_args(%scan3A_59 = %scan3A) -> (i32)  : i32 {
      %mul3A_60 = arith.constant 2 : i32
      %mul3A_61 = arith.muli %scan3A_58, %mul3A_60 : i32
      %add3A_62 = arith.constant 0 : i32
      %add3A_63 = arith.addi %mul3A_61, %add3A_62 : i32
      %mul3A_64 = arith.constant 200 : i32
      %mul3A_65 = arith.muli %add3A, %mul3A_64 : i32
      %mul3A_66 = arith.constant 10 : i32
      %mul3A_67 = arith.muli %add3A_63, %mul3A_66 : i32
      %add3A_68 = arith.addi %mul3A_65, %mul3A_67 : i32
      %dma_wait3A_69 = arith.constant 0 : i32
      %dma_wait3A_70 = arith.constant 0 : i32
      %dma_wait3A_71 = arith.constant 0 : i32
      %dma_wait3A_72 = tpu.memref_slice %arg5[%dma_wait3A_69, %dma_wait3A_70, %dma_wait3A_71] : memref<2x10x128xi32, #tpu.memory_space<vmem>> -> memref<1x10x128xi32, #tpu.memory_space<vmem>>
      %dma_wait3A_73 = tpu.memref_squeeze %dma_wait3A_72 : memref<1x10x128xi32, #tpu.memory_space<vmem>> -> memref<10x128xi32, #tpu.memory_space<vmem>>
      %dma_wait3A_74 = arith.constant 0 : i32
      %dma_wait3A_75 = arith.constant 0 : i32
      %dma_wait3A_76 = tpu.memref_slice %arg3[%dma_wait3A_74, %dma_wait3A_75] : memref<6400x128xi32, #tpu.memory_space<hbm>> -> memref<10x128xi32, #tpu.memory_space<hbm>>
      %dma_wait3A_77 = arith.constant 0 : i32
      %dma_wait3A_78 = arith.constant 0 : i32
      %dma_wait3A_79 = tpu.memref_slice %arg5[%dma_wait3A_69, %dma_wait3A_77, %dma_wait3A_78] : memref<2x10x128xi32, #tpu.memory_space<vmem>> -> memref<1x10x128xi32, #tpu.memory_space<vmem>>
      %dma_wait3A_80 = tpu.memref_squeeze %dma_wait3A_79 : memref<1x10x128xi32, #tpu.memory_space<vmem>> -> memref<10x128xi32, #tpu.memory_space<vmem>>
      %dma_wait3A_81 = arith.constant 0 : i32
      %dma_wait3A_82 = arith.constant 0 : i32
      %dma_wait3A_83 = tpu.memref_slice %arg3[%dma_wait3A_81, %dma_wait3A_82] : memref<6400x128xi32, #tpu.memory_space<hbm>> -> memref<10x128xi32, #tpu.memory_space<hbm>>
      tpu.wait_dma2 semaphore(%arg7 : memref<!tpu.dma_semaphore, #tpu.memory_space<semaphore_mem>>) src(%dma_wait3A_83 : memref<10x128xi32, #tpu.memory_space<hbm>>) dst(%dma_wait3A_80 : memref<10x128xi32, #tpu.memory_space<vmem>>)
      %ge3A = arith.constant 2 : i32
      %ge3A_84 = arith.cmpi sge, %add3A_63, %ge3A : i32
      %convert_element_type3A = arith.extui %ge3A_84 : i1 to i32
      %cond3A = arith.constant 0 : i32
      %cond3A_85 = arith.cmpi ne, %convert_element_type3A, %cond3A : i32
      scf.if %cond3A_85 {
        %dma_wait3A_723 = arith.constant 0 : i32
        %dma_wait3A_724 = arith.constant 0 : i32
        %dma_wait3A_725 = arith.constant 0 : i32
        %dma_wait3A_726 = arith.constant 0 : i32
        %dma_wait3A_727 = tpu.memref_slice %arg6[%dma_wait3A_723, %dma_wait3A_724, %dma_wait3A_725, %dma_wait3A_726] : memref<2x10x128x32xf32, #tpu.memory_space<vmem>> -> memref<1x10x128x32xf32, #tpu.memory_space<vmem>>
        %dma_wait3A_728 = tpu.memref_squeeze %dma_wait3A_727 : memref<1x10x128x32xf32, #tpu.memory_space<vmem>> -> memref<10x128x32xf32, #tpu.memory_space<vmem>>
        %dma_wait3A_729 = arith.constant 0 : i32
        %dma_wait3A_730 = arith.constant 0 : i32
        %dma_wait3A_731 = arith.constant 0 : i32
        %dma_wait3A_732 = tpu.memref_slice %arg4[%dma_wait3A_729, %dma_wait3A_730, %dma_wait3A_731] : memref<6400x128x32xf32, #tpu.memory_space<hbm>> -> memref<10x128x32xf32, #tpu.memory_space<hbm>>
        %dma_wait3A_733 = arith.constant 0 : i32
        %dma_wait3A_734 = arith.constant 0 : i32
        %dma_wait3A_735 = arith.constant 0 : i32
        %dma_wait3A_736 = tpu.memref_slice %arg4[%dma_wait3A_733, %dma_wait3A_734, %dma_wait3A_735] : memref<6400x128x32xf32, #tpu.memory_space<hbm>> -> memref<10x128x32xf32, #tpu.memory_space<hbm>>
        %dma_wait3A_737 = arith.constant 0 : i32
        %dma_wait3A_738 = arith.constant 0 : i32
        %dma_wait3A_739 = arith.constant 0 : i32
        %dma_wait3A_740 = tpu.memref_slice %arg6[%dma_wait3A_723, %dma_wait3A_737, %dma_wait3A_738, %dma_wait3A_739] : memref<2x10x128x32xf32, #tpu.memory_space<vmem>> -> memref<1x10x128x32xf32, #tpu.memory_space<vmem>>
        %dma_wait3A_741 = tpu.memref_squeeze %dma_wait3A_740 : memref<1x10x128x32xf32, #tpu.memory_space<vmem>> -> memref<10x128x32xf32, #tpu.memory_space<vmem>>
        tpu.wait_dma2 semaphore(%arg10 : memref<!tpu.dma_semaphore, #tpu.memory_space<semaphore_mem>>) src(%dma_wait3A_741 : memref<10x128x32xf32, #tpu.memory_space<vmem>>) dst(%dma_wait3A_736 : memref<10x128x32xf32, #tpu.memory_space<hbm>>)
      } else {
      }
      %add3A_86 = arith.constant 1 : i32
      %add3A_87 = arith.addi %add3A_63, %add3A_86 : i32
      %lt3A = arith.constant 20 : i32
      %lt3A_88 = arith.cmpi slt, %add3A_87, %lt3A : i32
      %convert_element_type3A_89 = arith.extui %lt3A_88 : i1 to i32
      %cond3A_90 = arith.constant 0 : i32
      %cond3A_91 = arith.cmpi ne, %convert_element_type3A_89, %cond3A_90 : i32
      scf.if %cond3A_91 {
        %add3A_723 = arith.constant 10 : i32
        %add3A_724 = arith.addi %add3A_68, %add3A_723 : i32
        %dma_start3A_725 = arith.constant 1 : i32
        %dma_start3A_726 = arith.constant 0 : i32
        %dma_start3A_727 = arith.constant 0 : i32
        %dma_start3A_728 = tpu.memref_slice %arg5[%dma_start3A_725, %dma_start3A_726, %dma_start3A_727] : memref<2x10x128xi32, #tpu.memory_space<vmem>> -> memref<1x10x128xi32, #tpu.memory_space<vmem>>
        %dma_start3A_729 = tpu.memref_squeeze %dma_start3A_728 : memref<1x10x128xi32, #tpu.memory_space<vmem>> -> memref<10x128xi32, #tpu.memory_space<vmem>>
        %dma_start3A_730 = arith.constant 0 : i32
        %dma_start3A_731 = tpu.memref_slice %arg3[%add3A_724, %dma_start3A_730] : memref<6400x128xi32, #tpu.memory_space<hbm>> -> memref<10x128xi32, #tpu.memory_space<hbm>>
        %dma_start3A_732 = arith.constant 0 : i32
        %dma_start3A_733 = arith.constant 0 : i32
        %dma_start3A_734 = tpu.memref_slice %arg5[%dma_start3A_725, %dma_start3A_732, %dma_start3A_733] : memref<2x10x128xi32, #tpu.memory_space<vmem>> -> memref<1x10x128xi32, #tpu.memory_space<vmem>>
        %dma_start3A_735 = tpu.memref_squeeze %dma_start3A_734 : memref<1x10x128xi32, #tpu.memory_space<vmem>> -> memref<10x128xi32, #tpu.memory_space<vmem>>
        %dma_start3A_736 = arith.constant 0 : i32
        %dma_start3A_737 = tpu.memref_slice %arg3[%add3A_724, %dma_start3A_736] : memref<6400x128xi32, #tpu.memory_space<hbm>> -> memref<10x128xi32, #tpu.memory_space<hbm>>
        tpu.enqueue_dma source(%dma_start3A_737 : memref<10x128xi32, #tpu.memory_space<hbm>>) target(%dma_start3A_735 : memref<10x128xi32, #tpu.memory_space<vmem>>) target_semaphore(%arg8 : memref<!tpu.dma_semaphore, #tpu.memory_space<semaphore_mem>>)
      } else {
      }
      %dma_start3A_92 = arith.constant 0 : i32
      %dma_start3A_93 = arith.constant 0 : i32
      %dma_start3A_94 = arith.constant 0 : i32
      %dma_start3A_95 = arith.constant 0 : i32
      %dma_start3A_96 = arith.constant 0 : i32
      %dma_start3A_97 = arith.constant 0 : i32
      %dma_start3A_98 = tpu.memref_slice %arg6[%dma_start3A_94, %dma_start3A_95, %dma_start3A_96, %dma_start3A_97] : memref<2x10x128x32xf32, #tpu.memory_space<vmem>> -> memref<1x1x128x32xf32, #tpu.memory_space<vmem>>
      %dma_start3A_99 = tpu.memref_squeeze %dma_start3A_98 : memref<1x1x128x32xf32, #tpu.memory_space<vmem>> -> memref<128x32xf32, #tpu.memory_space<vmem>>
      %dma_start3A_100 = arith.constant 0 : i32
      %dma_start3A_101 = tpu.memref_slice %arg5[%dma_start3A_92, %dma_start3A_93, %dma_start3A_100] : memref<2x10x128xi32, #tpu.memory_space<vmem>> -> memref<1x1x128xi32, #tpu.memory_space<vmem>>
      %dma_start3A_102 = tpu.memref_squeeze %dma_start3A_101 : memref<1x1x128xi32, #tpu.memory_space<vmem>> -> memref<128xi32, #tpu.memory_space<vmem>>
      %dma_start3A_103 = arith.constant 0 : i32
      %dma_start3A_104 = arith.constant 0 : i32
      %dma_start3A_105 = tpu.memref_slice %arg2[%dma_start3A_103, %dma_start3A_104] : memref<50176x32xf32, #tpu.memory_space<hbm>> -> memref<50176x32xf32, #tpu.memory_space<hbm>>
      tpu.enqueue_indirect_dma source(%dma_start3A_105 : memref<50176x32xf32, #tpu.memory_space<hbm>>) target(%dma_start3A_99 : memref<128x32xf32, #tpu.memory_space<vmem>>) offsets(%dma_start3A_102 : memref<128xi32, #tpu.memory_space<vmem>>) semaphore(%arg9 : memref<!tpu.dma_semaphore, #tpu.memory_space<semaphore_mem>>)
      %dma_start3A_106 = arith.constant 0 : i32
      %dma_start3A_107 = arith.constant 1 : i32
      %dma_start3A_108 = arith.constant 0 : i32
      %dma_start3A_109 = arith.constant 1 : i32
      %dma_start3A_110 = arith.constant 0 : i32
      %dma_start3A_111 = arith.constant 0 : i32
      %dma_start3A_112 = tpu.memref_slice %arg6[%dma_start3A_108, %dma_start3A_109, %dma_start3A_110, %dma_start3A_111] : memref<2x10x128x32xf32, #tpu.memory_space<vmem>> -> memref<1x1x128x32xf32, #tpu.memory_space<vmem>>
      %dma_start3A_113 = tpu.memref_squeeze %dma_start3A_112 : memref<1x1x128x32xf32, #tpu.memory_space<vmem>> -> memref<128x32xf32, #tpu.memory_space<vmem>>
      %dma_start3A_114 = arith.constant 0 : i32
      %dma_start3A_115 = tpu.memref_slice %arg5[%dma_start3A_106, %dma_start3A_107, %dma_start3A_114] : memref<2x10x128xi32, #tpu.memory_space<vmem>> -> memref<1x1x128xi32, #tpu.memory_space<vmem>>
      %dma_start3A_116 = tpu.memref_squeeze %dma_start3A_115 : memref<1x1x128xi32, #tpu.memory_space<vmem>> -> memref<128xi32, #tpu.memory_space<vmem>>
      %dma_start3A_117 = arith.constant 0 : i32
      %dma_start3A_118 = arith.constant 0 : i32
      %dma_start3A_119 = tpu.memref_slice %arg2[%dma_start3A_117, %dma_start3A_118] : memref<50176x32xf32, #tpu.memory_space<hbm>> -> memref<50176x32xf32, #tpu.memory_space<hbm>>
      tpu.enqueue_indirect_dma source(%dma_start3A_119 : memref<50176x32xf32, #tpu.memory_space<hbm>>) target(%dma_start3A_113 : memref<128x32xf32, #tpu.memory_space<vmem>>) offsets(%dma_start3A_116 : memref<128xi32, #tpu.memory_space<vmem>>) semaphore(%arg9 : memref<!tpu.dma_semaphore, #tpu.memory_space<semaphore_mem>>)
      %dma_start3A_120 = arith.constant 0 : i32
      %dma_start3A_121 = arith.constant 2 : i32
      %dma_start3A_122 = arith.constant 0 : i32
      %dma_start3A_123 = arith.constant 2 : i32
      %dma_start3A_124 = arith.constant 0 : i32
      %dma_start3A_125 = arith.constant 0 : i32
      %dma_start3A_126 = tpu.memref_slice %arg6[%dma_start3A_122, %dma_start3A_123, %dma_start3A_124, %dma_start3A_125] : memref<2x10x128x32xf32, #tpu.memory_space<vmem>> -> memref<1x1x128x32xf32, #tpu.memory_space<vmem>>
      %dma_start3A_127 = tpu.memref_squeeze %dma_start3A_126 : memref<1x1x128x32xf32, #tpu.memory_space<vmem>> -> memref<128x32xf32, #tpu.memory_space<vmem>>
      %dma_start3A_128 = arith.constant 0 : i32
      %dma_start3A_129 = tpu.memref_slice %arg5[%dma_start3A_120, %dma_start3A_121, %dma_start3A_128] : memref<2x10x128xi32, #tpu.memory_space<vmem>> -> memref<1x1x128xi32, #tpu.memory_space<vmem>>
      %dma_start3A_130 = tpu.memref_squeeze %dma_start3A_129 : memref<1x1x128xi32, #tpu.memory_space<vmem>> -> memref<128xi32, #tpu.memory_space<vmem>>
      %dma_start3A_131 = arith.constant 0 : i32
      %dma_start3A_132 = arith.constant 0 : i32
      %dma_start3A_133 = tpu.memref_slice %arg2[%dma_start3A_131, %dma_start3A_132] : memref<50176x32xf32, #tpu.memory_space<hbm>> -> memref<50176x32xf32, #tpu.memory_space<hbm>>
      tpu.enqueue_indirect_dma source(%dma_start3A_133 : memref<50176x32xf32, #tpu.memory_space<hbm>>) target(%dma_start3A_127 : memref<128x32xf32, #tpu.memory_space<vmem>>) offsets(%dma_start3A_130 : memref<128xi32, #tpu.memory_space<vmem>>) semaphore(%arg9 : memref<!tpu.dma_semaphore, #tpu.memory_space<semaphore_mem>>)
      %dma_start3A_134 = arith.constant 0 : i32
      %dma_start3A_135 = arith.constant 3 : i32
      %dma_start3A_136 = arith.constant 0 : i32
      %dma_start3A_137 = arith.constant 3 : i32
      %dma_start3A_138 = arith.constant 0 : i32
      %dma_start3A_139 = arith.constant 0 : i32
      %dma_start3A_140 = tpu.memref_slice %arg6[%dma_start3A_136, %dma_start3A_137, %dma_start3A_138, %dma_start3A_139] : memref<2x10x128x32xf32, #tpu.memory_space<vmem>> -> memref<1x1x128x32xf32, #tpu.memory_space<vmem>>
      %dma_start3A_141 = tpu.memref_squeeze %dma_start3A_140 : memref<1x1x128x32xf32, #tpu.memory_space<vmem>> -> memref<128x32xf32, #tpu.memory_space<vmem>>
      %dma_start3A_142 = arith.constant 0 : i32
      %dma_start3A_143 = tpu.memref_slice %arg5[%dma_start3A_134, %dma_start3A_135, %dma_start3A_142] : memref<2x10x128xi32, #tpu.memory_space<vmem>> -> memref<1x1x128xi32, #tpu.memory_space<vmem>>
      %dma_start3A_144 = tpu.memref_squeeze %dma_start3A_143 : memref<1x1x128xi32, #tpu.memory_space<vmem>> -> memref<128xi32, #tpu.memory_space<vmem>>
      %dma_start3A_145 = arith.constant 0 : i32
      %dma_start3A_146 = arith.constant 0 : i32
      %dma_start3A_147 = tpu.memref_slice %arg2[%dma_start3A_145, %dma_start3A_146] : memref<50176x32xf32, #tpu.memory_space<hbm>> -> memref<50176x32xf32, #tpu.memory_space<hbm>>
      tpu.enqueue_indirect_dma source(%dma_start3A_147 : memref<50176x32xf32, #tpu.memory_space<hbm>>) target(%dma_start3A_141 : memref<128x32xf32, #tpu.memory_space<vmem>>) offsets(%dma_start3A_144 : memref<128xi32, #tpu.memory_space<vmem>>) semaphore(%arg9 : memref<!tpu.dma_semaphore, #tpu.memory_space<semaphore_mem>>)
      %dma_start3A_148 = arith.constant 0 : i32
      %dma_start3A_149 = arith.constant 4 : i32
      %dma_start3A_150 = arith.constant 0 : i32
      %dma_start3A_151 = arith.constant 4 : i32
      %dma_start3A_152 = arith.constant 0 : i32
      %dma_start3A_153 = arith.constant 0 : i32
      %dma_start3A_154 = tpu.memref_slice %arg6[%dma_start3A_150, %dma_start3A_151, %dma_start3A_152, %dma_start3A_153] : memref<2x10x128x32xf32, #tpu.memory_space<vmem>> -> memref<1x1x128x32xf32, #tpu.memory_space<vmem>>
      %dma_start3A_155 = tpu.memref_squeeze %dma_start3A_154 : memref<1x1x128x32xf32, #tpu.memory_space<vmem>> -> memref<128x32xf32, #tpu.memory_space<vmem>>
      %dma_start3A_156 = arith.constant 0 : i32
      %dma_start3A_157 = tpu.memref_slice %arg5[%dma_start3A_148, %dma_start3A_149, %dma_start3A_156] : memref<2x10x128xi32, #tpu.memory_space<vmem>> -> memref<1x1x128xi32, #tpu.memory_space<vmem>>
      %dma_start3A_158 = tpu.memref_squeeze %dma_start3A_157 : memref<1x1x128xi32, #tpu.memory_space<vmem>> -> memref<128xi32, #tpu.memory_space<vmem>>
      %dma_start3A_159 = arith.constant 0 : i32
      %dma_start3A_160 = arith.constant 0 : i32
      %dma_start3A_161 = tpu.memref_slice %arg2[%dma_start3A_159, %dma_start3A_160] : memref<50176x32xf32, #tpu.memory_space<hbm>> -> memref<50176x32xf32, #tpu.memory_space<hbm>>
      tpu.enqueue_indirect_dma source(%dma_start3A_161 : memref<50176x32xf32, #tpu.memory_space<hbm>>) target(%dma_start3A_155 : memref<128x32xf32, #tpu.memory_space<vmem>>) offsets(%dma_start3A_158 : memref<128xi32, #tpu.memory_space<vmem>>) semaphore(%arg9 : memref<!tpu.dma_semaphore, #tpu.memory_space<semaphore_mem>>)
      %dma_start3A_162 = arith.constant 0 : i32
      %dma_start3A_163 = arith.constant 5 : i32
      %dma_start3A_164 = arith.constant 0 : i32
      %dma_start3A_165 = arith.constant 5 : i32
      %dma_start3A_166 = arith.constant 0 : i32
      %dma_start3A_167 = arith.constant 0 : i32
      %dma_start3A_168 = tpu.memref_slice %arg6[%dma_start3A_164, %dma_start3A_165, %dma_start3A_166, %dma_start3A_167] : memref<2x10x128x32xf32, #tpu.memory_space<vmem>> -> memref<1x1x128x32xf32, #tpu.memory_space<vmem>>
      %dma_start3A_169 = tpu.memref_squeeze %dma_start3A_168 : memref<1x1x128x32xf32, #tpu.memory_space<vmem>> -> memref<128x32xf32, #tpu.memory_space<vmem>>
      %dma_start3A_170 = arith.constant 0 : i32
      %dma_start3A_171 = tpu.memref_slice %arg5[%dma_start3A_162, %dma_start3A_163, %dma_start3A_170] : memref<2x10x128xi32, #tpu.memory_space<vmem>> -> memref<1x1x128xi32, #tpu.memory_space<vmem>>
      %dma_start3A_172 = tpu.memref_squeeze %dma_start3A_171 : memref<1x1x128xi32, #tpu.memory_space<vmem>> -> memref<128xi32, #tpu.memory_space<vmem>>
      %dma_start3A_173 = arith.constant 0 : i32
      %dma_start3A_174 = arith.constant 0 : i32
      %dma_start3A_175 = tpu.memref_slice %arg2[%dma_start3A_173, %dma_start3A_174] : memref<50176x32xf32, #tpu.memory_space<hbm>> -> memref<50176x32xf32, #tpu.memory_space<hbm>>
      tpu.enqueue_indirect_dma source(%dma_start3A_175 : memref<50176x32xf32, #tpu.memory_space<hbm>>) target(%dma_start3A_169 : memref<128x32xf32, #tpu.memory_space<vmem>>) offsets(%dma_start3A_172 : memref<128xi32, #tpu.memory_space<vmem>>) semaphore(%arg9 : memref<!tpu.dma_semaphore, #tpu.memory_space<semaphore_mem>>)
      %dma_start3A_176 = arith.constant 0 : i32
      %dma_start3A_177 = arith.constant 6 : i32
      %dma_start3A_178 = arith.constant 0 : i32
      %dma_start3A_179 = arith.constant 6 : i32
      %dma_start3A_180 = arith.constant 0 : i32
      %dma_start3A_181 = arith.constant 0 : i32
      %dma_start3A_182 = tpu.memref_slice %arg6[%dma_start3A_178, %dma_start3A_179, %dma_start3A_180, %dma_start3A_181] : memref<2x10x128x32xf32, #tpu.memory_space<vmem>> -> memref<1x1x128x32xf32, #tpu.memory_space<vmem>>
      %dma_start3A_183 = tpu.memref_squeeze %dma_start3A_182 : memref<1x1x128x32xf32, #tpu.memory_space<vmem>> -> memref<128x32xf32, #tpu.memory_space<vmem>>
      %dma_start3A_184 = arith.constant 0 : i32
      %dma_start3A_185 = tpu.memref_slice %arg5[%dma_start3A_176, %dma_start3A_177, %dma_start3A_184] : memref<2x10x128xi32, #tpu.memory_space<vmem>> -> memref<1x1x128xi32, #tpu.memory_space<vmem>>
      %dma_start3A_186 = tpu.memref_squeeze %dma_start3A_185 : memref<1x1x128xi32, #tpu.memory_space<vmem>> -> memref<128xi32, #tpu.memory_space<vmem>>
      %dma_start3A_187 = arith.constant 0 : i32
      %dma_start3A_188 = arith.constant 0 : i32
      %dma_start3A_189 = tpu.memref_slice %arg2[%dma_start3A_187, %dma_start3A_188] : memref<50176x32xf32, #tpu.memory_space<hbm>> -> memref<50176x32xf32, #tpu.memory_space<hbm>>
      tpu.enqueue_indirect_dma source(%dma_start3A_189 : memref<50176x32xf32, #tpu.memory_space<hbm>>) target(%dma_start3A_183 : memref<128x32xf32, #tpu.memory_space<vmem>>) offsets(%dma_start3A_186 : memref<128xi32, #tpu.memory_space<vmem>>) semaphore(%arg9 : memref<!tpu.dma_semaphore, #tpu.memory_space<semaphore_mem>>)
      %dma_start3A_190 = arith.constant 0 : i32
      %dma_start3A_191 = arith.constant 7 : i32
      %dma_start3A_192 = arith.constant 0 : i32
      %dma_start3A_193 = arith.constant 7 : i32
      %dma_start3A_194 = arith.constant 0 : i32
      %dma_start3A_195 = arith.constant 0 : i32
      %dma_start3A_196 = tpu.memref_slice %arg6[%dma_start3A_192, %dma_start3A_193, %dma_start3A_194, %dma_start3A_195] : memref<2x10x128x32xf32, #tpu.memory_space<vmem>> -> memref<1x1x128x32xf32, #tpu.memory_space<vmem>>
      %dma_start3A_197 = tpu.memref_squeeze %dma_start3A_196 : memref<1x1x128x32xf32, #tpu.memory_space<vmem>> -> memref<128x32xf32, #tpu.memory_space<vmem>>
      %dma_start3A_198 = arith.constant 0 : i32
      %dma_start3A_199 = tpu.memref_slice %arg5[%dma_start3A_190, %dma_start3A_191, %dma_start3A_198] : memref<2x10x128xi32, #tpu.memory_space<vmem>> -> memref<1x1x128xi32, #tpu.memory_space<vmem>>
      %dma_start3A_200 = tpu.memref_squeeze %dma_start3A_199 : memref<1x1x128xi32, #tpu.memory_space<vmem>> -> memref<128xi32, #tpu.memory_space<vmem>>
      %dma_start3A_201 = arith.constant 0 : i32
      %dma_start3A_202 = arith.constant 0 : i32
      %dma_start3A_203 = tpu.memref_slice %arg2[%dma_start3A_201, %dma_start3A_202] : memref<50176x32xf32, #tpu.memory_space<hbm>> -> memref<50176x32xf32, #tpu.memory_space<hbm>>
      tpu.enqueue_indirect_dma source(%dma_start3A_203 : memref<50176x32xf32, #tpu.memory_space<hbm>>) target(%dma_start3A_197 : memref<128x32xf32, #tpu.memory_space<vmem>>) offsets(%dma_start3A_200 : memref<128xi32, #tpu.memory_space<vmem>>) semaphore(%arg9 : memref<!tpu.dma_semaphore, #tpu.memory_space<semaphore_mem>>)
      %dma_start3A_204 = arith.constant 0 : i32
      %dma_start3A_205 = arith.constant 8 : i32
      %dma_start3A_206 = arith.constant 0 : i32
      %dma_start3A_207 = arith.constant 8 : i32
      %dma_start3A_208 = arith.constant 0 : i32
      %dma_start3A_209 = arith.constant 0 : i32
      %dma_start3A_210 = tpu.memref_slice %arg6[%dma_start3A_206, %dma_start3A_207, %dma_start3A_208, %dma_start3A_209] : memref<2x10x128x32xf32, #tpu.memory_space<vmem>> -> memref<1x1x128x32xf32, #tpu.memory_space<vmem>>
      %dma_start3A_211 = tpu.memref_squeeze %dma_start3A_210 : memref<1x1x128x32xf32, #tpu.memory_space<vmem>> -> memref<128x32xf32, #tpu.memory_space<vmem>>
      %dma_start3A_212 = arith.constant 0 : i32
      %dma_start3A_213 = tpu.memref_slice %arg5[%dma_start3A_204, %dma_start3A_205, %dma_start3A_212] : memref<2x10x128xi32, #tpu.memory_space<vmem>> -> memref<1x1x128xi32, #tpu.memory_space<vmem>>
      %dma_start3A_214 = tpu.memref_squeeze %dma_start3A_213 : memref<1x1x128xi32, #tpu.memory_space<vmem>> -> memref<128xi32, #tpu.memory_space<vmem>>
      %dma_start3A_215 = arith.constant 0 : i32
      %dma_start3A_216 = arith.constant 0 : i32
      %dma_start3A_217 = tpu.memref_slice %arg2[%dma_start3A_215, %dma_start3A_216] : memref<50176x32xf32, #tpu.memory_space<hbm>> -> memref<50176x32xf32, #tpu.memory_space<hbm>>
      tpu.enqueue_indirect_dma source(%dma_start3A_217 : memref<50176x32xf32, #tpu.memory_space<hbm>>) target(%dma_start3A_211 : memref<128x32xf32, #tpu.memory_space<vmem>>) offsets(%dma_start3A_214 : memref<128xi32, #tpu.memory_space<vmem>>) semaphore(%arg9 : memref<!tpu.dma_semaphore, #tpu.memory_space<semaphore_mem>>)
      %dma_start3A_218 = arith.constant 0 : i32
      %dma_start3A_219 = arith.constant 9 : i32
      %dma_start3A_220 = arith.constant 0 : i32
      %dma_start3A_221 = arith.constant 9 : i32
      %dma_start3A_222 = arith.constant 0 : i32
      %dma_start3A_223 = arith.constant 0 : i32
      %dma_start3A_224 = tpu.memref_slice %arg6[%dma_start3A_220, %dma_start3A_221, %dma_start3A_222, %dma_start3A_223] : memref<2x10x128x32xf32, #tpu.memory_space<vmem>> -> memref<1x1x128x32xf32, #tpu.memory_space<vmem>>
      %dma_start3A_225 = tpu.memref_squeeze %dma_start3A_224 : memref<1x1x128x32xf32, #tpu.memory_space<vmem>> -> memref<128x32xf32, #tpu.memory_space<vmem>>
      %dma_start3A_226 = arith.constant 0 : i32
      %dma_start3A_227 = tpu.memref_slice %arg5[%dma_start3A_218, %dma_start3A_219, %dma_start3A_226] : memref<2x10x128xi32, #tpu.memory_space<vmem>> -> memref<1x1x128xi32, #tpu.memory_space<vmem>>
      %dma_start3A_228 = tpu.memref_squeeze %dma_start3A_227 : memref<1x1x128xi32, #tpu.memory_space<vmem>> -> memref<128xi32, #tpu.memory_space<vmem>>
      %dma_start3A_229 = arith.constant 0 : i32
      %dma_start3A_230 = arith.constant 0 : i32
      %dma_start3A_231 = tpu.memref_slice %arg2[%dma_start3A_229, %dma_start3A_230] : memref<50176x32xf32, #tpu.memory_space<hbm>> -> memref<50176x32xf32, #tpu.memory_space<hbm>>
      tpu.enqueue_indirect_dma source(%dma_start3A_231 : memref<50176x32xf32, #tpu.memory_space<hbm>>) target(%dma_start3A_225 : memref<128x32xf32, #tpu.memory_space<vmem>>) offsets(%dma_start3A_228 : memref<128xi32, #tpu.memory_space<vmem>>) semaphore(%arg9 : memref<!tpu.dma_semaphore, #tpu.memory_space<semaphore_mem>>)
      %dma_wait3A_232 = arith.constant 0 : i32
      %dma_wait3A_233 = arith.constant 0 : i32
      %dma_wait3A_234 = arith.constant 0 : i32
      %dma_wait3A_235 = arith.constant 0 : i32
      %dma_wait3A_236 = arith.constant 0 : i32
      %dma_wait3A_237 = arith.constant 0 : i32
      %dma_wait3A_238 = tpu.memref_slice %arg6[%dma_wait3A_234, %dma_wait3A_235, %dma_wait3A_236, %dma_wait3A_237] : memref<2x10x128x32xf32, #tpu.memory_space<vmem>> -> memref<1x1x128x32xf32, #tpu.memory_space<vmem>>
      %dma_wait3A_239 = tpu.memref_squeeze %dma_wait3A_238 : memref<1x1x128x32xf32, #tpu.memory_space<vmem>> -> memref<128x32xf32, #tpu.memory_space<vmem>>
      %dma_wait3A_240 = arith.constant 0 : i32
      %dma_wait3A_241 = tpu.memref_slice %arg5[%dma_wait3A_232, %dma_wait3A_233, %dma_wait3A_240] : memref<2x10x128xi32, #tpu.memory_space<vmem>> -> memref<1x1x128xi32, #tpu.memory_space<vmem>>
      %dma_wait3A_242 = tpu.memref_squeeze %dma_wait3A_241 : memref<1x1x128xi32, #tpu.memory_space<vmem>> -> memref<128xi32, #tpu.memory_space<vmem>>
      %dma_wait3A_243 = arith.constant 0 : i32
      %dma_wait3A_244 = arith.constant 0 : i32
      %dma_wait3A_245 = tpu.memref_slice %arg2[%dma_wait3A_243, %dma_wait3A_244] : memref<50176x32xf32, #tpu.memory_space<hbm>> -> memref<50176x32xf32, #tpu.memory_space<hbm>>
      tpu.wait_indirect_dma semaphore(%arg9 : memref<!tpu.dma_semaphore, #tpu.memory_space<semaphore_mem>>) src(%dma_wait3A_245 : memref<50176x32xf32, #tpu.memory_space<hbm>>) dst(%dma_wait3A_239 : memref<128x32xf32, #tpu.memory_space<vmem>>)
      %dma_wait3A_246 = arith.constant 0 : i32
      %dma_wait3A_247 = arith.constant 1 : i32
      %dma_wait3A_248 = arith.constant 0 : i32
      %dma_wait3A_249 = arith.constant 1 : i32
      %dma_wait3A_250 = arith.constant 0 : i32
      %dma_wait3A_251 = arith.constant 0 : i32
      %dma_wait3A_252 = tpu.memref_slice %arg6[%dma_wait3A_248, %dma_wait3A_249, %dma_wait3A_250, %dma_wait3A_251] : memref<2x10x128x32xf32, #tpu.memory_space<vmem>> -> memref<1x1x128x32xf32, #tpu.memory_space<vmem>>
      %dma_wait3A_253 = tpu.memref_squeeze %dma_wait3A_252 : memref<1x1x128x32xf32, #tpu.memory_space<vmem>> -> memref<128x32xf32, #tpu.memory_space<vmem>>
      %dma_wait3A_254 = arith.constant 0 : i32
      %dma_wait3A_255 = tpu.memref_slice %arg5[%dma_wait3A_246, %dma_wait3A_247, %dma_wait3A_254] : memref<2x10x128xi32, #tpu.memory_space<vmem>> -> memref<1x1x128xi32, #tpu.memory_space<vmem>>
      %dma_wait3A_256 = tpu.memref_squeeze %dma_wait3A_255 : memref<1x1x128xi32, #tpu.memory_space<vmem>> -> memref<128xi32, #tpu.memory_space<vmem>>
      %dma_wait3A_257 = arith.constant 0 : i32
      %dma_wait3A_258 = arith.constant 0 : i32
      %dma_wait3A_259 = tpu.memref_slice %arg2[%dma_wait3A_257, %dma_wait3A_258] : memref<50176x32xf32, #tpu.memory_space<hbm>> -> memref<50176x32xf32, #tpu.memory_space<hbm>>
      tpu.wait_indirect_dma semaphore(%arg9 : memref<!tpu.dma_semaphore, #tpu.memory_space<semaphore_mem>>) src(%dma_wait3A_259 : memref<50176x32xf32, #tpu.memory_space<hbm>>) dst(%dma_wait3A_253 : memref<128x32xf32, #tpu.memory_space<vmem>>)
      %dma_wait3A_260 = arith.constant 0 : i32
      %dma_wait3A_261 = arith.constant 2 : i32
      %dma_wait3A_262 = arith.constant 0 : i32
      %dma_wait3A_263 = arith.constant 2 : i32
      %dma_wait3A_264 = arith.constant 0 : i32
      %dma_wait3A_265 = arith.constant 0 : i32
      %dma_wait3A_266 = tpu.memref_slice %arg6[%dma_wait3A_262, %dma_wait3A_263, %dma_wait3A_264, %dma_wait3A_265] : memref<2x10x128x32xf32, #tpu.memory_space<vmem>> -> memref<1x1x128x32xf32, #tpu.memory_space<vmem>>
      %dma_wait3A_267 = tpu.memref_squeeze %dma_wait3A_266 : memref<1x1x128x32xf32, #tpu.memory_space<vmem>> -> memref<128x32xf32, #tpu.memory_space<vmem>>
      %dma_wait3A_268 = arith.constant 0 : i32
      %dma_wait3A_269 = tpu.memref_slice %arg5[%dma_wait3A_260, %dma_wait3A_261, %dma_wait3A_268] : memref<2x10x128xi32, #tpu.memory_space<vmem>> -> memref<1x1x128xi32, #tpu.memory_space<vmem>>
      %dma_wait3A_270 = tpu.memref_squeeze %dma_wait3A_269 : memref<1x1x128xi32, #tpu.memory_space<vmem>> -> memref<128xi32, #tpu.memory_space<vmem>>
      %dma_wait3A_271 = arith.constant 0 : i32
      %dma_wait3A_272 = arith.constant 0 : i32
      %dma_wait3A_273 = tpu.memref_slice %arg2[%dma_wait3A_271, %dma_wait3A_272] : memref<50176x32xf32, #tpu.memory_space<hbm>> -> memref<50176x32xf32, #tpu.memory_space<hbm>>
      tpu.wait_indirect_dma semaphore(%arg9 : memref<!tpu.dma_semaphore, #tpu.memory_space<semaphore_mem>>) src(%dma_wait3A_273 : memref<50176x32xf32, #tpu.memory_space<hbm>>) dst(%dma_wait3A_267 : memref<128x32xf32, #tpu.memory_space<vmem>>)
      %dma_wait3A_274 = arith.constant 0 : i32
      %dma_wait3A_275 = arith.constant 3 : i32
      %dma_wait3A_276 = arith.constant 0 : i32
      %dma_wait3A_277 = arith.constant 3 : i32
      %dma_wait3A_278 = arith.constant 0 : i32
      %dma_wait3A_279 = arith.constant 0 : i32
      %dma_wait3A_280 = tpu.memref_slice %arg6[%dma_wait3A_276, %dma_wait3A_277, %dma_wait3A_278, %dma_wait3A_279] : memref<2x10x128x32xf32, #tpu.memory_space<vmem>> -> memref<1x1x128x32xf32, #tpu.memory_space<vmem>>
      %dma_wait3A_281 = tpu.memref_squeeze %dma_wait3A_280 : memref<1x1x128x32xf32, #tpu.memory_space<vmem>> -> memref<128x32xf32, #tpu.memory_space<vmem>>
      %dma_wait3A_282 = arith.constant 0 : i32
      %dma_wait3A_283 = tpu.memref_slice %arg5[%dma_wait3A_274, %dma_wait3A_275, %dma_wait3A_282] : memref<2x10x128xi32, #tpu.memory_space<vmem>> -> memref<1x1x128xi32, #tpu.memory_space<vmem>>
      %dma_wait3A_284 = tpu.memref_squeeze %dma_wait3A_283 : memref<1x1x128xi32, #tpu.memory_space<vmem>> -> memref<128xi32, #tpu.memory_space<vmem>>
      %dma_wait3A_285 = arith.constant 0 : i32
      %dma_wait3A_286 = arith.constant 0 : i32
      %dma_wait3A_287 = tpu.memref_slice %arg2[%dma_wait3A_285, %dma_wait3A_286] : memref<50176x32xf32, #tpu.memory_space<hbm>> -> memref<50176x32xf32, #tpu.memory_space<hbm>>
      tpu.wait_indirect_dma semaphore(%arg9 : memref<!tpu.dma_semaphore, #tpu.memory_space<semaphore_mem>>) src(%dma_wait3A_287 : memref<50176x32xf32, #tpu.memory_space<hbm>>) dst(%dma_wait3A_281 : memref<128x32xf32, #tpu.memory_space<vmem>>)
      %dma_wait3A_288 = arith.constant 0 : i32
      %dma_wait3A_289 = arith.constant 4 : i32
      %dma_wait3A_290 = arith.constant 0 : i32
      %dma_wait3A_291 = arith.constant 4 : i32
      %dma_wait3A_292 = arith.constant 0 : i32
      %dma_wait3A_293 = arith.constant 0 : i32
      %dma_wait3A_294 = tpu.memref_slice %arg6[%dma_wait3A_290, %dma_wait3A_291, %dma_wait3A_292, %dma_wait3A_293] : memref<2x10x128x32xf32, #tpu.memory_space<vmem>> -> memref<1x1x128x32xf32, #tpu.memory_space<vmem>>
      %dma_wait3A_295 = tpu.memref_squeeze %dma_wait3A_294 : memref<1x1x128x32xf32, #tpu.memory_space<vmem>> -> memref<128x32xf32, #tpu.memory_space<vmem>>
      %dma_wait3A_296 = arith.constant 0 : i32
      %dma_wait3A_297 = tpu.memref_slice %arg5[%dma_wait3A_288, %dma_wait3A_289, %dma_wait3A_296] : memref<2x10x128xi32, #tpu.memory_space<vmem>> -> memref<1x1x128xi32, #tpu.memory_space<vmem>>
      %dma_wait3A_298 = tpu.memref_squeeze %dma_wait3A_297 : memref<1x1x128xi32, #tpu.memory_space<vmem>> -> memref<128xi32, #tpu.memory_space<vmem>>
      %dma_wait3A_299 = arith.constant 0 : i32
      %dma_wait3A_300 = arith.constant 0 : i32
      %dma_wait3A_301 = tpu.memref_slice %arg2[%dma_wait3A_299, %dma_wait3A_300] : memref<50176x32xf32, #tpu.memory_space<hbm>> -> memref<50176x32xf32, #tpu.memory_space<hbm>>
      tpu.wait_indirect_dma semaphore(%arg9 : memref<!tpu.dma_semaphore, #tpu.memory_space<semaphore_mem>>) src(%dma_wait3A_301 : memref<50176x32xf32, #tpu.memory_space<hbm>>) dst(%dma_wait3A_295 : memref<128x32xf32, #tpu.memory_space<vmem>>)
      %dma_wait3A_302 = arith.constant 0 : i32
      %dma_wait3A_303 = arith.constant 5 : i32
      %dma_wait3A_304 = arith.constant 0 : i32
      %dma_wait3A_305 = arith.constant 5 : i32
      %dma_wait3A_306 = arith.constant 0 : i32
      %dma_wait3A_307 = arith.constant 0 : i32
      %dma_wait3A_308 = tpu.memref_slice %arg6[%dma_wait3A_304, %dma_wait3A_305, %dma_wait3A_306, %dma_wait3A_307] : memref<2x10x128x32xf32, #tpu.memory_space<vmem>> -> memref<1x1x128x32xf32, #tpu.memory_space<vmem>>
      %dma_wait3A_309 = tpu.memref_squeeze %dma_wait3A_308 : memref<1x1x128x32xf32, #tpu.memory_space<vmem>> -> memref<128x32xf32, #tpu.memory_space<vmem>>
      %dma_wait3A_310 = arith.constant 0 : i32
      %dma_wait3A_311 = tpu.memref_slice %arg5[%dma_wait3A_302, %dma_wait3A_303, %dma_wait3A_310] : memref<2x10x128xi32, #tpu.memory_space<vmem>> -> memref<1x1x128xi32, #tpu.memory_space<vmem>>
      %dma_wait3A_312 = tpu.memref_squeeze %dma_wait3A_311 : memref<1x1x128xi32, #tpu.memory_space<vmem>> -> memref<128xi32, #tpu.memory_space<vmem>>
      %dma_wait3A_313 = arith.constant 0 : i32
      %dma_wait3A_314 = arith.constant 0 : i32
      %dma_wait3A_315 = tpu.memref_slice %arg2[%dma_wait3A_313, %dma_wait3A_314] : memref<50176x32xf32, #tpu.memory_space<hbm>> -> memref<50176x32xf32, #tpu.memory_space<hbm>>
      tpu.wait_indirect_dma semaphore(%arg9 : memref<!tpu.dma_semaphore, #tpu.memory_space<semaphore_mem>>) src(%dma_wait3A_315 : memref<50176x32xf32, #tpu.memory_space<hbm>>) dst(%dma_wait3A_309 : memref<128x32xf32, #tpu.memory_space<vmem>>)
      %dma_wait3A_316 = arith.constant 0 : i32
      %dma_wait3A_317 = arith.constant 6 : i32
      %dma_wait3A_318 = arith.constant 0 : i32
      %dma_wait3A_319 = arith.constant 6 : i32
      %dma_wait3A_320 = arith.constant 0 : i32
      %dma_wait3A_321 = arith.constant 0 : i32
      %dma_wait3A_322 = tpu.memref_slice %arg6[%dma_wait3A_318, %dma_wait3A_319, %dma_wait3A_320, %dma_wait3A_321] : memref<2x10x128x32xf32, #tpu.memory_space<vmem>> -> memref<1x1x128x32xf32, #tpu.memory_space<vmem>>
      %dma_wait3A_323 = tpu.memref_squeeze %dma_wait3A_322 : memref<1x1x128x32xf32, #tpu.memory_space<vmem>> -> memref<128x32xf32, #tpu.memory_space<vmem>>
      %dma_wait3A_324 = arith.constant 0 : i32
      %dma_wait3A_325 = tpu.memref_slice %arg5[%dma_wait3A_316, %dma_wait3A_317, %dma_wait3A_324] : memref<2x10x128xi32, #tpu.memory_space<vmem>> -> memref<1x1x128xi32, #tpu.memory_space<vmem>>
      %dma_wait3A_326 = tpu.memref_squeeze %dma_wait3A_325 : memref<1x1x128xi32, #tpu.memory_space<vmem>> -> memref<128xi32, #tpu.memory_space<vmem>>
      %dma_wait3A_327 = arith.constant 0 : i32
      %dma_wait3A_328 = arith.constant 0 : i32
      %dma_wait3A_329 = tpu.memref_slice %arg2[%dma_wait3A_327, %dma_wait3A_328] : memref<50176x32xf32, #tpu.memory_space<hbm>> -> memref<50176x32xf32, #tpu.memory_space<hbm>>
      tpu.wait_indirect_dma semaphore(%arg9 : memref<!tpu.dma_semaphore, #tpu.memory_space<semaphore_mem>>) src(%dma_wait3A_329 : memref<50176x32xf32, #tpu.memory_space<hbm>>) dst(%dma_wait3A_323 : memref<128x32xf32, #tpu.memory_space<vmem>>)
      %dma_wait3A_330 = arith.constant 0 : i32
      %dma_wait3A_331 = arith.constant 7 : i32
      %dma_wait3A_332 = arith.constant 0 : i32
      %dma_wait3A_333 = arith.constant 7 : i32
      %dma_wait3A_334 = arith.constant 0 : i32
      %dma_wait3A_335 = arith.constant 0 : i32
      %dma_wait3A_336 = tpu.memref_slice %arg6[%dma_wait3A_332, %dma_wait3A_333, %dma_wait3A_334, %dma_wait3A_335] : memref<2x10x128x32xf32, #tpu.memory_space<vmem>> -> memref<1x1x128x32xf32, #tpu.memory_space<vmem>>
      %dma_wait3A_337 = tpu.memref_squeeze %dma_wait3A_336 : memref<1x1x128x32xf32, #tpu.memory_space<vmem>> -> memref<128x32xf32, #tpu.memory_space<vmem>>
      %dma_wait3A_338 = arith.constant 0 : i32
      %dma_wait3A_339 = tpu.memref_slice %arg5[%dma_wait3A_330, %dma_wait3A_331, %dma_wait3A_338] : memref<2x10x128xi32, #tpu.memory_space<vmem>> -> memref<1x1x128xi32, #tpu.memory_space<vmem>>
      %dma_wait3A_340 = tpu.memref_squeeze %dma_wait3A_339 : memref<1x1x128xi32, #tpu.memory_space<vmem>> -> memref<128xi32, #tpu.memory_space<vmem>>
      %dma_wait3A_341 = arith.constant 0 : i32
      %dma_wait3A_342 = arith.constant 0 : i32
      %dma_wait3A_343 = tpu.memref_slice %arg2[%dma_wait3A_341, %dma_wait3A_342] : memref<50176x32xf32, #tpu.memory_space<hbm>> -> memref<50176x32xf32, #tpu.memory_space<hbm>>
      tpu.wait_indirect_dma semaphore(%arg9 : memref<!tpu.dma_semaphore, #tpu.memory_space<semaphore_mem>>) src(%dma_wait3A_343 : memref<50176x32xf32, #tpu.memory_space<hbm>>) dst(%dma_wait3A_337 : memref<128x32xf32, #tpu.memory_space<vmem>>)
      %dma_wait3A_344 = arith.constant 0 : i32
      %dma_wait3A_345 = arith.constant 8 : i32
      %dma_wait3A_346 = arith.constant 0 : i32
      %dma_wait3A_347 = arith.constant 8 : i32
      %dma_wait3A_348 = arith.constant 0 : i32
      %dma_wait3A_349 = arith.constant 0 : i32
      %dma_wait3A_350 = tpu.memref_slice %arg6[%dma_wait3A_346, %dma_wait3A_347, %dma_wait3A_348, %dma_wait3A_349] : memref<2x10x128x32xf32, #tpu.memory_space<vmem>> -> memref<1x1x128x32xf32, #tpu.memory_space<vmem>>
      %dma_wait3A_351 = tpu.memref_squeeze %dma_wait3A_350 : memref<1x1x128x32xf32, #tpu.memory_space<vmem>> -> memref<128x32xf32, #tpu.memory_space<vmem>>
      %dma_wait3A_352 = arith.constant 0 : i32
      %dma_wait3A_353 = tpu.memref_slice %arg5[%dma_wait3A_344, %dma_wait3A_345, %dma_wait3A_352] : memref<2x10x128xi32, #tpu.memory_space<vmem>> -> memref<1x1x128xi32, #tpu.memory_space<vmem>>
      %dma_wait3A_354 = tpu.memref_squeeze %dma_wait3A_353 : memref<1x1x128xi32, #tpu.memory_space<vmem>> -> memref<128xi32, #tpu.memory_space<vmem>>
      %dma_wait3A_355 = arith.constant 0 : i32
      %dma_wait3A_356 = arith.constant 0 : i32
      %dma_wait3A_357 = tpu.memref_slice %arg2[%dma_wait3A_355, %dma_wait3A_356] : memref<50176x32xf32, #tpu.memory_space<hbm>> -> memref<50176x32xf32, #tpu.memory_space<hbm>>
      tpu.wait_indirect_dma semaphore(%arg9 : memref<!tpu.dma_semaphore, #tpu.memory_space<semaphore_mem>>) src(%dma_wait3A_357 : memref<50176x32xf32, #tpu.memory_space<hbm>>) dst(%dma_wait3A_351 : memref<128x32xf32, #tpu.memory_space<vmem>>)
      %dma_wait3A_358 = arith.constant 0 : i32
      %dma_wait3A_359 = arith.constant 9 : i32
      %dma_wait3A_360 = arith.constant 0 : i32
      %dma_wait3A_361 = arith.constant 9 : i32
      %dma_wait3A_362 = arith.constant 0 : i32
      %dma_wait3A_363 = arith.constant 0 : i32
      %dma_wait3A_364 = tpu.memref_slice %arg6[%dma_wait3A_360, %dma_wait3A_361, %dma_wait3A_362, %dma_wait3A_363] : memref<2x10x128x32xf32, #tpu.memory_space<vmem>> -> memref<1x1x128x32xf32, #tpu.memory_space<vmem>>
      %dma_wait3A_365 = tpu.memref_squeeze %dma_wait3A_364 : memref<1x1x128x32xf32, #tpu.memory_space<vmem>> -> memref<128x32xf32, #tpu.memory_space<vmem>>
      %dma_wait3A_366 = arith.constant 0 : i32
      %dma_wait3A_367 = tpu.memref_slice %arg5[%dma_wait3A_358, %dma_wait3A_359, %dma_wait3A_366] : memref<2x10x128xi32, #tpu.memory_space<vmem>> -> memref<1x1x128xi32, #tpu.memory_space<vmem>>
      %dma_wait3A_368 = tpu.memref_squeeze %dma_wait3A_367 : memref<1x1x128xi32, #tpu.memory_space<vmem>> -> memref<128xi32, #tpu.memory_space<vmem>>
      %dma_wait3A_369 = arith.constant 0 : i32
      %dma_wait3A_370 = arith.constant 0 : i32
      %dma_wait3A_371 = tpu.memref_slice %arg2[%dma_wait3A_369, %dma_wait3A_370] : memref<50176x32xf32, #tpu.memory_space<hbm>> -> memref<50176x32xf32, #tpu.memory_space<hbm>>
      tpu.wait_indirect_dma semaphore(%arg9 : memref<!tpu.dma_semaphore, #tpu.memory_space<semaphore_mem>>) src(%dma_wait3A_371 : memref<50176x32xf32, #tpu.memory_space<hbm>>) dst(%dma_wait3A_365 : memref<128x32xf32, #tpu.memory_space<vmem>>)
      %dma_start3A_372 = arith.constant 0 : i32
      %dma_start3A_373 = arith.constant 0 : i32
      %dma_start3A_374 = arith.constant 0 : i32
      %dma_start3A_375 = arith.constant 0 : i32
      %dma_start3A_376 = tpu.memref_slice %arg6[%dma_start3A_372, %dma_start3A_373, %dma_start3A_374, %dma_start3A_375] : memref<2x10x128x32xf32, #tpu.memory_space<vmem>> -> memref<1x10x128x32xf32, #tpu.memory_space<vmem>>
      %dma_start3A_377 = tpu.memref_squeeze %dma_start3A_376 : memref<1x10x128x32xf32, #tpu.memory_space<vmem>> -> memref<10x128x32xf32, #tpu.memory_space<vmem>>
      %dma_start3A_378 = arith.constant 0 : i32
      %dma_start3A_379 = arith.constant 0 : i32
      %dma_start3A_380 = tpu.memref_slice %arg4[%add3A_68, %dma_start3A_378, %dma_start3A_379] : memref<6400x128x32xf32, #tpu.memory_space<hbm>> -> memref<10x128x32xf32, #tpu.memory_space<hbm>>
      %dma_start3A_381 = arith.constant 0 : i32
      %dma_start3A_382 = arith.constant 0 : i32
      %dma_start3A_383 = tpu.memref_slice %arg4[%add3A_68, %dma_start3A_381, %dma_start3A_382] : memref<6400x128x32xf32, #tpu.memory_space<hbm>> -> memref<10x128x32xf32, #tpu.memory_space<hbm>>
      %dma_start3A_384 = arith.constant 0 : i32
      %dma_start3A_385 = arith.constant 0 : i32
      %dma_start3A_386 = arith.constant 0 : i32
      %dma_start3A_387 = tpu.memref_slice %arg6[%dma_start3A_372, %dma_start3A_384, %dma_start3A_385, %dma_start3A_386] : memref<2x10x128x32xf32, #tpu.memory_space<vmem>> -> memref<1x10x128x32xf32, #tpu.memory_space<vmem>>
      %dma_start3A_388 = tpu.memref_squeeze %dma_start3A_387 : memref<1x10x128x32xf32, #tpu.memory_space<vmem>> -> memref<10x128x32xf32, #tpu.memory_space<vmem>>
      tpu.enqueue_dma source(%dma_start3A_388 : memref<10x128x32xf32, #tpu.memory_space<vmem>>) target(%dma_start3A_383 : memref<10x128x32xf32, #tpu.memory_space<hbm>>) target_semaphore(%arg10 : memref<!tpu.dma_semaphore, #tpu.memory_space<semaphore_mem>>)
      %mul3A_389 = arith.constant 2 : i32
      %mul3A_390 = arith.muli %scan3A_58, %mul3A_389 : i32
      %add3A_391 = arith.constant 1 : i32
      %add3A_392 = arith.addi %mul3A_390, %add3A_391 : i32
      %mul3A_393 = arith.constant 200 : i32
      %mul3A_394 = arith.muli %add3A, %mul3A_393 : i32
      %mul3A_395 = arith.constant 10 : i32
      %mul3A_396 = arith.muli %add3A_392, %mul3A_395 : i32
      %add3A_397 = arith.addi %mul3A_394, %mul3A_396 : i32
      %dma_wait3A_398 = arith.constant 1 : i32
      %dma_wait3A_399 = arith.constant 0 : i32
      %dma_wait3A_400 = arith.constant 0 : i32
      %dma_wait3A_401 = tpu.memref_slice %arg5[%dma_wait3A_398, %dma_wait3A_399, %dma_wait3A_400] : memref<2x10x128xi32, #tpu.memory_space<vmem>> -> memref<1x10x128xi32, #tpu.memory_space<vmem>>
      %dma_wait3A_402 = tpu.memref_squeeze %dma_wait3A_401 : memref<1x10x128xi32, #tpu.memory_space<vmem>> -> memref<10x128xi32, #tpu.memory_space<vmem>>
      %dma_wait3A_403 = arith.constant 0 : i32
      %dma_wait3A_404 = arith.constant 0 : i32
      %dma_wait3A_405 = tpu.memref_slice %arg3[%dma_wait3A_403, %dma_wait3A_404] : memref<6400x128xi32, #tpu.memory_space<hbm>> -> memref<10x128xi32, #tpu.memory_space<hbm>>
      %dma_wait3A_406 = arith.constant 0 : i32
      %dma_wait3A_407 = arith.constant 0 : i32
      %dma_wait3A_408 = tpu.memref_slice %arg5[%dma_wait3A_398, %dma_wait3A_406, %dma_wait3A_407] : memref<2x10x128xi32, #tpu.memory_space<vmem>> -> memref<1x10x128xi32, #tpu.memory_space<vmem>>
      %dma_wait3A_409 = tpu.memref_squeeze %dma_wait3A_408 : memref<1x10x128xi32, #tpu.memory_space<vmem>> -> memref<10x128xi32, #tpu.memory_space<vmem>>
      %dma_wait3A_410 = arith.constant 0 : i32
      %dma_wait3A_411 = arith.constant 0 : i32
      %dma_wait3A_412 = tpu.memref_slice %arg3[%dma_wait3A_410, %dma_wait3A_411] : memref<6400x128xi32, #tpu.memory_space<hbm>> -> memref<10x128xi32, #tpu.memory_space<hbm>>
      tpu.wait_dma2 semaphore(%arg8 : memref<!tpu.dma_semaphore, #tpu.memory_space<semaphore_mem>>) src(%dma_wait3A_412 : memref<10x128xi32, #tpu.memory_space<hbm>>) dst(%dma_wait3A_409 : memref<10x128xi32, #tpu.memory_space<vmem>>)
      %ge3A_413 = arith.constant 2 : i32
      %ge3A_414 = arith.cmpi sge, %add3A_392, %ge3A_413 : i32
      %convert_element_type3A_415 = arith.extui %ge3A_414 : i1 to i32
      %cond3A_416 = arith.constant 0 : i32
      %cond3A_417 = arith.cmpi ne, %convert_element_type3A_415, %cond3A_416 : i32
      scf.if %cond3A_417 {
        %dma_wait3A_723 = arith.constant 1 : i32
        %dma_wait3A_724 = arith.constant 0 : i32
        %dma_wait3A_725 = arith.constant 0 : i32
        %dma_wait3A_726 = arith.constant 0 : i32
        %dma_wait3A_727 = tpu.memref_slice %arg6[%dma_wait3A_723, %dma_wait3A_724, %dma_wait3A_725, %dma_wait3A_726] : memref<2x10x128x32xf32, #tpu.memory_space<vmem>> -> memref<1x10x128x32xf32, #tpu.memory_space<vmem>>
        %dma_wait3A_728 = tpu.memref_squeeze %dma_wait3A_727 : memref<1x10x128x32xf32, #tpu.memory_space<vmem>> -> memref<10x128x32xf32, #tpu.memory_space<vmem>>
        %dma_wait3A_729 = arith.constant 0 : i32
        %dma_wait3A_730 = arith.constant 0 : i32
        %dma_wait3A_731 = arith.constant 0 : i32
        %dma_wait3A_732 = tpu.memref_slice %arg4[%dma_wait3A_729, %dma_wait3A_730, %dma_wait3A_731] : memref<6400x128x32xf32, #tpu.memory_space<hbm>> -> memref<10x128x32xf32, #tpu.memory_space<hbm>>
        %dma_wait3A_733 = arith.constant 0 : i32
        %dma_wait3A_734 = arith.constant 0 : i32
        %dma_wait3A_735 = arith.constant 0 : i32
        %dma_wait3A_736 = tpu.memref_slice %arg4[%dma_wait3A_733, %dma_wait3A_734, %dma_wait3A_735] : memref<6400x128x32xf32, #tpu.memory_space<hbm>> -> memref<10x128x32xf32, #tpu.memory_space<hbm>>
        %dma_wait3A_737 = arith.constant 0 : i32
        %dma_wait3A_738 = arith.constant 0 : i32
        %dma_wait3A_739 = arith.constant 0 : i32
        %dma_wait3A_740 = tpu.memref_slice %arg6[%dma_wait3A_723, %dma_wait3A_737, %dma_wait3A_738, %dma_wait3A_739] : memref<2x10x128x32xf32, #tpu.memory_space<vmem>> -> memref<1x10x128x32xf32, #tpu.memory_space<vmem>>
        %dma_wait3A_741 = tpu.memref_squeeze %dma_wait3A_740 : memref<1x10x128x32xf32, #tpu.memory_space<vmem>> -> memref<10x128x32xf32, #tpu.memory_space<vmem>>
        tpu.wait_dma2 semaphore(%arg11 : memref<!tpu.dma_semaphore, #tpu.memory_space<semaphore_mem>>) src(%dma_wait3A_741 : memref<10x128x32xf32, #tpu.memory_space<vmem>>) dst(%dma_wait3A_736 : memref<10x128x32xf32, #tpu.memory_space<hbm>>)
      } else {
      }
      %add3A_418 = arith.constant 1 : i32
      %add3A_419 = arith.addi %add3A_392, %add3A_418 : i32
      %lt3A_420 = arith.constant 20 : i32
      %lt3A_421 = arith.cmpi slt, %add3A_419, %lt3A_420 : i32
      %convert_element_type3A_422 = arith.extui %lt3A_421 : i1 to i32
      %cond3A_423 = arith.constant 0 : i32
      %cond3A_424 = arith.cmpi ne, %convert_element_type3A_422, %cond3A_423 : i32
      scf.if %cond3A_424 {
        %add3A_723 = arith.constant 10 : i32
        %add3A_724 = arith.addi %add3A_397, %add3A_723 : i32
        %dma_start3A_725 = arith.constant 0 : i32
        %dma_start3A_726 = arith.constant 0 : i32
        %dma_start3A_727 = arith.constant 0 : i32
        %dma_start3A_728 = tpu.memref_slice %arg5[%dma_start3A_725, %dma_start3A_726, %dma_start3A_727] : memref<2x10x128xi32, #tpu.memory_space<vmem>> -> memref<1x10x128xi32, #tpu.memory_space<vmem>>
        %dma_start3A_729 = tpu.memref_squeeze %dma_start3A_728 : memref<1x10x128xi32, #tpu.memory_space<vmem>> -> memref<10x128xi32, #tpu.memory_space<vmem>>
        %dma_start3A_730 = arith.constant 0 : i32
        %dma_start3A_731 = tpu.memref_slice %arg3[%add3A_724, %dma_start3A_730] : memref<6400x128xi32, #tpu.memory_space<hbm>> -> memref<10x128xi32, #tpu.memory_space<hbm>>
        %dma_start3A_732 = arith.constant 0 : i32
        %dma_start3A_733 = arith.constant 0 : i32
        %dma_start3A_734 = tpu.memref_slice %arg5[%dma_start3A_725, %dma_start3A_732, %dma_start3A_733] : memref<2x10x128xi32, #tpu.memory_space<vmem>> -> memref<1x10x128xi32, #tpu.memory_space<vmem>>
        %dma_start3A_735 = tpu.memref_squeeze %dma_start3A_734 : memref<1x10x128xi32, #tpu.memory_space<vmem>> -> memref<10x128xi32, #tpu.memory_space<vmem>>
        %dma_start3A_736 = arith.constant 0 : i32
        %dma_start3A_737 = tpu.memref_slice %arg3[%add3A_724, %dma_start3A_736] : memref<6400x128xi32, #tpu.memory_space<hbm>> -> memref<10x128xi32, #tpu.memory_space<hbm>>
        tpu.enqueue_dma source(%dma_start3A_737 : memref<10x128xi32, #tpu.memory_space<hbm>>) target(%dma_start3A_735 : memref<10x128xi32, #tpu.memory_space<vmem>>) target_semaphore(%arg7 : memref<!tpu.dma_semaphore, #tpu.memory_space<semaphore_mem>>)
      } else {
      }
      %dma_start3A_425 = arith.constant 1 : i32
      %dma_start3A_426 = arith.constant 0 : i32
      %dma_start3A_427 = arith.constant 1 : i32
      %dma_start3A_428 = arith.constant 0 : i32
      %dma_start3A_429 = arith.constant 0 : i32
      %dma_start3A_430 = arith.constant 0 : i32
      %dma_start3A_431 = tpu.memref_slice %arg6[%dma_start3A_427, %dma_start3A_428, %dma_start3A_429, %dma_start3A_430] : memref<2x10x128x32xf32, #tpu.memory_space<vmem>> -> memref<1x1x128x32xf32, #tpu.memory_space<vmem>>
      %dma_start3A_432 = tpu.memref_squeeze %dma_start3A_431 : memref<1x1x128x32xf32, #tpu.memory_space<vmem>> -> memref<128x32xf32, #tpu.memory_space<vmem>>
      %dma_start3A_433 = arith.constant 0 : i32
      %dma_start3A_434 = tpu.memref_slice %arg5[%dma_start3A_425, %dma_start3A_426, %dma_start3A_433] : memref<2x10x128xi32, #tpu.memory_space<vmem>> -> memref<1x1x128xi32, #tpu.memory_space<vmem>>
      %dma_start3A_435 = tpu.memref_squeeze %dma_start3A_434 : memref<1x1x128xi32, #tpu.memory_space<vmem>> -> memref<128xi32, #tpu.memory_space<vmem>>
      %dma_start3A_436 = arith.constant 0 : i32
      %dma_start3A_437 = arith.constant 0 : i32
      %dma_start3A_438 = tpu.memref_slice %arg2[%dma_start3A_436, %dma_start3A_437] : memref<50176x32xf32, #tpu.memory_space<hbm>> -> memref<50176x32xf32, #tpu.memory_space<hbm>>
      tpu.enqueue_indirect_dma source(%dma_start3A_438 : memref<50176x32xf32, #tpu.memory_space<hbm>>) target(%dma_start3A_432 : memref<128x32xf32, #tpu.memory_space<vmem>>) offsets(%dma_start3A_435 : memref<128xi32, #tpu.memory_space<vmem>>) semaphore(%arg9 : memref<!tpu.dma_semaphore, #tpu.memory_space<semaphore_mem>>)
      %dma_start3A_439 = arith.constant 1 : i32
      %dma_start3A_440 = arith.constant 1 : i32
      %dma_start3A_441 = arith.constant 1 : i32
      %dma_start3A_442 = arith.constant 1 : i32
      %dma_start3A_443 = arith.constant 0 : i32
      %dma_start3A_444 = arith.constant 0 : i32
      %dma_start3A_445 = tpu.memref_slice %arg6[%dma_start3A_441, %dma_start3A_442, %dma_start3A_443, %dma_start3A_444] : memref<2x10x128x32xf32, #tpu.memory_space<vmem>> -> memref<1x1x128x32xf32, #tpu.memory_space<vmem>>
      %dma_start3A_446 = tpu.memref_squeeze %dma_start3A_445 : memref<1x1x128x32xf32, #tpu.memory_space<vmem>> -> memref<128x32xf32, #tpu.memory_space<vmem>>
      %dma_start3A_447 = arith.constant 0 : i32
      %dma_start3A_448 = tpu.memref_slice %arg5[%dma_start3A_439, %dma_start3A_440, %dma_start3A_447] : memref<2x10x128xi32, #tpu.memory_space<vmem>> -> memref<1x1x128xi32, #tpu.memory_space<vmem>>
      %dma_start3A_449 = tpu.memref_squeeze %dma_start3A_448 : memref<1x1x128xi32, #tpu.memory_space<vmem>> -> memref<128xi32, #tpu.memory_space<vmem>>
      %dma_start3A_450 = arith.constant 0 : i32
      %dma_start3A_451 = arith.constant 0 : i32
      %dma_start3A_452 = tpu.memref_slice %arg2[%dma_start3A_450, %dma_start3A_451] : memref<50176x32xf32, #tpu.memory_space<hbm>> -> memref<50176x32xf32, #tpu.memory_space<hbm>>
      tpu.enqueue_indirect_dma source(%dma_start3A_452 : memref<50176x32xf32, #tpu.memory_space<hbm>>) target(%dma_start3A_446 : memref<128x32xf32, #tpu.memory_space<vmem>>) offsets(%dma_start3A_449 : memref<128xi32, #tpu.memory_space<vmem>>) semaphore(%arg9 : memref<!tpu.dma_semaphore, #tpu.memory_space<semaphore_mem>>)
      %dma_start3A_453 = arith.constant 1 : i32
      %dma_start3A_454 = arith.constant 2 : i32
      %dma_start3A_455 = arith.constant 1 : i32
      %dma_start3A_456 = arith.constant 2 : i32
      %dma_start3A_457 = arith.constant 0 : i32
      %dma_start3A_458 = arith.constant 0 : i32
      %dma_start3A_459 = tpu.memref_slice %arg6[%dma_start3A_455, %dma_start3A_456, %dma_start3A_457, %dma_start3A_458] : memref<2x10x128x32xf32, #tpu.memory_space<vmem>> -> memref<1x1x128x32xf32, #tpu.memory_space<vmem>>
      %dma_start3A_460 = tpu.memref_squeeze %dma_start3A_459 : memref<1x1x128x32xf32, #tpu.memory_space<vmem>> -> memref<128x32xf32, #tpu.memory_space<vmem>>
      %dma_start3A_461 = arith.constant 0 : i32
      %dma_start3A_462 = tpu.memref_slice %arg5[%dma_start3A_453, %dma_start3A_454, %dma_start3A_461] : memref<2x10x128xi32, #tpu.memory_space<vmem>> -> memref<1x1x128xi32, #tpu.memory_space<vmem>>
      %dma_start3A_463 = tpu.memref_squeeze %dma_start3A_462 : memref<1x1x128xi32, #tpu.memory_space<vmem>> -> memref<128xi32, #tpu.memory_space<vmem>>
      %dma_start3A_464 = arith.constant 0 : i32
      %dma_start3A_465 = arith.constant 0 : i32
      %dma_start3A_466 = tpu.memref_slice %arg2[%dma_start3A_464, %dma_start3A_465] : memref<50176x32xf32, #tpu.memory_space<hbm>> -> memref<50176x32xf32, #tpu.memory_space<hbm>>
      tpu.enqueue_indirect_dma source(%dma_start3A_466 : memref<50176x32xf32, #tpu.memory_space<hbm>>) target(%dma_start3A_460 : memref<128x32xf32, #tpu.memory_space<vmem>>) offsets(%dma_start3A_463 : memref<128xi32, #tpu.memory_space<vmem>>) semaphore(%arg9 : memref<!tpu.dma_semaphore, #tpu.memory_space<semaphore_mem>>)
      %dma_start3A_467 = arith.constant 1 : i32
      %dma_start3A_468 = arith.constant 3 : i32
      %dma_start3A_469 = arith.constant 1 : i32
      %dma_start3A_470 = arith.constant 3 : i32
      %dma_start3A_471 = arith.constant 0 : i32
      %dma_start3A_472 = arith.constant 0 : i32
      %dma_start3A_473 = tpu.memref_slice %arg6[%dma_start3A_469, %dma_start3A_470, %dma_start3A_471, %dma_start3A_472] : memref<2x10x128x32xf32, #tpu.memory_space<vmem>> -> memref<1x1x128x32xf32, #tpu.memory_space<vmem>>
      %dma_start3A_474 = tpu.memref_squeeze %dma_start3A_473 : memref<1x1x128x32xf32, #tpu.memory_space<vmem>> -> memref<128x32xf32, #tpu.memory_space<vmem>>
      %dma_start3A_475 = arith.constant 0 : i32
      %dma_start3A_476 = tpu.memref_slice %arg5[%dma_start3A_467, %dma_start3A_468, %dma_start3A_475] : memref<2x10x128xi32, #tpu.memory_space<vmem>> -> memref<1x1x128xi32, #tpu.memory_space<vmem>>
      %dma_start3A_477 = tpu.memref_squeeze %dma_start3A_476 : memref<1x1x128xi32, #tpu.memory_space<vmem>> -> memref<128xi32, #tpu.memory_space<vmem>>
      %dma_start3A_478 = arith.constant 0 : i32
      %dma_start3A_479 = arith.constant 0 : i32
      %dma_start3A_480 = tpu.memref_slice %arg2[%dma_start3A_478, %dma_start3A_479] : memref<50176x32xf32, #tpu.memory_space<hbm>> -> memref<50176x32xf32, #tpu.memory_space<hbm>>
      tpu.enqueue_indirect_dma source(%dma_start3A_480 : memref<50176x32xf32, #tpu.memory_space<hbm>>) target(%dma_start3A_474 : memref<128x32xf32, #tpu.memory_space<vmem>>) offsets(%dma_start3A_477 : memref<128xi32, #tpu.memory_space<vmem>>) semaphore(%arg9 : memref<!tpu.dma_semaphore, #tpu.memory_space<semaphore_mem>>)
      %dma_start3A_481 = arith.constant 1 : i32
      %dma_start3A_482 = arith.constant 4 : i32
      %dma_start3A_483 = arith.constant 1 : i32
      %dma_start3A_484 = arith.constant 4 : i32
      %dma_start3A_485 = arith.constant 0 : i32
      %dma_start3A_486 = arith.constant 0 : i32
      %dma_start3A_487 = tpu.memref_slice %arg6[%dma_start3A_483, %dma_start3A_484, %dma_start3A_485, %dma_start3A_486] : memref<2x10x128x32xf32, #tpu.memory_space<vmem>> -> memref<1x1x128x32xf32, #tpu.memory_space<vmem>>
      %dma_start3A_488 = tpu.memref_squeeze %dma_start3A_487 : memref<1x1x128x32xf32, #tpu.memory_space<vmem>> -> memref<128x32xf32, #tpu.memory_space<vmem>>
      %dma_start3A_489 = arith.constant 0 : i32
      %dma_start3A_490 = tpu.memref_slice %arg5[%dma_start3A_481, %dma_start3A_482, %dma_start3A_489] : memref<2x10x128xi32, #tpu.memory_space<vmem>> -> memref<1x1x128xi32, #tpu.memory_space<vmem>>
      %dma_start3A_491 = tpu.memref_squeeze %dma_start3A_490 : memref<1x1x128xi32, #tpu.memory_space<vmem>> -> memref<128xi32, #tpu.memory_space<vmem>>
      %dma_start3A_492 = arith.constant 0 : i32
      %dma_start3A_493 = arith.constant 0 : i32
      %dma_start3A_494 = tpu.memref_slice %arg2[%dma_start3A_492, %dma_start3A_493] : memref<50176x32xf32, #tpu.memory_space<hbm>> -> memref<50176x32xf32, #tpu.memory_space<hbm>>
      tpu.enqueue_indirect_dma source(%dma_start3A_494 : memref<50176x32xf32, #tpu.memory_space<hbm>>) target(%dma_start3A_488 : memref<128x32xf32, #tpu.memory_space<vmem>>) offsets(%dma_start3A_491 : memref<128xi32, #tpu.memory_space<vmem>>) semaphore(%arg9 : memref<!tpu.dma_semaphore, #tpu.memory_space<semaphore_mem>>)
      %dma_start3A_495 = arith.constant 1 : i32
      %dma_start3A_496 = arith.constant 5 : i32
      %dma_start3A_497 = arith.constant 1 : i32
      %dma_start3A_498 = arith.constant 5 : i32
      %dma_start3A_499 = arith.constant 0 : i32
      %dma_start3A_500 = arith.constant 0 : i32
      %dma_start3A_501 = tpu.memref_slice %arg6[%dma_start3A_497, %dma_start3A_498, %dma_start3A_499, %dma_start3A_500] : memref<2x10x128x32xf32, #tpu.memory_space<vmem>> -> memref<1x1x128x32xf32, #tpu.memory_space<vmem>>
      %dma_start3A_502 = tpu.memref_squeeze %dma_start3A_501 : memref<1x1x128x32xf32, #tpu.memory_space<vmem>> -> memref<128x32xf32, #tpu.memory_space<vmem>>
      %dma_start3A_503 = arith.constant 0 : i32
      %dma_start3A_504 = tpu.memref_slice %arg5[%dma_start3A_495, %dma_start3A_496, %dma_start3A_503] : memref<2x10x128xi32, #tpu.memory_space<vmem>> -> memref<1x1x128xi32, #tpu.memory_space<vmem>>
      %dma_start3A_505 = tpu.memref_squeeze %dma_start3A_504 : memref<1x1x128xi32, #tpu.memory_space<vmem>> -> memref<128xi32, #tpu.memory_space<vmem>>
      %dma_start3A_506 = arith.constant 0 : i32
      %dma_start3A_507 = arith.constant 0 : i32
      %dma_start3A_508 = tpu.memref_slice %arg2[%dma_start3A_506, %dma_start3A_507] : memref<50176x32xf32, #tpu.memory_space<hbm>> -> memref<50176x32xf32, #tpu.memory_space<hbm>>
      tpu.enqueue_indirect_dma source(%dma_start3A_508 : memref<50176x32xf32, #tpu.memory_space<hbm>>) target(%dma_start3A_502 : memref<128x32xf32, #tpu.memory_space<vmem>>) offsets(%dma_start3A_505 : memref<128xi32, #tpu.memory_space<vmem>>) semaphore(%arg9 : memref<!tpu.dma_semaphore, #tpu.memory_space<semaphore_mem>>)
      %dma_start3A_509 = arith.constant 1 : i32
      %dma_start3A_510 = arith.constant 6 : i32
      %dma_start3A_511 = arith.constant 1 : i32
      %dma_start3A_512 = arith.constant 6 : i32
      %dma_start3A_513 = arith.constant 0 : i32
      %dma_start3A_514 = arith.constant 0 : i32
      %dma_start3A_515 = tpu.memref_slice %arg6[%dma_start3A_511, %dma_start3A_512, %dma_start3A_513, %dma_start3A_514] : memref<2x10x128x32xf32, #tpu.memory_space<vmem>> -> memref<1x1x128x32xf32, #tpu.memory_space<vmem>>
      %dma_start3A_516 = tpu.memref_squeeze %dma_start3A_515 : memref<1x1x128x32xf32, #tpu.memory_space<vmem>> -> memref<128x32xf32, #tpu.memory_space<vmem>>
      %dma_start3A_517 = arith.constant 0 : i32
      %dma_start3A_518 = tpu.memref_slice %arg5[%dma_start3A_509, %dma_start3A_510, %dma_start3A_517] : memref<2x10x128xi32, #tpu.memory_space<vmem>> -> memref<1x1x128xi32, #tpu.memory_space<vmem>>
      %dma_start3A_519 = tpu.memref_squeeze %dma_start3A_518 : memref<1x1x128xi32, #tpu.memory_space<vmem>> -> memref<128xi32, #tpu.memory_space<vmem>>
      %dma_start3A_520 = arith.constant 0 : i32
      %dma_start3A_521 = arith.constant 0 : i32
      %dma_start3A_522 = tpu.memref_slice %arg2[%dma_start3A_520, %dma_start3A_521] : memref<50176x32xf32, #tpu.memory_space<hbm>> -> memref<50176x32xf32, #tpu.memory_space<hbm>>
      tpu.enqueue_indirect_dma source(%dma_start3A_522 : memref<50176x32xf32, #tpu.memory_space<hbm>>) target(%dma_start3A_516 : memref<128x32xf32, #tpu.memory_space<vmem>>) offsets(%dma_start3A_519 : memref<128xi32, #tpu.memory_space<vmem>>) semaphore(%arg9 : memref<!tpu.dma_semaphore, #tpu.memory_space<semaphore_mem>>)
      %dma_start3A_523 = arith.constant 1 : i32
      %dma_start3A_524 = arith.constant 7 : i32
      %dma_start3A_525 = arith.constant 1 : i32
      %dma_start3A_526 = arith.constant 7 : i32
      %dma_start3A_527 = arith.constant 0 : i32
      %dma_start3A_528 = arith.constant 0 : i32
      %dma_start3A_529 = tpu.memref_slice %arg6[%dma_start3A_525, %dma_start3A_526, %dma_start3A_527, %dma_start3A_528] : memref<2x10x128x32xf32, #tpu.memory_space<vmem>> -> memref<1x1x128x32xf32, #tpu.memory_space<vmem>>
      %dma_start3A_530 = tpu.memref_squeeze %dma_start3A_529 : memref<1x1x128x32xf32, #tpu.memory_space<vmem>> -> memref<128x32xf32, #tpu.memory_space<vmem>>
      %dma_start3A_531 = arith.constant 0 : i32
      %dma_start3A_532 = tpu.memref_slice %arg5[%dma_start3A_523, %dma_start3A_524, %dma_start3A_531] : memref<2x10x128xi32, #tpu.memory_space<vmem>> -> memref<1x1x128xi32, #tpu.memory_space<vmem>>
      %dma_start3A_533 = tpu.memref_squeeze %dma_start3A_532 : memref<1x1x128xi32, #tpu.memory_space<vmem>> -> memref<128xi32, #tpu.memory_space<vmem>>
      %dma_start3A_534 = arith.constant 0 : i32
      %dma_start3A_535 = arith.constant 0 : i32
      %dma_start3A_536 = tpu.memref_slice %arg2[%dma_start3A_534, %dma_start3A_535] : memref<50176x32xf32, #tpu.memory_space<hbm>> -> memref<50176x32xf32, #tpu.memory_space<hbm>>
      tpu.enqueue_indirect_dma source(%dma_start3A_536 : memref<50176x32xf32, #tpu.memory_space<hbm>>) target(%dma_start3A_530 : memref<128x32xf32, #tpu.memory_space<vmem>>) offsets(%dma_start3A_533 : memref<128xi32, #tpu.memory_space<vmem>>) semaphore(%arg9 : memref<!tpu.dma_semaphore, #tpu.memory_space<semaphore_mem>>)
      %dma_start3A_537 = arith.constant 1 : i32
      %dma_start3A_538 = arith.constant 8 : i32
      %dma_start3A_539 = arith.constant 1 : i32
      %dma_start3A_540 = arith.constant 8 : i32
      %dma_start3A_541 = arith.constant 0 : i32
      %dma_start3A_542 = arith.constant 0 : i32
      %dma_start3A_543 = tpu.memref_slice %arg6[%dma_start3A_539, %dma_start3A_540, %dma_start3A_541, %dma_start3A_542] : memref<2x10x128x32xf32, #tpu.memory_space<vmem>> -> memref<1x1x128x32xf32, #tpu.memory_space<vmem>>
      %dma_start3A_544 = tpu.memref_squeeze %dma_start3A_543 : memref<1x1x128x32xf32, #tpu.memory_space<vmem>> -> memref<128x32xf32, #tpu.memory_space<vmem>>
      %dma_start3A_545 = arith.constant 0 : i32
      %dma_start3A_546 = tpu.memref_slice %arg5[%dma_start3A_537, %dma_start3A_538, %dma_start3A_545] : memref<2x10x128xi32, #tpu.memory_space<vmem>> -> memref<1x1x128xi32, #tpu.memory_space<vmem>>
      %dma_start3A_547 = tpu.memref_squeeze %dma_start3A_546 : memref<1x1x128xi32, #tpu.memory_space<vmem>> -> memref<128xi32, #tpu.memory_space<vmem>>
      %dma_start3A_548 = arith.constant 0 : i32
      %dma_start3A_549 = arith.constant 0 : i32
      %dma_start3A_550 = tpu.memref_slice %arg2[%dma_start3A_548, %dma_start3A_549] : memref<50176x32xf32, #tpu.memory_space<hbm>> -> memref<50176x32xf32, #tpu.memory_space<hbm>>
      tpu.enqueue_indirect_dma source(%dma_start3A_550 : memref<50176x32xf32, #tpu.memory_space<hbm>>) target(%dma_start3A_544 : memref<128x32xf32, #tpu.memory_space<vmem>>) offsets(%dma_start3A_547 : memref<128xi32, #tpu.memory_space<vmem>>) semaphore(%arg9 : memref<!tpu.dma_semaphore, #tpu.memory_space<semaphore_mem>>)
      %dma_start3A_551 = arith.constant 1 : i32
      %dma_start3A_552 = arith.constant 9 : i32
      %dma_start3A_553 = arith.constant 1 : i32
      %dma_start3A_554 = arith.constant 9 : i32
      %dma_start3A_555 = arith.constant 0 : i32
      %dma_start3A_556 = arith.constant 0 : i32
      %dma_start3A_557 = tpu.memref_slice %arg6[%dma_start3A_553, %dma_start3A_554, %dma_start3A_555, %dma_start3A_556] : memref<2x10x128x32xf32, #tpu.memory_space<vmem>> -> memref<1x1x128x32xf32, #tpu.memory_space<vmem>>
      %dma_start3A_558 = tpu.memref_squeeze %dma_start3A_557 : memref<1x1x128x32xf32, #tpu.memory_space<vmem>> -> memref<128x32xf32, #tpu.memory_space<vmem>>
      %dma_start3A_559 = arith.constant 0 : i32
      %dma_start3A_560 = tpu.memref_slice %arg5[%dma_start3A_551, %dma_start3A_552, %dma_start3A_559] : memref<2x10x128xi32, #tpu.memory_space<vmem>> -> memref<1x1x128xi32, #tpu.memory_space<vmem>>
      %dma_start3A_561 = tpu.memref_squeeze %dma_start3A_560 : memref<1x1x128xi32, #tpu.memory_space<vmem>> -> memref<128xi32, #tpu.memory_space<vmem>>
      %dma_start3A_562 = arith.constant 0 : i32
      %dma_start3A_563 = arith.constant 0 : i32
      %dma_start3A_564 = tpu.memref_slice %arg2[%dma_start3A_562, %dma_start3A_563] : memref<50176x32xf32, #tpu.memory_space<hbm>> -> memref<50176x32xf32, #tpu.memory_space<hbm>>
      tpu.enqueue_indirect_dma source(%dma_start3A_564 : memref<50176x32xf32, #tpu.memory_space<hbm>>) target(%dma_start3A_558 : memref<128x32xf32, #tpu.memory_space<vmem>>) offsets(%dma_start3A_561 : memref<128xi32, #tpu.memory_space<vmem>>) semaphore(%arg9 : memref<!tpu.dma_semaphore, #tpu.memory_space<semaphore_mem>>)
      %dma_wait3A_565 = arith.constant 1 : i32
      %dma_wait3A_566 = arith.constant 0 : i32
      %dma_wait3A_567 = arith.constant 1 : i32
      %dma_wait3A_568 = arith.constant 0 : i32
      %dma_wait3A_569 = arith.constant 0 : i32
      %dma_wait3A_570 = arith.constant 0 : i32
      %dma_wait3A_571 = tpu.memref_slice %arg6[%dma_wait3A_567, %dma_wait3A_568, %dma_wait3A_569, %dma_wait3A_570] : memref<2x10x128x32xf32, #tpu.memory_space<vmem>> -> memref<1x1x128x32xf32, #tpu.memory_space<vmem>>
      %dma_wait3A_572 = tpu.memref_squeeze %dma_wait3A_571 : memref<1x1x128x32xf32, #tpu.memory_space<vmem>> -> memref<128x32xf32, #tpu.memory_space<vmem>>
      %dma_wait3A_573 = arith.constant 0 : i32
      %dma_wait3A_574 = tpu.memref_slice %arg5[%dma_wait3A_565, %dma_wait3A_566, %dma_wait3A_573] : memref<2x10x128xi32, #tpu.memory_space<vmem>> -> memref<1x1x128xi32, #tpu.memory_space<vmem>>
      %dma_wait3A_575 = tpu.memref_squeeze %dma_wait3A_574 : memref<1x1x128xi32, #tpu.memory_space<vmem>> -> memref<128xi32, #tpu.memory_space<vmem>>
      %dma_wait3A_576 = arith.constant 0 : i32
      %dma_wait3A_577 = arith.constant 0 : i32
      %dma_wait3A_578 = tpu.memref_slice %arg2[%dma_wait3A_576, %dma_wait3A_577] : memref<50176x32xf32, #tpu.memory_space<hbm>> -> memref<50176x32xf32, #tpu.memory_space<hbm>>
      tpu.wait_indirect_dma semaphore(%arg9 : memref<!tpu.dma_semaphore, #tpu.memory_space<semaphore_mem>>) src(%dma_wait3A_578 : memref<50176x32xf32, #tpu.memory_space<hbm>>) dst(%dma_wait3A_572 : memref<128x32xf32, #tpu.memory_space<vmem>>)
      %dma_wait3A_579 = arith.constant 1 : i32
      %dma_wait3A_580 = arith.constant 1 : i32
      %dma_wait3A_581 = arith.constant 1 : i32
      %dma_wait3A_582 = arith.constant 1 : i32
      %dma_wait3A_583 = arith.constant 0 : i32
      %dma_wait3A_584 = arith.constant 0 : i32
      %dma_wait3A_585 = tpu.memref_slice %arg6[%dma_wait3A_581, %dma_wait3A_582, %dma_wait3A_583, %dma_wait3A_584] : memref<2x10x128x32xf32, #tpu.memory_space<vmem>> -> memref<1x1x128x32xf32, #tpu.memory_space<vmem>>
      %dma_wait3A_586 = tpu.memref_squeeze %dma_wait3A_585 : memref<1x1x128x32xf32, #tpu.memory_space<vmem>> -> memref<128x32xf32, #tpu.memory_space<vmem>>
      %dma_wait3A_587 = arith.constant 0 : i32
      %dma_wait3A_588 = tpu.memref_slice %arg5[%dma_wait3A_579, %dma_wait3A_580, %dma_wait3A_587] : memref<2x10x128xi32, #tpu.memory_space<vmem>> -> memref<1x1x128xi32, #tpu.memory_space<vmem>>
      %dma_wait3A_589 = tpu.memref_squeeze %dma_wait3A_588 : memref<1x1x128xi32, #tpu.memory_space<vmem>> -> memref<128xi32, #tpu.memory_space<vmem>>
      %dma_wait3A_590 = arith.constant 0 : i32
      %dma_wait3A_591 = arith.constant 0 : i32
      %dma_wait3A_592 = tpu.memref_slice %arg2[%dma_wait3A_590, %dma_wait3A_591] : memref<50176x32xf32, #tpu.memory_space<hbm>> -> memref<50176x32xf32, #tpu.memory_space<hbm>>
      tpu.wait_indirect_dma semaphore(%arg9 : memref<!tpu.dma_semaphore, #tpu.memory_space<semaphore_mem>>) src(%dma_wait3A_592 : memref<50176x32xf32, #tpu.memory_space<hbm>>) dst(%dma_wait3A_586 : memref<128x32xf32, #tpu.memory_space<vmem>>)
      %dma_wait3A_593 = arith.constant 1 : i32
      %dma_wait3A_594 = arith.constant 2 : i32
      %dma_wait3A_595 = arith.constant 1 : i32
      %dma_wait3A_596 = arith.constant 2 : i32
      %dma_wait3A_597 = arith.constant 0 : i32
      %dma_wait3A_598 = arith.constant 0 : i32
      %dma_wait3A_599 = tpu.memref_slice %arg6[%dma_wait3A_595, %dma_wait3A_596, %dma_wait3A_597, %dma_wait3A_598] : memref<2x10x128x32xf32, #tpu.memory_space<vmem>> -> memref<1x1x128x32xf32, #tpu.memory_space<vmem>>
      %dma_wait3A_600 = tpu.memref_squeeze %dma_wait3A_599 : memref<1x1x128x32xf32, #tpu.memory_space<vmem>> -> memref<128x32xf32, #tpu.memory_space<vmem>>
      %dma_wait3A_601 = arith.constant 0 : i32
      %dma_wait3A_602 = tpu.memref_slice %arg5[%dma_wait3A_593, %dma_wait3A_594, %dma_wait3A_601] : memref<2x10x128xi32, #tpu.memory_space<vmem>> -> memref<1x1x128xi32, #tpu.memory_space<vmem>>
      %dma_wait3A_603 = tpu.memref_squeeze %dma_wait3A_602 : memref<1x1x128xi32, #tpu.memory_space<vmem>> -> memref<128xi32, #tpu.memory_space<vmem>>
      %dma_wait3A_604 = arith.constant 0 : i32
      %dma_wait3A_605 = arith.constant 0 : i32
      %dma_wait3A_606 = tpu.memref_slice %arg2[%dma_wait3A_604, %dma_wait3A_605] : memref<50176x32xf32, #tpu.memory_space<hbm>> -> memref<50176x32xf32, #tpu.memory_space<hbm>>
      tpu.wait_indirect_dma semaphore(%arg9 : memref<!tpu.dma_semaphore, #tpu.memory_space<semaphore_mem>>) src(%dma_wait3A_606 : memref<50176x32xf32, #tpu.memory_space<hbm>>) dst(%dma_wait3A_600 : memref<128x32xf32, #tpu.memory_space<vmem>>)
      %dma_wait3A_607 = arith.constant 1 : i32
      %dma_wait3A_608 = arith.constant 3 : i32
      %dma_wait3A_609 = arith.constant 1 : i32
      %dma_wait3A_610 = arith.constant 3 : i32
      %dma_wait3A_611 = arith.constant 0 : i32
      %dma_wait3A_612 = arith.constant 0 : i32
      %dma_wait3A_613 = tpu.memref_slice %arg6[%dma_wait3A_609, %dma_wait3A_610, %dma_wait3A_611, %dma_wait3A_612] : memref<2x10x128x32xf32, #tpu.memory_space<vmem>> -> memref<1x1x128x32xf32, #tpu.memory_space<vmem>>
      %dma_wait3A_614 = tpu.memref_squeeze %dma_wait3A_613 : memref<1x1x128x32xf32, #tpu.memory_space<vmem>> -> memref<128x32xf32, #tpu.memory_space<vmem>>
      %dma_wait3A_615 = arith.constant 0 : i32
      %dma_wait3A_616 = tpu.memref_slice %arg5[%dma_wait3A_607, %dma_wait3A_608, %dma_wait3A_615] : memref<2x10x128xi32, #tpu.memory_space<vmem>> -> memref<1x1x128xi32, #tpu.memory_space<vmem>>
      %dma_wait3A_617 = tpu.memref_squeeze %dma_wait3A_616 : memref<1x1x128xi32, #tpu.memory_space<vmem>> -> memref<128xi32, #tpu.memory_space<vmem>>
      %dma_wait3A_618 = arith.constant 0 : i32
      %dma_wait3A_619 = arith.constant 0 : i32
      %dma_wait3A_620 = tpu.memref_slice %arg2[%dma_wait3A_618, %dma_wait3A_619] : memref<50176x32xf32, #tpu.memory_space<hbm>> -> memref<50176x32xf32, #tpu.memory_space<hbm>>
      tpu.wait_indirect_dma semaphore(%arg9 : memref<!tpu.dma_semaphore, #tpu.memory_space<semaphore_mem>>) src(%dma_wait3A_620 : memref<50176x32xf32, #tpu.memory_space<hbm>>) dst(%dma_wait3A_614 : memref<128x32xf32, #tpu.memory_space<vmem>>)
      %dma_wait3A_621 = arith.constant 1 : i32
      %dma_wait3A_622 = arith.constant 4 : i32
      %dma_wait3A_623 = arith.constant 1 : i32
      %dma_wait3A_624 = arith.constant 4 : i32
      %dma_wait3A_625 = arith.constant 0 : i32
      %dma_wait3A_626 = arith.constant 0 : i32
      %dma_wait3A_627 = tpu.memref_slice %arg6[%dma_wait3A_623, %dma_wait3A_624, %dma_wait3A_625, %dma_wait3A_626] : memref<2x10x128x32xf32, #tpu.memory_space<vmem>> -> memref<1x1x128x32xf32, #tpu.memory_space<vmem>>
      %dma_wait3A_628 = tpu.memref_squeeze %dma_wait3A_627 : memref<1x1x128x32xf32, #tpu.memory_space<vmem>> -> memref<128x32xf32, #tpu.memory_space<vmem>>
      %dma_wait3A_629 = arith.constant 0 : i32
      %dma_wait3A_630 = tpu.memref_slice %arg5[%dma_wait3A_621, %dma_wait3A_622, %dma_wait3A_629] : memref<2x10x128xi32, #tpu.memory_space<vmem>> -> memref<1x1x128xi32, #tpu.memory_space<vmem>>
      %dma_wait3A_631 = tpu.memref_squeeze %dma_wait3A_630 : memref<1x1x128xi32, #tpu.memory_space<vmem>> -> memref<128xi32, #tpu.memory_space<vmem>>
      %dma_wait3A_632 = arith.constant 0 : i32
      %dma_wait3A_633 = arith.constant 0 : i32
      %dma_wait3A_634 = tpu.memref_slice %arg2[%dma_wait3A_632, %dma_wait3A_633] : memref<50176x32xf32, #tpu.memory_space<hbm>> -> memref<50176x32xf32, #tpu.memory_space<hbm>>
      tpu.wait_indirect_dma semaphore(%arg9 : memref<!tpu.dma_semaphore, #tpu.memory_space<semaphore_mem>>) src(%dma_wait3A_634 : memref<50176x32xf32, #tpu.memory_space<hbm>>) dst(%dma_wait3A_628 : memref<128x32xf32, #tpu.memory_space<vmem>>)
      %dma_wait3A_635 = arith.constant 1 : i32
      %dma_wait3A_636 = arith.constant 5 : i32
      %dma_wait3A_637 = arith.constant 1 : i32
      %dma_wait3A_638 = arith.constant 5 : i32
      %dma_wait3A_639 = arith.constant 0 : i32
      %dma_wait3A_640 = arith.constant 0 : i32
      %dma_wait3A_641 = tpu.memref_slice %arg6[%dma_wait3A_637, %dma_wait3A_638, %dma_wait3A_639, %dma_wait3A_640] : memref<2x10x128x32xf32, #tpu.memory_space<vmem>> -> memref<1x1x128x32xf32, #tpu.memory_space<vmem>>
      %dma_wait3A_642 = tpu.memref_squeeze %dma_wait3A_641 : memref<1x1x128x32xf32, #tpu.memory_space<vmem>> -> memref<128x32xf32, #tpu.memory_space<vmem>>
      %dma_wait3A_643 = arith.constant 0 : i32
      %dma_wait3A_644 = tpu.memref_slice %arg5[%dma_wait3A_635, %dma_wait3A_636, %dma_wait3A_643] : memref<2x10x128xi32, #tpu.memory_space<vmem>> -> memref<1x1x128xi32, #tpu.memory_space<vmem>>
      %dma_wait3A_645 = tpu.memref_squeeze %dma_wait3A_644 : memref<1x1x128xi32, #tpu.memory_space<vmem>> -> memref<128xi32, #tpu.memory_space<vmem>>
      %dma_wait3A_646 = arith.constant 0 : i32
      %dma_wait3A_647 = arith.constant 0 : i32
      %dma_wait3A_648 = tpu.memref_slice %arg2[%dma_wait3A_646, %dma_wait3A_647] : memref<50176x32xf32, #tpu.memory_space<hbm>> -> memref<50176x32xf32, #tpu.memory_space<hbm>>
      tpu.wait_indirect_dma semaphore(%arg9 : memref<!tpu.dma_semaphore, #tpu.memory_space<semaphore_mem>>) src(%dma_wait3A_648 : memref<50176x32xf32, #tpu.memory_space<hbm>>) dst(%dma_wait3A_642 : memref<128x32xf32, #tpu.memory_space<vmem>>)
      %dma_wait3A_649 = arith.constant 1 : i32
      %dma_wait3A_650 = arith.constant 6 : i32
      %dma_wait3A_651 = arith.constant 1 : i32
      %dma_wait3A_652 = arith.constant 6 : i32
      %dma_wait3A_653 = arith.constant 0 : i32
      %dma_wait3A_654 = arith.constant 0 : i32
      %dma_wait3A_655 = tpu.memref_slice %arg6[%dma_wait3A_651, %dma_wait3A_652, %dma_wait3A_653, %dma_wait3A_654] : memref<2x10x128x32xf32, #tpu.memory_space<vmem>> -> memref<1x1x128x32xf32, #tpu.memory_space<vmem>>
      %dma_wait3A_656 = tpu.memref_squeeze %dma_wait3A_655 : memref<1x1x128x32xf32, #tpu.memory_space<vmem>> -> memref<128x32xf32, #tpu.memory_space<vmem>>
      %dma_wait3A_657 = arith.constant 0 : i32
      %dma_wait3A_658 = tpu.memref_slice %arg5[%dma_wait3A_649, %dma_wait3A_650, %dma_wait3A_657] : memref<2x10x128xi32, #tpu.memory_space<vmem>> -> memref<1x1x128xi32, #tpu.memory_space<vmem>>
      %dma_wait3A_659 = tpu.memref_squeeze %dma_wait3A_658 : memref<1x1x128xi32, #tpu.memory_space<vmem>> -> memref<128xi32, #tpu.memory_space<vmem>>
      %dma_wait3A_660 = arith.constant 0 : i32
      %dma_wait3A_661 = arith.constant 0 : i32
      %dma_wait3A_662 = tpu.memref_slice %arg2[%dma_wait3A_660, %dma_wait3A_661] : memref<50176x32xf32, #tpu.memory_space<hbm>> -> memref<50176x32xf32, #tpu.memory_space<hbm>>
      tpu.wait_indirect_dma semaphore(%arg9 : memref<!tpu.dma_semaphore, #tpu.memory_space<semaphore_mem>>) src(%dma_wait3A_662 : memref<50176x32xf32, #tpu.memory_space<hbm>>) dst(%dma_wait3A_656 : memref<128x32xf32, #tpu.memory_space<vmem>>)
      %dma_wait3A_663 = arith.constant 1 : i32
      %dma_wait3A_664 = arith.constant 7 : i32
      %dma_wait3A_665 = arith.constant 1 : i32
      %dma_wait3A_666 = arith.constant 7 : i32
      %dma_wait3A_667 = arith.constant 0 : i32
      %dma_wait3A_668 = arith.constant 0 : i32
      %dma_wait3A_669 = tpu.memref_slice %arg6[%dma_wait3A_665, %dma_wait3A_666, %dma_wait3A_667, %dma_wait3A_668] : memref<2x10x128x32xf32, #tpu.memory_space<vmem>> -> memref<1x1x128x32xf32, #tpu.memory_space<vmem>>
      %dma_wait3A_670 = tpu.memref_squeeze %dma_wait3A_669 : memref<1x1x128x32xf32, #tpu.memory_space<vmem>> -> memref<128x32xf32, #tpu.memory_space<vmem>>
      %dma_wait3A_671 = arith.constant 0 : i32
      %dma_wait3A_672 = tpu.memref_slice %arg5[%dma_wait3A_663, %dma_wait3A_664, %dma_wait3A_671] : memref<2x10x128xi32, #tpu.memory_space<vmem>> -> memref<1x1x128xi32, #tpu.memory_space<vmem>>
      %dma_wait3A_673 = tpu.memref_squeeze %dma_wait3A_672 : memref<1x1x128xi32, #tpu.memory_space<vmem>> -> memref<128xi32, #tpu.memory_space<vmem>>
      %dma_wait3A_674 = arith.constant 0 : i32
      %dma_wait3A_675 = arith.constant 0 : i32
      %dma_wait3A_676 = tpu.memref_slice %arg2[%dma_wait3A_674, %dma_wait3A_675] : memref<50176x32xf32, #tpu.memory_space<hbm>> -> memref<50176x32xf32, #tpu.memory_space<hbm>>
      tpu.wait_indirect_dma semaphore(%arg9 : memref<!tpu.dma_semaphore, #tpu.memory_space<semaphore_mem>>) src(%dma_wait3A_676 : memref<50176x32xf32, #tpu.memory_space<hbm>>) dst(%dma_wait3A_670 : memref<128x32xf32, #tpu.memory_space<vmem>>)
      %dma_wait3A_677 = arith.constant 1 : i32
      %dma_wait3A_678 = arith.constant 8 : i32
      %dma_wait3A_679 = arith.constant 1 : i32
      %dma_wait3A_680 = arith.constant 8 : i32
      %dma_wait3A_681 = arith.constant 0 : i32
      %dma_wait3A_682 = arith.constant 0 : i32
      %dma_wait3A_683 = tpu.memref_slice %arg6[%dma_wait3A_679, %dma_wait3A_680, %dma_wait3A_681, %dma_wait3A_682] : memref<2x10x128x32xf32, #tpu.memory_space<vmem>> -> memref<1x1x128x32xf32, #tpu.memory_space<vmem>>
      %dma_wait3A_684 = tpu.memref_squeeze %dma_wait3A_683 : memref<1x1x128x32xf32, #tpu.memory_space<vmem>> -> memref<128x32xf32, #tpu.memory_space<vmem>>
      %dma_wait3A_685 = arith.constant 0 : i32
      %dma_wait3A_686 = tpu.memref_slice %arg5[%dma_wait3A_677, %dma_wait3A_678, %dma_wait3A_685] : memref<2x10x128xi32, #tpu.memory_space<vmem>> -> memref<1x1x128xi32, #tpu.memory_space<vmem>>
      %dma_wait3A_687 = tpu.memref_squeeze %dma_wait3A_686 : memref<1x1x128xi32, #tpu.memory_space<vmem>> -> memref<128xi32, #tpu.memory_space<vmem>>
      %dma_wait3A_688 = arith.constant 0 : i32
      %dma_wait3A_689 = arith.constant 0 : i32
      %dma_wait3A_690 = tpu.memref_slice %arg2[%dma_wait3A_688, %dma_wait3A_689] : memref<50176x32xf32, #tpu.memory_space<hbm>> -> memref<50176x32xf32, #tpu.memory_space<hbm>>
      tpu.wait_indirect_dma semaphore(%arg9 : memref<!tpu.dma_semaphore, #tpu.memory_space<semaphore_mem>>) src(%dma_wait3A_690 : memref<50176x32xf32, #tpu.memory_space<hbm>>) dst(%dma_wait3A_684 : memref<128x32xf32, #tpu.memory_space<vmem>>)
      %dma_wait3A_691 = arith.constant 1 : i32
      %dma_wait3A_692 = arith.constant 9 : i32
      %dma_wait3A_693 = arith.constant 1 : i32
      %dma_wait3A_694 = arith.constant 9 : i32
      %dma_wait3A_695 = arith.constant 0 : i32
      %dma_wait3A_696 = arith.constant 0 : i32
      %dma_wait3A_697 = tpu.memref_slice %arg6[%dma_wait3A_693, %dma_wait3A_694, %dma_wait3A_695, %dma_wait3A_696] : memref<2x10x128x32xf32, #tpu.memory_space<vmem>> -> memref<1x1x128x32xf32, #tpu.memory_space<vmem>>
      %dma_wait3A_698 = tpu.memref_squeeze %dma_wait3A_697 : memref<1x1x128x32xf32, #tpu.memory_space<vmem>> -> memref<128x32xf32, #tpu.memory_space<vmem>>
      %dma_wait3A_699 = arith.constant 0 : i32
      %dma_wait3A_700 = tpu.memref_slice %arg5[%dma_wait3A_691, %dma_wait3A_692, %dma_wait3A_699] : memref<2x10x128xi32, #tpu.memory_space<vmem>> -> memref<1x1x128xi32, #tpu.memory_space<vmem>>
      %dma_wait3A_701 = tpu.memref_squeeze %dma_wait3A_700 : memref<1x1x128xi32, #tpu.memory_space<vmem>> -> memref<128xi32, #tpu.memory_space<vmem>>
      %dma_wait3A_702 = arith.constant 0 : i32
      %dma_wait3A_703 = arith.constant 0 : i32
      %dma_wait3A_704 = tpu.memref_slice %arg2[%dma_wait3A_702, %dma_wait3A_703] : memref<50176x32xf32, #tpu.memory_space<hbm>> -> memref<50176x32xf32, #tpu.memory_space<hbm>>
      tpu.wait_indirect_dma semaphore(%arg9 : memref<!tpu.dma_semaphore, #tpu.memory_space<semaphore_mem>>) src(%dma_wait3A_704 : memref<50176x32xf32, #tpu.memory_space<hbm>>) dst(%dma_wait3A_698 : memref<128x32xf32, #tpu.memory_space<vmem>>)
      %dma_start3A_705 = arith.constant 1 : i32
      %dma_start3A_706 = arith.constant 0 : i32
      %dma_start3A_707 = arith.constant 0 : i32
      %dma_start3A_708 = arith.constant 0 : i32
      %dma_start3A_709 = tpu.memref_slice %arg6[%dma_start3A_705, %dma_start3A_706, %dma_start3A_707, %dma_start3A_708] : memref<2x10x128x32xf32, #tpu.memory_space<vmem>> -> memref<1x10x128x32xf32, #tpu.memory_space<vmem>>
      %dma_start3A_710 = tpu.memref_squeeze %dma_start3A_709 : memref<1x10x128x32xf32, #tpu.memory_space<vmem>> -> memref<10x128x32xf32, #tpu.memory_space<vmem>>
      %dma_start3A_711 = arith.constant 0 : i32
      %dma_start3A_712 = arith.constant 0 : i32
      %dma_start3A_713 = tpu.memref_slice %arg4[%add3A_397, %dma_start3A_711, %dma_start3A_712] : memref<6400x128x32xf32, #tpu.memory_space<hbm>> -> memref<10x128x32xf32, #tpu.memory_space<hbm>>
      %dma_start3A_714 = arith.constant 0 : i32
      %dma_start3A_715 = arith.constant 0 : i32
      %dma_start3A_716 = tpu.memref_slice %arg4[%add3A_397, %dma_start3A_714, %dma_start3A_715] : memref<6400x128x32xf32, #tpu.memory_space<hbm>> -> memref<10x128x32xf32, #tpu.memory_space<hbm>>
      %dma_start3A_717 = arith.constant 0 : i32
      %dma_start3A_718 = arith.constant 0 : i32
      %dma_start3A_719 = arith.constant 0 : i32
      %dma_start3A_720 = tpu.memref_slice %arg6[%dma_start3A_705, %dma_start3A_717, %dma_start3A_718, %dma_start3A_719] : memref<2x10x128x32xf32, #tpu.memory_space<vmem>> -> memref<1x10x128x32xf32, #tpu.memory_space<vmem>>
      %dma_start3A_721 = tpu.memref_squeeze %dma_start3A_720 : memref<1x10x128x32xf32, #tpu.memory_space<vmem>> -> memref<10x128x32xf32, #tpu.memory_space<vmem>>
      tpu.enqueue_dma source(%dma_start3A_721 : memref<10x128x32xf32, #tpu.memory_space<vmem>>) target(%dma_start3A_716 : memref<10x128x32xf32, #tpu.memory_space<hbm>>) target_semaphore(%arg11 : memref<!tpu.dma_semaphore, #tpu.memory_space<semaphore_mem>>)
      %scan3A_722 = arith.constant 0 : i32
      scf.yield %scan3A_722 : i32
    }
    %scan3A_20 = arith.constant 10 : i32
    %dma_wait3A = arith.constant 0 : i32
    %dma_wait3A_21 = arith.constant 0 : i32
    %dma_wait3A_22 = arith.constant 0 : i32
    %dma_wait3A_23 = arith.constant 0 : i32
    %dma_wait3A_24 = tpu.memref_slice %arg6[%dma_wait3A, %dma_wait3A_21, %dma_wait3A_22, %dma_wait3A_23] : memref<2x10x128x32xf32, #tpu.memory_space<vmem>> -> memref<1x10x128x32xf32, #tpu.memory_space<vmem>>
    %dma_wait3A_25 = tpu.memref_squeeze %dma_wait3A_24 : memref<1x10x128x32xf32, #tpu.memory_space<vmem>> -> memref<10x128x32xf32, #tpu.memory_space<vmem>>
    %dma_wait3A_26 = arith.constant 0 : i32
    %dma_wait3A_27 = arith.constant 0 : i32
    %dma_wait3A_28 = arith.constant 0 : i32
    %dma_wait3A_29 = tpu.memref_slice %arg4[%dma_wait3A_26, %dma_wait3A_27, %dma_wait3A_28] : memref<6400x128x32xf32, #tpu.memory_space<hbm>> -> memref<10x128x32xf32, #tpu.memory_space<hbm>>
    %dma_wait3A_30 = arith.constant 0 : i32
    %dma_wait3A_31 = arith.constant 0 : i32
    %dma_wait3A_32 = arith.constant 0 : i32
    %dma_wait3A_33 = tpu.memref_slice %arg4[%dma_wait3A_30, %dma_wait3A_31, %dma_wait3A_32] : memref<6400x128x32xf32, #tpu.memory_space<hbm>> -> memref<10x128x32xf32, #tpu.memory_space<hbm>>
    %dma_wait3A_34 = arith.constant 0 : i32
    %dma_wait3A_35 = arith.constant 0 : i32
    %dma_wait3A_36 = arith.constant 0 : i32
    %dma_wait3A_37 = tpu.memref_slice %arg6[%dma_wait3A, %dma_wait3A_34, %dma_wait3A_35, %dma_wait3A_36] : memref<2x10x128x32xf32, #tpu.memory_space<vmem>> -> memref<1x10x128x32xf32, #tpu.memory_space<vmem>>
    %dma_wait3A_38 = tpu.memref_squeeze %dma_wait3A_37 : memref<1x10x128x32xf32, #tpu.memory_space<vmem>> -> memref<10x128x32xf32, #tpu.memory_space<vmem>>
    tpu.wait_dma2 semaphore(%arg10 : memref<!tpu.dma_semaphore, #tpu.memory_space<semaphore_mem>>) src(%dma_wait3A_38 : memref<10x128x32xf32, #tpu.memory_space<vmem>>) dst(%dma_wait3A_33 : memref<10x128x32xf32, #tpu.memory_space<hbm>>)
    %dma_wait3A_39 = arith.constant 1 : i32
    %dma_wait3A_40 = arith.constant 0 : i32
    %dma_wait3A_41 = arith.constant 0 : i32
    %dma_wait3A_42 = arith.constant 0 : i32
    %dma_wait3A_43 = tpu.memref_slice %arg6[%dma_wait3A_39, %dma_wait3A_40, %dma_wait3A_41, %dma_wait3A_42] : memref<2x10x128x32xf32, #tpu.memory_space<vmem>> -> memref<1x10x128x32xf32, #tpu.memory_space<vmem>>
    %dma_wait3A_44 = tpu.memref_squeeze %dma_wait3A_43 : memref<1x10x128x32xf32, #tpu.memory_space<vmem>> -> memref<10x128x32xf32, #tpu.memory_space<vmem>>
    %dma_wait3A_45 = arith.constant 0 : i32
    %dma_wait3A_46 = arith.constant 0 : i32
    %dma_wait3A_47 = arith.constant 0 : i32
    %dma_wait3A_48 = tpu.memref_slice %arg4[%dma_wait3A_45, %dma_wait3A_46, %dma_wait3A_47] : memref<6400x128x32xf32, #tpu.memory_space<hbm>> -> memref<10x128x32xf32, #tpu.memory_space<hbm>>
    %dma_wait3A_49 = arith.constant 0 : i32
    %dma_wait3A_50 = arith.constant 0 : i32
    %dma_wait3A_51 = arith.constant 0 : i32
    %dma_wait3A_52 = tpu.memref_slice %arg4[%dma_wait3A_49, %dma_wait3A_50, %dma_wait3A_51] : memref<6400x128x32xf32, #tpu.memory_space<hbm>> -> memref<10x128x32xf32, #tpu.memory_space<hbm>>
    %dma_wait3A_53 = arith.constant 0 : i32
    %dma_wait3A_54 = arith.constant 0 : i32
    %dma_wait3A_55 = arith.constant 0 : i32
    %dma_wait3A_56 = tpu.memref_slice %arg6[%dma_wait3A_39, %dma_wait3A_53, %dma_wait3A_54, %dma_wait3A_55] : memref<2x10x128x32xf32, #tpu.memory_space<vmem>> -> memref<1x10x128x32xf32, #tpu.memory_space<vmem>>
    %dma_wait3A_57 = tpu.memref_squeeze %dma_wait3A_56 : memref<1x10x128x32xf32, #tpu.memory_space<vmem>> -> memref<10x128x32xf32, #tpu.memory_space<vmem>>
    tpu.wait_dma2 semaphore(%arg11 : memref<!tpu.dma_semaphore, #tpu.memory_space<semaphore_mem>>) src(%dma_wait3A_57 : memref<10x128x32xf32, #tpu.memory_space<vmem>>) dst(%dma_wait3A_52 : memref<10x128x32xf32, #tpu.memory_space<hbm>>)
    return
  }
}

#map = affine_map<(d0, d1) -> (0, 0, 0, 0)>
#map1 = affine_map<(d0, d1) -> (0, 0)>
#map2 = affine_map<(d0, d1) -> (0, 0, 0)>
module attributes {stable_mosaic.version = 14 : i64} {
  func.func @_scatter_body(%arg0: i32, %arg1: i32, %arg2: memref<2x6400x128x32xf32, #tpu.memory_space<hbm>>, %arg3: memref<6400x128xi32, #tpu.memory_space<hbm>>, %arg4: memref<50176x32xf32, #tpu.memory_space<hbm>>, %arg5: memref<2x50176x32xf32, #tpu.memory_space<hbm>>, %arg6: memref<2x2x128xi32, #tpu.memory_space<vmem>>, %arg7: memref<2x2x128x32xf32, #tpu.memory_space<vmem>>, %arg8: memref<50176x32xf32, #tpu.memory_space<vmem_shared>>, %arg9: memref<!tpu.dma_semaphore, #tpu.memory_space<semaphore_mem>>, %arg10: memref<!tpu.dma_semaphore, #tpu.memory_space<semaphore_mem>>, %arg11: memref<!tpu.dma_semaphore, #tpu.memory_space<semaphore_mem>>, %arg12: memref<!tpu.dma_semaphore, #tpu.memory_space<semaphore_mem>>) attributes {dimension_semantics = [#tpu.dimension_semantics<core_parallel>, #tpu.dimension_semantics<subcore_parallel>], iteration_bounds = array<i64: 2, 16>, scalar_prefetch = 0 : i64, scratch_operands = 7 : i64, tpu.core_type = #tpu.core_type<sc_vector_subcore>, window_params = [{transform_indices = #map}, {transform_indices = #map1}, {transform_indices = #map1}, {transform_indices = #map2}]} {
    %mul3A = arith.constant 3136 : i32
    %mul3A_0 = arith.muli %arg1, %mul3A : i32
    "tpu.region"() ({
      %run_scoped3A = tpu.sem_alloc : memref<!tpu.dma_semaphore, #tpu.memory_space<semaphore_mem>>
      %dma_start3A_41 = arith.constant 0 : i32
      %dma_start3A_42 = tpu.memref_slice %arg8[%mul3A_0, %dma_start3A_41] : memref<50176x32xf32, #tpu.memory_space<vmem_shared>> -> memref<3136x32xf32, #tpu.memory_space<vmem_shared>>
      %dma_start3A_43 = arith.constant 0 : i32
      %dma_start3A_44 = tpu.memref_slice %arg4[%mul3A_0, %dma_start3A_43] : memref<50176x32xf32, #tpu.memory_space<hbm>> -> memref<3136x32xf32, #tpu.memory_space<hbm>>
      tpu.enqueue_dma source(%dma_start3A_44 : memref<3136x32xf32, #tpu.memory_space<hbm>>) target(%dma_start3A_42 : memref<3136x32xf32, #tpu.memory_space<vmem_shared>>) target_semaphore(%run_scoped3A : memref<!tpu.dma_semaphore, #tpu.memory_space<semaphore_mem>>)
      %dma_wait3A = arith.constant 0 : i32
      %dma_wait3A_45 = tpu.memref_slice %arg8[%mul3A_0, %dma_wait3A] : memref<50176x32xf32, #tpu.memory_space<vmem_shared>> -> memref<3136x32xf32, #tpu.memory_space<vmem_shared>>
      %dma_wait3A_46 = arith.constant 0 : i32
      %dma_wait3A_47 = tpu.memref_slice %arg4[%mul3A_0, %dma_wait3A_46] : memref<50176x32xf32, #tpu.memory_space<hbm>> -> memref<3136x32xf32, #tpu.memory_space<hbm>>
      tpu.wait_dma2 semaphore(%run_scoped3A : memref<!tpu.dma_semaphore, #tpu.memory_space<semaphore_mem>>) src(%dma_wait3A_47 : memref<3136x32xf32, #tpu.memory_space<hbm>>) dst(%dma_wait3A_45 : memref<3136x32xf32, #tpu.memory_space<vmem_shared>>)
      tpu.yield
    }) : () -> ()
    %barrier3A = arith.constant 0 : index
    tpu.barrier barrier_id(%barrier3A)
    %mul3A_1 = arith.constant 400 : i32
    %mul3A_2 = arith.muli %arg1, %mul3A_1 : i32
    %dma_start3A = arith.constant 0 : i32
    %dma_start3A_3 = arith.constant 0 : i32
    %dma_start3A_4 = arith.constant 0 : i32
    %dma_start3A_5 = tpu.memref_slice %arg6[%dma_start3A, %dma_start3A_3, %dma_start3A_4] : memref<2x2x128xi32, #tpu.memory_space<vmem>> -> memref<1x2x128xi32, #tpu.memory_space<vmem>>
    %dma_start3A_6 = tpu.memref_squeeze %dma_start3A_5 : memref<1x2x128xi32, #tpu.memory_space<vmem>> -> memref<2x128xi32, #tpu.memory_space<vmem>>
    %dma_start3A_7 = arith.constant 0 : i32
    %dma_start3A_8 = tpu.memref_slice %arg3[%mul3A_2, %dma_start3A_7] : memref<6400x128xi32, #tpu.memory_space<hbm>> -> memref<2x128xi32, #tpu.memory_space<hbm>>
    %dma_start3A_9 = arith.constant 0 : i32
    %dma_start3A_10 = arith.constant 0 : i32
    %dma_start3A_11 = tpu.memref_slice %arg6[%dma_start3A, %dma_start3A_9, %dma_start3A_10] : memref<2x2x128xi32, #tpu.memory_space<vmem>> -> memref<1x2x128xi32, #tpu.memory_space<vmem>>
    %dma_start3A_12 = tpu.memref_squeeze %dma_start3A_11 : memref<1x2x128xi32, #tpu.memory_space<vmem>> -> memref<2x128xi32, #tpu.memory_space<vmem>>
    %dma_start3A_13 = arith.constant 0 : i32
    %dma_start3A_14 = tpu.memref_slice %arg3[%mul3A_2, %dma_start3A_13] : memref<6400x128xi32, #tpu.memory_space<hbm>> -> memref<2x128xi32, #tpu.memory_space<hbm>>
    tpu.enqueue_dma source(%dma_start3A_14 : memref<2x128xi32, #tpu.memory_space<hbm>>) target(%dma_start3A_12 : memref<2x128xi32, #tpu.memory_space<vmem>>) target_semaphore(%arg9 : memref<!tpu.dma_semaphore, #tpu.memory_space<semaphore_mem>>)
    %dma_start3A_15 = arith.constant 0 : i32
    %dma_start3A_16 = arith.constant 0 : i32
    %dma_start3A_17 = arith.constant 0 : i32
    %dma_start3A_18 = arith.constant 0 : i32
    %dma_start3A_19 = tpu.memref_slice %arg7[%dma_start3A_15, %dma_start3A_16, %dma_start3A_17, %dma_start3A_18] : memref<2x2x128x32xf32, #tpu.memory_space<vmem>> -> memref<1x2x128x32xf32, #tpu.memory_space<vmem>>
    %dma_start3A_20 = tpu.memref_squeeze %dma_start3A_19 : memref<1x2x128x32xf32, #tpu.memory_space<vmem>> -> memref<2x128x32xf32, #tpu.memory_space<vmem>>
    %dma_start3A_21 = arith.constant 0 : i32
    %dma_start3A_22 = arith.constant 0 : i32
    %dma_start3A_23 = tpu.memref_slice %arg2[%arg0, %mul3A_2, %dma_start3A_21, %dma_start3A_22] : memref<2x6400x128x32xf32, #tpu.memory_space<hbm>> -> memref<1x2x128x32xf32, #tpu.memory_space<hbm>>
    %dma_start3A_24 = tpu.memref_squeeze %dma_start3A_23 : memref<1x2x128x32xf32, #tpu.memory_space<hbm>> -> memref<2x128x32xf32, #tpu.memory_space<hbm>>
    %dma_start3A_25 = arith.constant 0 : i32
    %dma_start3A_26 = arith.constant 0 : i32
    %dma_start3A_27 = arith.constant 0 : i32
    %dma_start3A_28 = tpu.memref_slice %arg7[%dma_start3A_15, %dma_start3A_25, %dma_start3A_26, %dma_start3A_27] : memref<2x2x128x32xf32, #tpu.memory_space<vmem>> -> memref<1x2x128x32xf32, #tpu.memory_space<vmem>>
    %dma_start3A_29 = tpu.memref_squeeze %dma_start3A_28 : memref<1x2x128x32xf32, #tpu.memory_space<vmem>> -> memref<2x128x32xf32, #tpu.memory_space<vmem>>
    %dma_start3A_30 = arith.constant 0 : i32
    %dma_start3A_31 = arith.constant 0 : i32
    %dma_start3A_32 = tpu.memref_slice %arg2[%arg0, %mul3A_2, %dma_start3A_30, %dma_start3A_31] : memref<2x6400x128x32xf32, #tpu.memory_space<hbm>> -> memref<1x2x128x32xf32, #tpu.memory_space<hbm>>
    %dma_start3A_33 = tpu.memref_squeeze %dma_start3A_32 : memref<1x2x128x32xf32, #tpu.memory_space<hbm>> -> memref<2x128x32xf32, #tpu.memory_space<hbm>>
    tpu.enqueue_dma source(%dma_start3A_33 : memref<2x128x32xf32, #tpu.memory_space<hbm>>) target(%dma_start3A_29 : memref<2x128x32xf32, #tpu.memory_space<vmem>>) target_semaphore(%arg11 : memref<!tpu.dma_semaphore, #tpu.memory_space<semaphore_mem>>)
    %scan3A = arith.constant 0 : i32
    %scan3A_34 = arith.constant 0 : i32
    %scan3A_35 = arith.constant 100 : i32
    %scan3A_36 = arith.addi %scan3A_34, %scan3A_35 : i32
    %scan3A_37 = arith.constant 1 : i32
    %scan3A_38 = scf.for %scan3A_41 = %scan3A_34 to %scan3A_36 step %scan3A_37 iter_args(%scan3A_42 = %scan3A) -> (i32)  : i32 {
      %mul3A_43 = arith.constant 2 : i32
      %mul3A_44 = arith.muli %scan3A_41, %mul3A_43 : i32
      %add3A = arith.constant 0 : i32
      %add3A_45 = arith.addi %mul3A_44, %add3A : i32
      %mul3A_46 = arith.constant 2 : i32
      %mul3A_47 = arith.muli %add3A_45, %mul3A_46 : i32
      %add3A_48 = arith.addi %mul3A_2, %mul3A_47 : i32
      %dma_wait3A = arith.constant 0 : i32
      %dma_wait3A_49 = arith.constant 0 : i32
      %dma_wait3A_50 = arith.constant 0 : i32
      %dma_wait3A_51 = tpu.memref_slice %arg6[%dma_wait3A, %dma_wait3A_49, %dma_wait3A_50] : memref<2x2x128xi32, #tpu.memory_space<vmem>> -> memref<1x2x128xi32, #tpu.memory_space<vmem>>
      %dma_wait3A_52 = tpu.memref_squeeze %dma_wait3A_51 : memref<1x2x128xi32, #tpu.memory_space<vmem>> -> memref<2x128xi32, #tpu.memory_space<vmem>>
      %dma_wait3A_53 = arith.constant 0 : i32
      %dma_wait3A_54 = arith.constant 0 : i32
      %dma_wait3A_55 = tpu.memref_slice %arg3[%dma_wait3A_53, %dma_wait3A_54] : memref<6400x128xi32, #tpu.memory_space<hbm>> -> memref<2x128xi32, #tpu.memory_space<hbm>>
      %dma_wait3A_56 = arith.constant 0 : i32
      %dma_wait3A_57 = arith.constant 0 : i32
      %dma_wait3A_58 = tpu.memref_slice %arg6[%dma_wait3A, %dma_wait3A_56, %dma_wait3A_57] : memref<2x2x128xi32, #tpu.memory_space<vmem>> -> memref<1x2x128xi32, #tpu.memory_space<vmem>>
      %dma_wait3A_59 = tpu.memref_squeeze %dma_wait3A_58 : memref<1x2x128xi32, #tpu.memory_space<vmem>> -> memref<2x128xi32, #tpu.memory_space<vmem>>
      %dma_wait3A_60 = arith.constant 0 : i32
      %dma_wait3A_61 = arith.constant 0 : i32
      %dma_wait3A_62 = tpu.memref_slice %arg3[%dma_wait3A_60, %dma_wait3A_61] : memref<6400x128xi32, #tpu.memory_space<hbm>> -> memref<2x128xi32, #tpu.memory_space<hbm>>
      tpu.wait_dma2 semaphore(%arg9 : memref<!tpu.dma_semaphore, #tpu.memory_space<semaphore_mem>>) src(%dma_wait3A_62 : memref<2x128xi32, #tpu.memory_space<hbm>>) dst(%dma_wait3A_59 : memref<2x128xi32, #tpu.memory_space<vmem>>)
      %dma_wait3A_63 = arith.constant 0 : i32
      %dma_wait3A_64 = arith.constant 0 : i32
      %dma_wait3A_65 = arith.constant 0 : i32
      %dma_wait3A_66 = arith.constant 0 : i32
      %dma_wait3A_67 = tpu.memref_slice %arg7[%dma_wait3A_63, %dma_wait3A_64, %dma_wait3A_65, %dma_wait3A_66] : memref<2x2x128x32xf32, #tpu.memory_space<vmem>> -> memref<1x2x128x32xf32, #tpu.memory_space<vmem>>
      %dma_wait3A_68 = tpu.memref_squeeze %dma_wait3A_67 : memref<1x2x128x32xf32, #tpu.memory_space<vmem>> -> memref<2x128x32xf32, #tpu.memory_space<vmem>>
      %dma_wait3A_69 = arith.constant 0 : i32
      %dma_wait3A_70 = arith.constant 0 : i32
      %dma_wait3A_71 = arith.constant 0 : i32
      %dma_wait3A_72 = tpu.memref_slice %arg2[%arg0, %dma_wait3A_69, %dma_wait3A_70, %dma_wait3A_71] : memref<2x6400x128x32xf32, #tpu.memory_space<hbm>> -> memref<1x2x128x32xf32, #tpu.memory_space<hbm>>
      %dma_wait3A_73 = tpu.memref_squeeze %dma_wait3A_72 : memref<1x2x128x32xf32, #tpu.memory_space<hbm>> -> memref<2x128x32xf32, #tpu.memory_space<hbm>>
      %dma_wait3A_74 = arith.constant 0 : i32
      %dma_wait3A_75 = arith.constant 0 : i32
      %dma_wait3A_76 = arith.constant 0 : i32
      %dma_wait3A_77 = tpu.memref_slice %arg7[%dma_wait3A_63, %dma_wait3A_74, %dma_wait3A_75, %dma_wait3A_76] : memref<2x2x128x32xf32, #tpu.memory_space<vmem>> -> memref<1x2x128x32xf32, #tpu.memory_space<vmem>>
      %dma_wait3A_78 = tpu.memref_squeeze %dma_wait3A_77 : memref<1x2x128x32xf32, #tpu.memory_space<vmem>> -> memref<2x128x32xf32, #tpu.memory_space<vmem>>
      %dma_wait3A_79 = arith.constant 0 : i32
      %dma_wait3A_80 = arith.constant 0 : i32
      %dma_wait3A_81 = arith.constant 0 : i32
      %dma_wait3A_82 = tpu.memref_slice %arg2[%arg0, %dma_wait3A_79, %dma_wait3A_80, %dma_wait3A_81] : memref<2x6400x128x32xf32, #tpu.memory_space<hbm>> -> memref<1x2x128x32xf32, #tpu.memory_space<hbm>>
      %dma_wait3A_83 = tpu.memref_squeeze %dma_wait3A_82 : memref<1x2x128x32xf32, #tpu.memory_space<hbm>> -> memref<2x128x32xf32, #tpu.memory_space<hbm>>
      tpu.wait_dma2 semaphore(%arg11 : memref<!tpu.dma_semaphore, #tpu.memory_space<semaphore_mem>>) src(%dma_wait3A_83 : memref<2x128x32xf32, #tpu.memory_space<hbm>>) dst(%dma_wait3A_78 : memref<2x128x32xf32, #tpu.memory_space<vmem>>)
      %add3A_84 = arith.constant 1 : i32
      %add3A_85 = arith.addi %add3A_45, %add3A_84 : i32
      %lt3A = arith.constant 200 : i32
      %lt3A_86 = arith.cmpi slt, %add3A_85, %lt3A : i32
      %convert_element_type3A = arith.extui %lt3A_86 : i1 to i32
      %cond3A = arith.constant 0 : i32
      %cond3A_87 = arith.cmpi ne, %convert_element_type3A, %cond3A : i32
      scf.if %cond3A_87 {
        %add3A_154 = arith.constant 2 : i32
        %add3A_155 = arith.addi %add3A_48, %add3A_154 : i32
        %dma_start3A_156 = arith.constant 1 : i32
        %dma_start3A_157 = arith.constant 0 : i32
        %dma_start3A_158 = arith.constant 0 : i32
        %dma_start3A_159 = tpu.memref_slice %arg6[%dma_start3A_156, %dma_start3A_157, %dma_start3A_158] : memref<2x2x128xi32, #tpu.memory_space<vmem>> -> memref<1x2x128xi32, #tpu.memory_space<vmem>>
        %dma_start3A_160 = tpu.memref_squeeze %dma_start3A_159 : memref<1x2x128xi32, #tpu.memory_space<vmem>> -> memref<2x128xi32, #tpu.memory_space<vmem>>
        %dma_start3A_161 = arith.constant 0 : i32
        %dma_start3A_162 = tpu.memref_slice %arg3[%add3A_155, %dma_start3A_161] : memref<6400x128xi32, #tpu.memory_space<hbm>> -> memref<2x128xi32, #tpu.memory_space<hbm>>
        %dma_start3A_163 = arith.constant 0 : i32
        %dma_start3A_164 = arith.constant 0 : i32
        %dma_start3A_165 = tpu.memref_slice %arg6[%dma_start3A_156, %dma_start3A_163, %dma_start3A_164] : memref<2x2x128xi32, #tpu.memory_space<vmem>> -> memref<1x2x128xi32, #tpu.memory_space<vmem>>
        %dma_start3A_166 = tpu.memref_squeeze %dma_start3A_165 : memref<1x2x128xi32, #tpu.memory_space<vmem>> -> memref<2x128xi32, #tpu.memory_space<vmem>>
        %dma_start3A_167 = arith.constant 0 : i32
        %dma_start3A_168 = tpu.memref_slice %arg3[%add3A_155, %dma_start3A_167] : memref<6400x128xi32, #tpu.memory_space<hbm>> -> memref<2x128xi32, #tpu.memory_space<hbm>>
        tpu.enqueue_dma source(%dma_start3A_168 : memref<2x128xi32, #tpu.memory_space<hbm>>) target(%dma_start3A_166 : memref<2x128xi32, #tpu.memory_space<vmem>>) target_semaphore(%arg10 : memref<!tpu.dma_semaphore, #tpu.memory_space<semaphore_mem>>)
        %add3A_169 = arith.constant 2 : i32
        %add3A_170 = arith.addi %add3A_48, %add3A_169 : i32
        %dma_start3A_171 = arith.constant 1 : i32
        %dma_start3A_172 = arith.constant 0 : i32
        %dma_start3A_173 = arith.constant 0 : i32
        %dma_start3A_174 = arith.constant 0 : i32
        %dma_start3A_175 = tpu.memref_slice %arg7[%dma_start3A_171, %dma_start3A_172, %dma_start3A_173, %dma_start3A_174] : memref<2x2x128x32xf32, #tpu.memory_space<vmem>> -> memref<1x2x128x32xf32, #tpu.memory_space<vmem>>
        %dma_start3A_176 = tpu.memref_squeeze %dma_start3A_175 : memref<1x2x128x32xf32, #tpu.memory_space<vmem>> -> memref<2x128x32xf32, #tpu.memory_space<vmem>>
        %dma_start3A_177 = arith.constant 0 : i32
        %dma_start3A_178 = arith.constant 0 : i32
        %dma_start3A_179 = tpu.memref_slice %arg2[%arg0, %add3A_170, %dma_start3A_177, %dma_start3A_178] : memref<2x6400x128x32xf32, #tpu.memory_space<hbm>> -> memref<1x2x128x32xf32, #tpu.memory_space<hbm>>
        %dma_start3A_180 = tpu.memref_squeeze %dma_start3A_179 : memref<1x2x128x32xf32, #tpu.memory_space<hbm>> -> memref<2x128x32xf32, #tpu.memory_space<hbm>>
        %dma_start3A_181 = arith.constant 0 : i32
        %dma_start3A_182 = arith.constant 0 : i32
        %dma_start3A_183 = arith.constant 0 : i32
        %dma_start3A_184 = tpu.memref_slice %arg7[%dma_start3A_171, %dma_start3A_181, %dma_start3A_182, %dma_start3A_183] : memref<2x2x128x32xf32, #tpu.memory_space<vmem>> -> memref<1x2x128x32xf32, #tpu.memory_space<vmem>>
        %dma_start3A_185 = tpu.memref_squeeze %dma_start3A_184 : memref<1x2x128x32xf32, #tpu.memory_space<vmem>> -> memref<2x128x32xf32, #tpu.memory_space<vmem>>
        %dma_start3A_186 = arith.constant 0 : i32
        %dma_start3A_187 = arith.constant 0 : i32
        %dma_start3A_188 = tpu.memref_slice %arg2[%arg0, %add3A_170, %dma_start3A_186, %dma_start3A_187] : memref<2x6400x128x32xf32, #tpu.memory_space<hbm>> -> memref<1x2x128x32xf32, #tpu.memory_space<hbm>>
        %dma_start3A_189 = tpu.memref_squeeze %dma_start3A_188 : memref<1x2x128x32xf32, #tpu.memory_space<hbm>> -> memref<2x128x32xf32, #tpu.memory_space<hbm>>
        tpu.enqueue_dma source(%dma_start3A_189 : memref<2x128x32xf32, #tpu.memory_space<hbm>>) target(%dma_start3A_185 : memref<2x128x32xf32, #tpu.memory_space<vmem>>) target_semaphore(%arg12 : memref<!tpu.dma_semaphore, #tpu.memory_space<semaphore_mem>>)
      } else {
      }
      %run_scoped3A = arith.constant 0 : i32
      %run_scoped3A_88 = arith.constant 0 : i32
      %run_scoped3A_89 = arith.constant 0 : i32
      %run_scoped3A_90 = arith.constant 0 : i32
      "tpu.region"() ({
        %run_scoped3A_154 = tpu.sem_alloc : memref<!tpu.dma_semaphore, #tpu.memory_space<semaphore_mem>>
        %dma_start3A_155 = arith.constant 0 : i32
        %dma_start3A_156 = arith.constant 0 : i32
        %dma_start3A_157 = tpu.memref_slice %arg7[%run_scoped3A, %run_scoped3A_88, %dma_start3A_155, %dma_start3A_156] : memref<2x2x128x32xf32, #tpu.memory_space<vmem>> -> memref<1x1x128x32xf32, #tpu.memory_space<vmem>>
        %dma_start3A_158 = tpu.memref_squeeze %dma_start3A_157 : memref<1x1x128x32xf32, #tpu.memory_space<vmem>> -> memref<128x32xf32, #tpu.memory_space<vmem>>
        %dma_start3A_159 = arith.constant 0 : i32
        %dma_start3A_160 = tpu.memref_slice %arg6[%run_scoped3A_89, %run_scoped3A_90, %dma_start3A_159] : memref<2x2x128xi32, #tpu.memory_space<vmem>> -> memref<1x1x128xi32, #tpu.memory_space<vmem>>
        %dma_start3A_161 = tpu.memref_squeeze %dma_start3A_160 : memref<1x1x128xi32, #tpu.memory_space<vmem>> -> memref<128xi32, #tpu.memory_space<vmem>>
        %dma_start3A_162 = arith.constant 0 : i32
        %dma_start3A_163 = arith.constant 0 : i32
        %dma_start3A_164 = tpu.memref_slice %arg8[%dma_start3A_162, %dma_start3A_163] : memref<50176x32xf32, #tpu.memory_space<vmem_shared>> -> memref<50176x32xf32, #tpu.memory_space<vmem_shared>>
        tpu.enqueue_indirect_dma source(%dma_start3A_158 : memref<128x32xf32, #tpu.memory_space<vmem>>) target(%dma_start3A_164 : memref<50176x32xf32, #tpu.memory_space<vmem_shared>>) offsets(%dma_start3A_161 : memref<128xi32, #tpu.memory_space<vmem>>) semaphore(%run_scoped3A_154 : memref<!tpu.dma_semaphore, #tpu.memory_space<semaphore_mem>>) {add = true}
        %dma_wait3A_165 = arith.constant 0 : i32
        %dma_wait3A_166 = arith.constant 0 : i32
        %dma_wait3A_167 = tpu.memref_slice %arg7[%run_scoped3A, %run_scoped3A_88, %dma_wait3A_165, %dma_wait3A_166] : memref<2x2x128x32xf32, #tpu.memory_space<vmem>> -> memref<1x1x128x32xf32, #tpu.memory_space<vmem>>
        %dma_wait3A_168 = tpu.memref_squeeze %dma_wait3A_167 : memref<1x1x128x32xf32, #tpu.memory_space<vmem>> -> memref<128x32xf32, #tpu.memory_space<vmem>>
        %dma_wait3A_169 = arith.constant 0 : i32
        %dma_wait3A_170 = tpu.memref_slice %arg6[%run_scoped3A_89, %run_scoped3A_90, %dma_wait3A_169] : memref<2x2x128xi32, #tpu.memory_space<vmem>> -> memref<1x1x128xi32, #tpu.memory_space<vmem>>
        %dma_wait3A_171 = tpu.memref_squeeze %dma_wait3A_170 : memref<1x1x128xi32, #tpu.memory_space<vmem>> -> memref<128xi32, #tpu.memory_space<vmem>>
        %dma_wait3A_172 = arith.constant 0 : i32
        %dma_wait3A_173 = arith.constant 0 : i32
        %dma_wait3A_174 = tpu.memref_slice %arg8[%dma_wait3A_172, %dma_wait3A_173] : memref<50176x32xf32, #tpu.memory_space<vmem_shared>> -> memref<50176x32xf32, #tpu.memory_space<vmem_shared>>
        tpu.wait_indirect_dma semaphore(%run_scoped3A_154 : memref<!tpu.dma_semaphore, #tpu.memory_space<semaphore_mem>>) src(%dma_wait3A_168 : memref<128x32xf32, #tpu.memory_space<vmem>>) dst(%dma_wait3A_174 : memref<50176x32xf32, #tpu.memory_space<vmem_shared>>)
        tpu.yield
      }) : () -> ()
      %run_scoped3A_91 = arith.constant 0 : i32
      %run_scoped3A_92 = arith.constant 1 : i32
      %run_scoped3A_93 = arith.constant 0 : i32
      %run_scoped3A_94 = arith.constant 1 : i32
      "tpu.region"() ({
        %run_scoped3A_154 = tpu.sem_alloc : memref<!tpu.dma_semaphore, #tpu.memory_space<semaphore_mem>>
        %dma_start3A_155 = arith.constant 0 : i32
        %dma_start3A_156 = arith.constant 0 : i32
        %dma_start3A_157 = tpu.memref_slice %arg7[%run_scoped3A_91, %run_scoped3A_92, %dma_start3A_155, %dma_start3A_156] : memref<2x2x128x32xf32, #tpu.memory_space<vmem>> -> memref<1x1x128x32xf32, #tpu.memory_space<vmem>>
        %dma_start3A_158 = tpu.memref_squeeze %dma_start3A_157 : memref<1x1x128x32xf32, #tpu.memory_space<vmem>> -> memref<128x32xf32, #tpu.memory_space<vmem>>
        %dma_start3A_159 = arith.constant 0 : i32
        %dma_start3A_160 = tpu.memref_slice %arg6[%run_scoped3A_93, %run_scoped3A_94, %dma_start3A_159] : memref<2x2x128xi32, #tpu.memory_space<vmem>> -> memref<1x1x128xi32, #tpu.memory_space<vmem>>
        %dma_start3A_161 = tpu.memref_squeeze %dma_start3A_160 : memref<1x1x128xi32, #tpu.memory_space<vmem>> -> memref<128xi32, #tpu.memory_space<vmem>>
        %dma_start3A_162 = arith.constant 0 : i32
        %dma_start3A_163 = arith.constant 0 : i32
        %dma_start3A_164 = tpu.memref_slice %arg8[%dma_start3A_162, %dma_start3A_163] : memref<50176x32xf32, #tpu.memory_space<vmem_shared>> -> memref<50176x32xf32, #tpu.memory_space<vmem_shared>>
        tpu.enqueue_indirect_dma source(%dma_start3A_158 : memref<128x32xf32, #tpu.memory_space<vmem>>) target(%dma_start3A_164 : memref<50176x32xf32, #tpu.memory_space<vmem_shared>>) offsets(%dma_start3A_161 : memref<128xi32, #tpu.memory_space<vmem>>) semaphore(%run_scoped3A_154 : memref<!tpu.dma_semaphore, #tpu.memory_space<semaphore_mem>>) {add = true}
        %dma_wait3A_165 = arith.constant 0 : i32
        %dma_wait3A_166 = arith.constant 0 : i32
        %dma_wait3A_167 = tpu.memref_slice %arg7[%run_scoped3A_91, %run_scoped3A_92, %dma_wait3A_165, %dma_wait3A_166] : memref<2x2x128x32xf32, #tpu.memory_space<vmem>> -> memref<1x1x128x32xf32, #tpu.memory_space<vmem>>
        %dma_wait3A_168 = tpu.memref_squeeze %dma_wait3A_167 : memref<1x1x128x32xf32, #tpu.memory_space<vmem>> -> memref<128x32xf32, #tpu.memory_space<vmem>>
        %dma_wait3A_169 = arith.constant 0 : i32
        %dma_wait3A_170 = tpu.memref_slice %arg6[%run_scoped3A_93, %run_scoped3A_94, %dma_wait3A_169] : memref<2x2x128xi32, #tpu.memory_space<vmem>> -> memref<1x1x128xi32, #tpu.memory_space<vmem>>
        %dma_wait3A_171 = tpu.memref_squeeze %dma_wait3A_170 : memref<1x1x128xi32, #tpu.memory_space<vmem>> -> memref<128xi32, #tpu.memory_space<vmem>>
        %dma_wait3A_172 = arith.constant 0 : i32
        %dma_wait3A_173 = arith.constant 0 : i32
        %dma_wait3A_174 = tpu.memref_slice %arg8[%dma_wait3A_172, %dma_wait3A_173] : memref<50176x32xf32, #tpu.memory_space<vmem_shared>> -> memref<50176x32xf32, #tpu.memory_space<vmem_shared>>
        tpu.wait_indirect_dma semaphore(%run_scoped3A_154 : memref<!tpu.dma_semaphore, #tpu.memory_space<semaphore_mem>>) src(%dma_wait3A_168 : memref<128x32xf32, #tpu.memory_space<vmem>>) dst(%dma_wait3A_174 : memref<50176x32xf32, #tpu.memory_space<vmem_shared>>)
        tpu.yield
      }) : () -> ()
      %mul3A_95 = arith.constant 2 : i32
      %mul3A_96 = arith.muli %scan3A_41, %mul3A_95 : i32
      %add3A_97 = arith.constant 1 : i32
      %add3A_98 = arith.addi %mul3A_96, %add3A_97 : i32
      %mul3A_99 = arith.constant 2 : i32
      %mul3A_100 = arith.muli %add3A_98, %mul3A_99 : i32
      %add3A_101 = arith.addi %mul3A_2, %mul3A_100 : i32
      %dma_wait3A_102 = arith.constant 1 : i32
      %dma_wait3A_103 = arith.constant 0 : i32
      %dma_wait3A_104 = arith.constant 0 : i32
      %dma_wait3A_105 = tpu.memref_slice %arg6[%dma_wait3A_102, %dma_wait3A_103, %dma_wait3A_104] : memref<2x2x128xi32, #tpu.memory_space<vmem>> -> memref<1x2x128xi32, #tpu.memory_space<vmem>>
      %dma_wait3A_106 = tpu.memref_squeeze %dma_wait3A_105 : memref<1x2x128xi32, #tpu.memory_space<vmem>> -> memref<2x128xi32, #tpu.memory_space<vmem>>
      %dma_wait3A_107 = arith.constant 0 : i32
      %dma_wait3A_108 = arith.constant 0 : i32
      %dma_wait3A_109 = tpu.memref_slice %arg3[%dma_wait3A_107, %dma_wait3A_108] : memref<6400x128xi32, #tpu.memory_space<hbm>> -> memref<2x128xi32, #tpu.memory_space<hbm>>
      %dma_wait3A_110 = arith.constant 0 : i32
      %dma_wait3A_111 = arith.constant 0 : i32
      %dma_wait3A_112 = tpu.memref_slice %arg6[%dma_wait3A_102, %dma_wait3A_110, %dma_wait3A_111] : memref<2x2x128xi32, #tpu.memory_space<vmem>> -> memref<1x2x128xi32, #tpu.memory_space<vmem>>
      %dma_wait3A_113 = tpu.memref_squeeze %dma_wait3A_112 : memref<1x2x128xi32, #tpu.memory_space<vmem>> -> memref<2x128xi32, #tpu.memory_space<vmem>>
      %dma_wait3A_114 = arith.constant 0 : i32
      %dma_wait3A_115 = arith.constant 0 : i32
      %dma_wait3A_116 = tpu.memref_slice %arg3[%dma_wait3A_114, %dma_wait3A_115] : memref<6400x128xi32, #tpu.memory_space<hbm>> -> memref<2x128xi32, #tpu.memory_space<hbm>>
      tpu.wait_dma2 semaphore(%arg10 : memref<!tpu.dma_semaphore, #tpu.memory_space<semaphore_mem>>) src(%dma_wait3A_116 : memref<2x128xi32, #tpu.memory_space<hbm>>) dst(%dma_wait3A_113 : memref<2x128xi32, #tpu.memory_space<vmem>>)
      %dma_wait3A_117 = arith.constant 1 : i32
      %dma_wait3A_118 = arith.constant 0 : i32
      %dma_wait3A_119 = arith.constant 0 : i32
      %dma_wait3A_120 = arith.constant 0 : i32
      %dma_wait3A_121 = tpu.memref_slice %arg7[%dma_wait3A_117, %dma_wait3A_118, %dma_wait3A_119, %dma_wait3A_120] : memref<2x2x128x32xf32, #tpu.memory_space<vmem>> -> memref<1x2x128x32xf32, #tpu.memory_space<vmem>>
      %dma_wait3A_122 = tpu.memref_squeeze %dma_wait3A_121 : memref<1x2x128x32xf32, #tpu.memory_space<vmem>> -> memref<2x128x32xf32, #tpu.memory_space<vmem>>
      %dma_wait3A_123 = arith.constant 0 : i32
      %dma_wait3A_124 = arith.constant 0 : i32
      %dma_wait3A_125 = arith.constant 0 : i32
      %dma_wait3A_126 = tpu.memref_slice %arg2[%arg0, %dma_wait3A_123, %dma_wait3A_124, %dma_wait3A_125] : memref<2x6400x128x32xf32, #tpu.memory_space<hbm>> -> memref<1x2x128x32xf32, #tpu.memory_space<hbm>>
      %dma_wait3A_127 = tpu.memref_squeeze %dma_wait3A_126 : memref<1x2x128x32xf32, #tpu.memory_space<hbm>> -> memref<2x128x32xf32, #tpu.memory_space<hbm>>
      %dma_wait3A_128 = arith.constant 0 : i32
      %dma_wait3A_129 = arith.constant 0 : i32
      %dma_wait3A_130 = arith.constant 0 : i32
      %dma_wait3A_131 = tpu.memref_slice %arg7[%dma_wait3A_117, %dma_wait3A_128, %dma_wait3A_129, %dma_wait3A_130] : memref<2x2x128x32xf32, #tpu.memory_space<vmem>> -> memref<1x2x128x32xf32, #tpu.memory_space<vmem>>
      %dma_wait3A_132 = tpu.memref_squeeze %dma_wait3A_131 : memref<1x2x128x32xf32, #tpu.memory_space<vmem>> -> memref<2x128x32xf32, #tpu.memory_space<vmem>>
      %dma_wait3A_133 = arith.constant 0 : i32
      %dma_wait3A_134 = arith.constant 0 : i32
      %dma_wait3A_135 = arith.constant 0 : i32
      %dma_wait3A_136 = tpu.memref_slice %arg2[%arg0, %dma_wait3A_133, %dma_wait3A_134, %dma_wait3A_135] : memref<2x6400x128x32xf32, #tpu.memory_space<hbm>> -> memref<1x2x128x32xf32, #tpu.memory_space<hbm>>
      %dma_wait3A_137 = tpu.memref_squeeze %dma_wait3A_136 : memref<1x2x128x32xf32, #tpu.memory_space<hbm>> -> memref<2x128x32xf32, #tpu.memory_space<hbm>>
      tpu.wait_dma2 semaphore(%arg12 : memref<!tpu.dma_semaphore, #tpu.memory_space<semaphore_mem>>) src(%dma_wait3A_137 : memref<2x128x32xf32, #tpu.memory_space<hbm>>) dst(%dma_wait3A_132 : memref<2x128x32xf32, #tpu.memory_space<vmem>>)
      %add3A_138 = arith.constant 1 : i32
      %add3A_139 = arith.addi %add3A_98, %add3A_138 : i32
      %lt3A_140 = arith.constant 200 : i32
      %lt3A_141 = arith.cmpi slt, %add3A_139, %lt3A_140 : i32
      %convert_element_type3A_142 = arith.extui %lt3A_141 : i1 to i32
      %cond3A_143 = arith.constant 0 : i32
      %cond3A_144 = arith.cmpi ne, %convert_element_type3A_142, %cond3A_143 : i32
      scf.if %cond3A_144 {
        %add3A_154 = arith.constant 2 : i32
        %add3A_155 = arith.addi %add3A_101, %add3A_154 : i32
        %dma_start3A_156 = arith.constant 0 : i32
        %dma_start3A_157 = arith.constant 0 : i32
        %dma_start3A_158 = arith.constant 0 : i32
        %dma_start3A_159 = tpu.memref_slice %arg6[%dma_start3A_156, %dma_start3A_157, %dma_start3A_158] : memref<2x2x128xi32, #tpu.memory_space<vmem>> -> memref<1x2x128xi32, #tpu.memory_space<vmem>>
        %dma_start3A_160 = tpu.memref_squeeze %dma_start3A_159 : memref<1x2x128xi32, #tpu.memory_space<vmem>> -> memref<2x128xi32, #tpu.memory_space<vmem>>
        %dma_start3A_161 = arith.constant 0 : i32
        %dma_start3A_162 = tpu.memref_slice %arg3[%add3A_155, %dma_start3A_161] : memref<6400x128xi32, #tpu.memory_space<hbm>> -> memref<2x128xi32, #tpu.memory_space<hbm>>
        %dma_start3A_163 = arith.constant 0 : i32
        %dma_start3A_164 = arith.constant 0 : i32
        %dma_start3A_165 = tpu.memref_slice %arg6[%dma_start3A_156, %dma_start3A_163, %dma_start3A_164] : memref<2x2x128xi32, #tpu.memory_space<vmem>> -> memref<1x2x128xi32, #tpu.memory_space<vmem>>
        %dma_start3A_166 = tpu.memref_squeeze %dma_start3A_165 : memref<1x2x128xi32, #tpu.memory_space<vmem>> -> memref<2x128xi32, #tpu.memory_space<vmem>>
        %dma_start3A_167 = arith.constant 0 : i32
        %dma_start3A_168 = tpu.memref_slice %arg3[%add3A_155, %dma_start3A_167] : memref<6400x128xi32, #tpu.memory_space<hbm>> -> memref<2x128xi32, #tpu.memory_space<hbm>>
        tpu.enqueue_dma source(%dma_start3A_168 : memref<2x128xi32, #tpu.memory_space<hbm>>) target(%dma_start3A_166 : memref<2x128xi32, #tpu.memory_space<vmem>>) target_semaphore(%arg9 : memref<!tpu.dma_semaphore, #tpu.memory_space<semaphore_mem>>)
        %add3A_169 = arith.constant 2 : i32
        %add3A_170 = arith.addi %add3A_101, %add3A_169 : i32
        %dma_start3A_171 = arith.constant 0 : i32
        %dma_start3A_172 = arith.constant 0 : i32
        %dma_start3A_173 = arith.constant 0 : i32
        %dma_start3A_174 = arith.constant 0 : i32
        %dma_start3A_175 = tpu.memref_slice %arg7[%dma_start3A_171, %dma_start3A_172, %dma_start3A_173, %dma_start3A_174] : memref<2x2x128x32xf32, #tpu.memory_space<vmem>> -> memref<1x2x128x32xf32, #tpu.memory_space<vmem>>
        %dma_start3A_176 = tpu.memref_squeeze %dma_start3A_175 : memref<1x2x128x32xf32, #tpu.memory_space<vmem>> -> memref<2x128x32xf32, #tpu.memory_space<vmem>>
        %dma_start3A_177 = arith.constant 0 : i32
        %dma_start3A_178 = arith.constant 0 : i32
        %dma_start3A_179 = tpu.memref_slice %arg2[%arg0, %add3A_170, %dma_start3A_177, %dma_start3A_178] : memref<2x6400x128x32xf32, #tpu.memory_space<hbm>> -> memref<1x2x128x32xf32, #tpu.memory_space<hbm>>
        %dma_start3A_180 = tpu.memref_squeeze %dma_start3A_179 : memref<1x2x128x32xf32, #tpu.memory_space<hbm>> -> memref<2x128x32xf32, #tpu.memory_space<hbm>>
        %dma_start3A_181 = arith.constant 0 : i32
        %dma_start3A_182 = arith.constant 0 : i32
        %dma_start3A_183 = arith.constant 0 : i32
        %dma_start3A_184 = tpu.memref_slice %arg7[%dma_start3A_171, %dma_start3A_181, %dma_start3A_182, %dma_start3A_183] : memref<2x2x128x32xf32, #tpu.memory_space<vmem>> -> memref<1x2x128x32xf32, #tpu.memory_space<vmem>>
        %dma_start3A_185 = tpu.memref_squeeze %dma_start3A_184 : memref<1x2x128x32xf32, #tpu.memory_space<vmem>> -> memref<2x128x32xf32, #tpu.memory_space<vmem>>
        %dma_start3A_186 = arith.constant 0 : i32
        %dma_start3A_187 = arith.constant 0 : i32
        %dma_start3A_188 = tpu.memref_slice %arg2[%arg0, %add3A_170, %dma_start3A_186, %dma_start3A_187] : memref<2x6400x128x32xf32, #tpu.memory_space<hbm>> -> memref<1x2x128x32xf32, #tpu.memory_space<hbm>>
        %dma_start3A_189 = tpu.memref_squeeze %dma_start3A_188 : memref<1x2x128x32xf32, #tpu.memory_space<hbm>> -> memref<2x128x32xf32, #tpu.memory_space<hbm>>
        tpu.enqueue_dma source(%dma_start3A_189 : memref<2x128x32xf32, #tpu.memory_space<hbm>>) target(%dma_start3A_185 : memref<2x128x32xf32, #tpu.memory_space<vmem>>) target_semaphore(%arg11 : memref<!tpu.dma_semaphore, #tpu.memory_space<semaphore_mem>>)
      } else {
      }
      %run_scoped3A_145 = arith.constant 1 : i32
      %run_scoped3A_146 = arith.constant 0 : i32
      %run_scoped3A_147 = arith.constant 1 : i32
      %run_scoped3A_148 = arith.constant 0 : i32
      "tpu.region"() ({
        %run_scoped3A_154 = tpu.sem_alloc : memref<!tpu.dma_semaphore, #tpu.memory_space<semaphore_mem>>
        %dma_start3A_155 = arith.constant 0 : i32
        %dma_start3A_156 = arith.constant 0 : i32
        %dma_start3A_157 = tpu.memref_slice %arg7[%run_scoped3A_145, %run_scoped3A_146, %dma_start3A_155, %dma_start3A_156] : memref<2x2x128x32xf32, #tpu.memory_space<vmem>> -> memref<1x1x128x32xf32, #tpu.memory_space<vmem>>
        %dma_start3A_158 = tpu.memref_squeeze %dma_start3A_157 : memref<1x1x128x32xf32, #tpu.memory_space<vmem>> -> memref<128x32xf32, #tpu.memory_space<vmem>>
        %dma_start3A_159 = arith.constant 0 : i32
        %dma_start3A_160 = tpu.memref_slice %arg6[%run_scoped3A_147, %run_scoped3A_148, %dma_start3A_159] : memref<2x2x128xi32, #tpu.memory_space<vmem>> -> memref<1x1x128xi32, #tpu.memory_space<vmem>>
        %dma_start3A_161 = tpu.memref_squeeze %dma_start3A_160 : memref<1x1x128xi32, #tpu.memory_space<vmem>> -> memref<128xi32, #tpu.memory_space<vmem>>
        %dma_start3A_162 = arith.constant 0 : i32
        %dma_start3A_163 = arith.constant 0 : i32
        %dma_start3A_164 = tpu.memref_slice %arg8[%dma_start3A_162, %dma_start3A_163] : memref<50176x32xf32, #tpu.memory_space<vmem_shared>> -> memref<50176x32xf32, #tpu.memory_space<vmem_shared>>
        tpu.enqueue_indirect_dma source(%dma_start3A_158 : memref<128x32xf32, #tpu.memory_space<vmem>>) target(%dma_start3A_164 : memref<50176x32xf32, #tpu.memory_space<vmem_shared>>) offsets(%dma_start3A_161 : memref<128xi32, #tpu.memory_space<vmem>>) semaphore(%run_scoped3A_154 : memref<!tpu.dma_semaphore, #tpu.memory_space<semaphore_mem>>) {add = true}
        %dma_wait3A_165 = arith.constant 0 : i32
        %dma_wait3A_166 = arith.constant 0 : i32
        %dma_wait3A_167 = tpu.memref_slice %arg7[%run_scoped3A_145, %run_scoped3A_146, %dma_wait3A_165, %dma_wait3A_166] : memref<2x2x128x32xf32, #tpu.memory_space<vmem>> -> memref<1x1x128x32xf32, #tpu.memory_space<vmem>>
        %dma_wait3A_168 = tpu.memref_squeeze %dma_wait3A_167 : memref<1x1x128x32xf32, #tpu.memory_space<vmem>> -> memref<128x32xf32, #tpu.memory_space<vmem>>
        %dma_wait3A_169 = arith.constant 0 : i32
        %dma_wait3A_170 = tpu.memref_slice %arg6[%run_scoped3A_147, %run_scoped3A_148, %dma_wait3A_169] : memref<2x2x128xi32, #tpu.memory_space<vmem>> -> memref<1x1x128xi32, #tpu.memory_space<vmem>>
        %dma_wait3A_171 = tpu.memref_squeeze %dma_wait3A_170 : memref<1x1x128xi32, #tpu.memory_space<vmem>> -> memref<128xi32, #tpu.memory_space<vmem>>
        %dma_wait3A_172 = arith.constant 0 : i32
        %dma_wait3A_173 = arith.constant 0 : i32
        %dma_wait3A_174 = tpu.memref_slice %arg8[%dma_wait3A_172, %dma_wait3A_173] : memref<50176x32xf32, #tpu.memory_space<vmem_shared>> -> memref<50176x32xf32, #tpu.memory_space<vmem_shared>>
        tpu.wait_indirect_dma semaphore(%run_scoped3A_154 : memref<!tpu.dma_semaphore, #tpu.memory_space<semaphore_mem>>) src(%dma_wait3A_168 : memref<128x32xf32, #tpu.memory_space<vmem>>) dst(%dma_wait3A_174 : memref<50176x32xf32, #tpu.memory_space<vmem_shared>>)
        tpu.yield
      }) : () -> ()
      %run_scoped3A_149 = arith.constant 1 : i32
      %run_scoped3A_150 = arith.constant 1 : i32
      %run_scoped3A_151 = arith.constant 1 : i32
      %run_scoped3A_152 = arith.constant 1 : i32
      "tpu.region"() ({
        %run_scoped3A_154 = tpu.sem_alloc : memref<!tpu.dma_semaphore, #tpu.memory_space<semaphore_mem>>
        %dma_start3A_155 = arith.constant 0 : i32
        %dma_start3A_156 = arith.constant 0 : i32
        %dma_start3A_157 = tpu.memref_slice %arg7[%run_scoped3A_149, %run_scoped3A_150, %dma_start3A_155, %dma_start3A_156] : memref<2x2x128x32xf32, #tpu.memory_space<vmem>> -> memref<1x1x128x32xf32, #tpu.memory_space<vmem>>
        %dma_start3A_158 = tpu.memref_squeeze %dma_start3A_157 : memref<1x1x128x32xf32, #tpu.memory_space<vmem>> -> memref<128x32xf32, #tpu.memory_space<vmem>>
        %dma_start3A_159 = arith.constant 0 : i32
        %dma_start3A_160 = tpu.memref_slice %arg6[%run_scoped3A_151, %run_scoped3A_152, %dma_start3A_159] : memref<2x2x128xi32, #tpu.memory_space<vmem>> -> memref<1x1x128xi32, #tpu.memory_space<vmem>>
        %dma_start3A_161 = tpu.memref_squeeze %dma_start3A_160 : memref<1x1x128xi32, #tpu.memory_space<vmem>> -> memref<128xi32, #tpu.memory_space<vmem>>
        %dma_start3A_162 = arith.constant 0 : i32
        %dma_start3A_163 = arith.constant 0 : i32
        %dma_start3A_164 = tpu.memref_slice %arg8[%dma_start3A_162, %dma_start3A_163] : memref<50176x32xf32, #tpu.memory_space<vmem_shared>> -> memref<50176x32xf32, #tpu.memory_space<vmem_shared>>
        tpu.enqueue_indirect_dma source(%dma_start3A_158 : memref<128x32xf32, #tpu.memory_space<vmem>>) target(%dma_start3A_164 : memref<50176x32xf32, #tpu.memory_space<vmem_shared>>) offsets(%dma_start3A_161 : memref<128xi32, #tpu.memory_space<vmem>>) semaphore(%run_scoped3A_154 : memref<!tpu.dma_semaphore, #tpu.memory_space<semaphore_mem>>) {add = true}
        %dma_wait3A_165 = arith.constant 0 : i32
        %dma_wait3A_166 = arith.constant 0 : i32
        %dma_wait3A_167 = tpu.memref_slice %arg7[%run_scoped3A_149, %run_scoped3A_150, %dma_wait3A_165, %dma_wait3A_166] : memref<2x2x128x32xf32, #tpu.memory_space<vmem>> -> memref<1x1x128x32xf32, #tpu.memory_space<vmem>>
        %dma_wait3A_168 = tpu.memref_squeeze %dma_wait3A_167 : memref<1x1x128x32xf32, #tpu.memory_space<vmem>> -> memref<128x32xf32, #tpu.memory_space<vmem>>
        %dma_wait3A_169 = arith.constant 0 : i32
        %dma_wait3A_170 = tpu.memref_slice %arg6[%run_scoped3A_151, %run_scoped3A_152, %dma_wait3A_169] : memref<2x2x128xi32, #tpu.memory_space<vmem>> -> memref<1x1x128xi32, #tpu.memory_space<vmem>>
        %dma_wait3A_171 = tpu.memref_squeeze %dma_wait3A_170 : memref<1x1x128xi32, #tpu.memory_space<vmem>> -> memref<128xi32, #tpu.memory_space<vmem>>
        %dma_wait3A_172 = arith.constant 0 : i32
        %dma_wait3A_173 = arith.constant 0 : i32
        %dma_wait3A_174 = tpu.memref_slice %arg8[%dma_wait3A_172, %dma_wait3A_173] : memref<50176x32xf32, #tpu.memory_space<vmem_shared>> -> memref<50176x32xf32, #tpu.memory_space<vmem_shared>>
        tpu.wait_indirect_dma semaphore(%run_scoped3A_154 : memref<!tpu.dma_semaphore, #tpu.memory_space<semaphore_mem>>) src(%dma_wait3A_168 : memref<128x32xf32, #tpu.memory_space<vmem>>) dst(%dma_wait3A_174 : memref<50176x32xf32, #tpu.memory_space<vmem_shared>>)
        tpu.yield
      }) : () -> ()
      %scan3A_153 = arith.constant 0 : i32
      scf.yield %scan3A_153 : i32
    }
    %scan3A_39 = arith.constant 100 : i32
    %barrier3A_40 = arith.constant 0 : index
    tpu.barrier barrier_id(%barrier3A_40)
    "tpu.region"() ({
      %run_scoped3A = tpu.sem_alloc : memref<!tpu.dma_semaphore, #tpu.memory_space<semaphore_mem>>
      %dma_start3A_41 = arith.constant 0 : i32
      %dma_start3A_42 = tpu.memref_slice %arg5[%arg0, %mul3A_0, %dma_start3A_41] : memref<2x50176x32xf32, #tpu.memory_space<hbm>> -> memref<1x3136x32xf32, #tpu.memory_space<hbm>>
      %dma_start3A_43 = tpu.memref_squeeze %dma_start3A_42 : memref<1x3136x32xf32, #tpu.memory_space<hbm>> -> memref<3136x32xf32, #tpu.memory_space<hbm>>
      %dma_start3A_44 = arith.constant 0 : i32
      %dma_start3A_45 = tpu.memref_slice %arg8[%mul3A_0, %dma_start3A_44] : memref<50176x32xf32, #tpu.memory_space<vmem_shared>> -> memref<3136x32xf32, #tpu.memory_space<vmem_shared>>
      tpu.enqueue_dma source(%dma_start3A_45 : memref<3136x32xf32, #tpu.memory_space<vmem_shared>>) target(%dma_start3A_43 : memref<3136x32xf32, #tpu.memory_space<hbm>>) target_semaphore(%run_scoped3A : memref<!tpu.dma_semaphore, #tpu.memory_space<semaphore_mem>>)
      %dma_wait3A = arith.constant 0 : i32
      %dma_wait3A_46 = tpu.memref_slice %arg5[%arg0, %mul3A_0, %dma_wait3A] : memref<2x50176x32xf32, #tpu.memory_space<hbm>> -> memref<1x3136x32xf32, #tpu.memory_space<hbm>>
      %dma_wait3A_47 = tpu.memref_squeeze %dma_wait3A_46 : memref<1x3136x32xf32, #tpu.memory_space<hbm>> -> memref<3136x32xf32, #tpu.memory_space<hbm>>
      %dma_wait3A_48 = arith.constant 0 : i32
      %dma_wait3A_49 = tpu.memref_slice %arg8[%mul3A_0, %dma_wait3A_48] : memref<50176x32xf32, #tpu.memory_space<vmem_shared>> -> memref<3136x32xf32, #tpu.memory_space<vmem_shared>>
      tpu.wait_dma2 semaphore(%run_scoped3A : memref<!tpu.dma_semaphore, #tpu.memory_space<semaphore_mem>>) src(%dma_wait3A_49 : memref<3136x32xf32, #tpu.memory_space<vmem_shared>>) dst(%dma_wait3A_47 : memref<3136x32xf32, #tpu.memory_space<hbm>>)
      tpu.yield
    }) : () -> ()
    return
  }
}

module attributes {stable_mosaic.version = 14 : i64} {
  func.func @_prep0_body(%arg0: i32, %arg1: memref<784x1xi32, #tpu.memory_space<vmem>>, %arg2: memref<5x8xf32, #tpu.memory_space<vmem>>, %arg3: memref<8x8xf32, #tpu.memory_space<vmem>>, %arg4: memref<5x8x8xf32, #tpu.memory_space<vmem>>, %arg5: memref<5x8x8xf32, #tpu.memory_space<vmem>>, %arg6: memref<784x32xf32, #tpu.memory_space<vmem>>, %arg7: memref<784x16xf32, #tpu.memory_space<vmem>>) attributes {dimension_semantics = [#tpu.dimension_semantics<arbitrary>], iteration_bounds = array<i64: 64>, scalar_prefetch = 0 : i64, scratch_operands = 0 : i64, tpu.core_type = #tpu.core_type<tc>, window_params = [{transform_indices = @transform_0, window_bounds = array<i64: 784, 1>}, {pipeline_mode = #tpu.pipeline_mode<synchronous>, transform_indices = @transform_1, window_bounds = array<i64: 5, 8>}, {pipeline_mode = #tpu.pipeline_mode<synchronous>, transform_indices = @transform_2, window_bounds = array<i64: 8, 8>}, {pipeline_mode = #tpu.pipeline_mode<synchronous>, transform_indices = @transform_3, window_bounds = array<i64: 5, 8, 8>}, {pipeline_mode = #tpu.pipeline_mode<synchronous>, transform_indices = @transform_4, window_bounds = array<i64: 5, 8, 8>}, {transform_indices = @transform_5, window_bounds = array<i64: 784, 32>}, {transform_indices = @transform_6, window_bounds = array<i64: 784, 16>}]} {
    %get3A = arith.constant 0 : index
    %get3A_0 = arith.constant 0 : index
    %get3A_1 = vector.load %arg1[%get3A, %get3A_0] : memref<784x1xi32, #tpu.memory_space<vmem>>, vector<784x1xi32>
    %iota3A = tpu.iota {dimensions = array<i32: 1>} : vector<784x5xi32>
    %eq3A = vector.broadcast %get3A_1 : vector<784x1xi32> to vector<784x5xi32>
    %eq3A_2 = arith.cmpi eq, %eq3A, %iota3A : vector<784x5xi32>
    %convert_element_type3A = arith.extui %eq3A_2 : vector<784x5xi1> to vector<784x5xi32>
    %convert_element_type3A_3 = arith.sitofp %convert_element_type3A : vector<784x5xi32> to vector<784x5xf32>
    %get3A_4 = arith.constant 0 : index
    %get3A_5 = arith.constant 0 : index
    %get3A_6 = vector.load %arg2[%get3A_4, %get3A_5] : memref<5x8xf32, #tpu.memory_space<vmem>>, vector<5x8xf32>
    %dot_general3A = arith.constant dense<0.000000e+00> : vector<784x8xf32>
    %dot_general3A_7 = tpu.matmul %convert_element_type3A_3, %get3A_6, %dot_general3A {dimension_numbers = #tpu.dot_dimension_numbers<[1], [0], [0], [1], [0, 0, 1, 1], [], []>, transpose_lhs_hint = false} : vector<784x5xf32>, vector<5x8xf32>, vector<784x8xf32> -> vector<784x8xf32>
    %get3A_8 = arith.constant 0 : index
    %get3A_9 = arith.constant 0 : index
    %get3A_10 = vector.load %arg3[%get3A_8, %get3A_9] : memref<8x8xf32, #tpu.memory_space<vmem>>, vector<8x8xf32>
    %dot_general3A_11 = arith.constant dense<0.000000e+00> : vector<784x8xf32>
    %dot_general3A_12 = tpu.matmul %dot_general3A_7, %get3A_10, %dot_general3A_11 {dimension_numbers = #tpu.dot_dimension_numbers<[1], [0], [0], [1], [0, 0, 1, 1], [], []>, transpose_lhs_hint = false} : vector<784x8xf32>, vector<8x8xf32>, vector<784x8xf32> -> vector<784x8xf32>
    %div3A = arith.constant 2.82842708 : f32
    %div3A_13 = vector.broadcast %div3A : f32 to vector<784x8xf32>
    %div3A_14 = arith.divf %dot_general3A_12, %div3A_13 : vector<784x8xf32>
    %broadcast_in_dim3A = arith.constant 0.000000e+00 : f32
    %broadcast_in_dim3A_15 = vector.broadcast %broadcast_in_dim3A : f32 to vector<784x24xf32>
    %concatenate3A = tpu.concatenate %div3A_14, %broadcast_in_dim3A_15 in 1 : vector<784x8xf32>, vector<784x24xf32> -> vector<784x32xf32>
    %swap3A = arith.constant 0 : index
    %swap3A_16 = arith.constant 0 : index
    %swap3A_17 = vector.load %arg6[%swap3A, %swap3A_16] : memref<784x32xf32, #tpu.memory_space<vmem>>, vector<784x32xf32>
    tpu.vector_store %arg6[%swap3A, %swap3A_16], %concatenate3A {strides = array<i32>} : memref<784x32xf32, #tpu.memory_space<vmem>>, vector<784x32xf32>,
    %broadcast_in_dim3A_18 = arith.constant 0.000000e+00 : f32
    %broadcast_in_dim3A_19 = vector.broadcast %broadcast_in_dim3A_18 : f32 to vector<784x8xf32>
    %broadcast_in_dim3A_20 = arith.constant 0.000000e+00 : f32
    %broadcast_in_dim3A_21 = vector.broadcast %broadcast_in_dim3A_20 : f32 to vector<784x8xf32>
    %slice3A = vector.extract_strided_slice %convert_element_type3A_3 {offsets = [0, 0], sizes = [784, 1], strides = [1, 1]} : vector<784x5xf32> to vector<784x1xf32>
    %get3A_22 = arith.constant 0 : index
    %get3A_23 = arith.constant 0 : index
    %get3A_24 = arith.constant 0 : index
    %get3A_25 = vector.load %arg4[%get3A_22, %get3A_23, %get3A_24] : memref<5x8x8xf32, #tpu.memory_space<vmem>>, vector<1x8x8xf32>
    %get3A_26 = vector.shape_cast %get3A_25 : vector<1x8x8xf32> to vector<8x8xf32>
    %dot_general3A_27 = arith.constant dense<0.000000e+00> : vector<784x8xf32>
    %dot_general3A_28 = tpu.matmul %dot_general3A_7, %get3A_26, %dot_general3A_27 {dimension_numbers = #tpu.dot_dimension_numbers<[1], [0], [0], [1], [0, 0, 1, 1], [], []>, transpose_lhs_hint = false} : vector<784x8xf32>, vector<8x8xf32>, vector<784x8xf32> -> vector<784x8xf32>
    %mul3A = vector.broadcast %slice3A : vector<784x1xf32> to vector<784x8xf32>
    %mul3A_29 = arith.mulf %dot_general3A_28, %mul3A : vector<784x8xf32>
    %add3A = arith.addf %broadcast_in_dim3A_19, %mul3A_29 : vector<784x8xf32>
    %get3A_30 = arith.constant 0 : index
    %get3A_31 = arith.constant 0 : index
    %get3A_32 = arith.constant 0 : index
    %get3A_33 = vector.load %arg5[%get3A_30, %get3A_31, %get3A_32] : memref<5x8x8xf32, #tpu.memory_space<vmem>>, vector<1x8x8xf32>
    %get3A_34 = vector.shape_cast %get3A_33 : vector<1x8x8xf32> to vector<8x8xf32>
    %dot_general3A_35 = arith.constant dense<0.000000e+00> : vector<784x8xf32>
    %dot_general3A_36 = tpu.matmul %dot_general3A_7, %get3A_34, %dot_general3A_35 {dimension_numbers = #tpu.dot_dimension_numbers<[1], [0], [0], [1], [0, 0, 1, 1], [], []>, transpose_lhs_hint = false} : vector<784x8xf32>, vector<8x8xf32>, vector<784x8xf32> -> vector<784x8xf32>
    %mul3A_37 = vector.broadcast %slice3A : vector<784x1xf32> to vector<784x8xf32>
    %mul3A_38 = arith.mulf %dot_general3A_36, %mul3A_37 : vector<784x8xf32>
    %add3A_39 = arith.addf %broadcast_in_dim3A_21, %mul3A_38 : vector<784x8xf32>
    %slice3A_40 = vector.extract_strided_slice %convert_element_type3A_3 {offsets = [0, 1], sizes = [784, 1], strides = [1, 1]} : vector<784x5xf32> to vector<784x1xf32>
    %get3A_41 = arith.constant 1 : index
    %get3A_42 = arith.constant 0 : index
    %get3A_43 = arith.constant 0 : index
    %get3A_44 = vector.load %arg4[%get3A_41, %get3A_42, %get3A_43] : memref<5x8x8xf32, #tpu.memory_space<vmem>>, vector<1x8x8xf32>
    %get3A_45 = vector.shape_cast %get3A_44 : vector<1x8x8xf32> to vector<8x8xf32>
    %dot_general3A_46 = arith.constant dense<0.000000e+00> : vector<784x8xf32>
    %dot_general3A_47 = tpu.matmul %dot_general3A_7, %get3A_45, %dot_general3A_46 {dimension_numbers = #tpu.dot_dimension_numbers<[1], [0], [0], [1], [0, 0, 1, 1], [], []>, transpose_lhs_hint = false} : vector<784x8xf32>, vector<8x8xf32>, vector<784x8xf32> -> vector<784x8xf32>
    %mul3A_48 = vector.broadcast %slice3A_40 : vector<784x1xf32> to vector<784x8xf32>
    %mul3A_49 = arith.mulf %dot_general3A_47, %mul3A_48 : vector<784x8xf32>
    %add3A_50 = arith.addf %add3A, %mul3A_49 : vector<784x8xf32>
    %get3A_51 = arith.constant 1 : index
    %get3A_52 = arith.constant 0 : index
    %get3A_53 = arith.constant 0 : index
    %get3A_54 = vector.load %arg5[%get3A_51, %get3A_52, %get3A_53] : memref<5x8x8xf32, #tpu.memory_space<vmem>>, vector<1x8x8xf32>
    %get3A_55 = vector.shape_cast %get3A_54 : vector<1x8x8xf32> to vector<8x8xf32>
    %dot_general3A_56 = arith.constant dense<0.000000e+00> : vector<784x8xf32>
    %dot_general3A_57 = tpu.matmul %dot_general3A_7, %get3A_55, %dot_general3A_56 {dimension_numbers = #tpu.dot_dimension_numbers<[1], [0], [0], [1], [0, 0, 1, 1], [], []>, transpose_lhs_hint = false} : vector<784x8xf32>, vector<8x8xf32>, vector<784x8xf32> -> vector<784x8xf32>
    %mul3A_58 = vector.broadcast %slice3A_40 : vector<784x1xf32> to vector<784x8xf32>
    %mul3A_59 = arith.mulf %dot_general3A_57, %mul3A_58 : vector<784x8xf32>
    %add3A_60 = arith.addf %add3A_39, %mul3A_59 : vector<784x8xf32>
    %slice3A_61 = vector.extract_strided_slice %convert_element_type3A_3 {offsets = [0, 2], sizes = [784, 1], strides = [1, 1]} : vector<784x5xf32> to vector<784x1xf32>
    %get3A_62 = arith.constant 2 : index
    %get3A_63 = arith.constant 0 : index
    %get3A_64 = arith.constant 0 : index
    %get3A_65 = vector.load %arg4[%get3A_62, %get3A_63, %get3A_64] : memref<5x8x8xf32, #tpu.memory_space<vmem>>, vector<1x8x8xf32>
    %get3A_66 = vector.shape_cast %get3A_65 : vector<1x8x8xf32> to vector<8x8xf32>
    %dot_general3A_67 = arith.constant dense<0.000000e+00> : vector<784x8xf32>
    %dot_general3A_68 = tpu.matmul %dot_general3A_7, %get3A_66, %dot_general3A_67 {dimension_numbers = #tpu.dot_dimension_numbers<[1], [0], [0], [1], [0, 0, 1, 1], [], []>, transpose_lhs_hint = false} : vector<784x8xf32>, vector<8x8xf32>, vector<784x8xf32> -> vector<784x8xf32>
    %mul3A_69 = vector.broadcast %slice3A_61 : vector<784x1xf32> to vector<784x8xf32>
    %mul3A_70 = arith.mulf %dot_general3A_68, %mul3A_69 : vector<784x8xf32>
    %add3A_71 = arith.addf %add3A_50, %mul3A_70 : vector<784x8xf32>
    %get3A_72 = arith.constant 2 : index
    %get3A_73 = arith.constant 0 : index
    %get3A_74 = arith.constant 0 : index
    %get3A_75 = vector.load %arg5[%get3A_72, %get3A_73, %get3A_74] : memref<5x8x8xf32, #tpu.memory_space<vmem>>, vector<1x8x8xf32>
    %get3A_76 = vector.shape_cast %get3A_75 : vector<1x8x8xf32> to vector<8x8xf32>
    %dot_general3A_77 = arith.constant dense<0.000000e+00> : vector<784x8xf32>
    %dot_general3A_78 = tpu.matmul %dot_general3A_7, %get3A_76, %dot_general3A_77 {dimension_numbers = #tpu.dot_dimension_numbers<[1], [0], [0], [1], [0, 0, 1, 1], [], []>, transpose_lhs_hint = false} : vector<784x8xf32>, vector<8x8xf32>, vector<784x8xf32> -> vector<784x8xf32>
    %mul3A_79 = vector.broadcast %slice3A_61 : vector<784x1xf32> to vector<784x8xf32>
    %mul3A_80 = arith.mulf %dot_general3A_78, %mul3A_79 : vector<784x8xf32>
    %add3A_81 = arith.addf %add3A_60, %mul3A_80 : vector<784x8xf32>
    %slice3A_82 = vector.extract_strided_slice %convert_element_type3A_3 {offsets = [0, 3], sizes = [784, 1], strides = [1, 1]} : vector<784x5xf32> to vector<784x1xf32>
    %get3A_83 = arith.constant 3 : index
    %get3A_84 = arith.constant 0 : index
    %get3A_85 = arith.constant 0 : index
    %get3A_86 = vector.load %arg4[%get3A_83, %get3A_84, %get3A_85] : memref<5x8x8xf32, #tpu.memory_space<vmem>>, vector<1x8x8xf32>
    %get3A_87 = vector.shape_cast %get3A_86 : vector<1x8x8xf32> to vector<8x8xf32>
    %dot_general3A_88 = arith.constant dense<0.000000e+00> : vector<784x8xf32>
    %dot_general3A_89 = tpu.matmul %dot_general3A_7, %get3A_87, %dot_general3A_88 {dimension_numbers = #tpu.dot_dimension_numbers<[1], [0], [0], [1], [0, 0, 1, 1], [], []>, transpose_lhs_hint = false} : vector<784x8xf32>, vector<8x8xf32>, vector<784x8xf32> -> vector<784x8xf32>
    %mul3A_90 = vector.broadcast %slice3A_82 : vector<784x1xf32> to vector<784x8xf32>
    %mul3A_91 = arith.mulf %dot_general3A_89, %mul3A_90 : vector<784x8xf32>
    %add3A_92 = arith.addf %add3A_71, %mul3A_91 : vector<784x8xf32>
    %get3A_93 = arith.constant 3 : index
    %get3A_94 = arith.constant 0 : index
    %get3A_95 = arith.constant 0 : index
    %get3A_96 = vector.load %arg5[%get3A_93, %get3A_94, %get3A_95] : memref<5x8x8xf32, #tpu.memory_space<vmem>>, vector<1x8x8xf32>
    %get3A_97 = vector.shape_cast %get3A_96 : vector<1x8x8xf32> to vector<8x8xf32>
    %dot_general3A_98 = arith.constant dense<0.000000e+00> : vector<784x8xf32>
    %dot_general3A_99 = tpu.matmul %dot_general3A_7, %get3A_97, %dot_general3A_98 {dimension_numbers = #tpu.dot_dimension_numbers<[1], [0], [0], [1], [0, 0, 1, 1], [], []>, transpose_lhs_hint = false} : vector<784x8xf32>, vector<8x8xf32>, vector<784x8xf32> -> vector<784x8xf32>
    %mul3A_100 = vector.broadcast %slice3A_82 : vector<784x1xf32> to vector<784x8xf32>
    %mul3A_101 = arith.mulf %dot_general3A_99, %mul3A_100 : vector<784x8xf32>
    %add3A_102 = arith.addf %add3A_81, %mul3A_101 : vector<784x8xf32>
    %slice3A_103 = vector.extract_strided_slice %convert_element_type3A_3 {offsets = [0, 4], sizes = [784, 1], strides = [1, 1]} : vector<784x5xf32> to vector<784x1xf32>
    %get3A_104 = arith.constant 4 : index
    %get3A_105 = arith.constant 0 : index
    %get3A_106 = arith.constant 0 : index
    %get3A_107 = vector.load %arg4[%get3A_104, %get3A_105, %get3A_106] : memref<5x8x8xf32, #tpu.memory_space<vmem>>, vector<1x8x8xf32>
    %get3A_108 = vector.shape_cast %get3A_107 : vector<1x8x8xf32> to vector<8x8xf32>
    %dot_general3A_109 = arith.constant dense<0.000000e+00> : vector<784x8xf32>
    %dot_general3A_110 = tpu.matmul %dot_general3A_7, %get3A_108, %dot_general3A_109 {dimension_numbers = #tpu.dot_dimension_numbers<[1], [0], [0], [1], [0, 0, 1, 1], [], []>, transpose_lhs_hint = false} : vector<784x8xf32>, vector<8x8xf32>, vector<784x8xf32> -> vector<784x8xf32>
    %mul3A_111 = vector.broadcast %slice3A_103 : vector<784x1xf32> to vector<784x8xf32>
    %mul3A_112 = arith.mulf %dot_general3A_110, %mul3A_111 : vector<784x8xf32>
    %add3A_113 = arith.addf %add3A_92, %mul3A_112 : vector<784x8xf32>
    %get3A_114 = arith.constant 4 : index
    %get3A_115 = arith.constant 0 : index
    %get3A_116 = arith.constant 0 : index
    %get3A_117 = vector.load %arg5[%get3A_114, %get3A_115, %get3A_116] : memref<5x8x8xf32, #tpu.memory_space<vmem>>, vector<1x8x8xf32>
    %get3A_118 = vector.shape_cast %get3A_117 : vector<1x8x8xf32> to vector<8x8xf32>
    %dot_general3A_119 = arith.constant dense<0.000000e+00> : vector<784x8xf32>
    %dot_general3A_120 = tpu.matmul %dot_general3A_7, %get3A_118, %dot_general3A_119 {dimension_numbers = #tpu.dot_dimension_numbers<[1], [0], [0], [1], [0, 0, 1, 1], [], []>, transpose_lhs_hint = false} : vector<784x8xf32>, vector<8x8xf32>, vector<784x8xf32> -> vector<784x8xf32>
    %mul3A_121 = vector.broadcast %slice3A_103 : vector<784x1xf32> to vector<784x8xf32>
    %mul3A_122 = arith.mulf %dot_general3A_120, %mul3A_121 : vector<784x8xf32>
    %add3A_123 = arith.addf %add3A_102, %mul3A_122 : vector<784x8xf32>
    %div3A_124 = arith.constant 6.32455539 : f32
    %div3A_125 = vector.broadcast %div3A_124 : f32 to vector<784x8xf32>
    %div3A_126 = arith.divf %add3A_113, %div3A_125 : vector<784x8xf32>
    %div3A_127 = arith.constant 6.32455539 : f32
    %div3A_128 = vector.broadcast %div3A_127 : f32 to vector<784x8xf32>
    %div3A_129 = arith.divf %add3A_123, %div3A_128 : vector<784x8xf32>
    %concatenate3A_130 = tpu.concatenate %div3A_126, %div3A_129 in 1 : vector<784x8xf32>, vector<784x8xf32> -> vector<784x16xf32>
    %swap3A_131 = arith.constant 0 : index
    %swap3A_132 = arith.constant 0 : index
    %swap3A_133 = vector.load %arg7[%swap3A_131, %swap3A_132] : memref<784x16xf32, #tpu.memory_space<vmem>>, vector<784x16xf32>
    tpu.vector_store %arg7[%swap3A_131, %swap3A_132], %concatenate3A_130 {strides = array<i32>} : memref<784x16xf32, #tpu.memory_space<vmem>>, vector<784x16xf32>,
    return
  }
  func.func @transform_0(%arg0: i32) -> (i32, i32) {
    %c0_i32 = arith.constant 0 : i32
    %c0_i32_0 = arith.constant 0 : i32
    return %arg0, %c0_i32 : i32, i32
  }
  func.func @transform_1(%arg0: i32) -> (i32, i32) {
    %c0_i32 = arith.constant 0 : i32
    %c0_i32_0 = arith.constant 0 : i32
    %c0_i32_1 = arith.constant 0 : i32
    return %c0_i32, %c0_i32_0 : i32, i32
  }
  func.func @transform_2(%arg0: i32) -> (i32, i32) {
    %c0_i32 = arith.constant 0 : i32
    %c0_i32_0 = arith.constant 0 : i32
    %c0_i32_1 = arith.constant 0 : i32
    return %c0_i32, %c0_i32_0 : i32, i32
  }
  func.func @transform_3(%arg0: i32) -> (i32, i32, i32) {
    %c0_i32 = arith.constant 0 : i32
    %c0_i32_0 = arith.constant 0 : i32
    %c0_i32_1 = arith.constant 0 : i32
    %c0_i32_2 = arith.constant 0 : i32
    return %c0_i32, %c0_i32_0, %c0_i32_1 : i32, i32, i32
  }
  func.func @transform_4(%arg0: i32) -> (i32, i32, i32) {
    %c0_i32 = arith.constant 0 : i32
    %c0_i32_0 = arith.constant 0 : i32
    %c0_i32_1 = arith.constant 0 : i32
    %c0_i32_2 = arith.constant 0 : i32
    return %c0_i32, %c0_i32_0, %c0_i32_1 : i32, i32, i32
  }
  func.func @transform_5(%arg0: i32) -> (i32, i32) {
    %c0_i32 = arith.constant 0 : i32
    %c0_i32_0 = arith.constant 0 : i32
    return %arg0, %c0_i32 : i32, i32
  }
  func.func @transform_6(%arg0: i32) -> (i32, i32) {
    %c0_i32 = arith.constant 0 : i32
    %c0_i32_0 = arith.constant 0 : i32
    return %arg0, %c0_i32 : i32, i32
  }
}

module attributes {stable_mosaic.version = 14 : i64} {
  func.func @_w_body(%arg0: i32, %arg1: memref<3x8192xf32, #tpu.memory_space<vmem>>, %arg2: memref<64x8xf32, #tpu.memory_space<vmem>>, %arg3: memref<64x64xf32, #tpu.memory_space<vmem>>, %arg4: memref<32x64xf32, #tpu.memory_space<vmem>>, %arg5: memref<32x8192xf32, #tpu.memory_space<vmem>>) attributes {dimension_semantics = [#tpu.dimension_semantics<arbitrary>], iteration_bounds = array<i64: 100>, scalar_prefetch = 0 : i64, scratch_operands = 0 : i64, tpu.core_type = #tpu.core_type<tc>, window_params = [{transform_indices = @transform_0, window_bounds = array<i64: 3, 8192>}, {pipeline_mode = #tpu.pipeline_mode<synchronous>, transform_indices = @transform_1, window_bounds = array<i64: 64, 8>}, {pipeline_mode = #tpu.pipeline_mode<synchronous>, transform_indices = @transform_2, window_bounds = array<i64: 64, 64>}, {pipeline_mode = #tpu.pipeline_mode<synchronous>, transform_indices = @transform_3, window_bounds = array<i64: 32, 64>}, {transform_indices = @transform_4, window_bounds = array<i64: 32, 8192>}]} {
    %get3A = arith.constant 0 : index
    %get3A_0 = arith.constant 0 : index
    %get3A_1 = vector.load %arg1[%get3A, %get3A_0] : memref<3x8192xf32, #tpu.memory_space<vmem>>, vector<3x8192xf32>
    %slice3A = vector.extract_strided_slice %get3A_1 {offsets = [0, 0], sizes = [1, 8192], strides = [1, 1]} : vector<3x8192xf32> to vector<1x8192xf32>
    %slice3A_2 = vector.extract_strided_slice %get3A_1 {offsets = [1, 0], sizes = [1, 8192], strides = [1, 1]} : vector<3x8192xf32> to vector<1x8192xf32>
    %slice3A_3 = vector.extract_strided_slice %get3A_1 {offsets = [2, 0], sizes = [1, 8192], strides = [1, 1]} : vector<3x8192xf32> to vector<1x8192xf32>
    %mul3A = arith.mulf %slice3A, %slice3A : vector<1x8192xf32>
    %mul3A_4 = arith.mulf %slice3A_2, %slice3A_2 : vector<1x8192xf32>
    %add3A = arith.addf %mul3A, %mul3A_4 : vector<1x8192xf32>
    %mul3A_5 = arith.mulf %slice3A_3, %slice3A_3 : vector<1x8192xf32>
    %add3A_6 = arith.addf %add3A, %mul3A_5 : vector<1x8192xf32>
    %add3A_7 = arith.constant 9.99999996E-13 : f32
    %add3A_8 = vector.broadcast %add3A_7 : f32 to vector<1x8192xf32>
    %add3A_9 = arith.addf %add3A_6, %add3A_8 : vector<1x8192xf32>
    %sqrt3A = math.sqrt %add3A_9 : vector<1x8192xf32>
    %div3A = arith.constant 5.000000e+00 : f32
    %div3A_10 = vector.broadcast %div3A : f32 to vector<1x8192xf32>
    %div3A_11 = arith.divf %sqrt3A, %div3A_10 : vector<1x8192xf32>
    %mul3A_12 = arith.mulf %div3A_11, %div3A_11 : vector<1x8192xf32>
    %mul3A_13 = arith.mulf %mul3A_12, %mul3A_12 : vector<1x8192xf32>
    %mul3A_14 = arith.mulf %mul3A_13, %div3A_11 : vector<1x8192xf32>
    %mul3A_15 = arith.constant 2.100000e+01 : f32
    %mul3A_16 = vector.broadcast %mul3A_15 : f32 to vector<1x8192xf32>
    %mul3A_17 = arith.mulf %mul3A_16, %mul3A_14 : vector<1x8192xf32>
    %sub3A = arith.constant 1.000000e+00 : f32
    %sub3A_18 = vector.broadcast %sub3A : f32 to vector<1x8192xf32>
    %sub3A_19 = arith.subf %sub3A_18, %mul3A_17 : vector<1x8192xf32>
    %mul3A_20 = arith.constant 3.500000e+01 : f32
    %mul3A_21 = vector.broadcast %mul3A_20 : f32 to vector<1x8192xf32>
    %mul3A_22 = arith.mulf %mul3A_21, %mul3A_14 : vector<1x8192xf32>
    %mul3A_23 = arith.mulf %mul3A_22, %div3A_11 : vector<1x8192xf32>
    %add3A_24 = arith.addf %sub3A_19, %mul3A_23 : vector<1x8192xf32>
    %mul3A_25 = arith.constant 1.500000e+01 : f32
    %mul3A_26 = vector.broadcast %mul3A_25 : f32 to vector<1x8192xf32>
    %mul3A_27 = arith.mulf %mul3A_26, %mul3A_14 : vector<1x8192xf32>
    %mul3A_28 = arith.mulf %mul3A_27, %mul3A_12 : vector<1x8192xf32>
    %sub3A_29 = arith.subf %add3A_24, %mul3A_28 : vector<1x8192xf32>
    %lt3A = arith.constant 1.000000e+00 : f32
    %lt3A_30 = vector.broadcast %lt3A : f32 to vector<1x8192xf32>
    %lt3A_31 = arith.cmpf olt, %div3A_11, %lt3A_30 : vector<1x8192xf32>
    %jit3A = arith.constant 0.000000e+00 : f32
    %broadcast_in_dim3A = vector.broadcast %jit3A : f32 to vector<1x8192xf32>
    %select_n3A = arith.select %lt3A_31, %sub3A_29, %broadcast_in_dim3A : vector<1x8192xi1>, vector<1x8192xf32>
    %iota3A = tpu.iota {dimensions = array<i32: 0>} : vector<8x1xi32>
    %convert_element_type3A = arith.sitofp %iota3A : vector<8x1xi32> to vector<8x1xf32>
    %add3A_32 = arith.constant 1.000000e+00 : f32
    %add3A_33 = vector.broadcast %add3A_32 : f32 to vector<8x1xf32>
    %add3A_34 = arith.addf %convert_element_type3A, %add3A_33 : vector<8x1xf32>
    %mul3A_35 = arith.constant 3.14159274 : f32
    %mul3A_36 = vector.broadcast %mul3A_35 : f32 to vector<8x1xf32>
    %mul3A_37 = arith.mulf %add3A_34, %mul3A_36 : vector<8x1xf32>
    %mul3A_38 = vector.broadcast %mul3A_37 : vector<8x1xf32> to vector<8x8192xf32>
    %mul3A_39 = vector.broadcast %sqrt3A : vector<1x8192xf32> to vector<8x8192xf32>
    %mul3A_40 = arith.mulf %mul3A_38, %mul3A_39 : vector<8x8192xf32>
    %div3A_41 = arith.constant 5.000000e+00 : f32
    %div3A_42 = vector.broadcast %div3A_41 : f32 to vector<8x8192xf32>
    %div3A_43 = arith.divf %mul3A_40, %div3A_42 : vector<8x8192xf32>
    %sin3A = math.sin %div3A_43 : vector<8x8192xf32>
    %mul3A_44 = arith.constant 0.632455527 : f32
    %mul3A_45 = vector.broadcast %mul3A_44 : f32 to vector<8x8192xf32>
    %mul3A_46 = arith.mulf %mul3A_45, %sin3A : vector<8x8192xf32>
    %div3A_47 = vector.broadcast %sqrt3A : vector<1x8192xf32> to vector<8x8192xf32>
    %div3A_48 = arith.divf %mul3A_46, %div3A_47 : vector<8x8192xf32>
    %mul3A_49 = vector.broadcast %select_n3A : vector<1x8192xf32> to vector<8x8192xf32>
    %mul3A_50 = arith.mulf %div3A_48, %mul3A_49 : vector<8x8192xf32>
    %get3A_51 = arith.constant 0 : index
    %get3A_52 = arith.constant 0 : index
    %get3A_53 = vector.load %arg2[%get3A_51, %get3A_52] : memref<64x8xf32, #tpu.memory_space<vmem>>, vector<64x8xf32>
    %dot_general3A = arith.constant dense<0.000000e+00> : vector<64x8192xf32>
    %dot_general3A_54 = tpu.matmul %get3A_53, %mul3A_50, %dot_general3A {dimension_numbers = #tpu.dot_dimension_numbers<[1], [0], [0], [1], [0, 0, 1, 1], [], []>, transpose_lhs_hint = false} : vector<64x8xf32>, vector<8x8192xf32>, vector<64x8192xf32> -> vector<64x8192xf32>
    %logistic3A = arith.negf %dot_general3A_54 : vector<64x8192xf32>
    %logistic3A_55 = math.exp %logistic3A : vector<64x8192xf32>
    %logistic3A_56 = arith.constant 1.000000e+00 : f32
    %logistic3A_57 = vector.broadcast %logistic3A_56 : f32 to vector<64x8192xf32>
    %logistic3A_58 = arith.addf %logistic3A_57, %logistic3A_55 : vector<64x8192xf32>
    %logistic3A_59 = arith.divf %logistic3A_57, %logistic3A_58 : vector<64x8192xf32>
    %mul3A_60 = arith.mulf %dot_general3A_54, %logistic3A_59 : vector<64x8192xf32>
    %get3A_61 = arith.constant 0 : index
    %get3A_62 = arith.constant 0 : index
    %get3A_63 = vector.load %arg3[%get3A_61, %get3A_62] : memref<64x64xf32, #tpu.memory_space<vmem>>, vector<64x64xf32>
    %dot_general3A_64 = arith.constant dense<0.000000e+00> : vector<64x8192xf32>
    %dot_general3A_65 = tpu.matmul %get3A_63, %mul3A_60, %dot_general3A_64 {dimension_numbers = #tpu.dot_dimension_numbers<[1], [0], [0], [1], [0, 0, 1, 1], [], []>, transpose_lhs_hint = false} : vector<64x64xf32>, vector<64x8192xf32>, vector<64x8192xf32> -> vector<64x8192xf32>
    %logistic3A_66 = arith.negf %dot_general3A_65 : vector<64x8192xf32>
    %logistic3A_67 = math.exp %logistic3A_66 : vector<64x8192xf32>
    %logistic3A_68 = arith.constant 1.000000e+00 : f32
    %logistic3A_69 = vector.broadcast %logistic3A_68 : f32 to vector<64x8192xf32>
    %logistic3A_70 = arith.addf %logistic3A_69, %logistic3A_67 : vector<64x8192xf32>
    %logistic3A_71 = arith.divf %logistic3A_69, %logistic3A_70 : vector<64x8192xf32>
    %mul3A_72 = arith.mulf %dot_general3A_65, %logistic3A_71 : vector<64x8192xf32>
    %get3A_73 = arith.constant 0 : index
    %get3A_74 = arith.constant 0 : index
    %get3A_75 = vector.load %arg4[%get3A_73, %get3A_74] : memref<32x64xf32, #tpu.memory_space<vmem>>, vector<32x64xf32>
    %dot_general3A_76 = arith.constant dense<0.000000e+00> : vector<32x8192xf32>
    %dot_general3A_77 = tpu.matmul %get3A_75, %mul3A_72, %dot_general3A_76 {dimension_numbers = #tpu.dot_dimension_numbers<[1], [0], [0], [1], [0, 0, 1, 1], [], []>, transpose_lhs_hint = false} : vector<32x64xf32>, vector<64x8192xf32>, vector<32x8192xf32> -> vector<32x8192xf32>
    %swap3A = arith.constant 0 : index
    %swap3A_78 = arith.constant 0 : index
    %swap3A_79 = vector.load %arg5[%swap3A, %swap3A_78] : memref<32x8192xf32, #tpu.memory_space<vmem>>, vector<32x8192xf32>
    tpu.vector_store %arg5[%swap3A, %swap3A_78], %dot_general3A_77 {strides = array<i32>} : memref<32x8192xf32, #tpu.memory_space<vmem>>, vector<32x8192xf32>,
    return
  }
  func.func @transform_0(%arg0: i32) -> (i32, i32) {
    %c0_i32 = arith.constant 0 : i32
    %c0_i32_0 = arith.constant 0 : i32
    return %c0_i32, %arg0 : i32, i32
  }
  func.func @transform_1(%arg0: i32) -> (i32, i32) {
    %c0_i32 = arith.constant 0 : i32
    %c0_i32_0 = arith.constant 0 : i32
    %c0_i32_1 = arith.constant 0 : i32
    return %c0_i32, %c0_i32_0 : i32, i32
  }
  func.func @transform_2(%arg0: i32) -> (i32, i32) {
    %c0_i32 = arith.constant 0 : i32
    %c0_i32_0 = arith.constant 0 : i32
    %c0_i32_1 = arith.constant 0 : i32
    return %c0_i32, %c0_i32_0 : i32, i32
  }
  func.func @transform_3(%arg0: i32) -> (i32, i32) {
    %c0_i32 = arith.constant 0 : i32
    %c0_i32_0 = arith.constant 0 : i32
    %c0_i32_1 = arith.constant 0 : i32
    return %c0_i32, %c0_i32_0 : i32, i32
  }
  func.func @transform_4(%arg0: i32) -> (i32, i32) {
    %c0_i32 = arith.constant 0 : i32
    %c0_i32_0 = arith.constant 0 : i32
    return %c0_i32, %arg0 : i32, i32
  }
}

module attributes {stable_mosaic.version = 14 : i64} {
  func.func @_edge_body(%arg0: i32, %arg1: memref<3x8192xf32, #tpu.memory_space<vmem>>, %arg2: memref<2048x128xf32, #tpu.memory_space<vmem>>, %arg3: memref<32x8192xf32, #tpu.memory_space<vmem>>, %arg4: memref<2x2048x128xf32, #tpu.memory_space<vmem>>) attributes {dimension_semantics = [#tpu.dimension_semantics<arbitrary>], iteration_bounds = array<i64: 100>, scalar_prefetch = 0 : i64, scratch_operands = 0 : i64, tpu.core_type = #tpu.core_type<tc>, window_params = [{transform_indices = @transform_0, window_bounds = array<i64: 3, 8192>}, {transform_indices = @transform_1, window_bounds = array<i64: 2048, 128>}, {transform_indices = @transform_2, window_bounds = array<i64: 32, 8192>}, {transform_indices = @transform_3, window_bounds = array<i64: 2, 2048, 128>}]} {
    %get3A = arith.constant 0 : index
    %get3A_0 = arith.constant 0 : index
    %get3A_1 = vector.load %arg1[%get3A, %get3A_0] : memref<3x8192xf32, #tpu.memory_space<vmem>>, vector<3x8192xf32>
    %slice3A = vector.extract_strided_slice %get3A_1 {offsets = [0, 0], sizes = [1, 8192], strides = [1, 1]} : vector<3x8192xf32> to vector<1x8192xf32>
    %slice3A_2 = vector.extract_strided_slice %get3A_1 {offsets = [1, 0], sizes = [1, 8192], strides = [1, 1]} : vector<3x8192xf32> to vector<1x8192xf32>
    %slice3A_3 = vector.extract_strided_slice %get3A_1 {offsets = [2, 0], sizes = [1, 8192], strides = [1, 1]} : vector<3x8192xf32> to vector<1x8192xf32>
    %mul3A = arith.mulf %slice3A, %slice3A : vector<1x8192xf32>
    %mul3A_4 = arith.mulf %slice3A_2, %slice3A_2 : vector<1x8192xf32>
    %add3A = arith.addf %mul3A, %mul3A_4 : vector<1x8192xf32>
    %mul3A_5 = arith.mulf %slice3A_3, %slice3A_3 : vector<1x8192xf32>
    %add3A_6 = arith.addf %add3A, %mul3A_5 : vector<1x8192xf32>
    %add3A_7 = arith.constant 9.99999996E-13 : f32
    %add3A_8 = vector.broadcast %add3A_7 : f32 to vector<1x8192xf32>
    %add3A_9 = arith.addf %add3A_6, %add3A_8 : vector<1x8192xf32>
    %sqrt3A = math.sqrt %add3A_9 : vector<1x8192xf32>
    %div3A = arith.divf %slice3A, %sqrt3A : vector<1x8192xf32>
    %div3A_10 = arith.divf %slice3A_2, %sqrt3A : vector<1x8192xf32>
    %div3A_11 = arith.divf %slice3A_3, %sqrt3A : vector<1x8192xf32>
    %get3A_12 = arith.constant 0 : index
    %get3A_13 = arith.constant 0 : index
    %get3A_14 = vector.load %arg3[%get3A_12, %get3A_13] : memref<32x8192xf32, #tpu.memory_space<vmem>>, vector<32x8192xf32>
    %get3A_15 = arith.constant 0 : index
    %get3A_16 = arith.constant 0 : index
    %get3A_17 = vector.load %arg2[%get3A_15, %get3A_16] : memref<2048x128xf32, #tpu.memory_space<vmem>>, vector<2048x128xf32>
    %slice3A_18 = vector.extract_strided_slice %get3A_17 {offsets = [0, 0], sizes = [2048, 32], strides = [1, 1]} : vector<2048x128xf32> to vector<2048x32xf32>
    %transpose3A = tpu.transpose %slice3A_18, [1, 0] : vector<2048x32xf32> -> vector<32x2048xf32>
    %slice3A_19 = vector.extract_strided_slice %get3A_17 {offsets = [0, 32], sizes = [2048, 32], strides = [1, 1]} : vector<2048x128xf32> to vector<2048x32xf32>
    %transpose3A_20 = tpu.transpose %slice3A_19, [1, 0] : vector<2048x32xf32> -> vector<32x2048xf32>
    %slice3A_21 = vector.extract_strided_slice %get3A_17 {offsets = [0, 64], sizes = [2048, 32], strides = [1, 1]} : vector<2048x128xf32> to vector<2048x32xf32>
    %transpose3A_22 = tpu.transpose %slice3A_21, [1, 0] : vector<2048x32xf32> -> vector<32x2048xf32>
    %slice3A_23 = vector.extract_strided_slice %get3A_17 {offsets = [0, 96], sizes = [2048, 32], strides = [1, 1]} : vector<2048x128xf32> to vector<2048x32xf32>
    %transpose3A_24 = tpu.transpose %slice3A_23, [1, 0] : vector<2048x32xf32> -> vector<32x2048xf32>
    %concatenate3A = tpu.concatenate %transpose3A, %transpose3A_20, %transpose3A_22, %transpose3A_24 in 1 : vector<32x2048xf32>, vector<32x2048xf32>, vector<32x2048xf32>, vector<32x2048xf32> -> vector<32x8192xf32>
    %slice3A_25 = vector.extract_strided_slice %concatenate3A {offsets = [0, 0], sizes = [8, 8192], strides = [1, 1]} : vector<32x8192xf32> to vector<8x8192xf32>
    %slice3A_26 = vector.extract_strided_slice %concatenate3A {offsets = [8, 0], sizes = [8, 8192], strides = [1, 1]} : vector<32x8192xf32> to vector<8x8192xf32>
    %slice3A_27 = vector.extract_strided_slice %concatenate3A {offsets = [16, 0], sizes = [8, 8192], strides = [1, 1]} : vector<32x8192xf32> to vector<8x8192xf32>
    %slice3A_28 = vector.extract_strided_slice %concatenate3A {offsets = [24, 0], sizes = [8, 8192], strides = [1, 1]} : vector<32x8192xf32> to vector<8x8192xf32>
    %mul3A_29 = vector.broadcast %div3A : vector<1x8192xf32> to vector<8x8192xf32>
    %mul3A_30 = arith.mulf %slice3A_26, %mul3A_29 : vector<8x8192xf32>
    %mul3A_31 = vector.broadcast %div3A_10 : vector<1x8192xf32> to vector<8x8192xf32>
    %mul3A_32 = arith.mulf %slice3A_27, %mul3A_31 : vector<8x8192xf32>
    %add3A_33 = arith.addf %mul3A_30, %mul3A_32 : vector<8x8192xf32>
    %mul3A_34 = vector.broadcast %div3A_11 : vector<1x8192xf32> to vector<8x8192xf32>
    %mul3A_35 = arith.mulf %slice3A_28, %mul3A_34 : vector<8x8192xf32>
    %add3A_36 = arith.addf %add3A_33, %mul3A_35 : vector<8x8192xf32>
    %slice3A_37 = vector.extract_strided_slice %get3A_14 {offsets = [0, 0], sizes = [8, 8192], strides = [1, 1]} : vector<32x8192xf32> to vector<8x8192xf32>
    %mul3A_38 = arith.mulf %slice3A_37, %slice3A_25 : vector<8x8192xf32>
    %slice3A_39 = vector.extract_strided_slice %get3A_14 {offsets = [24, 0], sizes = [8, 8192], strides = [1, 1]} : vector<32x8192xf32> to vector<8x8192xf32>
    %mul3A_40 = arith.mulf %slice3A_39, %add3A_36 : vector<8x8192xf32>
    %mul3A_41 = arith.constant 0.577350259 : f32
    %mul3A_42 = vector.broadcast %mul3A_41 : f32 to vector<8x8192xf32>
    %mul3A_43 = arith.mulf %mul3A_40, %mul3A_42 : vector<8x8192xf32>
    %concatenate3A_44 = tpu.concatenate %mul3A_38, %mul3A_43 in 0 : vector<8x8192xf32>, vector<8x8192xf32> -> vector<16x8192xf32>
    %slice3A_45 = vector.extract_strided_slice %get3A_14 {offsets = [8, 0], sizes = [8, 8192], strides = [1, 1]} : vector<32x8192xf32> to vector<8x8192xf32>
    %mul3A_46 = arith.mulf %slice3A_45, %slice3A_25 : vector<8x8192xf32>
    %slice3A_47 = vector.extract_strided_slice %get3A_14 {offsets = [16, 0], sizes = [8, 8192], strides = [1, 1]} : vector<32x8192xf32> to vector<8x8192xf32>
    %mul3A_48 = vector.broadcast %div3A : vector<1x8192xf32> to vector<8x8192xf32>
    %mul3A_49 = arith.mulf %mul3A_46, %mul3A_48 : vector<8x8192xf32>
    %mul3A_50 = arith.mulf %slice3A_47, %slice3A_26 : vector<8x8192xf32>
    %concatenate3A_51 = tpu.concatenate %mul3A_49, %mul3A_50 in 0 : vector<8x8192xf32>, vector<8x8192xf32> -> vector<16x8192xf32>
    %mul3A_52 = vector.broadcast %div3A_10 : vector<1x8192xf32> to vector<8x8192xf32>
    %mul3A_53 = arith.mulf %mul3A_46, %mul3A_52 : vector<8x8192xf32>
    %mul3A_54 = arith.mulf %slice3A_47, %slice3A_27 : vector<8x8192xf32>
    %concatenate3A_55 = tpu.concatenate %mul3A_53, %mul3A_54 in 0 : vector<8x8192xf32>, vector<8x8192xf32> -> vector<16x8192xf32>
    %mul3A_56 = vector.broadcast %div3A_11 : vector<1x8192xf32> to vector<8x8192xf32>
    %mul3A_57 = arith.mulf %mul3A_46, %mul3A_56 : vector<8x8192xf32>
    %mul3A_58 = arith.mulf %slice3A_47, %slice3A_28 : vector<8x8192xf32>
    %concatenate3A_59 = tpu.concatenate %mul3A_57, %mul3A_58 in 0 : vector<8x8192xf32>, vector<8x8192xf32> -> vector<16x8192xf32>
    %concatenate3A_60 = tpu.concatenate %concatenate3A_44, %concatenate3A_51 in 0 : vector<16x8192xf32>, vector<16x8192xf32> -> vector<32x8192xf32>
    %concatenate3A_61 = tpu.concatenate %concatenate3A_55, %concatenate3A_59 in 0 : vector<16x8192xf32>, vector<16x8192xf32> -> vector<32x8192xf32>
    %slice3A_62 = vector.extract_strided_slice %concatenate3A_60 {offsets = [0, 0], sizes = [32, 2048], strides = [1, 1]} : vector<32x8192xf32> to vector<32x2048xf32>
    %transpose3A_63 = tpu.transpose %slice3A_62, [1, 0] : vector<32x2048xf32> -> vector<2048x32xf32>
    %slice3A_64 = vector.extract_strided_slice %concatenate3A_60 {offsets = [0, 2048], sizes = [32, 2048], strides = [1, 1]} : vector<32x8192xf32> to vector<32x2048xf32>
    %transpose3A_65 = tpu.transpose %slice3A_64, [1, 0] : vector<32x2048xf32> -> vector<2048x32xf32>
    %slice3A_66 = vector.extract_strided_slice %concatenate3A_60 {offsets = [0, 4096], sizes = [32, 2048], strides = [1, 1]} : vector<32x8192xf32> to vector<32x2048xf32>
    %transpose3A_67 = tpu.transpose %slice3A_66, [1, 0] : vector<32x2048xf32> -> vector<2048x32xf32>
    %slice3A_68 = vector.extract_strided_slice %concatenate3A_60 {offsets = [0, 6144], sizes = [32, 2048], strides = [1, 1]} : vector<32x8192xf32> to vector<32x2048xf32>
    %transpose3A_69 = tpu.transpose %slice3A_68, [1, 0] : vector<32x2048xf32> -> vector<2048x32xf32>
    %concatenate3A_70 = tpu.concatenate %transpose3A_63, %transpose3A_65, %transpose3A_67, %transpose3A_69 in 1 : vector<2048x32xf32>, vector<2048x32xf32>, vector<2048x32xf32>, vector<2048x32xf32> -> vector<2048x128xf32>
    %swap3A = arith.constant 0 : index
    %swap3A_71 = arith.constant 0 : index
    %swap3A_72 = arith.constant 0 : index
    %swap3A_73 = vector.load %arg4[%swap3A, %swap3A_71, %swap3A_72] : memref<2x2048x128xf32, #tpu.memory_space<vmem>>, vector<1x2048x128xf32>
    %swap3A_74 = vector.shape_cast %swap3A_73 : vector<1x2048x128xf32> to vector<2048x128xf32>
    %swap3A_75 = vector.shape_cast %concatenate3A_70 : vector<2048x128xf32> to vector<1x2048x128xf32>
    tpu.vector_store %arg4[%swap3A, %swap3A_71, %swap3A_72], %swap3A_75 {strides = array<i32>} : memref<2x2048x128xf32, #tpu.memory_space<vmem>>, vector<1x2048x128xf32>,
    %slice3A_76 = vector.extract_strided_slice %concatenate3A_61 {offsets = [0, 0], sizes = [32, 2048], strides = [1, 1]} : vector<32x8192xf32> to vector<32x2048xf32>
    %transpose3A_77 = tpu.transpose %slice3A_76, [1, 0] : vector<32x2048xf32> -> vector<2048x32xf32>
    %slice3A_78 = vector.extract_strided_slice %concatenate3A_61 {offsets = [0, 2048], sizes = [32, 2048], strides = [1, 1]} : vector<32x8192xf32> to vector<32x2048xf32>
    %transpose3A_79 = tpu.transpose %slice3A_78, [1, 0] : vector<32x2048xf32> -> vector<2048x32xf32>
    %slice3A_80 = vector.extract_strided_slice %concatenate3A_61 {offsets = [0, 4096], sizes = [32, 2048], strides = [1, 1]} : vector<32x8192xf32> to vector<32x2048xf32>
    %transpose3A_81 = tpu.transpose %slice3A_80, [1, 0] : vector<32x2048xf32> -> vector<2048x32xf32>
    %slice3A_82 = vector.extract_strided_slice %concatenate3A_61 {offsets = [0, 6144], sizes = [32, 2048], strides = [1, 1]} : vector<32x8192xf32> to vector<32x2048xf32>
    %transpose3A_83 = tpu.transpose %slice3A_82, [1, 0] : vector<32x2048xf32> -> vector<2048x32xf32>
    %concatenate3A_84 = tpu.concatenate %transpose3A_77, %transpose3A_79, %transpose3A_81, %transpose3A_83 in 1 : vector<2048x32xf32>, vector<2048x32xf32>, vector<2048x32xf32>, vector<2048x32xf32> -> vector<2048x128xf32>
    %swap3A_85 = arith.constant 1 : index
    %swap3A_86 = arith.constant 0 : index
    %swap3A_87 = arith.constant 0 : index
    %swap3A_88 = vector.load %arg4[%swap3A_85, %swap3A_86, %swap3A_87] : memref<2x2048x128xf32, #tpu.memory_space<vmem>>, vector<1x2048x128xf32>
    %swap3A_89 = vector.shape_cast %swap3A_88 : vector<1x2048x128xf32> to vector<2048x128xf32>
    %swap3A_90 = vector.shape_cast %concatenate3A_84 : vector<2048x128xf32> to vector<1x2048x128xf32>
    tpu.vector_store %arg4[%swap3A_85, %swap3A_86, %swap3A_87], %swap3A_90 {strides = array<i32>} : memref<2x2048x128xf32, #tpu.memory_space<vmem>>, vector<1x2048x128xf32>,
    return
  }
  func.func @transform_0(%arg0: i32) -> (i32, i32) {
    %c0_i32 = arith.constant 0 : i32
    %c0_i32_0 = arith.constant 0 : i32
    return %c0_i32, %arg0 : i32, i32
  }
  func.func @transform_1(%arg0: i32) -> (i32, i32) {
    %c0_i32 = arith.constant 0 : i32
    %c0_i32_0 = arith.constant 0 : i32
    return %arg0, %c0_i32 : i32, i32
  }
  func.func @transform_2(%arg0: i32) -> (i32, i32) {
    %c0_i32 = arith.constant 0 : i32
    %c0_i32_0 = arith.constant 0 : i32
    return %c0_i32, %arg0 : i32, i32
  }
  func.func @transform_3(%arg0: i32) -> (i32, i32, i32) {
    %c0_i32 = arith.constant 0 : i32
    %c0_i32_0 = arith.constant 0 : i32
    %c0_i32_1 = arith.constant 0 : i32
    return %c0_i32, %arg0, %c0_i32_0 : i32, i32, i32
  }
}

module attributes {stable_mosaic.version = 14 : i64} {
  func.func @_update_mid_body(%arg0: i32, %arg1: memref<2x784x32xf32, #tpu.memory_space<vmem>>, %arg2: memref<784x16xf32, #tpu.memory_space<vmem>>, %arg3: memref<784x24xf32, #tpu.memory_space<vmem>>, %arg4: memref<784x1xi32, #tpu.memory_space<vmem>>, %arg5: memref<16x16xf32, #tpu.memory_space<vmem>>, %arg6: memref<16x8xf32, #tpu.memory_space<vmem>>, %arg7: memref<8x8xf32, #tpu.memory_space<vmem>>, %arg8: memref<8x8xf32, #tpu.memory_space<vmem>>, %arg9: memref<5x8x8xf32, #tpu.memory_space<vmem>>, %arg10: memref<5x8x8xf32, #tpu.memory_space<vmem>>, %arg11: memref<5x8x8xf32, #tpu.memory_space<vmem>>, %arg12: memref<784x32xf32, #tpu.memory_space<vmem>>, %arg13: memref<784x16xf32, #tpu.memory_space<vmem>>, %arg14: memref<784x24xf32, #tpu.memory_space<vmem>>) attributes {dimension_semantics = [#tpu.dimension_semantics<arbitrary>], iteration_bounds = array<i64: 64>, scalar_prefetch = 0 : i64, scratch_operands = 0 : i64, tpu.core_type = #tpu.core_type<tc>, window_params = [{transform_indices = @transform_0, window_bounds = array<i64: 2, 784, 32>}, {transform_indices = @transform_1, window_bounds = array<i64: 784, 16>}, {transform_indices = @transform_2, window_bounds = array<i64: 784, 24>}, {transform_indices = @transform_3, window_bounds = array<i64: 784, 1>}, {pipeline_mode = #tpu.pipeline_mode<synchronous>, transform_indices = @transform_4, window_bounds = array<i64: 16, 16>}, {pipeline_mode = #tpu.pipeline_mode<synchronous>, transform_indices = @transform_5, window_bounds = array<i64: 16, 8>}, {pipeline_mode = #tpu.pipeline_mode<synchronous>, transform_indices = @transform_6, window_bounds = array<i64: 8, 8>}, {pipeline_mode = #tpu.pipeline_mode<synchronous>, transform_indices = @transform_7, window_bounds = array<i64: 8, 8>}, {pipeline_mode = #tpu.pipeline_mode<synchronous>, transform_indices = @transform_8, window_bounds = array<i64: 5, 8, 8>}, {pipeline_mode = #tpu.pipeline_mode<synchronous>, transform_indices = @transform_9, window_bounds = array<i64: 5, 8, 8>}, {pipeline_mode = #tpu.pipeline_mode<synchronous>, transform_indices = @transform_10, window_bounds = array<i64: 5, 8, 8>}, {transform_indices = @transform_11, window_bounds = array<i64: 784, 32>}, {transform_indices = @transform_12, window_bounds = array<i64: 784, 16>}, {transform_indices = @transform_13, window_bounds = array<i64: 784, 24>}]} {
    %get3A = arith.constant 0 : index
    %get3A_0 = arith.constant 0 : index
    %get3A_1 = arith.constant 0 : index
    %get3A_2 = vector.load %arg1[%get3A, %get3A_0, %get3A_1] : memref<2x784x32xf32, #tpu.memory_space<vmem>>, vector<1x784x32xf32>
    %get3A_3 = vector.shape_cast %get3A_2 : vector<1x784x32xf32> to vector<784x32xf32>
    %get3A_4 = arith.constant 1 : index
    %get3A_5 = arith.constant 0 : index
    %get3A_6 = arith.constant 0 : index
    %get3A_7 = vector.load %arg1[%get3A_4, %get3A_5, %get3A_6] : memref<2x784x32xf32, #tpu.memory_space<vmem>>, vector<1x784x32xf32>
    %get3A_8 = vector.shape_cast %get3A_7 : vector<1x784x32xf32> to vector<784x32xf32>
    %slice3A = vector.extract_strided_slice %get3A_3 {offsets = [0, 0], sizes = [784, 16], strides = [1, 1]} : vector<784x32xf32> to vector<784x16xf32>
    %div3A = arith.constant 1.600000e+01 : f32
    %div3A_9 = vector.broadcast %div3A : f32 to vector<784x16xf32>
    %div3A_10 = arith.divf %slice3A, %div3A_9 : vector<784x16xf32>
    %get3A_11 = arith.constant 0 : index
    %get3A_12 = arith.constant 0 : index
    %get3A_13 = vector.load %arg5[%get3A_11, %get3A_12] : memref<16x16xf32, #tpu.memory_space<vmem>>, vector<16x16xf32>
    %dot_general3A = arith.constant dense<0.000000e+00> : vector<784x16xf32>
    %dot_general3A_14 = tpu.matmul %div3A_10, %get3A_13, %dot_general3A {dimension_numbers = #tpu.dot_dimension_numbers<[1], [0], [0], [1], [0, 0, 1, 1], [], []>, transpose_lhs_hint = false} : vector<784x16xf32>, vector<16x16xf32>, vector<784x16xf32> -> vector<784x16xf32>
    %mul3A = arith.constant 2.500000e-01 : f32
    %mul3A_15 = vector.broadcast %mul3A : f32 to vector<784x16xf32>
    %mul3A_16 = arith.mulf %dot_general3A_14, %mul3A_15 : vector<784x16xf32>
    %get3A_17 = arith.constant 0 : index
    %get3A_18 = arith.constant 0 : index
    %get3A_19 = vector.load %arg2[%get3A_17, %get3A_18] : memref<784x16xf32, #tpu.memory_space<vmem>>, vector<784x16xf32>
    %add3A = arith.addf %mul3A_16, %get3A_19 : vector<784x16xf32>
    %get3A_20 = arith.constant 0 : index
    %get3A_21 = arith.constant 0 : index
    %get3A_22 = vector.load %arg6[%get3A_20, %get3A_21] : memref<16x8xf32, #tpu.memory_space<vmem>>, vector<16x8xf32>
    %get3A_23 = arith.constant 0 : index
    %get3A_24 = arith.constant 0 : index
    %get3A_25 = vector.load %arg3[%get3A_23, %get3A_24] : memref<784x24xf32, #tpu.memory_space<vmem>>, vector<784x24xf32>
    %slice3A_26 = vector.extract_strided_slice %get3A_3 {offsets = [0, 16], sizes = [784, 16], strides = [1, 1]} : vector<784x32xf32> to vector<784x16xf32>
    %div3A_27 = arith.constant 1.600000e+01 : f32
    %div3A_28 = vector.broadcast %div3A_27 : f32 to vector<784x16xf32>
    %div3A_29 = arith.divf %slice3A_26, %div3A_28 : vector<784x16xf32>
    %dot_general3A_30 = arith.constant dense<0.000000e+00> : vector<784x8xf32>
    %dot_general3A_31 = tpu.matmul %div3A_29, %get3A_22, %dot_general3A_30 {dimension_numbers = #tpu.dot_dimension_numbers<[1], [0], [0], [1], [0, 0, 1, 1], [], []>, transpose_lhs_hint = false} : vector<784x16xf32>, vector<16x8xf32>, vector<784x8xf32> -> vector<784x8xf32>
    %mul3A_32 = arith.constant 2.500000e-01 : f32
    %mul3A_33 = vector.broadcast %mul3A_32 : f32 to vector<784x8xf32>
    %mul3A_34 = arith.mulf %dot_general3A_31, %mul3A_33 : vector<784x8xf32>
    %slice3A_35 = vector.extract_strided_slice %get3A_25 {offsets = [0, 0], sizes = [784, 8], strides = [1, 1]} : vector<784x24xf32> to vector<784x8xf32>
    %add3A_36 = arith.addf %mul3A_34, %slice3A_35 : vector<784x8xf32>
    %slice3A_37 = vector.extract_strided_slice %get3A_8 {offsets = [0, 0], sizes = [784, 16], strides = [1, 1]} : vector<784x32xf32> to vector<784x16xf32>
    %div3A_38 = arith.constant 1.600000e+01 : f32
    %div3A_39 = vector.broadcast %div3A_38 : f32 to vector<784x16xf32>
    %div3A_40 = arith.divf %slice3A_37, %div3A_39 : vector<784x16xf32>
    %dot_general3A_41 = arith.constant dense<0.000000e+00> : vector<784x8xf32>
    %dot_general3A_42 = tpu.matmul %div3A_40, %get3A_22, %dot_general3A_41 {dimension_numbers = #tpu.dot_dimension_numbers<[1], [0], [0], [1], [0, 0, 1, 1], [], []>, transpose_lhs_hint = false} : vector<784x16xf32>, vector<16x8xf32>, vector<784x8xf32> -> vector<784x8xf32>
    %mul3A_43 = arith.constant 2.500000e-01 : f32
    %mul3A_44 = vector.broadcast %mul3A_43 : f32 to vector<784x8xf32>
    %mul3A_45 = arith.mulf %dot_general3A_42, %mul3A_44 : vector<784x8xf32>
    %slice3A_46 = vector.extract_strided_slice %get3A_25 {offsets = [0, 8], sizes = [784, 8], strides = [1, 1]} : vector<784x24xf32> to vector<784x8xf32>
    %add3A_47 = arith.addf %mul3A_45, %slice3A_46 : vector<784x8xf32>
    %slice3A_48 = vector.extract_strided_slice %get3A_8 {offsets = [0, 16], sizes = [784, 16], strides = [1, 1]} : vector<784x32xf32> to vector<784x16xf32>
    %div3A_49 = arith.constant 1.600000e+01 : f32
    %div3A_50 = vector.broadcast %div3A_49 : f32 to vector<784x16xf32>
    %div3A_51 = arith.divf %slice3A_48, %div3A_50 : vector<784x16xf32>
    %dot_general3A_52 = arith.constant dense<0.000000e+00> : vector<784x8xf32>
    %dot_general3A_53 = tpu.matmul %div3A_51, %get3A_22, %dot_general3A_52 {dimension_numbers = #tpu.dot_dimension_numbers<[1], [0], [0], [1], [0, 0, 1, 1], [], []>, transpose_lhs_hint = false} : vector<784x16xf32>, vector<16x8xf32>, vector<784x8xf32> -> vector<784x8xf32>
    %mul3A_54 = arith.constant 2.500000e-01 : f32
    %mul3A_55 = vector.broadcast %mul3A_54 : f32 to vector<784x8xf32>
    %mul3A_56 = arith.mulf %dot_general3A_53, %mul3A_55 : vector<784x8xf32>
    %slice3A_57 = vector.extract_strided_slice %get3A_25 {offsets = [0, 16], sizes = [784, 8], strides = [1, 1]} : vector<784x24xf32> to vector<784x8xf32>
    %add3A_58 = arith.addf %mul3A_56, %slice3A_57 : vector<784x8xf32>
    %slice3A_59 = vector.extract_strided_slice %add3A {offsets = [0, 0], sizes = [784, 8], strides = [1, 1]} : vector<784x16xf32> to vector<784x8xf32>
    %logistic3A = arith.negf %slice3A_59 : vector<784x8xf32>
    %logistic3A_60 = math.exp %logistic3A : vector<784x8xf32>
    %logistic3A_61 = arith.constant 1.000000e+00 : f32
    %logistic3A_62 = vector.broadcast %logistic3A_61 : f32 to vector<784x8xf32>
    %logistic3A_63 = arith.addf %logistic3A_62, %logistic3A_60 : vector<784x8xf32>
    %logistic3A_64 = arith.divf %logistic3A_62, %logistic3A_63 : vector<784x8xf32>
    %mul3A_65 = arith.mulf %slice3A_59, %logistic3A_64 : vector<784x8xf32>
    %slice3A_66 = vector.extract_strided_slice %add3A {offsets = [0, 8], sizes = [784, 8], strides = [1, 1]} : vector<784x16xf32> to vector<784x8xf32>
    %logistic3A_67 = arith.negf %slice3A_66 : vector<784x8xf32>
    %logistic3A_68 = math.exp %logistic3A_67 : vector<784x8xf32>
    %logistic3A_69 = arith.constant 1.000000e+00 : f32
    %logistic3A_70 = vector.broadcast %logistic3A_69 : f32 to vector<784x8xf32>
    %logistic3A_71 = arith.addf %logistic3A_70, %logistic3A_68 : vector<784x8xf32>
    %logistic3A_72 = arith.divf %logistic3A_70, %logistic3A_71 : vector<784x8xf32>
    %mul3A_73 = arith.mulf %slice3A_66, %logistic3A_72 : vector<784x8xf32>
    %mul3A_74 = arith.mulf %add3A_36, %mul3A_73 : vector<784x8xf32>
    %mul3A_75 = arith.mulf %add3A_47, %mul3A_73 : vector<784x8xf32>
    %mul3A_76 = arith.mulf %add3A_58, %mul3A_73 : vector<784x8xf32>
    %get3A_77 = arith.constant 0 : index
    %get3A_78 = arith.constant 0 : index
    %get3A_79 = vector.load %arg4[%get3A_77, %get3A_78] : memref<784x1xi32, #tpu.memory_space<vmem>>, vector<784x1xi32>
    %iota3A = tpu.iota {dimensions = array<i32: 1>} : vector<784x5xi32>
    %eq3A = vector.broadcast %get3A_79 : vector<784x1xi32> to vector<784x5xi32>
    %eq3A_80 = arith.cmpi eq, %eq3A, %iota3A : vector<784x5xi32>
    %convert_element_type3A = arith.extui %eq3A_80 : vector<784x5xi1> to vector<784x5xi32>
    %convert_element_type3A_81 = arith.sitofp %convert_element_type3A : vector<784x5xi32> to vector<784x5xf32>
    %broadcast_in_dim3A = arith.constant 0.000000e+00 : f32
    %broadcast_in_dim3A_82 = vector.broadcast %broadcast_in_dim3A : f32 to vector<784x8xf32>
    %broadcast_in_dim3A_83 = arith.constant 0.000000e+00 : f32
    %broadcast_in_dim3A_84 = vector.broadcast %broadcast_in_dim3A_83 : f32 to vector<784x8xf32>
    %broadcast_in_dim3A_85 = arith.constant 0.000000e+00 : f32
    %broadcast_in_dim3A_86 = vector.broadcast %broadcast_in_dim3A_85 : f32 to vector<784x8xf32>
    %broadcast_in_dim3A_87 = arith.constant 0.000000e+00 : f32
    %broadcast_in_dim3A_88 = vector.broadcast %broadcast_in_dim3A_87 : f32 to vector<784x8xf32>
    %broadcast_in_dim3A_89 = arith.constant 0.000000e+00 : f32
    %broadcast_in_dim3A_90 = vector.broadcast %broadcast_in_dim3A_89 : f32 to vector<784x8xf32>
    %slice3A_91 = vector.extract_strided_slice %convert_element_type3A_81 {offsets = [0, 0], sizes = [784, 1], strides = [1, 1]} : vector<784x5xf32> to vector<784x1xf32>
    %get3A_92 = arith.constant 0 : index
    %get3A_93 = arith.constant 0 : index
    %get3A_94 = arith.constant 0 : index
    %get3A_95 = vector.load %arg9[%get3A_92, %get3A_93, %get3A_94] : memref<5x8x8xf32, #tpu.memory_space<vmem>>, vector<1x8x8xf32>
    %get3A_96 = vector.shape_cast %get3A_95 : vector<1x8x8xf32> to vector<8x8xf32>
    %dot_general3A_97 = arith.constant dense<0.000000e+00> : vector<784x8xf32>
    %dot_general3A_98 = tpu.matmul %mul3A_65, %get3A_96, %dot_general3A_97 {dimension_numbers = #tpu.dot_dimension_numbers<[1], [0], [0], [1], [0, 0, 1, 1], [], []>, transpose_lhs_hint = false} : vector<784x8xf32>, vector<8x8xf32>, vector<784x8xf32> -> vector<784x8xf32>
    %mul3A_99 = vector.broadcast %slice3A_91 : vector<784x1xf32> to vector<784x8xf32>
    %mul3A_100 = arith.mulf %dot_general3A_98, %mul3A_99 : vector<784x8xf32>
    %add3A_101 = arith.addf %broadcast_in_dim3A_82, %mul3A_100 : vector<784x8xf32>
    %get3A_102 = arith.constant 0 : index
    %get3A_103 = arith.constant 0 : index
    %get3A_104 = arith.constant 0 : index
    %get3A_105 = vector.load %arg10[%get3A_102, %get3A_103, %get3A_104] : memref<5x8x8xf32, #tpu.memory_space<vmem>>, vector<1x8x8xf32>
    %get3A_106 = vector.shape_cast %get3A_105 : vector<1x8x8xf32> to vector<8x8xf32>
    %dot_general3A_107 = arith.constant dense<0.000000e+00> : vector<784x8xf32>
    %dot_general3A_108 = tpu.matmul %mul3A_65, %get3A_106, %dot_general3A_107 {dimension_numbers = #tpu.dot_dimension_numbers<[1], [0], [0], [1], [0, 0, 1, 1], [], []>, transpose_lhs_hint = false} : vector<784x8xf32>, vector<8x8xf32>, vector<784x8xf32> -> vector<784x8xf32>
    %mul3A_109 = vector.broadcast %slice3A_91 : vector<784x1xf32> to vector<784x8xf32>
    %mul3A_110 = arith.mulf %dot_general3A_108, %mul3A_109 : vector<784x8xf32>
    %add3A_111 = arith.addf %broadcast_in_dim3A_84, %mul3A_110 : vector<784x8xf32>
    %get3A_112 = arith.constant 0 : index
    %get3A_113 = arith.constant 0 : index
    %get3A_114 = arith.constant 0 : index
    %get3A_115 = vector.load %arg11[%get3A_112, %get3A_113, %get3A_114] : memref<5x8x8xf32, #tpu.memory_space<vmem>>, vector<1x8x8xf32>
    %get3A_116 = vector.shape_cast %get3A_115 : vector<1x8x8xf32> to vector<8x8xf32>
    %dot_general3A_117 = arith.constant dense<0.000000e+00> : vector<784x8xf32>
    %dot_general3A_118 = tpu.matmul %mul3A_74, %get3A_116, %dot_general3A_117 {dimension_numbers = #tpu.dot_dimension_numbers<[1], [0], [0], [1], [0, 0, 1, 1], [], []>, transpose_lhs_hint = false} : vector<784x8xf32>, vector<8x8xf32>, vector<784x8xf32> -> vector<784x8xf32>
    %mul3A_119 = vector.broadcast %slice3A_91 : vector<784x1xf32> to vector<784x8xf32>
    %mul3A_120 = arith.mulf %dot_general3A_118, %mul3A_119 : vector<784x8xf32>
    %add3A_121 = arith.addf %broadcast_in_dim3A_86, %mul3A_120 : vector<784x8xf32>
    %get3A_122 = arith.constant 0 : index
    %get3A_123 = arith.constant 0 : index
    %get3A_124 = arith.constant 0 : index
    %get3A_125 = vector.load %arg11[%get3A_122, %get3A_123, %get3A_124] : memref<5x8x8xf32, #tpu.memory_space<vmem>>, vector<1x8x8xf32>
    %get3A_126 = vector.shape_cast %get3A_125 : vector<1x8x8xf32> to vector<8x8xf32>
    %dot_general3A_127 = arith.constant dense<0.000000e+00> : vector<784x8xf32>
    %dot_general3A_128 = tpu.matmul %mul3A_75, %get3A_126, %dot_general3A_127 {dimension_numbers = #tpu.dot_dimension_numbers<[1], [0], [0], [1], [0, 0, 1, 1], [], []>, transpose_lhs_hint = false} : vector<784x8xf32>, vector<8x8xf32>, vector<784x8xf32> -> vector<784x8xf32>
    %mul3A_129 = vector.broadcast %slice3A_91 : vector<784x1xf32> to vector<784x8xf32>
    %mul3A_130 = arith.mulf %dot_general3A_128, %mul3A_129 : vector<784x8xf32>
    %add3A_131 = arith.addf %broadcast_in_dim3A_88, %mul3A_130 : vector<784x8xf32>
    %get3A_132 = arith.constant 0 : index
    %get3A_133 = arith.constant 0 : index
    %get3A_134 = arith.constant 0 : index
    %get3A_135 = vector.load %arg11[%get3A_132, %get3A_133, %get3A_134] : memref<5x8x8xf32, #tpu.memory_space<vmem>>, vector<1x8x8xf32>
    %get3A_136 = vector.shape_cast %get3A_135 : vector<1x8x8xf32> to vector<8x8xf32>
    %dot_general3A_137 = arith.constant dense<0.000000e+00> : vector<784x8xf32>
    %dot_general3A_138 = tpu.matmul %mul3A_76, %get3A_136, %dot_general3A_137 {dimension_numbers = #tpu.dot_dimension_numbers<[1], [0], [0], [1], [0, 0, 1, 1], [], []>, transpose_lhs_hint = false} : vector<784x8xf32>, vector<8x8xf32>, vector<784x8xf32> -> vector<784x8xf32>
    %mul3A_139 = vector.broadcast %slice3A_91 : vector<784x1xf32> to vector<784x8xf32>
    %mul3A_140 = arith.mulf %dot_general3A_138, %mul3A_139 : vector<784x8xf32>
    %add3A_141 = arith.addf %broadcast_in_dim3A_90, %mul3A_140 : vector<784x8xf32>
    %slice3A_142 = vector.extract_strided_slice %convert_element_type3A_81 {offsets = [0, 1], sizes = [784, 1], strides = [1, 1]} : vector<784x5xf32> to vector<784x1xf32>
    %get3A_143 = arith.constant 1 : index
    %get3A_144 = arith.constant 0 : index
    %get3A_145 = arith.constant 0 : index
    %get3A_146 = vector.load %arg9[%get3A_143, %get3A_144, %get3A_145] : memref<5x8x8xf32, #tpu.memory_space<vmem>>, vector<1x8x8xf32>
    %get3A_147 = vector.shape_cast %get3A_146 : vector<1x8x8xf32> to vector<8x8xf32>
    %dot_general3A_148 = arith.constant dense<0.000000e+00> : vector<784x8xf32>
    %dot_general3A_149 = tpu.matmul %mul3A_65, %get3A_147, %dot_general3A_148 {dimension_numbers = #tpu.dot_dimension_numbers<[1], [0], [0], [1], [0, 0, 1, 1], [], []>, transpose_lhs_hint = false} : vector<784x8xf32>, vector<8x8xf32>, vector<784x8xf32> -> vector<784x8xf32>
    %mul3A_150 = vector.broadcast %slice3A_142 : vector<784x1xf32> to vector<784x8xf32>
    %mul3A_151 = arith.mulf %dot_general3A_149, %mul3A_150 : vector<784x8xf32>
    %add3A_152 = arith.addf %add3A_101, %mul3A_151 : vector<784x8xf32>
    %get3A_153 = arith.constant 1 : index
    %get3A_154 = arith.constant 0 : index
    %get3A_155 = arith.constant 0 : index
    %get3A_156 = vector.load %arg10[%get3A_153, %get3A_154, %get3A_155] : memref<5x8x8xf32, #tpu.memory_space<vmem>>, vector<1x8x8xf32>
    %get3A_157 = vector.shape_cast %get3A_156 : vector<1x8x8xf32> to vector<8x8xf32>
    %dot_general3A_158 = arith.constant dense<0.000000e+00> : vector<784x8xf32>
    %dot_general3A_159 = tpu.matmul %mul3A_65, %get3A_157, %dot_general3A_158 {dimension_numbers = #tpu.dot_dimension_numbers<[1], [0], [0], [1], [0, 0, 1, 1], [], []>, transpose_lhs_hint = false} : vector<784x8xf32>, vector<8x8xf32>, vector<784x8xf32> -> vector<784x8xf32>
    %mul3A_160 = vector.broadcast %slice3A_142 : vector<784x1xf32> to vector<784x8xf32>
    %mul3A_161 = arith.mulf %dot_general3A_159, %mul3A_160 : vector<784x8xf32>
    %add3A_162 = arith.addf %add3A_111, %mul3A_161 : vector<784x8xf32>
    %get3A_163 = arith.constant 1 : index
    %get3A_164 = arith.constant 0 : index
    %get3A_165 = arith.constant 0 : index
    %get3A_166 = vector.load %arg11[%get3A_163, %get3A_164, %get3A_165] : memref<5x8x8xf32, #tpu.memory_space<vmem>>, vector<1x8x8xf32>
    %get3A_167 = vector.shape_cast %get3A_166 : vector<1x8x8xf32> to vector<8x8xf32>
    %dot_general3A_168 = arith.constant dense<0.000000e+00> : vector<784x8xf32>
    %dot_general3A_169 = tpu.matmul %mul3A_74, %get3A_167, %dot_general3A_168 {dimension_numbers = #tpu.dot_dimension_numbers<[1], [0], [0], [1], [0, 0, 1, 1], [], []>, transpose_lhs_hint = false} : vector<784x8xf32>, vector<8x8xf32>, vector<784x8xf32> -> vector<784x8xf32>
    %mul3A_170 = vector.broadcast %slice3A_142 : vector<784x1xf32> to vector<784x8xf32>
    %mul3A_171 = arith.mulf %dot_general3A_169, %mul3A_170 : vector<784x8xf32>
    %add3A_172 = arith.addf %add3A_121, %mul3A_171 : vector<784x8xf32>
    %get3A_173 = arith.constant 1 : index
    %get3A_174 = arith.constant 0 : index
    %get3A_175 = arith.constant 0 : index
    %get3A_176 = vector.load %arg11[%get3A_173, %get3A_174, %get3A_175] : memref<5x8x8xf32, #tpu.memory_space<vmem>>, vector<1x8x8xf32>
    %get3A_177 = vector.shape_cast %get3A_176 : vector<1x8x8xf32> to vector<8x8xf32>
    %dot_general3A_178 = arith.constant dense<0.000000e+00> : vector<784x8xf32>
    %dot_general3A_179 = tpu.matmul %mul3A_75, %get3A_177, %dot_general3A_178 {dimension_numbers = #tpu.dot_dimension_numbers<[1], [0], [0], [1], [0, 0, 1, 1], [], []>, transpose_lhs_hint = false} : vector<784x8xf32>, vector<8x8xf32>, vector<784x8xf32> -> vector<784x8xf32>
    %mul3A_180 = vector.broadcast %slice3A_142 : vector<784x1xf32> to vector<784x8xf32>
    %mul3A_181 = arith.mulf %dot_general3A_179, %mul3A_180 : vector<784x8xf32>
    %add3A_182 = arith.addf %add3A_131, %mul3A_181 : vector<784x8xf32>
    %get3A_183 = arith.constant 1 : index
    %get3A_184 = arith.constant 0 : index
    %get3A_185 = arith.constant 0 : index
    %get3A_186 = vector.load %arg11[%get3A_183, %get3A_184, %get3A_185] : memref<5x8x8xf32, #tpu.memory_space<vmem>>, vector<1x8x8xf32>
    %get3A_187 = vector.shape_cast %get3A_186 : vector<1x8x8xf32> to vector<8x8xf32>
    %dot_general3A_188 = arith.constant dense<0.000000e+00> : vector<784x8xf32>
    %dot_general3A_189 = tpu.matmul %mul3A_76, %get3A_187, %dot_general3A_188 {dimension_numbers = #tpu.dot_dimension_numbers<[1], [0], [0], [1], [0, 0, 1, 1], [], []>, transpose_lhs_hint = false} : vector<784x8xf32>, vector<8x8xf32>, vector<784x8xf32> -> vector<784x8xf32>
    %mul3A_190 = vector.broadcast %slice3A_142 : vector<784x1xf32> to vector<784x8xf32>
    %mul3A_191 = arith.mulf %dot_general3A_189, %mul3A_190 : vector<784x8xf32>
    %add3A_192 = arith.addf %add3A_141, %mul3A_191 : vector<784x8xf32>
    %slice3A_193 = vector.extract_strided_slice %convert_element_type3A_81 {offsets = [0, 2], sizes = [784, 1], strides = [1, 1]} : vector<784x5xf32> to vector<784x1xf32>
    %get3A_194 = arith.constant 2 : index
    %get3A_195 = arith.constant 0 : index
    %get3A_196 = arith.constant 0 : index
    %get3A_197 = vector.load %arg9[%get3A_194, %get3A_195, %get3A_196] : memref<5x8x8xf32, #tpu.memory_space<vmem>>, vector<1x8x8xf32>
    %get3A_198 = vector.shape_cast %get3A_197 : vector<1x8x8xf32> to vector<8x8xf32>
    %dot_general3A_199 = arith.constant dense<0.000000e+00> : vector<784x8xf32>
    %dot_general3A_200 = tpu.matmul %mul3A_65, %get3A_198, %dot_general3A_199 {dimension_numbers = #tpu.dot_dimension_numbers<[1], [0], [0], [1], [0, 0, 1, 1], [], []>, transpose_lhs_hint = false} : vector<784x8xf32>, vector<8x8xf32>, vector<784x8xf32> -> vector<784x8xf32>
    %mul3A_201 = vector.broadcast %slice3A_193 : vector<784x1xf32> to vector<784x8xf32>
    %mul3A_202 = arith.mulf %dot_general3A_200, %mul3A_201 : vector<784x8xf32>
    %add3A_203 = arith.addf %add3A_152, %mul3A_202 : vector<784x8xf32>
    %get3A_204 = arith.constant 2 : index
    %get3A_205 = arith.constant 0 : index
    %get3A_206 = arith.constant 0 : index
    %get3A_207 = vector.load %arg10[%get3A_204, %get3A_205, %get3A_206] : memref<5x8x8xf32, #tpu.memory_space<vmem>>, vector<1x8x8xf32>
    %get3A_208 = vector.shape_cast %get3A_207 : vector<1x8x8xf32> to vector<8x8xf32>
    %dot_general3A_209 = arith.constant dense<0.000000e+00> : vector<784x8xf32>
    %dot_general3A_210 = tpu.matmul %mul3A_65, %get3A_208, %dot_general3A_209 {dimension_numbers = #tpu.dot_dimension_numbers<[1], [0], [0], [1], [0, 0, 1, 1], [], []>, transpose_lhs_hint = false} : vector<784x8xf32>, vector<8x8xf32>, vector<784x8xf32> -> vector<784x8xf32>
    %mul3A_211 = vector.broadcast %slice3A_193 : vector<784x1xf32> to vector<784x8xf32>
    %mul3A_212 = arith.mulf %dot_general3A_210, %mul3A_211 : vector<784x8xf32>
    %add3A_213 = arith.addf %add3A_162, %mul3A_212 : vector<784x8xf32>
    %get3A_214 = arith.constant 2 : index
    %get3A_215 = arith.constant 0 : index
    %get3A_216 = arith.constant 0 : index
    %get3A_217 = vector.load %arg11[%get3A_214, %get3A_215, %get3A_216] : memref<5x8x8xf32, #tpu.memory_space<vmem>>, vector<1x8x8xf32>
    %get3A_218 = vector.shape_cast %get3A_217 : vector<1x8x8xf32> to vector<8x8xf32>
    %dot_general3A_219 = arith.constant dense<0.000000e+00> : vector<784x8xf32>
    %dot_general3A_220 = tpu.matmul %mul3A_74, %get3A_218, %dot_general3A_219 {dimension_numbers = #tpu.dot_dimension_numbers<[1], [0], [0], [1], [0, 0, 1, 1], [], []>, transpose_lhs_hint = false} : vector<784x8xf32>, vector<8x8xf32>, vector<784x8xf32> -> vector<784x8xf32>
    %mul3A_221 = vector.broadcast %slice3A_193 : vector<784x1xf32> to vector<784x8xf32>
    %mul3A_222 = arith.mulf %dot_general3A_220, %mul3A_221 : vector<784x8xf32>
    %add3A_223 = arith.addf %add3A_172, %mul3A_222 : vector<784x8xf32>
    %get3A_224 = arith.constant 2 : index
    %get3A_225 = arith.constant 0 : index
    %get3A_226 = arith.constant 0 : index
    %get3A_227 = vector.load %arg11[%get3A_224, %get3A_225, %get3A_226] : memref<5x8x8xf32, #tpu.memory_space<vmem>>, vector<1x8x8xf32>
    %get3A_228 = vector.shape_cast %get3A_227 : vector<1x8x8xf32> to vector<8x8xf32>
    %dot_general3A_229 = arith.constant dense<0.000000e+00> : vector<784x8xf32>
    %dot_general3A_230 = tpu.matmul %mul3A_75, %get3A_228, %dot_general3A_229 {dimension_numbers = #tpu.dot_dimension_numbers<[1], [0], [0], [1], [0, 0, 1, 1], [], []>, transpose_lhs_hint = false} : vector<784x8xf32>, vector<8x8xf32>, vector<784x8xf32> -> vector<784x8xf32>
    %mul3A_231 = vector.broadcast %slice3A_193 : vector<784x1xf32> to vector<784x8xf32>
    %mul3A_232 = arith.mulf %dot_general3A_230, %mul3A_231 : vector<784x8xf32>
    %add3A_233 = arith.addf %add3A_182, %mul3A_232 : vector<784x8xf32>
    %get3A_234 = arith.constant 2 : index
    %get3A_235 = arith.constant 0 : index
    %get3A_236 = arith.constant 0 : index
    %get3A_237 = vector.load %arg11[%get3A_234, %get3A_235, %get3A_236] : memref<5x8x8xf32, #tpu.memory_space<vmem>>, vector<1x8x8xf32>
    %get3A_238 = vector.shape_cast %get3A_237 : vector<1x8x8xf32> to vector<8x8xf32>
    %dot_general3A_239 = arith.constant dense<0.000000e+00> : vector<784x8xf32>
    %dot_general3A_240 = tpu.matmul %mul3A_76, %get3A_238, %dot_general3A_239 {dimension_numbers = #tpu.dot_dimension_numbers<[1], [0], [0], [1], [0, 0, 1, 1], [], []>, transpose_lhs_hint = false} : vector<784x8xf32>, vector<8x8xf32>, vector<784x8xf32> -> vector<784x8xf32>
    %mul3A_241 = vector.broadcast %slice3A_193 : vector<784x1xf32> to vector<784x8xf32>
    %mul3A_242 = arith.mulf %dot_general3A_240, %mul3A_241 : vector<784x8xf32>
    %add3A_243 = arith.addf %add3A_192, %mul3A_242 : vector<784x8xf32>
    %slice3A_244 = vector.extract_strided_slice %convert_element_type3A_81 {offsets = [0, 3], sizes = [784, 1], strides = [1, 1]} : vector<784x5xf32> to vector<784x1xf32>
    %get3A_245 = arith.constant 3 : index
    %get3A_246 = arith.constant 0 : index
    %get3A_247 = arith.constant 0 : index
    %get3A_248 = vector.load %arg9[%get3A_245, %get3A_246, %get3A_247] : memref<5x8x8xf32, #tpu.memory_space<vmem>>, vector<1x8x8xf32>
    %get3A_249 = vector.shape_cast %get3A_248 : vector<1x8x8xf32> to vector<8x8xf32>
    %dot_general3A_250 = arith.constant dense<0.000000e+00> : vector<784x8xf32>
    %dot_general3A_251 = tpu.matmul %mul3A_65, %get3A_249, %dot_general3A_250 {dimension_numbers = #tpu.dot_dimension_numbers<[1], [0], [0], [1], [0, 0, 1, 1], [], []>, transpose_lhs_hint = false} : vector<784x8xf32>, vector<8x8xf32>, vector<784x8xf32> -> vector<784x8xf32>
    %mul3A_252 = vector.broadcast %slice3A_244 : vector<784x1xf32> to vector<784x8xf32>
    %mul3A_253 = arith.mulf %dot_general3A_251, %mul3A_252 : vector<784x8xf32>
    %add3A_254 = arith.addf %add3A_203, %mul3A_253 : vector<784x8xf32>
    %get3A_255 = arith.constant 3 : index
    %get3A_256 = arith.constant 0 : index
    %get3A_257 = arith.constant 0 : index
    %get3A_258 = vector.load %arg10[%get3A_255, %get3A_256, %get3A_257] : memref<5x8x8xf32, #tpu.memory_space<vmem>>, vector<1x8x8xf32>
    %get3A_259 = vector.shape_cast %get3A_258 : vector<1x8x8xf32> to vector<8x8xf32>
    %dot_general3A_260 = arith.constant dense<0.000000e+00> : vector<784x8xf32>
    %dot_general3A_261 = tpu.matmul %mul3A_65, %get3A_259, %dot_general3A_260 {dimension_numbers = #tpu.dot_dimension_numbers<[1], [0], [0], [1], [0, 0, 1, 1], [], []>, transpose_lhs_hint = false} : vector<784x8xf32>, vector<8x8xf32>, vector<784x8xf32> -> vector<784x8xf32>
    %mul3A_262 = vector.broadcast %slice3A_244 : vector<784x1xf32> to vector<784x8xf32>
    %mul3A_263 = arith.mulf %dot_general3A_261, %mul3A_262 : vector<784x8xf32>
    %add3A_264 = arith.addf %add3A_213, %mul3A_263 : vector<784x8xf32>
    %get3A_265 = arith.constant 3 : index
    %get3A_266 = arith.constant 0 : index
    %get3A_267 = arith.constant 0 : index
    %get3A_268 = vector.load %arg11[%get3A_265, %get3A_266, %get3A_267] : memref<5x8x8xf32, #tpu.memory_space<vmem>>, vector<1x8x8xf32>
    %get3A_269 = vector.shape_cast %get3A_268 : vector<1x8x8xf32> to vector<8x8xf32>
    %dot_general3A_270 = arith.constant dense<0.000000e+00> : vector<784x8xf32>
    %dot_general3A_271 = tpu.matmul %mul3A_74, %get3A_269, %dot_general3A_270 {dimension_numbers = #tpu.dot_dimension_numbers<[1], [0], [0], [1], [0, 0, 1, 1], [], []>, transpose_lhs_hint = false} : vector<784x8xf32>, vector<8x8xf32>, vector<784x8xf32> -> vector<784x8xf32>
    %mul3A_272 = vector.broadcast %slice3A_244 : vector<784x1xf32> to vector<784x8xf32>
    %mul3A_273 = arith.mulf %dot_general3A_271, %mul3A_272 : vector<784x8xf32>
    %add3A_274 = arith.addf %add3A_223, %mul3A_273 : vector<784x8xf32>
    %get3A_275 = arith.constant 3 : index
    %get3A_276 = arith.constant 0 : index
    %get3A_277 = arith.constant 0 : index
    %get3A_278 = vector.load %arg11[%get3A_275, %get3A_276, %get3A_277] : memref<5x8x8xf32, #tpu.memory_space<vmem>>, vector<1x8x8xf32>
    %get3A_279 = vector.shape_cast %get3A_278 : vector<1x8x8xf32> to vector<8x8xf32>
    %dot_general3A_280 = arith.constant dense<0.000000e+00> : vector<784x8xf32>
    %dot_general3A_281 = tpu.matmul %mul3A_75, %get3A_279, %dot_general3A_280 {dimension_numbers = #tpu.dot_dimension_numbers<[1], [0], [0], [1], [0, 0, 1, 1], [], []>, transpose_lhs_hint = false} : vector<784x8xf32>, vector<8x8xf32>, vector<784x8xf32> -> vector<784x8xf32>
    %mul3A_282 = vector.broadcast %slice3A_244 : vector<784x1xf32> to vector<784x8xf32>
    %mul3A_283 = arith.mulf %dot_general3A_281, %mul3A_282 : vector<784x8xf32>
    %add3A_284 = arith.addf %add3A_233, %mul3A_283 : vector<784x8xf32>
    %get3A_285 = arith.constant 3 : index
    %get3A_286 = arith.constant 0 : index
    %get3A_287 = arith.constant 0 : index
    %get3A_288 = vector.load %arg11[%get3A_285, %get3A_286, %get3A_287] : memref<5x8x8xf32, #tpu.memory_space<vmem>>, vector<1x8x8xf32>
    %get3A_289 = vector.shape_cast %get3A_288 : vector<1x8x8xf32> to vector<8x8xf32>
    %dot_general3A_290 = arith.constant dense<0.000000e+00> : vector<784x8xf32>
    %dot_general3A_291 = tpu.matmul %mul3A_76, %get3A_289, %dot_general3A_290 {dimension_numbers = #tpu.dot_dimension_numbers<[1], [0], [0], [1], [0, 0, 1, 1], [], []>, transpose_lhs_hint = false} : vector<784x8xf32>, vector<8x8xf32>, vector<784x8xf32> -> vector<784x8xf32>
    %mul3A_292 = vector.broadcast %slice3A_244 : vector<784x1xf32> to vector<784x8xf32>
    %mul3A_293 = arith.mulf %dot_general3A_291, %mul3A_292 : vector<784x8xf32>
    %add3A_294 = arith.addf %add3A_243, %mul3A_293 : vector<784x8xf32>
    %slice3A_295 = vector.extract_strided_slice %convert_element_type3A_81 {offsets = [0, 4], sizes = [784, 1], strides = [1, 1]} : vector<784x5xf32> to vector<784x1xf32>
    %get3A_296 = arith.constant 4 : index
    %get3A_297 = arith.constant 0 : index
    %get3A_298 = arith.constant 0 : index
    %get3A_299 = vector.load %arg9[%get3A_296, %get3A_297, %get3A_298] : memref<5x8x8xf32, #tpu.memory_space<vmem>>, vector<1x8x8xf32>
    %get3A_300 = vector.shape_cast %get3A_299 : vector<1x8x8xf32> to vector<8x8xf32>
    %dot_general3A_301 = arith.constant dense<0.000000e+00> : vector<784x8xf32>
    %dot_general3A_302 = tpu.matmul %mul3A_65, %get3A_300, %dot_general3A_301 {dimension_numbers = #tpu.dot_dimension_numbers<[1], [0], [0], [1], [0, 0, 1, 1], [], []>, transpose_lhs_hint = false} : vector<784x8xf32>, vector<8x8xf32>, vector<784x8xf32> -> vector<784x8xf32>
    %mul3A_303 = vector.broadcast %slice3A_295 : vector<784x1xf32> to vector<784x8xf32>
    %mul3A_304 = arith.mulf %dot_general3A_302, %mul3A_303 : vector<784x8xf32>
    %add3A_305 = arith.addf %add3A_254, %mul3A_304 : vector<784x8xf32>
    %get3A_306 = arith.constant 4 : index
    %get3A_307 = arith.constant 0 : index
    %get3A_308 = arith.constant 0 : index
    %get3A_309 = vector.load %arg10[%get3A_306, %get3A_307, %get3A_308] : memref<5x8x8xf32, #tpu.memory_space<vmem>>, vector<1x8x8xf32>
    %get3A_310 = vector.shape_cast %get3A_309 : vector<1x8x8xf32> to vector<8x8xf32>
    %dot_general3A_311 = arith.constant dense<0.000000e+00> : vector<784x8xf32>
    %dot_general3A_312 = tpu.matmul %mul3A_65, %get3A_310, %dot_general3A_311 {dimension_numbers = #tpu.dot_dimension_numbers<[1], [0], [0], [1], [0, 0, 1, 1], [], []>, transpose_lhs_hint = false} : vector<784x8xf32>, vector<8x8xf32>, vector<784x8xf32> -> vector<784x8xf32>
    %mul3A_313 = vector.broadcast %slice3A_295 : vector<784x1xf32> to vector<784x8xf32>
    %mul3A_314 = arith.mulf %dot_general3A_312, %mul3A_313 : vector<784x8xf32>
    %add3A_315 = arith.addf %add3A_264, %mul3A_314 : vector<784x8xf32>
    %get3A_316 = arith.constant 4 : index
    %get3A_317 = arith.constant 0 : index
    %get3A_318 = arith.constant 0 : index
    %get3A_319 = vector.load %arg11[%get3A_316, %get3A_317, %get3A_318] : memref<5x8x8xf32, #tpu.memory_space<vmem>>, vector<1x8x8xf32>
    %get3A_320 = vector.shape_cast %get3A_319 : vector<1x8x8xf32> to vector<8x8xf32>
    %dot_general3A_321 = arith.constant dense<0.000000e+00> : vector<784x8xf32>
    %dot_general3A_322 = tpu.matmul %mul3A_74, %get3A_320, %dot_general3A_321 {dimension_numbers = #tpu.dot_dimension_numbers<[1], [0], [0], [1], [0, 0, 1, 1], [], []>, transpose_lhs_hint = false} : vector<784x8xf32>, vector<8x8xf32>, vector<784x8xf32> -> vector<784x8xf32>
    %mul3A_323 = vector.broadcast %slice3A_295 : vector<784x1xf32> to vector<784x8xf32>
    %mul3A_324 = arith.mulf %dot_general3A_322, %mul3A_323 : vector<784x8xf32>
    %add3A_325 = arith.addf %add3A_274, %mul3A_324 : vector<784x8xf32>
    %get3A_326 = arith.constant 4 : index
    %get3A_327 = arith.constant 0 : index
    %get3A_328 = arith.constant 0 : index
    %get3A_329 = vector.load %arg11[%get3A_326, %get3A_327, %get3A_328] : memref<5x8x8xf32, #tpu.memory_space<vmem>>, vector<1x8x8xf32>
    %get3A_330 = vector.shape_cast %get3A_329 : vector<1x8x8xf32> to vector<8x8xf32>
    %dot_general3A_331 = arith.constant dense<0.000000e+00> : vector<784x8xf32>
    %dot_general3A_332 = tpu.matmul %mul3A_75, %get3A_330, %dot_general3A_331 {dimension_numbers = #tpu.dot_dimension_numbers<[1], [0], [0], [1], [0, 0, 1, 1], [], []>, transpose_lhs_hint = false} : vector<784x8xf32>, vector<8x8xf32>, vector<784x8xf32> -> vector<784x8xf32>
    %mul3A_333 = vector.broadcast %slice3A_295 : vector<784x1xf32> to vector<784x8xf32>
    %mul3A_334 = arith.mulf %dot_general3A_332, %mul3A_333 : vector<784x8xf32>
    %add3A_335 = arith.addf %add3A_284, %mul3A_334 : vector<784x8xf32>
    %get3A_336 = arith.constant 4 : index
    %get3A_337 = arith.constant 0 : index
    %get3A_338 = arith.constant 0 : index
    %get3A_339 = vector.load %arg11[%get3A_336, %get3A_337, %get3A_338] : memref<5x8x8xf32, #tpu.memory_space<vmem>>, vector<1x8x8xf32>
    %get3A_340 = vector.shape_cast %get3A_339 : vector<1x8x8xf32> to vector<8x8xf32>
    %dot_general3A_341 = arith.constant dense<0.000000e+00> : vector<784x8xf32>
    %dot_general3A_342 = tpu.matmul %mul3A_76, %get3A_340, %dot_general3A_341 {dimension_numbers = #tpu.dot_dimension_numbers<[1], [0], [0], [1], [0, 0, 1, 1], [], []>, transpose_lhs_hint = false} : vector<784x8xf32>, vector<8x8xf32>, vector<784x8xf32> -> vector<784x8xf32>
    %mul3A_343 = vector.broadcast %slice3A_295 : vector<784x1xf32> to vector<784x8xf32>
    %mul3A_344 = arith.mulf %dot_general3A_342, %mul3A_343 : vector<784x8xf32>
    %add3A_345 = arith.addf %add3A_294, %mul3A_344 : vector<784x8xf32>
    %mul3A_346 = arith.constant 0.158113882 : f32
    %mul3A_347 = vector.broadcast %mul3A_346 : f32 to vector<784x8xf32>
    %mul3A_348 = arith.mulf %add3A_305, %mul3A_347 : vector<784x8xf32>
    %mul3A_349 = arith.constant 0.158113882 : f32
    %mul3A_350 = vector.broadcast %mul3A_349 : f32 to vector<784x8xf32>
    %mul3A_351 = arith.mulf %add3A_315, %mul3A_350 : vector<784x8xf32>
    %concatenate3A = tpu.concatenate %mul3A_348, %mul3A_351 in 1 : vector<784x8xf32>, vector<784x8xf32> -> vector<784x16xf32>
    %swap3A = arith.constant 0 : index
    %swap3A_352 = arith.constant 0 : index
    %swap3A_353 = vector.load %arg13[%swap3A, %swap3A_352] : memref<784x16xf32, #tpu.memory_space<vmem>>, vector<784x16xf32>
    tpu.vector_store %arg13[%swap3A, %swap3A_352], %concatenate3A {strides = array<i32>} : memref<784x16xf32, #tpu.memory_space<vmem>>, vector<784x16xf32>,
    %mul3A_354 = arith.constant 0.158113882 : f32
    %mul3A_355 = vector.broadcast %mul3A_354 : f32 to vector<784x8xf32>
    %mul3A_356 = arith.mulf %add3A_325, %mul3A_355 : vector<784x8xf32>
    %mul3A_357 = arith.constant 0.158113882 : f32
    %mul3A_358 = vector.broadcast %mul3A_357 : f32 to vector<784x8xf32>
    %mul3A_359 = arith.mulf %add3A_335, %mul3A_358 : vector<784x8xf32>
    %mul3A_360 = arith.constant 0.158113882 : f32
    %mul3A_361 = vector.broadcast %mul3A_360 : f32 to vector<784x8xf32>
    %mul3A_362 = arith.mulf %add3A_345, %mul3A_361 : vector<784x8xf32>
    %concatenate3A_363 = tpu.concatenate %mul3A_356, %mul3A_359, %mul3A_362 in 1 : vector<784x8xf32>, vector<784x8xf32>, vector<784x8xf32> -> vector<784x24xf32>
    %swap3A_364 = arith.constant 0 : index
    %swap3A_365 = arith.constant 0 : index
    %swap3A_366 = vector.load %arg14[%swap3A_364, %swap3A_365] : memref<784x24xf32, #tpu.memory_space<vmem>>, vector<784x24xf32>
    tpu.vector_store %arg14[%swap3A_364, %swap3A_365], %concatenate3A_363 {strides = array<i32>} : memref<784x24xf32, #tpu.memory_space<vmem>>, vector<784x24xf32>,
    %get3A_367 = arith.constant 0 : index
    %get3A_368 = arith.constant 0 : index
    %get3A_369 = vector.load %arg7[%get3A_367, %get3A_368] : memref<8x8xf32, #tpu.memory_space<vmem>>, vector<8x8xf32>
    %get3A_370 = arith.constant 0 : index
    %get3A_371 = arith.constant 0 : index
    %get3A_372 = vector.load %arg8[%get3A_370, %get3A_371] : memref<8x8xf32, #tpu.memory_space<vmem>>, vector<8x8xf32>
    %dot_general3A_373 = arith.constant dense<0.000000e+00> : vector<784x8xf32>
    %dot_general3A_374 = tpu.matmul %mul3A_65, %get3A_369, %dot_general3A_373 {dimension_numbers = #tpu.dot_dimension_numbers<[1], [0], [0], [1], [0, 0, 1, 1], [], []>, transpose_lhs_hint = false} : vector<784x8xf32>, vector<8x8xf32>, vector<784x8xf32> -> vector<784x8xf32>
    %div3A_375 = arith.constant 2.82842708 : f32
    %div3A_376 = vector.broadcast %div3A_375 : f32 to vector<784x8xf32>
    %div3A_377 = arith.divf %dot_general3A_374, %div3A_376 : vector<784x8xf32>
    %dot_general3A_378 = arith.constant dense<0.000000e+00> : vector<784x8xf32>
    %dot_general3A_379 = tpu.matmul %mul3A_74, %get3A_372, %dot_general3A_378 {dimension_numbers = #tpu.dot_dimension_numbers<[1], [0], [0], [1], [0, 0, 1, 1], [], []>, transpose_lhs_hint = false} : vector<784x8xf32>, vector<8x8xf32>, vector<784x8xf32> -> vector<784x8xf32>
    %div3A_380 = arith.constant 2.82842708 : f32
    %div3A_381 = vector.broadcast %div3A_380 : f32 to vector<784x8xf32>
    %div3A_382 = arith.divf %dot_general3A_379, %div3A_381 : vector<784x8xf32>
    %dot_general3A_383 = arith.constant dense<0.000000e+00> : vector<784x8xf32>
    %dot_general3A_384 = tpu.matmul %mul3A_75, %get3A_372, %dot_general3A_383 {dimension_numbers = #tpu.dot_dimension_numbers<[1], [0], [0], [1], [0, 0, 1, 1], [], []>, transpose_lhs_hint = false} : vector<784x8xf32>, vector<8x8xf32>, vector<784x8xf32> -> vector<784x8xf32>
    %div3A_385 = arith.constant 2.82842708 : f32
    %div3A_386 = vector.broadcast %div3A_385 : f32 to vector<784x8xf32>
    %div3A_387 = arith.divf %dot_general3A_384, %div3A_386 : vector<784x8xf32>
    %dot_general3A_388 = arith.constant dense<0.000000e+00> : vector<784x8xf32>
    %dot_general3A_389 = tpu.matmul %mul3A_76, %get3A_372, %dot_general3A_388 {dimension_numbers = #tpu.dot_dimension_numbers<[1], [0], [0], [1], [0, 0, 1, 1], [], []>, transpose_lhs_hint = false} : vector<784x8xf32>, vector<8x8xf32>, vector<784x8xf32> -> vector<784x8xf32>
    %div3A_390 = arith.constant 2.82842708 : f32
    %div3A_391 = vector.broadcast %div3A_390 : f32 to vector<784x8xf32>
    %div3A_392 = arith.divf %dot_general3A_389, %div3A_391 : vector<784x8xf32>
    %concatenate3A_393 = tpu.concatenate %div3A_377, %div3A_382, %div3A_387, %div3A_392 in 1 : vector<784x8xf32>, vector<784x8xf32>, vector<784x8xf32>, vector<784x8xf32> -> vector<784x32xf32>
    %swap3A_394 = arith.constant 0 : index
    %swap3A_395 = arith.constant 0 : index
    %swap3A_396 = vector.load %arg12[%swap3A_394, %swap3A_395] : memref<784x32xf32, #tpu.memory_space<vmem>>, vector<784x32xf32>
    tpu.vector_store %arg12[%swap3A_394, %swap3A_395], %concatenate3A_393 {strides = array<i32>} : memref<784x32xf32, #tpu.memory_space<vmem>>, vector<784x32xf32>,
    return
  }
  func.func @transform_0(%arg0: i32) -> (i32, i32, i32) {
    %c0_i32 = arith.constant 0 : i32
    %c0_i32_0 = arith.constant 0 : i32
    %c0_i32_1 = arith.constant 0 : i32
    return %c0_i32, %arg0, %c0_i32_0 : i32, i32, i32
  }
  func.func @transform_1(%arg0: i32) -> (i32, i32) {
    %c0_i32 = arith.constant 0 : i32
    %c0_i32_0 = arith.constant 0 : i32
    return %arg0, %c0_i32 : i32, i32
  }
  func.func @transform_2(%arg0: i32) -> (i32, i32) {
    %c0_i32 = arith.constant 0 : i32
    %c0_i32_0 = arith.constant 0 : i32
    return %arg0, %c0_i32 : i32, i32
  }
  func.func @transform_3(%arg0: i32) -> (i32, i32) {
    %c0_i32 = arith.constant 0 : i32
    %c0_i32_0 = arith.constant 0 : i32
    return %arg0, %c0_i32 : i32, i32
  }
  func.func @transform_4(%arg0: i32) -> (i32, i32) {
    %c0_i32 = arith.constant 0 : i32
    %c0_i32_0 = arith.constant 0 : i32
    %c0_i32_1 = arith.constant 0 : i32
    return %c0_i32, %c0_i32_0 : i32, i32
  }
  func.func @transform_5(%arg0: i32) -> (i32, i32) {
    %c0_i32 = arith.constant 0 : i32
    %c0_i32_0 = arith.constant 0 : i32
    %c0_i32_1 = arith.constant 0 : i32
    return %c0_i32, %c0_i32_0 : i32, i32
  }
  func.func @transform_6(%arg0: i32) -> (i32, i32) {
    %c0_i32 = arith.constant 0 : i32
    %c0_i32_0 = arith.constant 0 : i32
    %c0_i32_1 = arith.constant 0 : i32
    return %c0_i32, %c0_i32_0 : i32, i32
  }
  func.func @transform_7(%arg0: i32) -> (i32, i32) {
    %c0_i32 = arith.constant 0 : i32
    %c0_i32_0 = arith.constant 0 : i32
    %c0_i32_1 = arith.constant 0 : i32
    return %c0_i32, %c0_i32_0 : i32, i32
  }
  func.func @transform_8(%arg0: i32) -> (i32, i32, i32) {
    %c0_i32 = arith.constant 0 : i32
    %c0_i32_0 = arith.constant 0 : i32
    %c0_i32_1 = arith.constant 0 : i32
    %c0_i32_2 = arith.constant 0 : i32
    return %c0_i32, %c0_i32_0, %c0_i32_1 : i32, i32, i32
  }
  func.func @transform_9(%arg0: i32) -> (i32, i32, i32) {
    %c0_i32 = arith.constant 0 : i32
    %c0_i32_0 = arith.constant 0 : i32
    %c0_i32_1 = arith.constant 0 : i32
    %c0_i32_2 = arith.constant 0 : i32
    return %c0_i32, %c0_i32_0, %c0_i32_1 : i32, i32, i32
  }
  func.func @transform_10(%arg0: i32) -> (i32, i32, i32) {
    %c0_i32 = arith.constant 0 : i32
    %c0_i32_0 = arith.constant 0 : i32
    %c0_i32_1 = arith.constant 0 : i32
    %c0_i32_2 = arith.constant 0 : i32
    return %c0_i32, %c0_i32_0, %c0_i32_1 : i32, i32, i32
  }
  func.func @transform_11(%arg0: i32) -> (i32, i32) {
    %c0_i32 = arith.constant 0 : i32
    %c0_i32_0 = arith.constant 0 : i32
    return %arg0, %c0_i32 : i32, i32
  }
  func.func @transform_12(%arg0: i32) -> (i32, i32) {
    %c0_i32 = arith.constant 0 : i32
    %c0_i32_0 = arith.constant 0 : i32
    return %arg0, %c0_i32 : i32, i32
  }
  func.func @transform_13(%arg0: i32) -> (i32, i32) {
    %c0_i32 = arith.constant 0 : i32
    %c0_i32_0 = arith.constant 0 : i32
    return %arg0, %c0_i32 : i32, i32
  }
}

module attributes {stable_mosaic.version = 14 : i64} {
  func.func @_update_last_body(%arg0: i32, %arg1: memref<2x784x32xf32, #tpu.memory_space<vmem>>, %arg2: memref<784x16xf32, #tpu.memory_space<vmem>>, %arg3: memref<784x24xf32, #tpu.memory_space<vmem>>, %arg4: memref<16x16xf32, #tpu.memory_space<vmem>>, %arg5: memref<16x8xf32, #tpu.memory_space<vmem>>, %arg6: memref<8x4xf32, #tpu.memory_space<vmem>>, %arg7: memref<4x1xf32, #tpu.memory_space<vmem>>, %arg8: memref<784x1xf32, #tpu.memory_space<vmem>>) attributes {dimension_semantics = [#tpu.dimension_semantics<arbitrary>], iteration_bounds = array<i64: 64>, scalar_prefetch = 0 : i64, scratch_operands = 0 : i64, tpu.core_type = #tpu.core_type<tc>, window_params = [{transform_indices = @transform_0, window_bounds = array<i64: 2, 784, 32>}, {transform_indices = @transform_1, window_bounds = array<i64: 784, 16>}, {transform_indices = @transform_2, window_bounds = array<i64: 784, 24>}, {pipeline_mode = #tpu.pipeline_mode<synchronous>, transform_indices = @transform_3, window_bounds = array<i64: 16, 16>}, {pipeline_mode = #tpu.pipeline_mode<synchronous>, transform_indices = @transform_4, window_bounds = array<i64: 16, 8>}, {pipeline_mode = #tpu.pipeline_mode<synchronous>, transform_indices = @transform_5, window_bounds = array<i64: 8, 4>}, {pipeline_mode = #tpu.pipeline_mode<synchronous>, transform_indices = @transform_6, window_bounds = array<i64: 4, 1>}, {transform_indices = @transform_7, window_bounds = array<i64: 784, 1>}]} {
    %get3A = arith.constant 0 : index
    %get3A_0 = arith.constant 0 : index
    %get3A_1 = arith.constant 0 : index
    %get3A_2 = vector.load %arg1[%get3A, %get3A_0, %get3A_1] : memref<2x784x32xf32, #tpu.memory_space<vmem>>, vector<1x784x32xf32>
    %get3A_3 = vector.shape_cast %get3A_2 : vector<1x784x32xf32> to vector<784x32xf32>
    %slice3A = vector.extract_strided_slice %get3A_3 {offsets = [0, 0], sizes = [784, 16], strides = [1, 1]} : vector<784x32xf32> to vector<784x16xf32>
    %div3A = arith.constant 1.600000e+01 : f32
    %div3A_4 = vector.broadcast %div3A : f32 to vector<784x16xf32>
    %div3A_5 = arith.divf %slice3A, %div3A_4 : vector<784x16xf32>
    %get3A_6 = arith.constant 0 : index
    %get3A_7 = arith.constant 0 : index
    %get3A_8 = vector.load %arg4[%get3A_6, %get3A_7] : memref<16x16xf32, #tpu.memory_space<vmem>>, vector<16x16xf32>
    %dot_general3A = arith.constant dense<0.000000e+00> : vector<784x16xf32>
    %dot_general3A_9 = tpu.matmul %div3A_5, %get3A_8, %dot_general3A {dimension_numbers = #tpu.dot_dimension_numbers<[1], [0], [0], [1], [0, 0, 1, 1], [], []>, transpose_lhs_hint = false} : vector<784x16xf32>, vector<16x16xf32>, vector<784x16xf32> -> vector<784x16xf32>
    %mul3A = arith.constant 2.500000e-01 : f32
    %mul3A_10 = vector.broadcast %mul3A : f32 to vector<784x16xf32>
    %mul3A_11 = arith.mulf %dot_general3A_9, %mul3A_10 : vector<784x16xf32>
    %get3A_12 = arith.constant 0 : index
    %get3A_13 = arith.constant 0 : index
    %get3A_14 = vector.load %arg2[%get3A_12, %get3A_13] : memref<784x16xf32, #tpu.memory_space<vmem>>, vector<784x16xf32>
    %add3A = arith.addf %mul3A_11, %get3A_14 : vector<784x16xf32>
    %slice3A_15 = vector.extract_strided_slice %add3A {offsets = [0, 0], sizes = [784, 8], strides = [1, 1]} : vector<784x16xf32> to vector<784x8xf32>
    %logistic3A = arith.negf %slice3A_15 : vector<784x8xf32>
    %logistic3A_16 = math.exp %logistic3A : vector<784x8xf32>
    %logistic3A_17 = arith.constant 1.000000e+00 : f32
    %logistic3A_18 = vector.broadcast %logistic3A_17 : f32 to vector<784x8xf32>
    %logistic3A_19 = arith.addf %logistic3A_18, %logistic3A_16 : vector<784x8xf32>
    %logistic3A_20 = arith.divf %logistic3A_18, %logistic3A_19 : vector<784x8xf32>
    %mul3A_21 = arith.mulf %slice3A_15, %logistic3A_20 : vector<784x8xf32>
    %get3A_22 = arith.constant 0 : index
    %get3A_23 = arith.constant 0 : index
    %get3A_24 = vector.load %arg6[%get3A_22, %get3A_23] : memref<8x4xf32, #tpu.memory_space<vmem>>, vector<8x4xf32>
    %dot_general3A_25 = arith.constant dense<0.000000e+00> : vector<784x4xf32>
    %dot_general3A_26 = tpu.matmul %mul3A_21, %get3A_24, %dot_general3A_25 {dimension_numbers = #tpu.dot_dimension_numbers<[1], [0], [0], [1], [0, 0, 1, 1], [], []>, transpose_lhs_hint = false} : vector<784x8xf32>, vector<8x4xf32>, vector<784x4xf32> -> vector<784x4xf32>
    %get3A_27 = arith.constant 0 : index
    %get3A_28 = arith.constant 0 : index
    %get3A_29 = vector.load %arg7[%get3A_27, %get3A_28] : memref<4x1xf32, #tpu.memory_space<vmem>>, vector<4x1xf32>
    %dot_general3A_30 = arith.constant dense<0.000000e+00> : vector<784x1xf32>
    %dot_general3A_31 = tpu.matmul %dot_general3A_26, %get3A_29, %dot_general3A_30 {dimension_numbers = #tpu.dot_dimension_numbers<[1], [0], [0], [1], [0, 0, 1, 1], [], []>, transpose_lhs_hint = false} : vector<784x4xf32>, vector<4x1xf32>, vector<784x1xf32> -> vector<784x1xf32>
    %swap3A = arith.constant 0 : index
    %swap3A_32 = arith.constant 0 : index
    %swap3A_33 = vector.load %arg8[%swap3A, %swap3A_32] : memref<784x1xf32, #tpu.memory_space<vmem>>, vector<784x1xf32>
    tpu.vector_store %arg8[%swap3A, %swap3A_32], %dot_general3A_31 {strides = array<i32>} : memref<784x1xf32, #tpu.memory_space<vmem>>, vector<784x1xf32>,
    return
  }
  func.func @transform_0(%arg0: i32) -> (i32, i32, i32) {
    %c0_i32 = arith.constant 0 : i32
    %c0_i32_0 = arith.constant 0 : i32
    %c0_i32_1 = arith.constant 0 : i32
    return %c0_i32, %arg0, %c0_i32_0 : i32, i32, i32
  }
  func.func @transform_1(%arg0: i32) -> (i32, i32) {
    %c0_i32 = arith.constant 0 : i32
    %c0_i32_0 = arith.constant 0 : i32
    return %arg0, %c0_i32 : i32, i32
  }
  func.func @transform_2(%arg0: i32) -> (i32, i32) {
    %c0_i32 = arith.constant 0 : i32
    %c0_i32_0 = arith.constant 0 : i32
    return %arg0, %c0_i32 : i32, i32
  }
  func.func @transform_3(%arg0: i32) -> (i32, i32) {
    %c0_i32 = arith.constant 0 : i32
    %c0_i32_0 = arith.constant 0 : i32
    %c0_i32_1 = arith.constant 0 : i32
    return %c0_i32, %c0_i32_0 : i32, i32
  }
  func.func @transform_4(%arg0: i32) -> (i32, i32) {
    %c0_i32 = arith.constant 0 : i32
    %c0_i32_0 = arith.constant 0 : i32
    %c0_i32_1 = arith.constant 0 : i32
    return %c0_i32, %c0_i32_0 : i32, i32
  }
  func.func @transform_5(%arg0: i32) -> (i32, i32) {
    %c0_i32 = arith.constant 0 : i32
    %c0_i32_0 = arith.constant 0 : i32
    %c0_i32_1 = arith.constant 0 : i32
    return %c0_i32, %c0_i32_0 : i32, i32
  }
  func.func @transform_6(%arg0: i32) -> (i32, i32) {
    %c0_i32 = arith.constant 0 : i32
    %c0_i32_0 = arith.constant 0 : i32
    %c0_i32_1 = arith.constant 0 : i32
    return %c0_i32, %c0_i32_0 : i32, i32
  }
  func.func @transform_7(%arg0: i32) -> (i32, i32) {
    %c0_i32 = arith.constant 0 : i32
    %c0_i32_0 = arith.constant 0 : i32
    return %arg0, %c0_i32 : i32, i32
  }
}

</mosaic_0001>

<sc_bundles>
// kernel: kernel.13.cloned.1.call-start
scs
__scs_entry_jumppad:
0x0: {  	(pc) =	sbr.rel $0x88, $3  }
0x1: {  	(tag) =	ssettag $0x0;
	lr =	simm.s32 $0x1  }
0x2: {  	[smem:$0x3F90] =	sst lr;
	_ =	strace $0xD0000000  }
0x3: {  	_ = 	snop  }
0x4: {  	_ = 	snop  }
0x5: {  	_ = 	snop  }
0x6: {  	_ = 	snop  }
0x7: {  	_ = 	snop  }
__scs_overlays_trampoline_lowered:
0x8: {  	[smem:$0x3F9F] =	sst s0  }
0x9: {  	[smem:$0x3FA0] =	sst s1  }
0xa: {  	[smem:$0x3FA1] =	sst s2  }
0xb: {  	[smem:$0x3FA2] =	sst s3  }
0xc: {  	[smem:$0x3FA3] =	sst s4  }
0xd: {  	[smem:$0x3FA4] =	sst s5  }
0xe: {  	[smem:$0x3FA5] =	sst s6  }
0xf: {  	[smem:$0x3FA6] =	sst s7  }
0x10: {  	[smem:$0x3FA7] =	sst s8  }
0x11: {  	[smem:$0x3FA8] =	sst s9;
	s0 =	simm.s32 @!p0 $0x0  }
0x12: {  	s1 =	sld [smem:$0x3F8E];
	s0 =	simm.s32 @p0 $0x1  }
0x13: {  	[smem:$0x3FA9] =	sst s0;
	s0 =	simm.s32 @!p1 $0x0  }
0x14: {  	s2 =	sld [smem:$0x3F8D];
	s0 =	simm.s32 @p1 $0x1  }
0x15: {  	[smem:$0x3FAA] =	sst s0;
	s0 =	simm.s32 @!p2 $0x0  }
0x16: {  	s3 =	sld [smem:$0x3FDB];
	s0 =	simm.s32 @p2 $0x1  }
0x17: {  	s4 =	simm.s32 $0x1BF5;
	[smem:$0x3FAC] =	sst s0  }
0x18: {  	s0 =	sld [smem:$0x3F8F];
	_ =	swait.ge [sflag:s4], $0x0  }
0x19: {  	s7 =	sld [smem:$0x3F90]  }
0x1a: {  	s8 =	sadd.s32 $0xFFFFE003, lr  }
0x1b: {  	s9 =	sadd.s32 $0xFFFFFEF7, lr;
	s5 =	simm.s32 $0xFFFFFFFF;
	p2 =	slt.u32 s8, $0xFFFFF086  }
0x1c: {  	p1 =	slt.u32 s9, $0xF7A;
	s5 =	simm.s32 @!p2 $0x0  }
0x1d: {  	s5 =	simm.s32 @p1 $0x1;
	p0 =	seq.s32 s7, s2  }
0x1e: {  	s7 =	smul.u32 @!p0 $0xF7A, s2;
	p2 =	seq.s32 @!p0 s5, $0x0  }
0x1f: {  	s9 =	smul.u32 $0xF7A, s1;
	s8 =	simm.s32 @!p0 $0x1BF5;
	p2 =	por !p2, p0  }
0x20: {  	[sflag:s8] =	ssyncset.s32 @!p0 $0xFFFFF086;
	s6 =	sadd.s32 @!p0 s3, s7;
	s7 =	simm.s32 @!p0 $0x108  }
0x21: {  	s3 =	sadd.s32 s3, s9;
	s6 =	sadd.s32 @!p0 $0x88, s6;
	s7 =	simm.s32 @p2 $0x1082  }
0x22: {  	[simem:s7], [sflag:s8] =	dma.local @!p0 [hbm:s6], $0xF7A  }
0x23: {  	s9 =	sor.u32 $0xD0000000, s2;
	s6 =	simm.s32 $0x108;
	_ =	swait.ge @!p0 [sflag:s8], $0x0  }
0x24: {  	s3 =	sadd.s32 $0x88, s3;
	s6 =	simm.s32 @!p1 $0x1082;
	[sflag:s4] =	ssyncset.s32 $0xFFFFF086  }
0x25: {  	[simem:s6], [sflag:s4] =	dma.local [hbm:s3], $0xF7A  }
0x26: {  	[smem:$0x3F90] =	sst s1;
	(tag) =	ssettag s2;
	_ =	strace s9  }
0x27: {  	s1 =	sld [smem:$0x3FA0]  }
0x28: {  	s2 =	sld [smem:$0x3FA1]  }
0x29: {  	s4 =	sld [smem:$0x3FA3]  }
0x2a: {  	p0 =	seq.s32 s5, $0x0;
	s5 =	sld [smem:$0x3FA4]  }
0x2b: {  	s6 =	sld [smem:$0x3FA5]  }
0x2c: {  	s7 =	sld [smem:$0x3FA6]  }
0x2d: {  	s3 =	simm.s32 $0x108;
	s8 =	sld [smem:$0x3FA7]  }
0x2e: {  	s3 =	simm.s32 @!p0 $0x1082;
	s9 =	sld [smem:$0x3FA8]  }
0x2f: {  	lr =	sadd.s32 s0, s3;
	s0 =	sld [smem:$0x3F9F]  }
0x30: {  	s3 =	sld [smem:$0x3FA2]  }
0x31: {  	[smem:$0x3FAB] =	sst s10  }
0x32: {  	s10 =	sld [smem:$0x3FA9];
	_ =	sdelay $0x3  }
0x33: {  	p0 =	seq.s32 s10, $0x1;
	s10 =	sld [smem:$0x3FAB];
	_ =	sdelay $0x3  }
0x34: {  	[smem:$0x3FAB] =	sst s10  }
0x35: {  	s10 =	sld [smem:$0x3FAA];
	_ =	sdelay $0x3  }
0x36: {  	p1 =	seq.s32 s10, $0x1;
	s10 =	sld [smem:$0x3FAB];
	_ =	sdelay $0x3  }
0x37: {  	[smem:$0x3FAB] =	sst s10  }
0x38: {  	s10 =	sld [smem:$0x3FAC]  }
0x39: {  	_ = 	snop;
	(pc) =	sbr.ind lr, $3  }
0x3a: {  	_ = 	snop  }
0x3b: {  	_ = 	snop  }
0x3c: {  	p2 =	seq.s32 s10, $0x1;
	s10 =	sld [smem:$0x3FAB]  }
0x3d: {  	_ =	shalt  }
0x3e: {  	_ =	shalt  }
0x3f: {  	_ =	shalt  }
0x40: {  	_ =	shalt  }
0x41: {  	_ =	shalt  }
0x42: {  	_ =	shalt  }
0x43: {  	_ =	shalt  }
0x44: {  	_ =	shalt  }
0x45: {  	_ =	shalt  }
0x46: {  	_ =	shalt  }
0x47: {  	_ =	shalt  }
0x48: {  	_ =	shalt  }
0x49: {  	_ =	shalt  }
0x4a: {  	_ =	shalt  }
0x4b: {  	_ =	shalt  }
0x4c: {  	_ =	shalt  }
0x4d: {  	_ =	shalt  }
0x4e: {  	_ =	shalt  }
0x4f: {  	_ =	shalt  }
0x50: {  	_ =	shalt  }
0x51: {  	_ =	shalt  }
0x52: {  	_ =	shalt  }
0x53: {  	_ =	shalt  }
0x54: {  	_ =	shalt  }
0x55: {  	_ =	shalt  }
0x56: {  	_ =	shalt  }
0x57: {  	_ =	shalt  }
0x58: {  	_ =	shalt  }
0x59: {  	_ =	shalt  }
0x5a: {  	_ =	shalt  }
0x5b: {  	_ =	shalt  }
0x5c: {  	_ =	shalt  }
0x5d: {  	_ =	shalt  }
0x5e: {  	_ =	shalt  }
0x5f: {  	_ =	shalt  }
0x60: {  	_ =	shalt  }
0x61: {  	_ =	shalt  }
0x62: {  	_ =	shalt  }
0x63: {  	_ =	shalt  }
0x64: {  	_ =	shalt  }
0x65: {  	_ =	shalt  }
0x66: {  	_ =	shalt  }
0x67: {  	_ =	shalt  }
0x68: {  	_ =	shalt  }
0x69: {  	_ =	shalt  }
0x6a: {  	_ =	shalt  }
0x6b: {  	_ =	shalt  }
0x6c: {  	_ =	shalt  }
0x6d: {  	_ =	shalt  }
0x6e: {  	_ =	shalt  }
0x6f: {  	_ =	shalt  }
0x70: {  	_ =	shalt  }
0x71: {  	_ =	shalt  }
0x72: {  	_ =	shalt  }
0x73: {  	_ =	shalt  }
0x74: {  	_ =	shalt  }
0x75: {  	_ =	shalt  }
0x76: {  	_ =	shalt  }
0x77: {  	_ =	shalt  }
0x78: {  	_ =	shalt  }
0x79: {  	_ =	shalt  }
0x7a: {  	_ =	shalt  }
0x7b: {  	_ =	shalt  }
0x7c: {  	_ =	shalt  }
0x7d: {  	_ =	shalt  }
0x7e: {  	_ =	shalt  }
0x7f: {  	_ =	shalt  }
0x80: {  	_ =	shalt  }
0x81: {  	_ =	shalt  }
0x82: {  	_ =	shalt  }
0x83: {  	_ =	shalt  }
0x84: {  	_ =	shalt  }
0x85: {  	_ =	shalt  }
0x86: {  	_ =	shalt  }
0x87: {  	_ =	shalt  }
.Lfunc_end0:
.L_simem_size_0:
called_computation_lowered:
.L_overlay_start_0:
0x88: {  	s2 =	sld [smem:$0x3FD9]  }
0x89: {  	s3 =	sld [smem:$0x3FFE];
	_ =	sdelay $0x1  }
0x8a: {  	s1 =	srdreg.scid  }
0x8b: {  	s0 =	sand.u32 $0x1, s1  }
0x8c: {  	s16 =	sshll.u32 s0, $0xA;
	s2 =	sadd.s32 s3, s2  }
0x8d: {  	s2 =	sadd.s32 s2, s16  }
0x8e: {  	[smem:$0x3FB7] =	sst s2  }
0x8f: {  	_ = 	snop  }
0x90: {  	(tm) =	ssettm $0x1  }
0x91: {  	s17 =	sld [smem:$0x3FFB];
	_ =	sdelay $0x3  }
0x92: {  	_ =	strace s17  }
0x93: {  	s2 =	sld [smem:$0x3FFC];
	_ =	sdelay $0x3  }
0x94: {  	_ =	strace s2  }
0x95: {  	s2 =	sld [smem:$0x3FFD];
	_ =	sdelay $0x3  }
0x96: {  	_ =	strace s2  }
0x97: {  	_ =	strace $0x8FFFFFFF  }
0x98: {  	s18 =	sld [smem:$0x3FDB];
	_ =	sdelay $0x1  }
0x99: {  	s19 =	simm.s32 $_scs_section_size  }
0x9a: {  	s4 =	simm.s32 $_size__tile_overlayer_lowered;
	s5 =	simm.s32 $_tile_overlayer_lowered  }
0x9b: {  	s22 =	simm.s32 $0x1BFF;
	s21 =	sshll.u32 s5, $0x1;
	s2 =	sadd.s32 s19, s18  }
0x9c: {  	s6 =	simm.s32 $0x0;
	s20 =	sshll.u32 s4, $0x1;
	s4 =	sadd.s32 s21, s2  }
0x9d: {  	[timem:s6], [sflag:s22] =	dma.local [hbm:s4], s20  }
0x9e: {  	_ =	swait.ge [sflag:s22], s20  }
0x9f: {  	s3 =	ssub.s32 $0x0, s20;
	[sflag:s22] =	ssyncset.done $0x0  }
0xa0: {  	[sflag:s22] =	ssyncadd.s32 s3;
	_ =	sdelay $0x1  }
0xa1: {  	s23 =	simm.s32 $0x1B8B  }
0xa2: {  	_ =	swait.ge [sflag:s23], $0x1  }
0xa3: {  	[sflag:s23] =	ssyncset.done $0x0  }
0xa4: {  	s25 =	simm.s32 $0x1B8E;
	s24 =	sld [smem:$0x3FFE];
	[sflag:s23] =	ssyncadd.s32 $0xFFFFFFFF  }
0xa5: {  	s26 =	simm.s32 $execute0_lowered;
	[smem:$0x3FD2] =	sst s25  }
0xa6: {  	s4 =	sshll.u32 s26, $0x1;
	_ =	strace $0x80000046;
	[dreg:$0x1] =	wrdreg $0xFFFFFFFF  }
0xa7: {  	s28 =	simm.s32 $_size_execute0_lowered;
	s2 =	sadd.s32 s2, s4;
	[dreg:$0x0] =	wrdreg $0x0  }
0xa8: {  	s4 =	sshll.u32 s28, $0x1;
	[dreg:$0x2] =	wrdreg s2  }
0xa9: {  	[dreg:$0x3] =	wrdreg s4  }
0xaa: {  	[dreg:$0x4] =	wrdreg $0xC0  }
0xab: {  	_ =	task [dreg:s6], $0x5FFFF  }
0xac: {  	[dreg:$0x1] =	wrdreg $0xFFFFFFFF  }
0xad: {  	[dreg:$0x0] =	wrdreg $0x60  }
0xae: {  	[dreg:$0x2] =	wrdreg s24  }
0xaf: {  	[dreg:$0x3] =	wrdreg $0x9  }
0xb0: {  	_ =	task.clear_ibuf [dreg:s6], $0x4FFFF;
	_ =	strace $0x90000046  }
0xb1: {  	s29 =	simm.s32 $0x9;
	_ =	strace $0x80000048  }
0xb2: {  	_ =	swait.ge [sflag:s29], $0x1  }
0xb3: {  	[sflag:s29] =	ssyncadd.s32 $0xFFFFFFFF  }
0xb4: {  	_ =	strace $0x90000048  }
0xb5: {  	_ =	sfence  }
0xb6: {  	s30 =	sld [smem:$0x0];
	_ =	sdelay $0x2  }
0xb7: {  	s31 =	sshll.u32 s1, $0xD;
	s1 =	sshrl.u32 s1, $0x2  }
0xb8: {  	s3 =	sand.u32 $0x4000, s31;
	s1 =	sadd.s32 s1, s30  }
0xb9: {  	s0 =	sor.u32 s3, s0;
	s1 =	sshll.u32 s1, $0x11  }
0xba: {  	s0 =	sor.u32 s1, s0  }
0xbb: {  	s0 =	sadd.s32 $0x8F2B, s0  }
0xbc: {  	[sflag:s0] =	ssyncadd.remote.s32 $0x1  }
0xbd: {  	_ =	sfence.sel $0xFFFF  }
0xbe: {  	[dreg:$0x0] =	wrdreg $0xFFFFFFFF;
	(pc) =	sbr.abs _section_cstart, $3  }
0xbf: {  	[dreg:$0x1] =	wrdreg $0xFFFFFFFF  }
0xc0: {  	_ =	task.clear_ibuf [dreg:s6], $0x2FFFF;
	_ =	strace $0x9FFFFFFF  }
0xc1: {  	(tm) =	ssettm $0x7FFFFFFF  }
tec
execute0_lowered:
.L_overlay_start_1:
0x0: {  	(tag) =	ssettag $0x1  }
0x1: {  	s0 =	srdreg.scid;
	s11 =	stileid.u32  }
0x2: {  	s1 =	rddreg [dreg:$0x0];
	s2 =	simm.s32 $0x0;
	s12 =	simm.s32 $0xA00  }
0x3: {  	s31 =	simm.s32 $0x3;
	s13 =	simm.s32 $0x680;
	s14 =	simm.s32 $0xDA00  }
0x4: {  	s15 =	simm.s32 $0x700;
	s16 =	simm.s32 $0xEA00;
	s17 =	simm.s32 $0x780  }
0x5: {  	s18 =	simm.s32 $0xFA00;
	s19 =	simm.s32 $0x800;
	s20 =	simm.s32 $0x10A00  }
0x6: {  	s21 =	simm.s32 $0x880;
	s22 =	simm.s32 $0x11A00;
	s5 =	smul.u32 $0x1900, s11  }
0x7: {  	s23 =	simm.s32 $0x900;
	s24 =	simm.s32 $0x12A00;
	s7 =	smul.u32 $0x190, s11  }
0x8: {  	s25 =	simm.s32 $0x980;
	s0 =	sand.u32 $0x1, s0;
	s30 =	smul.u32 $0x32000, s11  }
0x9: {  	s26 =	simm.s32 $0x13A00;
	s3 =	sshll.u32 s11, $0x1;
	s10 =	smul.u32 $0xC8, s0  }
0xa: {  	[smem:$0x7FF] =	sst s2;
	s8 =	sadd.s32 $0xCBE00, s1;
	s28 =	smul.u32 $0xC80, s0  }
0xb: {  	s3 =	sor.u32 s0, s3;
	s6 =	ssub.s32 $0x2, s0;
	s0 =	smul.u32 $0x19000, s0  }
0xc: {  	s11 =	simm.s32 $0x80;
	_ =	strace $0x80000047;
	s4 =	smul.u32 $0xC80, s3  }
0xd: {  	s3 =	sadd.s32 $0x253E00, s1;
	s9 =	sshrl.u32 s6, $0x1;
	s1 =	sadd.s32 $0x284E00, s1  }
0xe: {  	s5 =	sadd.s32 s5, s8;
	s6 =	ssub.s32 s6, s9;
	s29 =	sadd.s32 s10, s7  }
0xf: {  	s9 =	simm.s32 $0x1;
	s10 =	simm.s32 $0x500;
	s4 =	sadd.s32 s8, s4  }
0x10: {  	s7 =	simm.s32 $0x0;
	[dreg:$0x2] =	wrdreg s4;
	s4 =	sshll.u32 s29, $0x9  }
0x11: {  	s6 =	smax.u32 s6, $0x1;
	s8 =	simm.s32 $0xCA00;
	s4 =	sadd.s32 s1, s4  }
0x12: {  	[dreg:$0x3] =	wrdreg s6;
	s1 =	sadd.s32 s30, s1;
	s4 =	sadd.s32 $0x1400, s4  }
0x13: {  	s6 =	sadd.s32 s28, s5;
	s0 =	sadd.s32 s0, s1;
	[dreg:$0x4] =	wrdreg s4  }
0x14: {  	s1 =	simm.s32 $0x2;
	[dreg:$0x5] =	wrdreg s0;
	s0 =	simm.s32 $0xAA00  }
.LBB2_1:
0x15: {  	[dreg:$0x6] =	wrdreg s7  }
0x16: {  	s4 =	rddreg [dreg:$0x2]  }
0x17: {  	s28 =	rddreg [dreg:$0x5]  }
0x18: {  	s29 =	rddreg [dreg:$0x4];
	s30 =	simm.s32 $0x0  }
0x19: {  	[tilespmem:s2], [sflag:$0x1] =	stream.linear.gather [hbm4b:s4+s2], $0x500, $0x38;
	[tilespmem:$0x14A00] =	vst v63  }
.LBB2_2:
0x1a: {  	_ =	swait.ge [sflag:s9], $0x500  }
0x1b: {  	p0 =	seq.s32 s30, $0x0;
	[sflag:s9] =	ssyncset.done $0x0  }
0x1c: {  	s5 =	simm.s32 @!p0 $0x4;
	[sflag:s9] =	ssyncadd.s32 $0xFFFFFB00  }
0x1d: {  	_ =	swait.ge @!p0 [sflag:s5], $0xA000  }
0x1e: {  	s4 =	sadd.s32 s30, s6;
	[sflag:s5] =	ssyncset.done @!p0 $0x0  }
0x1f: {  	s7 =	sadd.s32 $0xA0, s4;
	[sflag:s5] =	ssyncadd.s32 @!p0 $0xFFFF6000  }
0x20: {  	[tilespmem:s10], [sflag:$0x2] =	stream.linear.gather [hbm4b:s7+s2], $0x500, $0x38;
	[tilespmem:$0x14A00] =	vst v63  }
0x21: {  	_ = 	snop  }
0x22: {  	[tilespmem:s12], [sflag:$0x3] =	stream.indirect.gather [hbm4b:s3+s11], $0x20, s2, s11, $0xb8;
	[tilespmem:$0x14A00] =	vst v63  }
0x23: {  	s7 =	simm.s32 $0x1A00  }
0x24: {  	[tilespmem:s7], [sflag:$0x3] =	stream.indirect.gather [hbm4b:s3+s11], $0x20, s11, s11, $0xb8;
	[tilespmem:$0x14A00] =	vst v63  }
0x25: {  	s5 =	simm.s32 $0x100;
	s7 =	simm.s32 $0x2A00  }
0x26: {  	[tilespmem:s7], [sflag:$0x3] =	stream.indirect.gather [hbm4b:s3+s11], $0x20, s5, s11, $0xb8;
	[tilespmem:$0x14A00] =	vst v63  }
0x27: {  	s5 =	simm.s32 $0x180;
	s7 =	simm.s32 $0x3A00  }
0x28: {  	[tilespmem:s7], [sflag:$0x3] =	stream.indirect.gather [hbm4b:s3+s11], $0x20, s5, s11, $0xb8;
	[tilespmem:$0x14A00] =	vst v63  }
0x29: {  	s5 =	simm.s32 $0x200;
	s7 =	simm.s32 $0x4A00  }
0x2a: {  	[tilespmem:s7], [sflag:$0x3] =	stream.indirect.gather [hbm4b:s3+s11], $0x20, s5, s11, $0xb8;
	[tilespmem:$0x14A00] =	vst v63  }
0x2b: {  	s5 =	simm.s32 $0x280;
	s7 =	simm.s32 $0x5A00  }
0x2c: {  	[tilespmem:s7], [sflag:$0x3] =	stream.indirect.gather [hbm4b:s3+s11], $0x20, s5, s11, $0xb8;
	[tilespmem:$0x14A00] =	vst v63  }
0x2d: {  	s5 =	simm.s32 $0x300;
	s7 =	simm.s32 $0x6A00  }
0x2e: {  	[tilespmem:s7], [sflag:$0x3] =	stream.indirect.gather [hbm4b:s3+s11], $0x20, s5, s11, $0xb8;
	[tilespmem:$0x14A00] =	vst v63  }
0x2f: {  	s5 =	simm.s32 $0x380;
	s7 =	simm.s32 $0x7A00  }
0x30: {  	[tilespmem:s7], [sflag:$0x3] =	stream.indirect.gather [hbm4b:s3+s11], $0x20, s5, s11, $0xb8;
	[tilespmem:$0x14A00] =	vst v63  }
0x31: {  	s5 =	simm.s32 $0x400;
	s7 =	simm.s32 $0x8A00  }
0x32: {  	[tilespmem:s7], [sflag:$0x3] =	stream.indirect.gather [hbm4b:s3+s11], $0x20, s5, s11, $0xb8;
	[tilespmem:$0x14A00] =	vst v63  }
0x33: {  	s5 =	simm.s32 $0x480;
	s7 =	simm.s32 $0x9A00  }
0x34: {  	[tilespmem:s7], [sflag:$0x3] =	stream.indirect.gather [hbm4b:s3+s11], $0x20, s5, s11, $0xb8;
	[tilespmem:$0x14A00] =	vst v63  }
0x35: {  	_ =	swait.ge [sflag:s31], $0x1000  }
0x36: {  	[sflag:s31] =	ssyncset.done $0x0  }
0x37: {  	[sflag:s31] =	ssyncadd.s32 $0xFFFFF000  }
0x38: {  	_ =	swait.ge [sflag:s31], $0x1000  }
0x39: {  	[sflag:s31] =	ssyncset.done $0x0  }
0x3a: {  	[sflag:s31] =	ssyncadd.s32 $0xFFFFF000  }
0x3b: {  	_ =	swait.ge [sflag:s31], $0x1000  }
0x3c: {  	[sflag:s31] =	ssyncset.done $0x0  }
0x3d: {  	[sflag:s31] =	ssyncadd.s32 $0xFFFFF000  }
0x3e: {  	_ =	swait.ge [sflag:s31], $0x1000  }
0x3f: {  	[sflag:s31] =	ssyncset.done $0x0  }
0x40: {  	[sflag:s31] =	ssyncadd.s32 $0xFFFFF000  }
0x41: {  	_ =	swait.ge [sflag:s31], $0x1000  }
0x42: {  	[sflag:s31] =	ssyncset.done $0x0  }
0x43: {  	[sflag:s31] =	ssyncadd.s32 $0xFFFFF000  }
0x44: {  	_ =	swait.ge [sflag:s31], $0x1000  }
0x45: {  	[sflag:s31] =	ssyncset.done $0x0  }
0x46: {  	[sflag:s31] =	ssyncadd.s32 $0xFFFFF000  }
0x47: {  	_ =	swait.ge [sflag:s31], $0x1000  }
0x48: {  	[sflag:s31] =	ssyncset.done $0x0  }
0x49: {  	[sflag:s31] =	ssyncadd.s32 $0xFFFFF000  }
0x4a: {  	_ =	swait.ge [sflag:s31], $0x1000  }
0x4b: {  	[sflag:s31] =	ssyncset.done $0x0  }
0x4c: {  	[sflag:s31] =	ssyncadd.s32 $0xFFFFF000  }
0x4d: {  	_ =	swait.ge [sflag:s31], $0x1000  }
0x4e: {  	[sflag:s31] =	ssyncset.done $0x0  }
0x4f: {  	[sflag:s31] =	ssyncadd.s32 $0xFFFFF000  }
0x50: {  	_ =	swait.ge [sflag:s31], $0x1000  }
0x51: {  	[sflag:s31] =	ssyncset.done $0x0  }
0x52: {  	[sflag:s31] =	ssyncadd.s32 $0xFFFFF000  }
0x53: {  	[hbm4b:s28+s2] =	stream.linear.scatter [tilespmem:s12], [sflag:$0x4], $0xA000, $0x38;
	[tilespmem:$0x14A00] =	vst v63  }
0x54: {  	_ =	swait.ge [sflag:s1], $0x500  }
0x55: {  	[sflag:s1] =	ssyncset.done $0x0  }
0x56: {  	s5 =	simm.s32 @!p0 $0x5;
	[sflag:s1] =	ssyncadd.s32 $0xFFFFFB00  }
0x57: {  	p1 =	seq.s32 @!p0 s30, $0xB40;
	_ =	swait.ge @!p0 [sflag:s5], $0xA000  }
0x58: {  	p1 =	por p0, !p1;
	[sflag:s5] =	ssyncset.done @!p0 $0x0  }
0x59: {  	s4 =	sadd.s32 @p1 $0x140, s4;
	[sflag:s5] =	ssyncadd.s32 @!p0 $0xFFFF6000  }
0x5a: {  	[tilespmem:s2], [sflag:$0x1] =	stream.linear.gather @p1 [hbm4b:s4+s2], $0x500, $0x38;
	[tilespmem:$0x14A00] =	vst v63  }
0x5b: {  	_ = 	snop  }
0x5c: {  	[tilespmem:s0], [sflag:$0x3] =	stream.indirect.gather [hbm4b:s3+s11], $0x20, s10, s11, $0xb8;
	[tilespmem:$0x14A00] =	vst v63  }
0x5d: {  	s7 =	simm.s32 $0xBA00;
	s5 =	simm.s32 $0x580  }
0x5e: {  	[tilespmem:s7], [sflag:$0x3] =	stream.indirect.gather [hbm4b:s3+s11], $0x20, s5, s11, $0xb8;
	[tilespmem:$0x14A00] =	vst v63  }
0x5f: {  	s7 =	simm.s32 $0x600  }
0x60: {  	[tilespmem:s8], [sflag:$0x3] =	stream.indirect.gather [hbm4b:s3+s11], $0x20, s7, s11, $0xb8;
	[tilespmem:$0x14A00] =	vst v63  }
0x61: {  	_ = 	snop  }
0x62: {  	[tilespmem:s14], [sflag:$0x3] =	stream.indirect.gather [hbm4b:s3+s11], $0x20, s13, s11, $0xb8;
	[tilespmem:$0x14A00] =	vst v63  }
0x63: {  	_ = 	snop  }
0x64: {  	[tilespmem:s16], [sflag:$0x3] =	stream.indirect.gather [hbm4b:s3+s11], $0x20, s15, s11, $0xb8;
	[tilespmem:$0x14A00] =	vst v63  }
0x65: {  	_ = 	snop  }
0x66: {  	[tilespmem:s18], [sflag:$0x3] =	stream.indirect.gather [hbm4b:s3+s11], $0x20, s17, s11, $0xb8;
	[tilespmem:$0x14A00] =	vst v63  }
0x67: {  	_ = 	snop  }
0x68: {  	[tilespmem:s20], [sflag:$0x3] =	stream.indirect.gather [hbm4b:s3+s11], $0x20, s19, s11, $0xb8;
	[tilespmem:$0x14A00] =	vst v63  }
0x69: {  	_ = 	snop  }
0x6a: {  	[tilespmem:s22], [sflag:$0x3] =	stream.indirect.gather [hbm4b:s3+s11], $0x20, s21, s11, $0xb8;
	[tilespmem:$0x14A00] =	vst v63  }
0x6b: {  	_ = 	snop  }
0x6c: {  	[tilespmem:s24], [sflag:$0x3] =	stream.indirect.gather [hbm4b:s3+s11], $0x20, s23, s11, $0xb8;
	[tilespmem:$0x14A00] =	vst v63  }
0x6d: {  	_ = 	snop  }
0x6e: {  	[tilespmem:s26], [sflag:$0x3] =	stream.indirect.gather [hbm4b:s3+s11], $0x20, s25, s11, $0xb8;
	[tilespmem:$0x14A00] =	vst v63  }
0x6f: {  	_ =	swait.ge [sflag:s31], $0x1000  }
0x70: {  	[sflag:s31] =	ssyncset.done $0x0  }
0x71: {  	[sflag:s31] =	ssyncadd.s32 $0xFFFFF000  }
0x72: {  	_ =	swait.ge [sflag:s31], $0x1000  }
0x73: {  	[sflag:s31] =	ssyncset.done $0x0  }
0x74: {  	[sflag:s31] =	ssyncadd.s32 $0xFFFFF000  }
0x75: {  	_ =	swait.ge [sflag:s31], $0x1000  }
0x76: {  	[sflag:s31] =	ssyncset.done $0x0  }
0x77: {  	[sflag:s31] =	ssyncadd.s32 $0xFFFFF000  }
0x78: {  	_ =	swait.ge [sflag:s31], $0x1000  }
0x79: {  	[sflag:s31] =	ssyncset.done $0x0  }
0x7a: {  	[sflag:s31] =	ssyncadd.s32 $0xFFFFF000  }
0x7b: {  	_ =	swait.ge [sflag:s31], $0x1000  }
0x7c: {  	[sflag:s31] =	ssyncset.done $0x0  }
0x7d: {  	[sflag:s31] =	ssyncadd.s32 $0xFFFFF000  }
0x7e: {  	_ =	swait.ge [sflag:s31], $0x1000  }
0x7f: {  	[sflag:s31] =	ssyncset.done $0x0  }
0x80: {  	[sflag:s31] =	ssyncadd.s32 $0xFFFFF000  }
0x81: {  	_ =	swait.ge [sflag:s31], $0x1000  }
0x82: {  	[sflag:s31] =	ssyncset.done $0x0  }
0x83: {  	[sflag:s31] =	ssyncadd.s32 $0xFFFFF000  }
0x84: {  	_ =	swait.ge [sflag:s31], $0x1000  }
0x85: {  	[sflag:s31] =	ssyncset.done $0x0  }
0x86: {  	[sflag:s31] =	ssyncadd.s32 $0xFFFFF000  }
0x87: {  	_ =	swait.ge [sflag:s31], $0x1000  }
0x88: {  	s30 =	sadd.s32 $0x140, s30;
	[sflag:s31] =	ssyncset.done $0x0  }
0x89: {  	p0 =	sne.s32 s30, $0xC80;
	[sflag:s31] =	ssyncadd.s32 $0xFFFFF000  }
.Ltmp0:
0x8a: {  	_ =	swait.ge [sflag:s31], $0x1000;
	(pc) =	sbr.rel @p0 .LBB2_2-.Ltmp0, $4  }
0x8b: {  	[sflag:s31] =	ssyncset.done $0x0  }
0x8c: {  	[sflag:s31] =	ssyncadd.s32 $0xFFFFF000  }
0x8d: {  	[hbm4b:s29+s2] =	stream.linear.scatter [tilespmem:s0], [sflag:$0x5], $0xA000, $0x38;
	[tilespmem:$0x14A00] =	vst v63  }
0x8e: {  	s28 =	sadd.s32 $0x2800, s28;
	s29 =	sadd.s32 $0x2800, s29  }
0x8f: {  	s4 =	simm.s32 $0x4  }
0x90: {  	_ =	swait.ge [sflag:s4], $0xA000  }
0x91: {  	[sflag:s4] =	ssyncset.done $0x0  }
0x92: {  	s5 =	simm.s32 $0x5;
	[sflag:s4] =	ssyncadd.s32 $0xFFFF6000  }
0x93: {  	_ =	swait.ge [sflag:s5], $0xA000  }
0x94: {  	s7 =	rddreg [dreg:$0x6]  }
0x95: {  	s30 =	rddreg [dreg:$0x3];
	s7 =	sadd.s32 $0x1, s7  }
0x96: {  	p0 =	sne.s32 s7, s30  }
.Ltmp1:
0x97: {  	_ = 	snop;
	(pc) =	sbr.rel @p0 .LBB2_1-.Ltmp1, $3  }
0x98: {  	_ =	sdelay $0x1  }
0x99: {  	[sflag:s5] =	ssyncset.done $0x0  }
0x9a: {  	[sflag:s5] =	ssyncadd.s32 $0xFFFF6000  }
0x9b: {  	_ =	sfence.sel $0x180000  }
0x9c: {  	[bflag:$0x0] =	sbarrier.arrive $0xFFFF  }
0x9d: {  	_ =	strace $0x90000047  }
0x9e: {  	s0 =	stileid.u32;
	[bflag:$0x2] =	sbarrier.arrive $0xFFFF  }
0x9f: {  	p0 =	sne.s32 s0, $0x0;
	s0 =	rddreg [dreg:$0x1]  }
0xa0: {  	s0 =	sadd.s32 @!p0 $0x100000, s0  }
0xa1: {  	[sflag:s0] =	ssyncadd.tile.s32 @!p0 $0x1;
	_ =	shalt  }
.Lfunc_end2:
_tile_overlayer_lowered:
.L_overlay_start_2:
0xa2: {  	(tag) =	ssettag $0x2  }
0xa3: {  	s0 =	rddreg [dreg:$0x0];
	s2 =	stileid.u32  }
0xa4: {  	s1 =	rddreg [dreg:$0x1];
	p0 =	sne.s32 s2, $0x0  }
0xa5: {  	s3 =	rddreg [dreg:$0x2];
	[bflag:$0x3] =	sbarrier.arrive $0xFFFF;
	s2 =	simm.s32 @!p0 $0x1C06  }
0xa6: {  	[timem:s3], [sflag:s2] =	dma.local @!p0 [hbm:s0], s1  }
0xa7: {  	s0 =	simm.s32 @!p0 $0x6  }
0xa8: {  	_ =	swait.ge @!p0 [sflag:s0], s1  }
0xa9: {  	s1 =	ssub.s32 @!p0 $0x0, s1;
	[sflag:s0] =	ssyncset.done @!p0 $0x0  }
0xaa: {  	[sflag:s0] =	ssyncadd.s32 @!p0 s1  }
0xab: {  	[bflag:$0x3] =	sbarrier.arrive $0xFFFF  }
0xac: {  	_ =	shalt  }

// kernel: kernel.16.cloned.1.call-start
scs
__scs_entry_jumppad:
0x0: {  	(pc) =	sbr.rel $0x88, $3  }
0x1: {  	(tag) =	ssettag $0x0;
	lr =	simm.s32 $0x1  }
0x2: {  	[smem:$0x3F90] =	sst lr;
	_ =	strace $0xD0000000  }
0x3: {  	_ = 	snop  }
0x4: {  	_ = 	snop  }
0x5: {  	_ = 	snop  }
0x6: {  	_ = 	snop  }
0x7: {  	_ = 	snop  }
__scs_overlays_trampoline_lowered:
0x8: {  	[smem:$0x3F9F] =	sst s0  }
0x9: {  	[smem:$0x3FA0] =	sst s1  }
0xa: {  	[smem:$0x3FA1] =	sst s2  }
0xb: {  	[smem:$0x3FA2] =	sst s3  }
0xc: {  	[smem:$0x3FA3] =	sst s4  }
0xd: {  	[smem:$0x3FA4] =	sst s5  }
0xe: {  	[smem:$0x3FA5] =	sst s6  }
0xf: {  	[smem:$0x3FA6] =	sst s7  }
0x10: {  	[smem:$0x3FA7] =	sst s8  }
0x11: {  	[smem:$0x3FA8] =	sst s9;
	s0 =	simm.s32 @!p0 $0x0  }
0x12: {  	s1 =	sld [smem:$0x3F8E];
	s0 =	simm.s32 @p0 $0x1  }
0x13: {  	[smem:$0x3FA9] =	sst s0;
	s0 =	simm.s32 @!p1 $0x0  }
0x14: {  	s2 =	sld [smem:$0x3F8D];
	s0 =	simm.s32 @p1 $0x1  }
0x15: {  	[smem:$0x3FAA] =	sst s0;
	s0 =	simm.s32 @!p2 $0x0  }
0x16: {  	s3 =	sld [smem:$0x3FDB];
	s0 =	simm.s32 @p2 $0x1  }
0x17: {  	s4 =	simm.s32 $0x1BF5;
	[smem:$0x3FAC] =	sst s0  }
0x18: {  	s0 =	sld [smem:$0x3F8F];
	_ =	swait.ge [sflag:s4], $0x0  }
0x19: {  	s7 =	sld [smem:$0x3F90]  }
0x1a: {  	s8 =	sadd.s32 $0xFFFFE003, lr  }
0x1b: {  	s9 =	sadd.s32 $0xFFFFFEF7, lr;
	s5 =	simm.s32 $0xFFFFFFFF;
	p2 =	slt.u32 s8, $0xFFFFF086  }
0x1c: {  	p1 =	slt.u32 s9, $0xF7A;
	s5 =	simm.s32 @!p2 $0x0  }
0x1d: {  	s5 =	simm.s32 @p1 $0x1;
	p0 =	seq.s32 s7, s2  }
0x1e: {  	s7 =	smul.u32 @!p0 $0xF7A, s2;
	p2 =	seq.s32 @!p0 s5, $0x0  }
0x1f: {  	s9 =	smul.u32 $0xF7A, s1;
	s8 =	simm.s32 @!p0 $0x1BF5;
	p2 =	por !p2, p0  }
0x20: {  	[sflag:s8] =	ssyncset.s32 @!p0 $0xFFFFF086;
	s6 =	sadd.s32 @!p0 s3, s7;
	s7 =	simm.s32 @!p0 $0x108  }
0x21: {  	s3 =	sadd.s32 s3, s9;
	s6 =	sadd.s32 @!p0 $0x88, s6;
	s7 =	simm.s32 @p2 $0x1082  }
0x22: {  	[simem:s7], [sflag:s8] =	dma.local @!p0 [hbm:s6], $0xF7A  }
0x23: {  	s9 =	sor.u32 $0xD0000000, s2;
	s6 =	simm.s32 $0x108;
	_ =	swait.ge @!p0 [sflag:s8], $0x0  }
0x24: {  	s3 =	sadd.s32 $0x88, s3;
	s6 =	simm.s32 @!p1 $0x1082;
	[sflag:s4] =	ssyncset.s32 $0xFFFFF086  }
0x25: {  	[simem:s6], [sflag:s4] =	dma.local [hbm:s3], $0xF7A  }
0x26: {  	[smem:$0x3F90] =	sst s1;
	(tag) =	ssettag s2;
	_ =	strace s9  }
0x27: {  	s1 =	sld [smem:$0x3FA0]  }
0x28: {  	s2 =	sld [smem:$0x3FA1]  }
0x29: {  	s4 =	sld [smem:$0x3FA3]  }
0x2a: {  	p0 =	seq.s32 s5, $0x0;
	s5 =	sld [smem:$0x3FA4]  }
0x2b: {  	s6 =	sld [smem:$0x3FA5]  }
0x2c: {  	s7 =	sld [smem:$0x3FA6]  }
0x2d: {  	s3 =	simm.s32 $0x108;
	s8 =	sld [smem:$0x3FA7]  }
0x2e: {  	s3 =	simm.s32 @!p0 $0x1082;
	s9 =	sld [smem:$0x3FA8]  }
0x2f: {  	lr =	sadd.s32 s0, s3;
	s0 =	sld [smem:$0x3F9F]  }
0x30: {  	s3 =	sld [smem:$0x3FA2]  }
0x31: {  	[smem:$0x3FAB] =	sst s10  }
0x32: {  	s10 =	sld [smem:$0x3FA9];
	_ =	sdelay $0x3  }
0x33: {  	p0 =	seq.s32 s10, $0x1;
	s10 =	sld [smem:$0x3FAB];
	_ =	sdelay $0x3  }
0x34: {  	[smem:$0x3FAB] =	sst s10  }
0x35: {  	s10 =	sld [smem:$0x3FAA];
	_ =	sdelay $0x3  }
0x36: {  	p1 =	seq.s32 s10, $0x1;
	s10 =	sld [smem:$0x3FAB];
	_ =	sdelay $0x3  }
0x37: {  	[smem:$0x3FAB] =	sst s10  }
0x38: {  	s10 =	sld [smem:$0x3FAC]  }
0x39: {  	_ = 	snop;
	(pc) =	sbr.ind lr, $3  }
0x3a: {  	_ = 	snop  }
0x3b: {  	_ = 	snop  }
0x3c: {  	p2 =	seq.s32 s10, $0x1;
	s10 =	sld [smem:$0x3FAB]  }
0x3d: {  	_ =	shalt  }
0x3e: {  	_ =	shalt  }
0x3f: {  	_ =	shalt  }
0x40: {  	_ =	shalt  }
0x41: {  	_ =	shalt  }
0x42: {  	_ =	shalt  }
0x43: {  	_ =	shalt  }
0x44: {  	_ =	shalt  }
0x45: {  	_ =	shalt  }
0x46: {  	_ =	shalt  }
0x47: {  	_ =	shalt  }
0x48: {  	_ =	shalt  }
0x49: {  	_ =	shalt  }
0x4a: {  	_ =	shalt  }
0x4b: {  	_ =	shalt  }
0x4c: {  	_ =	shalt  }
0x4d: {  	_ =	shalt  }
0x4e: {  	_ =	shalt  }
0x4f: {  	_ =	shalt  }
0x50: {  	_ =	shalt  }
0x51: {  	_ =	shalt  }
0x52: {  	_ =	shalt  }
0x53: {  	_ =	shalt  }
0x54: {  	_ =	shalt  }
0x55: {  	_ =	shalt  }
0x56: {  	_ =	shalt  }
0x57: {  	_ =	shalt  }
0x58: {  	_ =	shalt  }
0x59: {  	_ =	shalt  }
0x5a: {  	_ =	shalt  }
0x5b: {  	_ =	shalt  }
0x5c: {  	_ =	shalt  }
0x5d: {  	_ =	shalt  }
0x5e: {  	_ =	shalt  }
0x5f: {  	_ =	shalt  }
0x60: {  	_ =	shalt  }
0x61: {  	_ =	shalt  }
0x62: {  	_ =	shalt  }
0x63: {  	_ =	shalt  }
0x64: {  	_ =	shalt  }
0x65: {  	_ =	shalt  }
0x66: {  	_ =	shalt  }
0x67: {  	_ =	shalt  }
0x68: {  	_ =	shalt  }
0x69: {  	_ =	shalt  }
0x6a: {  	_ =	shalt  }
0x6b: {  	_ =	shalt  }
0x6c: {  	_ =	shalt  }
0x6d: {  	_ =	shalt  }
0x6e: {  	_ =	shalt  }
0x6f: {  	_ =	shalt  }
0x70: {  	_ =	shalt  }
0x71: {  	_ =	shalt  }
0x72: {  	_ =	shalt  }
0x73: {  	_ =	shalt  }
0x74: {  	_ =	shalt  }
0x75: {  	_ =	shalt  }
0x76: {  	_ =	shalt  }
0x77: {  	_ =	shalt  }
0x78: {  	_ =	shalt  }
0x79: {  	_ =	shalt  }
0x7a: {  	_ =	shalt  }
0x7b: {  	_ =	shalt  }
0x7c: {  	_ =	shalt  }
0x7d: {  	_ =	shalt  }
0x7e: {  	_ =	shalt  }
0x7f: {  	_ =	shalt  }
0x80: {  	_ =	shalt  }
0x81: {  	_ =	shalt  }
0x82: {  	_ =	shalt  }
0x83: {  	_ =	shalt  }
0x84: {  	_ =	shalt  }
0x85: {  	_ =	shalt  }
0x86: {  	_ =	shalt  }
0x87: {  	_ =	shalt  }
.Lfunc_end0:
.L_simem_size_0:
called_computation.1_lowered:
.L_overlay_start_0:
0x88: {  	s2 =	sld [smem:$0x3FD9]  }
0x89: {  	s3 =	sld [smem:$0x3FFE];
	_ =	sdelay $0x1  }
0x8a: {  	s1 =	srdreg.scid  }
0x8b: {  	s0 =	sand.u32 $0x1, s1  }
0x8c: {  	s16 =	sshll.u32 s0, $0xA;
	s2 =	sadd.s32 s3, s2  }
0x8d: {  	s2 =	sadd.s32 s2, s16  }
0x8e: {  	[smem:$0x3FB7] =	sst s2  }
0x8f: {  	_ = 	snop  }
0x90: {  	(tm) =	ssettm $0x1  }
0x91: {  	s17 =	sld [smem:$0x3FFB];
	_ =	sdelay $0x3  }
0x92: {  	_ =	strace s17  }
0x93: {  	s2 =	sld [smem:$0x3FFC];
	_ =	sdelay $0x3  }
0x94: {  	_ =	strace s2  }
0x95: {  	s2 =	sld [smem:$0x3FFD];
	_ =	sdelay $0x3  }
0x96: {  	_ =	strace s2  }
0x97: {  	_ =	strace $0x8FFFFFFF  }
0x98: {  	s18 =	sld [smem:$0x3FDB];
	_ =	sdelay $0x1  }
0x99: {  	s19 =	simm.s32 $_scs_section_size  }
0x9a: {  	s4 =	simm.s32 $_size__tile_overlayer_lowered;
	s5 =	simm.s32 $_tile_overlayer_lowered  }
0x9b: {  	s22 =	simm.s32 $0x1BFF;
	s21 =	sshll.u32 s5, $0x1;
	s2 =	sadd.s32 s19, s18  }
0x9c: {  	s6 =	simm.s32 $0x0;
	s20 =	sshll.u32 s4, $0x1;
	s4 =	sadd.s32 s21, s2  }
0x9d: {  	[timem:s6], [sflag:s22] =	dma.local [hbm:s4], s20  }
0x9e: {  	_ =	swait.ge [sflag:s22], s20  }
0x9f: {  	s3 =	ssub.s32 $0x0, s20;
	[sflag:s22] =	ssyncset.done $0x0  }
0xa0: {  	[sflag:s22] =	ssyncadd.s32 s3;
	_ =	sdelay $0x1  }
0xa1: {  	s23 =	simm.s32 $0x1B8B  }
0xa2: {  	_ =	swait.ge [sflag:s23], $0x1  }
0xa3: {  	[sflag:s23] =	ssyncset.done $0x0  }
0xa4: {  	s25 =	simm.s32 $0x1B8E;
	s24 =	sld [smem:$0x3FFE];
	[sflag:s23] =	ssyncadd.s32 $0xFFFFFFFF  }
0xa5: {  	s26 =	simm.s32 $execute0_lowered;
	[smem:$0x3FD2] =	sst s25  }
0xa6: {  	s4 =	sshll.u32 s26, $0x1;
	_ =	strace $0x80000049;
	[dreg:$0x1] =	wrdreg $0xFFFFFFFF  }
0xa7: {  	s28 =	simm.s32 $_size_execute0_lowered;
	s2 =	sadd.s32 s2, s4;
	[dreg:$0x0] =	wrdreg $0x0  }
0xa8: {  	s4 =	sshll.u32 s28, $0x1;
	[dreg:$0x2] =	wrdreg s2  }
0xa9: {  	[dreg:$0x3] =	wrdreg s4  }
0xaa: {  	[dreg:$0x4] =	wrdreg $0xC0  }
0xab: {  	_ =	task [dreg:s6], $0x5FFFF  }
0xac: {  	[dreg:$0x1] =	wrdreg $0xFFFFFFFF  }
0xad: {  	[dreg:$0x0] =	wrdreg $0x60  }
0xae: {  	[dreg:$0x2] =	wrdreg s24  }
0xaf: {  	[dreg:$0x3] =	wrdreg $0x42000  }
0xb0: {  	[dreg:$0x4] =	wrdreg $0x9  }
0xb1: {  	_ =	task.clear_ibuf [dreg:s6], $0x5FFFF;
	_ =	strace $0x90000049  }
0xb2: {  	s29 =	simm.s32 $0x9;
	_ =	strace $0x8000004B  }
0xb3: {  	_ =	swait.ge [sflag:s29], $0x1  }
0xb4: {  	[sflag:s29] =	ssyncadd.s32 $0xFFFFFFFF  }
0xb5: {  	_ =	strace $0x9000004B  }
0xb6: {  	_ =	sfence  }
0xb7: {  	s30 =	sld [smem:$0x0];
	_ =	sdelay $0x2  }
0xb8: {  	s31 =	sshll.u32 s1, $0xD;
	s1 =	sshrl.u32 s1, $0x2  }
0xb9: {  	s3 =	sand.u32 $0x4000, s31;
	s1 =	sadd.s32 s1, s30  }
0xba: {  	s0 =	sor.u32 s3, s0;
	s1 =	sshll.u32 s1, $0x11  }
0xbb: {  	s0 =	sor.u32 s1, s0  }
0xbc: {  	s0 =	sadd.s32 $0x8F2B, s0  }
0xbd: {  	[sflag:s0] =	ssyncadd.remote.s32 $0x1  }
0xbe: {  	_ =	sfence.sel $0xFFFF  }
0xbf: {  	[dreg:$0x0] =	wrdreg $0xFFFFFFFF;
	(pc) =	sbr.abs _section_cstart, $3  }
0xc0: {  	[dreg:$0x1] =	wrdreg $0xFFFFFFFF  }
0xc1: {  	_ =	task.clear_ibuf [dreg:s6], $0x2FFFF;
	_ =	strace $0x9FFFFFFF  }
0xc2: {  	(tm) =	ssettm $0x7FFFFFFF  }
0xc3: {  	_ =	shalt  }
tec
execute0_lowered:
.L_overlay_start_1:
0x0: {  	(tag) =	ssettag $0x1  }
0x1: {  	s4 =	rddreg [dreg:$0x0]  }
0x2: {  	s2 =	rddreg [dreg:$0x1]  }
0x3: {  	s0 =	stileid.u32;
	s3 =	simm.s32 $0x0;
	s6 =	srdreg.scid  }
0x4: {  	s17 =	simm.s32 $0x200;
	s18 =	simm.s32 $0x1;
	s19 =	simm.s32 $0x3  }
0x5: {  	s20 =	simm.s32 $0x100;
	s21 =	simm.s32 $0x2200;
	s5 =	smul.u32 $0x18800, s0  }
0x6: {  	s28 =	simm.s32 $0x3200;
	s29 =	simm.s32 $0x0;
	s11 =	smul.u32 $0x190, s0  }
0x7: {  	[smem:$0x7FF] =	sst s3;
	s6 =	sand.u32 $0x1, s6;
	s22 =	smul.u32 $0x190000, s0  }
0x8: {  	s14 =	sadd.s32 $0x8C4E00, s4;
	s10 =	sadd.s32 $0xE5000, s4;
	s24 =	smul.u32 $0x1900, s0  }
0x9: {  	s23 =	sshll.u32 s0, $0x6;
	_ =	strace $0x8000004A;
	s8 =	smul.u32 $0x188000, s6  }
0xa: {  	s9 =	ssub.s32 $0x2, s6;
	s13 =	smul.u32 $0x1900000, s6;
	s7 =	sshrl.u32 s5, $0x3  }
0xb: {  	s12 =	sshrl.u32 s9, $0x1;
	s15 =	sadd.s32 s5, s2;
	s6 =	sadd.s32 s10, s24  }
0xc: {  	s11 =	sadd.s32 $0x18E, s11;
	s24 =	simm.s32 $0x2;
	s7 =	sadd.s32 s7, s4  }
0xd: {  	s8 =	sadd.s32 s5, s8;
	s9 =	ssub.s32 s9, s12;
	s5 =	sor.u32 $0x1C05, s23  }
0xe: {  	s16 =	sadd.s32 s22, s13;
	s26 =	sshll.u32 s11, $0xC;
	s11 =	sshll.u32 s11, $0x4  }
0xf: {  	s15 =	sshrl.u32 s15, $0x3;
	s22 =	simm.s32 $0x80;
	s23 =	simm.s32 $0x1200  }
0x10: {  	s8 =	sshrl.u32 s8, $0x3;
	s25 =	sshrl.u32 s16, $0x3;
	s9 =	smax.u32 s9, $0x1  }
0x11: {  	s12 =	sadd.s32 s13, s26;
	s10 =	sadd.s32 s10, s11;
	s31 =	sor.u32 $0x2000, s16  }
0x12: {  	s16 =	sor.u32 $0x4000, s16;
	s13 =	sadd.s32 $0x20, s6;
	s26 =	simm.s32 $0x180  }
0x13: {  	s8 =	sadd.s32 s8, s4;
	s4 =	sadd.s32 $0x253E00, s7;
	s7 =	sadd.s32 s14, s25  }
0x14: {  	s30 =	sshrl.u32 s12, $0x3;
	s12 =	sshrl.u32 s31, $0x3;
	s16 =	sshrl.u32 s16, $0x3  }
0x15: {  	s25 =	simm.s32 $0x4;
	s8 =	sadd.s32 $0x284E00, s8;
	s11 =	sadd.s32 s14, s30  }
0x16: {  	s12 =	sadd.s32 s12, s14;
	s14 =	sadd.s32 s16, s14;
	s16 =	simm.s32 $0x5  }
.LBB2_1:
0x17: {  	[spmem:s15], [sflag:s5] =	dma.local [hbm:s4], $0x3100  }
0x18: {  	_ =	swait.ge [sflag:s16], $0x3100  }
0x19: {  	[sflag:s16] =	ssyncset.done $0x0  }
0x1a: {  	[sflag:s16] =	ssyncadd.s32 $0xFFFFCF00  }
0x1b: {  	[bflag:$0x0] =	sbarrier.arrive $0xFFFF  }
0x1c: {  	[tilespmem:s3], [sflag:$0x1] =	stream.linear.gather [hbm4b:s6+s3], $0x100, $0x38;
	[tilespmem:$0x1CA00] =	vst v63  }
0x1d: {  	_ = 	snop  }
0x1e: {  	[tilespmem:s17], [sflag:$0x3] =	stream.linear.gather [hbm4b:s7+s3], $0x2000, $0x38;
	[tilespmem:$0x1CA00] =	vst v63  }
0x1f: {  	_ =	swait.ge [sflag:s18], $0x100  }
0x20: {  	[sflag:s18] =	ssyncset.done $0x0  }
0x21: {  	[sflag:s18] =	ssyncadd.s32 $0xFFFFFF00  }
0x22: {  	_ =	swait.ge [sflag:s19], $0x2000  }
0x23: {  	[sflag:s19] =	ssyncset.done $0x0  }
0x24: {  	[sflag:s19] =	ssyncadd.s32 $0xFFFFE000  }
0x25: {  	[tilespmem:s20], [sflag:$0x2] =	stream.linear.gather [hbm4b:s13+s3], $0x100, $0x38;
	[tilespmem:$0x1CA00] =	vst v63  }
0x26: {  	s30 =	sadd.s32 $0x0, s12  }
0x27: {  	[tilespmem:s21], [sflag:$0x4] =	stream.linear.gather [hbm4b:s30+s3], $0x2000, $0x38;
	[tilespmem:$0x1CA00] =	vst v63  }
0x28: {  	_ = 	snop  }
0x29: {  	[spmem:s2] =	stream.indirect.scatter.add.f32 [tilespmem:s17], [sflag:$0x5], $0x20, s3, s22, $0xb8;
	[tilespmem:$0x1CA00] =	vst v63  }
0x2a: {  	_ =	swait.ge [sflag:s16], $0x1000  }
0x2b: {  	[sflag:s16] =	ssyncset.done $0x0  }
0x2c: {  	[sflag:s16] =	ssyncadd.s32 $0xFFFFF000  }
0x2d: {  	[spmem:s2] =	stream.indirect.scatter.add.f32 [tilespmem:s23], [sflag:$0x5], $0x20, s22, s22, $0xb8;
	[tilespmem:$0x1CA00] =	vst v63  }
0x2e: {  	_ =	swait.ge [sflag:s16], $0x1000  }
0x2f: {  	[sflag:s16] =	ssyncset.done $0x0  }
0x30: {  	[sflag:s16] =	ssyncadd.s32 $0xFFFFF000  }
0x31: {  	_ =	swait.ge [sflag:s24], $0x100  }
0x32: {  	[sflag:s24] =	ssyncset.done $0x0  }
0x33: {  	[sflag:s24] =	ssyncadd.s32 $0xFFFFFF00  }
0x34: {  	_ =	swait.ge [sflag:s25], $0x2000  }
0x35: {  	[sflag:s25] =	ssyncset.done $0x0  }
0x36: {  	s30 =	sadd.s32 $0x20, s13;
	[sflag:s25] =	ssyncadd.s32 $0xFFFFE000  }
0x37: {  	[tilespmem:s3], [sflag:$0x1] =	stream.linear.gather [hbm4b:s30+s3], $0x100, $0x38;
	[tilespmem:$0x1CA00] =	vst v63  }
0x38: {  	s30 =	sadd.s32 $0x0, s14  }
0x39: {  	[tilespmem:s17], [sflag:$0x3] =	stream.linear.gather [hbm4b:s30+s3], $0x2000, $0x38;
	[tilespmem:$0x1CA00] =	vst v63  }
0x3a: {  	_ = 	snop  }
0x3b: {  	[spmem:s2] =	stream.indirect.scatter.add.f32 [tilespmem:s21], [sflag:$0x5], $0x20, s20, s22, $0xb8;
	[tilespmem:$0x1CA00] =	vst v63  }
0x3c: {  	_ =	swait.ge [sflag:s16], $0x1000  }
0x3d: {  	[sflag:s16] =	ssyncset.done $0x0  }
0x3e: {  	[sflag:s16] =	ssyncadd.s32 $0xFFFFF000  }
0x3f: {  	[spmem:s2] =	stream.indirect.scatter.add.f32 [tilespmem:s28], [sflag:$0x5], $0x20, s26, s22, $0xb8;
	[tilespmem:$0x1CA00] =	vst v63  }
0x40: {  	_ =	swait.ge [sflag:s16], $0x1000  }
0x41: {  	s31 =	smov.u32 s13;
	s30 =	simm.s32 $0x800;
	[sflag:s16] =	ssyncset.done $0x0  }
.LBB2_2:
0x42: {  	p0 =	sne.s32 s30, $0x31000;
	[sflag:s16] =	ssyncadd.s32 $0xFFFFF000;
	s31 =	sadd.s32 $0x40, s31  }
0x43: {  	s0 =	smov.u32 s30;
	s30 =	sadd.s32 $0x800, s30;
	_ =	swait.ge [sflag:s18], $0x100  }
0x44: {  	[sflag:s18] =	ssyncset.done $0x0  }
0x45: {  	[sflag:s18] =	ssyncadd.s32 $0xFFFFFF00  }
0x46: {  	_ =	swait.ge [sflag:s19], $0x2000  }
0x47: {  	[sflag:s19] =	ssyncset.done $0x0  }
0x48: {  	[sflag:s19] =	ssyncadd.s32 $0xFFFFE000  }
0x49: {  	[tilespmem:s20], [sflag:$0x2] =	stream.linear.gather [hbm4b:s31+s3], $0x100, $0x38;
	[tilespmem:$0x1CA00] =	vst v63  }
0x4a: {  	s1 =	sadd.s32 s0, s12  }
0x4b: {  	[tilespmem:s21], [sflag:$0x4] =	stream.linear.gather [hbm4b:s1+s3], $0x2000, $0x38;
	[tilespmem:$0x1CA00] =	vst v63  }
0x4c: {  	_ = 	snop  }
0x4d: {  	[spmem:s2] =	stream.indirect.scatter.add.f32 [tilespmem:s17], [sflag:$0x5], $0x20, s3, s22, $0xb8;
	[tilespmem:$0x1CA00] =	vst v63  }
0x4e: {  	_ =	swait.ge [sflag:s16], $0x1000  }
0x4f: {  	[sflag:s16] =	ssyncset.done $0x0  }
0x50: {  	[sflag:s16] =	ssyncadd.s32 $0xFFFFF000  }
0x51: {  	[spmem:s2] =	stream.indirect.scatter.add.f32 [tilespmem:s23], [sflag:$0x5], $0x20, s22, s22, $0xb8;
	[tilespmem:$0x1CA00] =	vst v63  }
0x52: {  	_ =	swait.ge [sflag:s16], $0x1000  }
0x53: {  	[sflag:s16] =	ssyncset.done $0x0  }
0x54: {  	[sflag:s16] =	ssyncadd.s32 $0xFFFFF000  }
0x55: {  	_ =	swait.ge [sflag:s24], $0x100  }
0x56: {  	[sflag:s24] =	ssyncset.done $0x0  }
0x57: {  	[sflag:s24] =	ssyncadd.s32 $0xFFFFFF00  }
0x58: {  	_ =	swait.ge [sflag:s25], $0x2000  }
0x59: {  	[sflag:s25] =	ssyncset.done $0x0  }
0x5a: {  	s1 =	sadd.s32 $0x20, s31;
	[sflag:s25] =	ssyncadd.s32 $0xFFFFE000  }
0x5b: {  	[tilespmem:s3], [sflag:$0x1] =	stream.linear.gather [hbm4b:s1+s3], $0x100, $0x38;
	[tilespmem:$0x1CA00] =	vst v63  }
0x5c: {  	s0 =	sadd.s32 s0, s14  }
0x5d: {  	[tilespmem:s17], [sflag:$0x3] =	stream.linear.gather [hbm4b:s0+s3], $0x2000, $0x38;
	[tilespmem:$0x1CA00] =	vst v63  }
0x5e: {  	_ = 	snop  }
0x5f: {  	[spmem:s2] =	stream.indirect.scatter.add.f32 [tilespmem:s21], [sflag:$0x5], $0x20, s20, s22, $0xb8;
	[tilespmem:$0x1CA00] =	vst v63  }
0x60: {  	_ =	swait.ge [sflag:s16], $0x1000  }
.Ltmp0:
0x61: {  	[sflag:s16] =	ssyncset.done $0x0;
	(pc) =	sbr.rel @p0 .LBB2_2-.Ltmp0, $4  }
0x62: {  	[sflag:s16] =	ssyncadd.s32 $0xFFFFF000  }
0x63: {  	[spmem:s2] =	stream.indirect.scatter.add.f32 [tilespmem:s28], [sflag:$0x5], $0x20, s26, s22, $0xb8;
	[tilespmem:$0x1CA00] =	vst v63  }
0x64: {  	_ =	swait.ge [sflag:s16], $0x1000  }
0x65: {  	[sflag:s16] =	ssyncset.done $0x0  }
0x66: {  	[sflag:s16] =	ssyncadd.s32 $0xFFFFF000  }
0x67: {  	_ =	swait.ge [sflag:s18], $0x100  }
0x68: {  	[sflag:s18] =	ssyncset.done $0x0  }
0x69: {  	[sflag:s18] =	ssyncadd.s32 $0xFFFFFF00  }
0x6a: {  	_ =	swait.ge [sflag:s19], $0x2000  }
0x6b: {  	[sflag:s19] =	ssyncset.done $0x0  }
0x6c: {  	[sflag:s19] =	ssyncadd.s32 $0xFFFFE000  }
0x6d: {  	[tilespmem:s20], [sflag:$0x2] =	stream.linear.gather [hbm4b:s10+s3], $0x100, $0x38;
	[tilespmem:$0x1CA00] =	vst v63  }
0x6e: {  	_ = 	snop  }
0x6f: {  	[tilespmem:s21], [sflag:$0x4] =	stream.linear.gather [hbm4b:s11+s3], $0x2000, $0x38;
	[tilespmem:$0x1CA00] =	vst v63  }
0x70: {  	_ = 	snop  }
0x71: {  	[spmem:s2] =	stream.indirect.scatter.add.f32 [tilespmem:s17], [sflag:$0x5], $0x20, s3, s22, $0xb8;
	[tilespmem:$0x1CA00] =	vst v63  }
0x72: {  	_ =	swait.ge [sflag:s16], $0x1000  }
0x73: {  	[sflag:s16] =	ssyncset.done $0x0  }
0x74: {  	[sflag:s16] =	ssyncadd.s32 $0xFFFFF000  }
0x75: {  	[spmem:s2] =	stream.indirect.scatter.add.f32 [tilespmem:s23], [sflag:$0x5], $0x20, s22, s22, $0xb8;
	[tilespmem:$0x1CA00] =	vst v63  }
0x76: {  	_ =	swait.ge [sflag:s16], $0x1000  }
0x77: {  	[sflag:s16] =	ssyncset.done $0x0  }
0x78: {  	[sflag:s16] =	ssyncadd.s32 $0xFFFFF000  }
0x79: {  	_ =	swait.ge [sflag:s24], $0x100  }
0x7a: {  	[sflag:s24] =	ssyncset.done $0x0  }
0x7b: {  	[sflag:s24] =	ssyncadd.s32 $0xFFFFFF00  }
0x7c: {  	_ =	swait.ge [sflag:s25], $0x2000  }
0x7d: {  	[sflag:s25] =	ssyncset.done $0x0  }
0x7e: {  	[sflag:s25] =	ssyncadd.s32 $0xFFFFE000  }
0x7f: {  	[spmem:s2] =	stream.indirect.scatter.add.f32 [tilespmem:s21], [sflag:$0x5], $0x20, s20, s22, $0xb8;
	[tilespmem:$0x1CA00] =	vst v63  }
0x80: {  	_ =	swait.ge [sflag:s16], $0x1000  }
0x81: {  	[sflag:s16] =	ssyncset.done $0x0  }
0x82: {  	[sflag:s16] =	ssyncadd.s32 $0xFFFFF000  }
0x83: {  	[spmem:s2] =	stream.indirect.scatter.add.f32 [tilespmem:s28], [sflag:$0x5], $0x20, s26, s22, $0xb8;
	[tilespmem:$0x1CA00] =	vst v63  }
0x84: {  	_ =	swait.ge [sflag:s16], $0x1000  }
0x85: {  	s29 =	sadd.s32 $0x1, s29;
	[sflag:s16] =	ssyncset.done $0x0  }
0x86: {  	p0 =	sne.s32 s29, s9;
	[sflag:s16] =	ssyncadd.s32 $0xFFFFF000  }
.Ltmp1:
0x87: {  	[bflag:$0x0] =	sbarrier.arrive $0xFFFF;
	(pc) =	sbr.rel @p0 .LBB2_1-.Ltmp1, $4  }
0x88: {  	[hbm:s8], [sflag:s5] =	dma.local [spmem:s15], $0x3100  }
0x89: {  	_ =	swait.ge [sflag:s16], $0x3100  }
0x8a: {  	[sflag:s16] =	ssyncset.done $0x0  }
0x8b: {  	[sflag:s16] =	ssyncadd.s32 $0xFFFFCF00  }
0x8c: {  	_ =	sfence.sel $0x180000  }
0x8d: {  	[bflag:$0x0] =	sbarrier.arrive $0xFFFF  }
0x8e: {  	_ =	strace $0x9000004A  }
0x8f: {  	s0 =	stileid.u32;
	[bflag:$0x2] =	sbarrier.arrive $0xFFFF  }
0x90: {  	p0 =	sne.s32 s0, $0x0;
	s0 =	rddreg [dreg:$0x2]  }
0x91: {  	s0 =	sadd.s32 @!p0 $0x100000, s0  }
0x92: {  	[sflag:s0] =	ssyncadd.tile.s32 @!p0 $0x1;
	_ =	shalt  }
.Lfunc_end2:
_tile_overlayer_lowered:
.L_overlay_start_2:
0x93: {  	(tag) =	ssettag $0x2  }
0x94: {  	s0 =	rddreg [dreg:$0x0];
	s2 =	stileid.u32  }
0x95: {  	s1 =	rddreg [dreg:$0x1];
	p0 =	sne.s32 s2, $0x0  }
0x96: {  	s3 =	rddreg [dreg:$0x2];
	[bflag:$0x3] =	sbarrier.arrive $0xFFFF;
	s2 =	simm.s32 @!p0 $0x1C05  }
0x97: {  	[timem:s3], [sflag:s2] =	dma.local @!p0 [hbm:s0], s1  }
0x98: {  	s0 =	simm.s32 @!p0 $0x5  }
0x99: {  	_ =	swait.ge @!p0 [sflag:s0], s1  }
0x9a: {  	s1 =	ssub.s32 @!p0 $0x0, s1;
	[sflag:s0] =	ssyncset.done @!p0 $0x0  }
0x9b: {  	[sflag:s0] =	ssyncadd.s32 @!p0 s1  }
0x9c: {  	[bflag:$0x3] =	sbarrier.arrive $0xFFFF  }
0x9d: {  	_ =	shalt  }

// kernel: kernel.19.cloned.1.call-start
scs
__scs_entry_jumppad:
0x0: {  	(pc) =	sbr.rel $0x88, $3  }
0x1: {  	(tag) =	ssettag $0x0;
	lr =	simm.s32 $0x1  }
0x2: {  	[smem:$0x3F90] =	sst lr;
	_ =	strace $0xD0000000  }
0x3: {  	_ = 	snop  }
0x4: {  	_ = 	snop  }
0x5: {  	_ = 	snop  }
0x6: {  	_ = 	snop  }
0x7: {  	_ = 	snop  }
__scs_overlays_trampoline_lowered:
0x8: {  	[smem:$0x3F9F] =	sst s0  }
0x9: {  	[smem:$0x3FA0] =	sst s1  }
0xa: {  	[smem:$0x3FA1] =	sst s2  }
0xb: {  	[smem:$0x3FA2] =	sst s3  }
0xc: {  	[smem:$0x3FA3] =	sst s4  }
0xd: {  	[smem:$0x3FA4] =	sst s5  }
0xe: {  	[smem:$0x3FA5] =	sst s6  }
0xf: {  	[smem:$0x3FA6] =	sst s7  }
0x10: {  	[smem:$0x3FA7] =	sst s8  }
0x11: {  	[smem:$0x3FA8] =	sst s9;
	s0 =	simm.s32 @!p0 $0x0  }
0x12: {  	s1 =	sld [smem:$0x3F8E];
	s0 =	simm.s32 @p0 $0x1  }
0x13: {  	[smem:$0x3FA9] =	sst s0;
	s0 =	simm.s32 @!p1 $0x0  }
0x14: {  	s2 =	sld [smem:$0x3F8D];
	s0 =	simm.s32 @p1 $0x1  }
0x15: {  	[smem:$0x3FAA] =	sst s0;
	s0 =	simm.s32 @!p2 $0x0  }
0x16: {  	s3 =	sld [smem:$0x3FDB];
	s0 =	simm.s32 @p2 $0x1  }
0x17: {  	s4 =	simm.s32 $0x1BF5;
	[smem:$0x3FAC] =	sst s0  }
0x18: {  	s0 =	sld [smem:$0x3F8F];
	_ =	swait.ge [sflag:s4], $0x0  }
0x19: {  	s7 =	sld [smem:$0x3F90]  }
0x1a: {  	s8 =	sadd.s32 $0xFFFFE003, lr  }
0x1b: {  	s9 =	sadd.s32 $0xFFFFFEF7, lr;
	s5 =	simm.s32 $0xFFFFFFFF;
	p2 =	slt.u32 s8, $0xFFFFF086  }
0x1c: {  	p1 =	slt.u32 s9, $0xF7A;
	s5 =	simm.s32 @!p2 $0x0  }
0x1d: {  	s5 =	simm.s32 @p1 $0x1;
	p0 =	seq.s32 s7, s2  }
0x1e: {  	s7 =	smul.u32 @!p0 $0xF7A, s2;
	p2 =	seq.s32 @!p0 s5, $0x0  }
0x1f: {  	s9 =	smul.u32 $0xF7A, s1;
	s8 =	simm.s32 @!p0 $0x1BF5;
	p2 =	por !p2, p0  }
0x20: {  	[sflag:s8] =	ssyncset.s32 @!p0 $0xFFFFF086;
	s6 =	sadd.s32 @!p0 s3, s7;
	s7 =	simm.s32 @!p0 $0x108  }
0x21: {  	s3 =	sadd.s32 s3, s9;
	s6 =	sadd.s32 @!p0 $0x88, s6;
	s7 =	simm.s32 @p2 $0x1082  }
0x22: {  	[simem:s7], [sflag:s8] =	dma.local @!p0 [hbm:s6], $0xF7A  }
0x23: {  	s9 =	sor.u32 $0xD0000000, s2;
	s6 =	simm.s32 $0x108;
	_ =	swait.ge @!p0 [sflag:s8], $0x0  }
0x24: {  	s3 =	sadd.s32 $0x88, s3;
	s6 =	simm.s32 @!p1 $0x1082;
	[sflag:s4] =	ssyncset.s32 $0xFFFFF086  }
0x25: {  	[simem:s6], [sflag:s4] =	dma.local [hbm:s3], $0xF7A  }
0x26: {  	[smem:$0x3F90] =	sst s1;
	(tag) =	ssettag s2;
	_ =	strace s9  }
0x27: {  	s1 =	sld [smem:$0x3FA0]  }
0x28: {  	s2 =	sld [smem:$0x3FA1]  }
0x29: {  	s4 =	sld [smem:$0x3FA3]  }
0x2a: {  	p0 =	seq.s32 s5, $0x0;
	s5 =	sld [smem:$0x3FA4]  }
0x2b: {  	s6 =	sld [smem:$0x3FA5]  }
0x2c: {  	s7 =	sld [smem:$0x3FA6]  }
0x2d: {  	s3 =	simm.s32 $0x108;
	s8 =	sld [smem:$0x3FA7]  }
0x2e: {  	s3 =	simm.s32 @!p0 $0x1082;
	s9 =	sld [smem:$0x3FA8]  }
0x2f: {  	lr =	sadd.s32 s0, s3;
	s0 =	sld [smem:$0x3F9F]  }
0x30: {  	s3 =	sld [smem:$0x3FA2]  }
0x31: {  	[smem:$0x3FAB] =	sst s10  }
0x32: {  	s10 =	sld [smem:$0x3FA9];
	_ =	sdelay $0x3  }
0x33: {  	p0 =	seq.s32 s10, $0x1;
	s10 =	sld [smem:$0x3FAB];
	_ =	sdelay $0x3  }
0x34: {  	[smem:$0x3FAB] =	sst s10  }
0x35: {  	s10 =	sld [smem:$0x3FAA];
	_ =	sdelay $0x3  }
0x36: {  	p1 =	seq.s32 s10, $0x1;
	s10 =	sld [smem:$0x3FAB];
	_ =	sdelay $0x3  }
0x37: {  	[smem:$0x3FAB] =	sst s10  }
0x38: {  	s10 =	sld [smem:$0x3FAC]  }
0x39: {  	_ = 	snop;
	(pc) =	sbr.ind lr, $3  }
0x3a: {  	_ = 	snop  }
0x3b: {  	_ = 	snop  }
0x3c: {  	p2 =	seq.s32 s10, $0x1;
	s10 =	sld [smem:$0x3FAB]  }
0x3d: {  	_ =	shalt  }
0x3e: {  	_ =	shalt  }
0x3f: {  	_ =	shalt  }
0x40: {  	_ =	shalt  }
0x41: {  	_ =	shalt  }
0x42: {  	_ =	shalt  }
0x43: {  	_ =	shalt  }
0x44: {  	_ =	shalt  }
0x45: {  	_ =	shalt  }
0x46: {  	_ =	shalt  }
0x47: {  	_ =	shalt  }
0x48: {  	_ =	shalt  }
0x49: {  	_ =	shalt  }
0x4a: {  	_ =	shalt  }
0x4b: {  	_ =	shalt  }
0x4c: {  	_ =	shalt  }
0x4d: {  	_ =	shalt  }
0x4e: {  	_ =	shalt  }
0x4f: {  	_ =	shalt  }
0x50: {  	_ =	shalt  }
0x51: {  	_ =	shalt  }
0x52: {  	_ =	shalt  }
0x53: {  	_ =	shalt  }
0x54: {  	_ =	shalt  }
0x55: {  	_ =	shalt  }
0x56: {  	_ =	shalt  }
0x57: {  	_ =	shalt  }
0x58: {  	_ =	shalt  }
0x59: {  	_ =	shalt  }
0x5a: {  	_ =	shalt  }
0x5b: {  	_ =	shalt  }
0x5c: {  	_ =	shalt  }
0x5d: {  	_ =	shalt  }
0x5e: {  	_ =	shalt  }
0x5f: {  	_ =	shalt  }
0x60: {  	_ =	shalt  }
0x61: {  	_ =	shalt  }
0x62: {  	_ =	shalt  }
0x63: {  	_ =	shalt  }
0x64: {  	_ =	shalt  }
0x65: {  	_ =	shalt  }
0x66: {  	_ =	shalt  }
0x67: {  	_ =	shalt  }
0x68: {  	_ =	shalt  }
0x69: {  	_ =	shalt  }
0x6a: {  	_ =	shalt  }
0x6b: {  	_ =	shalt  }
0x6c: {  	_ =	shalt  }
0x6d: {  	_ =	shalt  }
0x6e: {  	_ =	shalt  }
0x6f: {  	_ =	shalt  }
0x70: {  	_ =	shalt  }
0x71: {  	_ =	shalt  }
0x72: {  	_ =	shalt  }
0x73: {  	_ =	shalt  }
0x74: {  	_ =	shalt  }
0x75: {  	_ =	shalt  }
0x76: {  	_ =	shalt  }
0x77: {  	_ =	shalt  }
0x78: {  	_ =	shalt  }
0x79: {  	_ =	shalt  }
0x7a: {  	_ =	shalt  }
0x7b: {  	_ =	shalt  }
0x7c: {  	_ =	shalt  }
0x7d: {  	_ =	shalt  }
0x7e: {  	_ =	shalt  }
0x7f: {  	_ =	shalt  }
0x80: {  	_ =	shalt  }
0x81: {  	_ =	shalt  }
0x82: {  	_ =	shalt  }
0x83: {  	_ =	shalt  }
0x84: {  	_ =	shalt  }
0x85: {  	_ =	shalt  }
0x86: {  	_ =	shalt  }
0x87: {  	_ =	shalt  }
.Lfunc_end0:
.L_simem_size_0:
called_computation.2_lowered:
.L_overlay_start_0:
0x88: {  	s2 =	sld [smem:$0x3FD9]  }
0x89: {  	s3 =	sld [smem:$0x3FFE];
	_ =	sdelay $0x1  }
0x8a: {  	s1 =	srdreg.scid  }
0x8b: {  	s0 =	sand.u32 $0x1, s1  }
0x8c: {  	s16 =	sshll.u32 s0, $0xA;
	s2 =	sadd.s32 s3, s2  }
0x8d: {  	s2 =	sadd.s32 s2, s16  }
0x8e: {  	[smem:$0x3FB7] =	sst s2  }
0x8f: {  	_ = 	snop  }
0x90: {  	(tm) =	ssettm $0x1  }
0x91: {  	s17 =	sld [smem:$0x3FFB];
	_ =	sdelay $0x3  }
0x92: {  	_ =	strace s17  }
0x93: {  	s2 =	sld [smem:$0x3FFC];
	_ =	sdelay $0x3  }
0x94: {  	_ =	strace s2  }
0x95: {  	s2 =	sld [smem:$0x3FFD];
	_ =	sdelay $0x3  }
0x96: {  	_ =	strace s2  }
0x97: {  	_ =	strace $0x8FFFFFFF  }
0x98: {  	s18 =	sld [smem:$0x3FDB];
	_ =	sdelay $0x1  }
0x99: {  	s19 =	simm.s32 $_scs_section_size  }
0x9a: {  	s4 =	simm.s32 $_size__tile_overlayer_lowered;
	s5 =	simm.s32 $_tile_overlayer_lowered  }
0x9b: {  	s22 =	simm.s32 $0x1BFF;
	s21 =	sshll.u32 s5, $0x1;
	s2 =	sadd.s32 s19, s18  }
0x9c: {  	s6 =	simm.s32 $0x0;
	s20 =	sshll.u32 s4, $0x1;
	s4 =	sadd.s32 s21, s2  }
0x9d: {  	[timem:s6], [sflag:s22] =	dma.local [hbm:s4], s20  }
0x9e: {  	_ =	swait.ge [sflag:s22], s20  }
0x9f: {  	s3 =	ssub.s32 $0x0, s20;
	[sflag:s22] =	ssyncset.done $0x0  }
0xa0: {  	[sflag:s22] =	ssyncadd.s32 s3;
	_ =	sdelay $0x1  }
0xa1: {  	s23 =	simm.s32 $0x1B8B  }
0xa2: {  	_ =	swait.ge [sflag:s23], $0x1  }
0xa3: {  	[sflag:s23] =	ssyncset.done $0x0  }
0xa4: {  	s25 =	simm.s32 $0x1B8E;
	s24 =	sld [smem:$0x3FFE];
	[sflag:s23] =	ssyncadd.s32 $0xFFFFFFFF  }
0xa5: {  	s26 =	simm.s32 $execute0_lowered;
	[smem:$0x3FD2] =	sst s25  }
0xa6: {  	s4 =	sshll.u32 s26, $0x1;
	_ =	strace $0x8000004C;
	[dreg:$0x1] =	wrdreg $0xFFFFFFFF  }
0xa7: {  	s28 =	simm.s32 $_size_execute0_lowered;
	s2 =	sadd.s32 s2, s4;
	[dreg:$0x0] =	wrdreg $0x0  }
0xa8: {  	s4 =	sshll.u32 s28, $0x1;
	[dreg:$0x2] =	wrdreg s2  }
0xa9: {  	[dreg:$0x3] =	wrdreg s4  }
0xaa: {  	[dreg:$0x4] =	wrdreg $0xC0  }
0xab: {  	_ =	task [dreg:s6], $0x5FFFF  }
0xac: {  	[dreg:$0x1] =	wrdreg $0xFFFFFFFF  }
0xad: {  	[dreg:$0x0] =	wrdreg $0x60  }
0xae: {  	[dreg:$0x2] =	wrdreg s24  }
0xaf: {  	[dreg:$0x3] =	wrdreg $0x9  }
0xb0: {  	_ =	task.clear_ibuf [dreg:s6], $0x4FFFF;
	_ =	strace $0x9000004C  }
0xb1: {  	s29 =	simm.s32 $0x9;
	_ =	strace $0x8000004E  }
0xb2: {  	_ =	swait.ge [sflag:s29], $0x1  }
0xb3: {  	[sflag:s29] =	ssyncadd.s32 $0xFFFFFFFF  }
0xb4: {  	_ =	strace $0x9000004E  }
0xb5: {  	_ =	sfence  }
0xb6: {  	s30 =	sld [smem:$0x0];
	_ =	sdelay $0x2  }
0xb7: {  	s31 =	sshll.u32 s1, $0xD;
	s1 =	sshrl.u32 s1, $0x2  }
0xb8: {  	s3 =	sand.u32 $0x4000, s31;
	s1 =	sadd.s32 s1, s30  }
0xb9: {  	s0 =	sor.u32 s3, s0;
	s1 =	sshll.u32 s1, $0x11  }
0xba: {  	s0 =	sor.u32 s1, s0  }
0xbb: {  	s0 =	sadd.s32 $0x8F2B, s0  }
0xbc: {  	[sflag:s0] =	ssyncadd.remote.s32 $0x1  }
0xbd: {  	_ =	sfence.sel $0xFFFF  }
0xbe: {  	[dreg:$0x0] =	wrdreg $0xFFFFFFFF;
	(pc) =	sbr.abs _section_cstart, $3  }
0xbf: {  	[dreg:$0x1] =	wrdreg $0xFFFFFFFF  }
0xc0: {  	_ =	task.clear_ibuf [dreg:s6], $0x2FFFF;
	_ =	strace $0x9FFFFFFF  }
0xc1: {  	(tm) =	ssettm $0x7FFFFFFF  }
tec
execute0_lowered:
.L_overlay_start_1:
0x0: {  	(tag) =	ssettag $0x1  }
0x1: {  	s0 =	srdreg.scid;
	s11 =	stileid.u32  }
0x2: {  	s1 =	rddreg [dreg:$0x0];
	s2 =	simm.s32 $0x0;
	s12 =	simm.s32 $0xA00  }
0x3: {  	s31 =	simm.s32 $0x3;
	s13 =	simm.s32 $0x680;
	s14 =	simm.s32 $0xDA00  }
0x4: {  	s15 =	simm.s32 $0x700;
	s16 =	simm.s32 $0xEA00;
	s17 =	simm.s32 $0x780  }
0x5: {  	s18 =	simm.s32 $0xFA00;
	s19 =	simm.s32 $0x800;
	s20 =	simm.s32 $0x10A00  }
0x6: {  	s21 =	simm.s32 $0x880;
	s22 =	simm.s32 $0x11A00;
	s5 =	smul.u32 $0x1900, s11  }
0x7: {  	s23 =	simm.s32 $0x900;
	s24 =	simm.s32 $0x12A00;
	s7 =	smul.u32 $0x190, s11  }
0x8: {  	s25 =	simm.s32 $0x980;
	s0 =	sand.u32 $0x1, s0;
	s30 =	smul.u32 $0x32000, s11  }
0x9: {  	s26 =	simm.s32 $0x13A00;
	s3 =	sshll.u32 s11, $0x1;
	s10 =	smul.u32 $0xC8, s0  }
0xa: {  	[smem:$0x7FF] =	sst s2;
	s8 =	sadd.s32 $0xCBE00, s1;
	s28 =	smul.u32 $0xC80, s0  }
0xb: {  	s3 =	sor.u32 s0, s3;
	s6 =	ssub.s32 $0x2, s0;
	s0 =	smul.u32 $0x19000, s0  }
0xc: {  	s11 =	simm.s32 $0x80;
	_ =	strace $0x8000004D;
	s4 =	smul.u32 $0xC80, s3  }
0xd: {  	s3 =	sadd.s32 $0x7200, s1;
	s9 =	sshrl.u32 s6, $0x1;
	s1 =	sadd.s32 $0x284E00, s1  }
0xe: {  	s5 =	sadd.s32 s5, s8;
	s6 =	ssub.s32 s6, s9;
	s29 =	sadd.s32 s10, s7  }
0xf: {  	s9 =	simm.s32 $0x1;
	s10 =	simm.s32 $0x500;
	s4 =	sadd.s32 s8, s4  }
0x10: {  	s7 =	simm.s32 $0x0;
	[dreg:$0x2] =	wrdreg s4;
	s4 =	sshll.u32 s29, $0x9  }
0x11: {  	s6 =	smax.u32 s6, $0x1;
	s8 =	simm.s32 $0xCA00;
	s4 =	sadd.s32 s1, s4  }
0x12: {  	[dreg:$0x3] =	wrdreg s6;
	s1 =	sadd.s32 s30, s1;
	s4 =	sadd.s32 $0x1400, s4  }
0x13: {  	s6 =	sadd.s32 s28, s5;
	s0 =	sadd.s32 s0, s1;
	[dreg:$0x4] =	wrdreg s4  }
0x14: {  	s1 =	simm.s32 $0x2;
	[dreg:$0x5] =	wrdreg s0;
	s0 =	simm.s32 $0xAA00  }
.LBB2_1:
0x15: {  	[dreg:$0x6] =	wrdreg s7  }
0x16: {  	s4 =	rddreg [dreg:$0x2]  }
0x17: {  	s28 =	rddreg [dreg:$0x5]  }
0x18: {  	s29 =	rddreg [dreg:$0x4];
	s30 =	simm.s32 $0x0  }
0x19: {  	[tilespmem:s2], [sflag:$0x1] =	stream.linear.gather [hbm4b:s4+s2], $0x500, $0x38;
	[tilespmem:$0x14A00] =	vst v63  }
.LBB2_2:
0x1a: {  	_ =	swait.ge [sflag:s9], $0x500  }
0x1b: {  	p0 =	seq.s32 s30, $0x0;
	[sflag:s9] =	ssyncset.done $0x0  }
0x1c: {  	s5 =	simm.s32 @!p0 $0x4;
	[sflag:s9] =	ssyncadd.s32 $0xFFFFFB00  }
0x1d: {  	_ =	swait.ge @!p0 [sflag:s5], $0xA000  }
0x1e: {  	s4 =	sadd.s32 s30, s6;
	[sflag:s5] =	ssyncset.done @!p0 $0x0  }
0x1f: {  	s7 =	sadd.s32 $0xA0, s4;
	[sflag:s5] =	ssyncadd.s32 @!p0 $0xFFFF6000  }
0x20: {  	[tilespmem:s10], [sflag:$0x2] =	stream.linear.gather [hbm4b:s7+s2], $0x500, $0x38;
	[tilespmem:$0x14A00] =	vst v63  }
0x21: {  	_ = 	snop  }
0x22: {  	[tilespmem:s12], [sflag:$0x3] =	stream.indirect.gather [hbm4b:s3+s11], $0x20, s2, s11, $0xb8;
	[tilespmem:$0x14A00] =	vst v63  }
0x23: {  	s7 =	simm.s32 $0x1A00  }
0x24: {  	[tilespmem:s7], [sflag:$0x3] =	stream.indirect.gather [hbm4b:s3+s11], $0x20, s11, s11, $0xb8;
	[tilespmem:$0x14A00] =	vst v63  }
0x25: {  	s5 =	simm.s32 $0x100;
	s7 =	simm.s32 $0x2A00  }
0x26: {  	[tilespmem:s7], [sflag:$0x3] =	stream.indirect.gather [hbm4b:s3+s11], $0x20, s5, s11, $0xb8;
	[tilespmem:$0x14A00] =	vst v63  }
0x27: {  	s5 =	simm.s32 $0x180;
	s7 =	simm.s32 $0x3A00  }
0x28: {  	[tilespmem:s7], [sflag:$0x3] =	stream.indirect.gather [hbm4b:s3+s11], $0x20, s5, s11, $0xb8;
	[tilespmem:$0x14A00] =	vst v63  }
0x29: {  	s5 =	simm.s32 $0x200;
	s7 =	simm.s32 $0x4A00  }
0x2a: {  	[tilespmem:s7], [sflag:$0x3] =	stream.indirect.gather [hbm4b:s3+s11], $0x20, s5, s11, $0xb8;
	[tilespmem:$0x14A00] =	vst v63  }
0x2b: {  	s5 =	simm.s32 $0x280;
	s7 =	simm.s32 $0x5A00  }
0x2c: {  	[tilespmem:s7], [sflag:$0x3] =	stream.indirect.gather [hbm4b:s3+s11], $0x20, s5, s11, $0xb8;
	[tilespmem:$0x14A00] =	vst v63  }
0x2d: {  	s5 =	simm.s32 $0x300;
	s7 =	simm.s32 $0x6A00  }
0x2e: {  	[tilespmem:s7], [sflag:$0x3] =	stream.indirect.gather [hbm4b:s3+s11], $0x20, s5, s11, $0xb8;
	[tilespmem:$0x14A00] =	vst v63  }
0x2f: {  	s5 =	simm.s32 $0x380;
	s7 =	simm.s32 $0x7A00  }
0x30: {  	[tilespmem:s7], [sflag:$0x3] =	stream.indirect.gather [hbm4b:s3+s11], $0x20, s5, s11, $0xb8;
	[tilespmem:$0x14A00] =	vst v63  }
0x31: {  	s5 =	simm.s32 $0x400;
	s7 =	simm.s32 $0x8A00  }
0x32: {  	[tilespmem:s7], [sflag:$0x3] =	stream.indirect.gather [hbm4b:s3+s11], $0x20, s5, s11, $0xb8;
	[tilespmem:$0x14A00] =	vst v63  }
0x33: {  	s5 =	simm.s32 $0x480;
	s7 =	simm.s32 $0x9A00  }
0x34: {  	[tilespmem:s7], [sflag:$0x3] =	stream.indirect.gather [hbm4b:s3+s11], $0x20, s5, s11, $0xb8;
	[tilespmem:$0x14A00] =	vst v63  }
0x35: {  	_ =	swait.ge [sflag:s31], $0x1000  }
0x36: {  	[sflag:s31] =	ssyncset.done $0x0  }
0x37: {  	[sflag:s31] =	ssyncadd.s32 $0xFFFFF000  }
0x38: {  	_ =	swait.ge [sflag:s31], $0x1000  }
0x39: {  	[sflag:s31] =	ssyncset.done $0x0  }
0x3a: {  	[sflag:s31] =	ssyncadd.s32 $0xFFFFF000  }
0x3b: {  	_ =	swait.ge [sflag:s31], $0x1000  }
0x3c: {  	[sflag:s31] =	ssyncset.done $0x0  }
0x3d: {  	[sflag:s31] =	ssyncadd.s32 $0xFFFFF000  }
0x3e: {  	_ =	swait.ge [sflag:s31], $0x1000  }
0x3f: {  	[sflag:s31] =	ssyncset.done $0x0  }
0x40: {  	[sflag:s31] =	ssyncadd.s32 $0xFFFFF000  }
0x41: {  	_ =	swait.ge [sflag:s31], $0x1000  }
0x42: {  	[sflag:s31] =	ssyncset.done $0x0  }
0x43: {  	[sflag:s31] =	ssyncadd.s32 $0xFFFFF000  }
0x44: {  	_ =	swait.ge [sflag:s31], $0x1000  }
0x45: {  	[sflag:s31] =	ssyncset.done $0x0  }
0x46: {  	[sflag:s31] =	ssyncadd.s32 $0xFFFFF000  }
0x47: {  	_ =	swait.ge [sflag:s31], $0x1000  }
0x48: {  	[sflag:s31] =	ssyncset.done $0x0  }
0x49: {  	[sflag:s31] =	ssyncadd.s32 $0xFFFFF000  }
0x4a: {  	_ =	swait.ge [sflag:s31], $0x1000  }
0x4b: {  	[sflag:s31] =	ssyncset.done $0x0  }
0x4c: {  	[sflag:s31] =	ssyncadd.s32 $0xFFFFF000  }
0x4d: {  	_ =	swait.ge [sflag:s31], $0x1000  }
0x4e: {  	[sflag:s31] =	ssyncset.done $0x0  }
0x4f: {  	[sflag:s31] =	ssyncadd.s32 $0xFFFFF000  }
0x50: {  	_ =	swait.ge [sflag:s31], $0x1000  }
0x51: {  	[sflag:s31] =	ssyncset.done $0x0  }
0x52: {  	[sflag:s31] =	ssyncadd.s32 $0xFFFFF000  }
0x53: {  	[hbm4b:s28+s2] =	stream.linear.scatter [tilespmem:s12], [sflag:$0x4], $0xA000, $0x38;
	[tilespmem:$0x14A00] =	vst v63  }
0x54: {  	_ =	swait.ge [sflag:s1], $0x500  }
0x55: {  	[sflag:s1] =	ssyncset.done $0x0  }
0x56: {  	s5 =	simm.s32 @!p0 $0x5;
	[sflag:s1] =	ssyncadd.s32 $0xFFFFFB00  }
0x57: {  	p1 =	seq.s32 @!p0 s30, $0xB40;
	_ =	swait.ge @!p0 [sflag:s5], $0xA000  }
0x58: {  	p1 =	por p0, !p1;
	[sflag:s5] =	ssyncset.done @!p0 $0x0  }
0x59: {  	s4 =	sadd.s32 @p1 $0x140, s4;
	[sflag:s5] =	ssyncadd.s32 @!p0 $0xFFFF6000  }
0x5a: {  	[tilespmem:s2], [sflag:$0x1] =	stream.linear.gather @p1 [hbm4b:s4+s2], $0x500, $0x38;
	[tilespmem:$0x14A00] =	vst v63  }
0x5b: {  	_ = 	snop  }
0x5c: {  	[tilespmem:s0], [sflag:$0x3] =	stream.indirect.gather [hbm4b:s3+s11], $0x20, s10, s11, $0xb8;
	[tilespmem:$0x14A00] =	vst v63  }
0x5d: {  	s7 =	simm.s32 $0xBA00;
	s5 =	simm.s32 $0x580  }
0x5e: {  	[tilespmem:s7], [sflag:$0x3] =	stream.indirect.gather [hbm4b:s3+s11], $0x20, s5, s11, $0xb8;
	[tilespmem:$0x14A00] =	vst v63  }
0x5f: {  	s7 =	simm.s32 $0x600  }
0x60: {  	[tilespmem:s8], [sflag:$0x3] =	stream.indirect.gather [hbm4b:s3+s11], $0x20, s7, s11, $0xb8;
	[tilespmem:$0x14A00] =	vst v63  }
0x61: {  	_ = 	snop  }
0x62: {  	[tilespmem:s14], [sflag:$0x3] =	stream.indirect.gather [hbm4b:s3+s11], $0x20, s13, s11, $0xb8;
	[tilespmem:$0x14A00] =	vst v63  }
0x63: {  	_ = 	snop  }
0x64: {  	[tilespmem:s16], [sflag:$0x3] =	stream.indirect.gather [hbm4b:s3+s11], $0x20, s15, s11, $0xb8;
	[tilespmem:$0x14A00] =	vst v63  }
0x65: {  	_ = 	snop  }
0x66: {  	[tilespmem:s18], [sflag:$0x3] =	stream.indirect.gather [hbm4b:s3+s11], $0x20, s17, s11, $0xb8;
	[tilespmem:$0x14A00] =	vst v63  }
0x67: {  	_ = 	snop  }
0x68: {  	[tilespmem:s20], [sflag:$0x3] =	stream.indirect.gather [hbm4b:s3+s11], $0x20, s19, s11, $0xb8;
	[tilespmem:$0x14A00] =	vst v63  }
0x69: {  	_ = 	snop  }
0x6a: {  	[tilespmem:s22], [sflag:$0x3] =	stream.indirect.gather [hbm4b:s3+s11], $0x20, s21, s11, $0xb8;
	[tilespmem:$0x14A00] =	vst v63  }
0x6b: {  	_ = 	snop  }
0x6c: {  	[tilespmem:s24], [sflag:$0x3] =	stream.indirect.gather [hbm4b:s3+s11], $0x20, s23, s11, $0xb8;
	[tilespmem:$0x14A00] =	vst v63  }
0x6d: {  	_ = 	snop  }
0x6e: {  	[tilespmem:s26], [sflag:$0x3] =	stream.indirect.gather [hbm4b:s3+s11], $0x20, s25, s11, $0xb8;
	[tilespmem:$0x14A00] =	vst v63  }
0x6f: {  	_ =	swait.ge [sflag:s31], $0x1000  }
0x70: {  	[sflag:s31] =	ssyncset.done $0x0  }
0x71: {  	[sflag:s31] =	ssyncadd.s32 $0xFFFFF000  }
0x72: {  	_ =	swait.ge [sflag:s31], $0x1000  }
0x73: {  	[sflag:s31] =	ssyncset.done $0x0  }
0x74: {  	[sflag:s31] =	ssyncadd.s32 $0xFFFFF000  }
0x75: {  	_ =	swait.ge [sflag:s31], $0x1000  }
0x76: {  	[sflag:s31] =	ssyncset.done $0x0  }
0x77: {  	[sflag:s31] =	ssyncadd.s32 $0xFFFFF000  }
0x78: {  	_ =	swait.ge [sflag:s31], $0x1000  }
0x79: {  	[sflag:s31] =	ssyncset.done $0x0  }
0x7a: {  	[sflag:s31] =	ssyncadd.s32 $0xFFFFF000  }
0x7b: {  	_ =	swait.ge [sflag:s31], $0x1000  }
0x7c: {  	[sflag:s31] =	ssyncset.done $0x0  }
0x7d: {  	[sflag:s31] =	ssyncadd.s32 $0xFFFFF000  }
0x7e: {  	_ =	swait.ge [sflag:s31], $0x1000  }
0x7f: {  	[sflag:s31] =	ssyncset.done $0x0  }
0x80: {  	[sflag:s31] =	ssyncadd.s32 $0xFFFFF000  }
0x81: {  	_ =	swait.ge [sflag:s31], $0x1000  }
0x82: {  	[sflag:s31] =	ssyncset.done $0x0  }
0x83: {  	[sflag:s31] =	ssyncadd.s32 $0xFFFFF000  }
0x84: {  	_ =	swait.ge [sflag:s31], $0x1000  }
0x85: {  	[sflag:s31] =	ssyncset.done $0x0  }
0x86: {  	[sflag:s31] =	ssyncadd.s32 $0xFFFFF000  }
0x87: {  	_ =	swait.ge [sflag:s31], $0x1000  }
0x88: {  	s30 =	sadd.s32 $0x140, s30;
	[sflag:s31] =	ssyncset.done $0x0  }
0x89: {  	p0 =	sne.s32 s30, $0xC80;
	[sflag:s31] =	ssyncadd.s32 $0xFFFFF000  }
.Ltmp0:
0x8a: {  	_ =	swait.ge [sflag:s31], $0x1000;
	(pc) =	sbr.rel @p0 .LBB2_2-.Ltmp0, $4  }
0x8b: {  	[sflag:s31] =	ssyncset.done $0x0  }
0x8c: {  	[sflag:s31] =	ssyncadd.s32 $0xFFFFF000  }
0x8d: {  	[hbm4b:s29+s2] =	stream.linear.scatter [tilespmem:s0], [sflag:$0x5], $0xA000, $0x38;
	[tilespmem:$0x14A00] =	vst v63  }
0x8e: {  	s28 =	sadd.s32 $0x2800, s28;
	s29 =	sadd.s32 $0x2800, s29  }
0x8f: {  	s4 =	simm.s32 $0x4  }
0x90: {  	_ =	swait.ge [sflag:s4], $0xA000  }
0x91: {  	[sflag:s4] =	ssyncset.done $0x0  }
0x92: {  	s5 =	simm.s32 $0x5;
	[sflag:s4] =	ssyncadd.s32 $0xFFFF6000  }
0x93: {  	_ =	swait.ge [sflag:s5], $0xA000  }
0x94: {  	s7 =	rddreg [dreg:$0x6]  }
0x95: {  	s30 =	rddreg [dreg:$0x3];
	s7 =	sadd.s32 $0x1, s7  }
0x96: {  	p0 =	sne.s32 s7, s30  }
.Ltmp1:
0x97: {  	_ = 	snop;
	(pc) =	sbr.rel @p0 .LBB2_1-.Ltmp1, $3  }
0x98: {  	_ =	sdelay $0x1  }
0x99: {  	[sflag:s5] =	ssyncset.done $0x0  }
0x9a: {  	[sflag:s5] =	ssyncadd.s32 $0xFFFF6000  }
0x9b: {  	_ =	sfence.sel $0x180000  }
0x9c: {  	[bflag:$0x0] =	sbarrier.arrive $0xFFFF  }
0x9d: {  	_ =	strace $0x9000004D  }
0x9e: {  	s0 =	stileid.u32;
	[bflag:$0x2] =	sbarrier.arrive $0xFFFF  }
0x9f: {  	p0 =	sne.s32 s0, $0x0;
	s0 =	rddreg [dreg:$0x1]  }
0xa0: {  	s0 =	sadd.s32 @!p0 $0x100000, s0  }
0xa1: {  	[sflag:s0] =	ssyncadd.tile.s32 @!p0 $0x1;
	_ =	shalt  }
.Lfunc_end2:
_tile_overlayer_lowered:
.L_overlay_start_2:
0xa2: {  	(tag) =	ssettag $0x2  }
0xa3: {  	s0 =	rddreg [dreg:$0x0];
	s2 =	stileid.u32  }
0xa4: {  	s1 =	rddreg [dreg:$0x1];
	p0 =	sne.s32 s2, $0x0  }
0xa5: {  	s3 =	rddreg [dreg:$0x2];
	[bflag:$0x3] =	sbarrier.arrive $0xFFFF;
	s2 =	simm.s32 @!p0 $0x1C06  }
0xa6: {  	[timem:s3], [sflag:s2] =	dma.local @!p0 [hbm:s0], s1  }
0xa7: {  	s0 =	simm.s32 @!p0 $0x6  }
0xa8: {  	_ =	swait.ge @!p0 [sflag:s0], s1  }
0xa9: {  	s1 =	ssub.s32 @!p0 $0x0, s1;
	[sflag:s0] =	ssyncset.done @!p0 $0x0  }
0xaa: {  	[sflag:s0] =	ssyncadd.s32 @!p0 s1  }
0xab: {  	[bflag:$0x3] =	sbarrier.arrive $0xFFFF  }
0xac: {  	_ =	shalt  }

// kernel: kernel.22.cloned.1.call-start
scs
__scs_entry_jumppad:
0x0: {  	(pc) =	sbr.rel $0x88, $3  }
0x1: {  	(tag) =	ssettag $0x0;
	lr =	simm.s32 $0x1  }
0x2: {  	[smem:$0x3F90] =	sst lr;
	_ =	strace $0xD0000000  }
0x3: {  	_ = 	snop  }
0x4: {  	_ = 	snop  }
0x5: {  	_ = 	snop  }
0x6: {  	_ = 	snop  }
0x7: {  	_ = 	snop  }
__scs_overlays_trampoline_lowered:
0x8: {  	[smem:$0x3F9F] =	sst s0  }
0x9: {  	[smem:$0x3FA0] =	sst s1  }
0xa: {  	[smem:$0x3FA1] =	sst s2  }
0xb: {  	[smem:$0x3FA2] =	sst s3  }
0xc: {  	[smem:$0x3FA3] =	sst s4  }
0xd: {  	[smem:$0x3FA4] =	sst s5  }
0xe: {  	[smem:$0x3FA5] =	sst s6  }
0xf: {  	[smem:$0x3FA6] =	sst s7  }
0x10: {  	[smem:$0x3FA7] =	sst s8  }
0x11: {  	[smem:$0x3FA8] =	sst s9;
	s0 =	simm.s32 @!p0 $0x0  }
0x12: {  	s1 =	sld [smem:$0x3F8E];
	s0 =	simm.s32 @p0 $0x1  }
0x13: {  	[smem:$0x3FA9] =	sst s0;
	s0 =	simm.s32 @!p1 $0x0  }
0x14: {  	s2 =	sld [smem:$0x3F8D];
	s0 =	simm.s32 @p1 $0x1  }
0x15: {  	[smem:$0x3FAA] =	sst s0;
	s0 =	simm.s32 @!p2 $0x0  }
0x16: {  	s3 =	sld [smem:$0x3FDB];
	s0 =	simm.s32 @p2 $0x1  }
0x17: {  	s4 =	simm.s32 $0x1BF5;
	[smem:$0x3FAC] =	sst s0  }
0x18: {  	s0 =	sld [smem:$0x3F8F];
	_ =	swait.ge [sflag:s4], $0x0  }
0x19: {  	s7 =	sld [smem:$0x3F90]  }
0x1a: {  	s8 =	sadd.s32 $0xFFFFE003, lr  }
0x1b: {  	s9 =	sadd.s32 $0xFFFFFEF7, lr;
	s5 =	simm.s32 $0xFFFFFFFF;
	p2 =	slt.u32 s8, $0xFFFFF086  }
0x1c: {  	p1 =	slt.u32 s9, $0xF7A;
	s5 =	simm.s32 @!p2 $0x0  }
0x1d: {  	s5 =	simm.s32 @p1 $0x1;
	p0 =	seq.s32 s7, s2  }
0x1e: {  	s7 =	smul.u32 @!p0 $0xF7A, s2;
	p2 =	seq.s32 @!p0 s5, $0x0  }
0x1f: {  	s9 =	smul.u32 $0xF7A, s1;
	s8 =	simm.s32 @!p0 $0x1BF5;
	p2 =	por !p2, p0  }
0x20: {  	[sflag:s8] =	ssyncset.s32 @!p0 $0xFFFFF086;
	s6 =	sadd.s32 @!p0 s3, s7;
	s7 =	simm.s32 @!p0 $0x108  }
0x21: {  	s3 =	sadd.s32 s3, s9;
	s6 =	sadd.s32 @!p0 $0x88, s6;
	s7 =	simm.s32 @p2 $0x1082  }
0x22: {  	[simem:s7], [sflag:s8] =	dma.local @!p0 [hbm:s6], $0xF7A  }
0x23: {  	s9 =	sor.u32 $0xD0000000, s2;
	s6 =	simm.s32 $0x108;
	_ =	swait.ge @!p0 [sflag:s8], $0x0  }
0x24: {  	s3 =	sadd.s32 $0x88, s3;
	s6 =	simm.s32 @!p1 $0x1082;
	[sflag:s4] =	ssyncset.s32 $0xFFFFF086  }
0x25: {  	[simem:s6], [sflag:s4] =	dma.local [hbm:s3], $0xF7A  }
0x26: {  	[smem:$0x3F90] =	sst s1;
	(tag) =	ssettag s2;
	_ =	strace s9  }
0x27: {  	s1 =	sld [smem:$0x3FA0]  }
0x28: {  	s2 =	sld [smem:$0x3FA1]  }
0x29: {  	s4 =	sld [smem:$0x3FA3]  }
0x2a: {  	p0 =	seq.s32 s5, $0x0;
	s5 =	sld [smem:$0x3FA4]  }
0x2b: {  	s6 =	sld [smem:$0x3FA5]  }
0x2c: {  	s7 =	sld [smem:$0x3FA6]  }
0x2d: {  	s3 =	simm.s32 $0x108;
	s8 =	sld [smem:$0x3FA7]  }
0x2e: {  	s3 =	simm.s32 @!p0 $0x1082;
	s9 =	sld [smem:$0x3FA8]  }
0x2f: {  	lr =	sadd.s32 s0, s3;
	s0 =	sld [smem:$0x3F9F]  }
0x30: {  	s3 =	sld [smem:$0x3FA2]  }
0x31: {  	[smem:$0x3FAB] =	sst s10  }
0x32: {  	s10 =	sld [smem:$0x3FA9];
	_ =	sdelay $0x3  }
0x33: {  	p0 =	seq.s32 s10, $0x1;
	s10 =	sld [smem:$0x3FAB];
	_ =	sdelay $0x3  }
0x34: {  	[smem:$0x3FAB] =	sst s10  }
0x35: {  	s10 =	sld [smem:$0x3FAA];
	_ =	sdelay $0x3  }
0x36: {  	p1 =	seq.s32 s10, $0x1;
	s10 =	sld [smem:$0x3FAB];
	_ =	sdelay $0x3  }
0x37: {  	[smem:$0x3FAB] =	sst s10  }
0x38: {  	s10 =	sld [smem:$0x3FAC]  }
0x39: {  	_ = 	snop;
	(pc) =	sbr.ind lr, $3  }
0x3a: {  	_ = 	snop  }
0x3b: {  	_ = 	snop  }
0x3c: {  	p2 =	seq.s32 s10, $0x1;
	s10 =	sld [smem:$0x3FAB]  }
0x3d: {  	_ =	shalt  }
0x3e: {  	_ =	shalt  }
0x3f: {  	_ =	shalt  }
0x40: {  	_ =	shalt  }
0x41: {  	_ =	shalt  }
0x42: {  	_ =	shalt  }
0x43: {  	_ =	shalt  }
0x44: {  	_ =	shalt  }
0x45: {  	_ =	shalt  }
0x46: {  	_ =	shalt  }
0x47: {  	_ =	shalt  }
0x48: {  	_ =	shalt  }
0x49: {  	_ =	shalt  }
0x4a: {  	_ =	shalt  }
0x4b: {  	_ =	shalt  }
0x4c: {  	_ =	shalt  }
0x4d: {  	_ =	shalt  }
0x4e: {  	_ =	shalt  }
0x4f: {  	_ =	shalt  }
0x50: {  	_ =	shalt  }
0x51: {  	_ =	shalt  }
0x52: {  	_ =	shalt  }
0x53: {  	_ =	shalt  }
0x54: {  	_ =	shalt  }
0x55: {  	_ =	shalt  }
0x56: {  	_ =	shalt  }
0x57: {  	_ =	shalt  }
0x58: {  	_ =	shalt  }
0x59: {  	_ =	shalt  }
0x5a: {  	_ =	shalt  }
0x5b: {  	_ =	shalt  }
0x5c: {  	_ =	shalt  }
0x5d: {  	_ =	shalt  }
0x5e: {  	_ =	shalt  }
0x5f: {  	_ =	shalt  }
0x60: {  	_ =	shalt  }
0x61: {  	_ =	shalt  }
0x62: {  	_ =	shalt  }
0x63: {  	_ =	shalt  }
0x64: {  	_ =	shalt  }
0x65: {  	_ =	shalt  }
0x66: {  	_ =	shalt  }
0x67: {  	_ =	shalt  }
0x68: {  	_ =	shalt  }
0x69: {  	_ =	shalt  }
0x6a: {  	_ =	shalt  }
0x6b: {  	_ =	shalt  }
0x6c: {  	_ =	shalt  }
0x6d: {  	_ =	shalt  }
0x6e: {  	_ =	shalt  }
0x6f: {  	_ =	shalt  }
0x70: {  	_ =	shalt  }
0x71: {  	_ =	shalt  }
0x72: {  	_ =	shalt  }
0x73: {  	_ =	shalt  }
0x74: {  	_ =	shalt  }
0x75: {  	_ =	shalt  }
0x76: {  	_ =	shalt  }
0x77: {  	_ =	shalt  }
0x78: {  	_ =	shalt  }
0x79: {  	_ =	shalt  }
0x7a: {  	_ =	shalt  }
0x7b: {  	_ =	shalt  }
0x7c: {  	_ =	shalt  }
0x7d: {  	_ =	shalt  }
0x7e: {  	_ =	shalt  }
0x7f: {  	_ =	shalt  }
0x80: {  	_ =	shalt  }
0x81: {  	_ =	shalt  }
0x82: {  	_ =	shalt  }
0x83: {  	_ =	shalt  }
0x84: {  	_ =	shalt  }
0x85: {  	_ =	shalt  }
0x86: {  	_ =	shalt  }
0x87: {  	_ =	shalt  }
.Lfunc_end0:
.L_simem_size_0:
called_computation.3_lowered:
.L_overlay_start_0:
0x88: {  	s2 =	sld [smem:$0x3FD9]  }
0x89: {  	s3 =	sld [smem:$0x3FFE];
	_ =	sdelay $0x1  }
0x8a: {  	s1 =	srdreg.scid  }
0x8b: {  	s0 =	sand.u32 $0x1, s1  }
0x8c: {  	s16 =	sshll.u32 s0, $0xA;
	s2 =	sadd.s32 s3, s2  }
0x8d: {  	s2 =	sadd.s32 s2, s16  }
0x8e: {  	[smem:$0x3FB7] =	sst s2  }
0x8f: {  	_ = 	snop  }
0x90: {  	(tm) =	ssettm $0x1  }
0x91: {  	s17 =	sld [smem:$0x3FFB];
	_ =	sdelay $0x3  }
0x92: {  	_ =	strace s17  }
0x93: {  	s2 =	sld [smem:$0x3FFC];
	_ =	sdelay $0x3  }
0x94: {  	_ =	strace s2  }
0x95: {  	s2 =	sld [smem:$0x3FFD];
	_ =	sdelay $0x3  }
0x96: {  	_ =	strace s2  }
0x97: {  	_ =	strace $0x8FFFFFFF  }
0x98: {  	s18 =	sld [smem:$0x3FDB];
	_ =	sdelay $0x1  }
0x99: {  	s19 =	simm.s32 $_scs_section_size  }
0x9a: {  	s4 =	simm.s32 $_size__tile_overlayer_lowered;
	s5 =	simm.s32 $_tile_overlayer_lowered  }
0x9b: {  	s22 =	simm.s32 $0x1BFF;
	s21 =	sshll.u32 s5, $0x1;
	s2 =	sadd.s32 s19, s18  }
0x9c: {  	s6 =	simm.s32 $0x0;
	s20 =	sshll.u32 s4, $0x1;
	s4 =	sadd.s32 s21, s2  }
0x9d: {  	[timem:s6], [sflag:s22] =	dma.local [hbm:s4], s20  }
0x9e: {  	_ =	swait.ge [sflag:s22], s20  }
0x9f: {  	s3 =	ssub.s32 $0x0, s20;
	[sflag:s22] =	ssyncset.done $0x0  }
0xa0: {  	[sflag:s22] =	ssyncadd.s32 s3;
	_ =	sdelay $0x1  }
0xa1: {  	s23 =	simm.s32 $0x1B8B  }
0xa2: {  	_ =	swait.ge [sflag:s23], $0x1  }
0xa3: {  	[sflag:s23] =	ssyncset.done $0x0  }
0xa4: {  	s25 =	simm.s32 $0x1B8E;
	s24 =	sld [smem:$0x3FFE];
	[sflag:s23] =	ssyncadd.s32 $0xFFFFFFFF  }
0xa5: {  	s26 =	simm.s32 $execute0_lowered;
	[smem:$0x3FD2] =	sst s25  }
0xa6: {  	s4 =	sshll.u32 s26, $0x1;
	_ =	strace $0x8000004F;
	[dreg:$0x1] =	wrdreg $0xFFFFFFFF  }
0xa7: {  	s28 =	simm.s32 $_size_execute0_lowered;
	s2 =	sadd.s32 s2, s4;
	[dreg:$0x0] =	wrdreg $0x0  }
0xa8: {  	s4 =	sshll.u32 s28, $0x1;
	[dreg:$0x2] =	wrdreg s2  }
0xa9: {  	[dreg:$0x3] =	wrdreg s4  }
0xaa: {  	[dreg:$0x4] =	wrdreg $0xC0  }
0xab: {  	_ =	task [dreg:s6], $0x5FFFF  }
0xac: {  	[dreg:$0x1] =	wrdreg $0xFFFFFFFF  }
0xad: {  	[dreg:$0x0] =	wrdreg $0x60  }
0xae: {  	[dreg:$0x2] =	wrdreg s24  }
0xaf: {  	[dreg:$0x3] =	wrdreg $0x42000  }
0xb0: {  	[dreg:$0x4] =	wrdreg $0x9  }
0xb1: {  	_ =	task.clear_ibuf [dreg:s6], $0x5FFFF;
	_ =	strace $0x9000004F  }
0xb2: {  	s29 =	simm.s32 $0x9;
	_ =	strace $0x80000051  }
0xb3: {  	_ =	swait.ge [sflag:s29], $0x1  }
0xb4: {  	[sflag:s29] =	ssyncadd.s32 $0xFFFFFFFF  }
0xb5: {  	_ =	strace $0x90000051  }
0xb6: {  	_ =	sfence  }
0xb7: {  	s30 =	sld [smem:$0x0];
	_ =	sdelay $0x2  }
0xb8: {  	s31 =	sshll.u32 s1, $0xD;
	s1 =	sshrl.u32 s1, $0x2  }
0xb9: {  	s3 =	sand.u32 $0x4000, s31;
	s1 =	sadd.s32 s1, s30  }
0xba: {  	s0 =	sor.u32 s3, s0;
	s1 =	sshll.u32 s1, $0x11  }
0xbb: {  	s0 =	sor.u32 s1, s0  }
0xbc: {  	s0 =	sadd.s32 $0x8F2B, s0  }
0xbd: {  	[sflag:s0] =	ssyncadd.remote.s32 $0x1  }
0xbe: {  	_ =	sfence.sel $0xFFFF  }
0xbf: {  	[dreg:$0x0] =	wrdreg $0xFFFFFFFF;
	(pc) =	sbr.abs _section_cstart, $3  }
0xc0: {  	[dreg:$0x1] =	wrdreg $0xFFFFFFFF  }
0xc1: {  	_ =	task.clear_ibuf [dreg:s6], $0x2FFFF;
	_ =	strace $0x9FFFFFFF  }
0xc2: {  	(tm) =	ssettm $0x7FFFFFFF  }
0xc3: {  	_ =	shalt  }
tec
execute0_lowered:
.L_overlay_start_1:
0x0: {  	(tag) =	ssettag $0x1  }
0x1: {  	s4 =	rddreg [dreg:$0x0]  }
0x2: {  	s2 =	rddreg [dreg:$0x1]  }
0x3: {  	s0 =	stileid.u32;
	s3 =	simm.s32 $0x0;
	s6 =	srdreg.scid  }
0x4: {  	s17 =	simm.s32 $0x200;
	s18 =	simm.s32 $0x1;
	s19 =	simm.s32 $0x3  }
0x5: {  	s20 =	simm.s32 $0x100;
	s21 =	simm.s32 $0x2200;
	s5 =	smul.u32 $0x18800, s0  }
0x6: {  	s28 =	simm.s32 $0x3200;
	s29 =	simm.s32 $0x0;
	s11 =	smul.u32 $0x190, s0  }
0x7: {  	[smem:$0x7FF] =	sst s3;
	s6 =	sand.u32 $0x1, s6;
	s22 =	smul.u32 $0x190000, s0  }
0x8: {  	s14 =	sadd.s32 $0xA9EE00, s4;
	s10 =	sadd.s32 $0xE5000, s4;
	s24 =	smul.u32 $0x1900, s0  }
0x9: {  	s23 =	sshll.u32 s0, $0x6;
	_ =	strace $0x80000050;
	s8 =	smul.u32 $0x188000, s6  }
0xa: {  	s9 =	ssub.s32 $0x2, s6;
	s13 =	smul.u32 $0x1900000, s6;
	s7 =	sshrl.u32 s5, $0x3  }
0xb: {  	s12 =	sshrl.u32 s9, $0x1;
	s15 =	sadd.s32 s5, s2;
	s6 =	sadd.s32 s10, s24  }
0xc: {  	s11 =	sadd.s32 $0x18E, s11;
	s24 =	simm.s32 $0x2;
	s7 =	sadd.s32 s7, s4  }
0xd: {  	s8 =	sadd.s32 s5, s8;
	s9 =	ssub.s32 s9, s12;
	s5 =	sor.u32 $0x1C05, s23  }
0xe: {  	s16 =	sadd.s32 s22, s13;
	s26 =	sshll.u32 s11, $0xC;
	s11 =	sshll.u32 s11, $0x4  }
0xf: {  	s15 =	sshrl.u32 s15, $0x3;
	s22 =	simm.s32 $0x80;
	s23 =	simm.s32 $0x1200  }
0x10: {  	s8 =	sshrl.u32 s8, $0x3;
	s25 =	sshrl.u32 s16, $0x3;
	s9 =	smax.u32 s9, $0x1  }
0x11: {  	s12 =	sadd.s32 s13, s26;
	s10 =	sadd.s32 s10, s11;
	s31 =	sor.u32 $0x2000, s16  }
0x12: {  	s16 =	sor.u32 $0x4000, s16;
	s13 =	sadd.s32 $0x20, s6;
	s26 =	simm.s32 $0x180  }
0x13: {  	s8 =	sadd.s32 s8, s4;
	s4 =	sadd.s32 $0x253E00, s7;
	s7 =	sadd.s32 s14, s25  }
0x14: {  	s30 =	sshrl.u32 s12, $0x3;
	s12 =	sshrl.u32 s31, $0x3;
	s16 =	sshrl.u32 s16, $0x3  }
0x15: {  	s25 =	simm.s32 $0x4;
	s8 =	sadd.s32 $0xFE000, s8;
	s11 =	sadd.s32 s14, s30  }
0x16: {  	s12 =	sadd.s32 s12, s14;
	s14 =	sadd.s32 s16, s14;
	s16 =	simm.s32 $0x5  }
.LBB2_1:
0x17: {  	[spmem:s15], [sflag:s5] =	dma.local [hbm:s4], $0x3100  }
0x18: {  	_ =	swait.ge [sflag:s16], $0x3100  }
0x19: {  	[sflag:s16] =	ssyncset.done $0x0  }
0x1a: {  	[sflag:s16] =	ssyncadd.s32 $0xFFFFCF00  }
0x1b: {  	[bflag:$0x0] =	sbarrier.arrive $0xFFFF  }
0x1c: {  	[tilespmem:s3], [sflag:$0x1] =	stream.linear.gather [hbm4b:s6+s3], $0x100, $0x38;
	[tilespmem:$0x1CA00] =	vst v63  }
0x1d: {  	_ = 	snop  }
0x1e: {  	[tilespmem:s17], [sflag:$0x3] =	stream.linear.gather [hbm4b:s7+s3], $0x2000, $0x38;
	[tilespmem:$0x1CA00] =	vst v63  }
0x1f: {  	_ =	swait.ge [sflag:s18], $0x100  }
0x20: {  	[sflag:s18] =	ssyncset.done $0x0  }
0x21: {  	[sflag:s18] =	ssyncadd.s32 $0xFFFFFF00  }
0x22: {  	_ =	swait.ge [sflag:s19], $0x2000  }
0x23: {  	[sflag:s19] =	ssyncset.done $0x0  }
0x24: {  	[sflag:s19] =	ssyncadd.s32 $0xFFFFE000  }
0x25: {  	[tilespmem:s20], [sflag:$0x2] =	stream.linear.gather [hbm4b:s13+s3], $0x100, $0x38;
	[tilespmem:$0x1CA00] =	vst v63  }
0x26: {  	s30 =	sadd.s32 $0x0, s12  }
0x27: {  	[tilespmem:s21], [sflag:$0x4] =	stream.linear.gather [hbm4b:s30+s3], $0x2000, $0x38;
	[tilespmem:$0x1CA00] =	vst v63  }
0x28: {  	_ = 	snop  }
0x29: {  	[spmem:s2] =	stream.indirect.scatter.add.f32 [tilespmem:s17], [sflag:$0x5], $0x20, s3, s22, $0xb8;
	[tilespmem:$0x1CA00] =	vst v63  }
0x2a: {  	_ =	swait.ge [sflag:s16], $0x1000  }
0x2b: {  	[sflag:s16] =	ssyncset.done $0x0  }
0x2c: {  	[sflag:s16] =	ssyncadd.s32 $0xFFFFF000  }
0x2d: {  	[spmem:s2] =	stream.indirect.scatter.add.f32 [tilespmem:s23], [sflag:$0x5], $0x20, s22, s22, $0xb8;
	[tilespmem:$0x1CA00] =	vst v63  }
0x2e: {  	_ =	swait.ge [sflag:s16], $0x1000  }
0x2f: {  	[sflag:s16] =	ssyncset.done $0x0  }
0x30: {  	[sflag:s16] =	ssyncadd.s32 $0xFFFFF000  }
0x31: {  	_ =	swait.ge [sflag:s24], $0x100  }
0x32: {  	[sflag:s24] =	ssyncset.done $0x0  }
0x33: {  	[sflag:s24] =	ssyncadd.s32 $0xFFFFFF00  }
0x34: {  	_ =	swait.ge [sflag:s25], $0x2000  }
0x35: {  	[sflag:s25] =	ssyncset.done $0x0  }
0x36: {  	s30 =	sadd.s32 $0x20, s13;
	[sflag:s25] =	ssyncadd.s32 $0xFFFFE000  }
0x37: {  	[tilespmem:s3], [sflag:$0x1] =	stream.linear.gather [hbm4b:s30+s3], $0x100, $0x38;
	[tilespmem:$0x1CA00] =	vst v63  }
0x38: {  	s30 =	sadd.s32 $0x0, s14  }
0x39: {  	[tilespmem:s17], [sflag:$0x3] =	stream.linear.gather [hbm4b:s30+s3], $0x2000, $0x38;
	[tilespmem:$0x1CA00] =	vst v63  }
0x3a: {  	_ = 	snop  }
0x3b: {  	[spmem:s2] =	stream.indirect.scatter.add.f32 [tilespmem:s21], [sflag:$0x5], $0x20, s20, s22, $0xb8;
	[tilespmem:$0x1CA00] =	vst v63  }
0x3c: {  	_ =	swait.ge [sflag:s16], $0x1000  }
0x3d: {  	[sflag:s16] =	ssyncset.done $0x0  }
0x3e: {  	[sflag:s16] =	ssyncadd.s32 $0xFFFFF000  }
0x3f: {  	[spmem:s2] =	stream.indirect.scatter.add.f32 [tilespmem:s28], [sflag:$0x5], $0x20, s26, s22, $0xb8;
	[tilespmem:$0x1CA00] =	vst v63  }
0x40: {  	_ =	swait.ge [sflag:s16], $0x1000  }
0x41: {  	s31 =	smov.u32 s13;
	s30 =	simm.s32 $0x800;
	[sflag:s16] =	ssyncset.done $0x0  }
.LBB2_2:
0x42: {  	p0 =	sne.s32 s30, $0x31000;
	[sflag:s16] =	ssyncadd.s32 $0xFFFFF000;
	s31 =	sadd.s32 $0x40, s31  }
0x43: {  	s0 =	smov.u32 s30;
	s30 =	sadd.s32 $0x800, s30;
	_ =	swait.ge [sflag:s18], $0x100  }
0x44: {  	[sflag:s18] =	ssyncset.done $0x0  }
0x45: {  	[sflag:s18] =	ssyncadd.s32 $0xFFFFFF00  }
0x46: {  	_ =	swait.ge [sflag:s19], $0x2000  }
0x47: {  	[sflag:s19] =	ssyncset.done $0x0  }
0x48: {  	[sflag:s19] =	ssyncadd.s32 $0xFFFFE000  }
0x49: {  	[tilespmem:s20], [sflag:$0x2] =	stream.linear.gather [hbm4b:s31+s3], $0x100, $0x38;
	[tilespmem:$0x1CA00] =	vst v63  }
0x4a: {  	s1 =	sadd.s32 s0, s12  }
0x4b: {  	[tilespmem:s21], [sflag:$0x4] =	stream.linear.gather [hbm4b:s1+s3], $0x2000, $0x38;
	[tilespmem:$0x1CA00] =	vst v63  }
0x4c: {  	_ = 	snop  }
0x4d: {  	[spmem:s2] =	stream.indirect.scatter.add.f32 [tilespmem:s17], [sflag:$0x5], $0x20, s3, s22, $0xb8;
	[tilespmem:$0x1CA00] =	vst v63  }
0x4e: {  	_ =	swait.ge [sflag:s16], $0x1000  }
0x4f: {  	[sflag:s16] =	ssyncset.done $0x0  }
0x50: {  	[sflag:s16] =	ssyncadd.s32 $0xFFFFF000  }
0x51: {  	[spmem:s2] =	stream.indirect.scatter.add.f32 [tilespmem:s23], [sflag:$0x5], $0x20, s22, s22, $0xb8;
	[tilespmem:$0x1CA00] =	vst v63  }
0x52: {  	_ =	swait.ge [sflag:s16], $0x1000  }
0x53: {  	[sflag:s16] =	ssyncset.done $0x0  }
0x54: {  	[sflag:s16] =	ssyncadd.s32 $0xFFFFF000  }
0x55: {  	_ =	swait.ge [sflag:s24], $0x100  }
0x56: {  	[sflag:s24] =	ssyncset.done $0x0  }
0x57: {  	[sflag:s24] =	ssyncadd.s32 $0xFFFFFF00  }
0x58: {  	_ =	swait.ge [sflag:s25], $0x2000  }
0x59: {  	[sflag:s25] =	ssyncset.done $0x0  }
0x5a: {  	s1 =	sadd.s32 $0x20, s31;
	[sflag:s25] =	ssyncadd.s32 $0xFFFFE000  }
0x5b: {  	[tilespmem:s3], [sflag:$0x1] =	stream.linear.gather [hbm4b:s1+s3], $0x100, $0x38;
	[tilespmem:$0x1CA00] =	vst v63  }
0x5c: {  	s0 =	sadd.s32 s0, s14  }
0x5d: {  	[tilespmem:s17], [sflag:$0x3] =	stream.linear.gather [hbm4b:s0+s3], $0x2000, $0x38;
	[tilespmem:$0x1CA00] =	vst v63  }
0x5e: {  	_ = 	snop  }
0x5f: {  	[spmem:s2] =	stream.indirect.scatter.add.f32 [tilespmem:s21], [sflag:$0x5], $0x20, s20, s22, $0xb8;
	[tilespmem:$0x1CA00] =	vst v63  }
0x60: {  	_ =	swait.ge [sflag:s16], $0x1000  }
.Ltmp0:
0x61: {  	[sflag:s16] =	ssyncset.done $0x0;
	(pc) =	sbr.rel @p0 .LBB2_2-.Ltmp0, $4  }
0x62: {  	[sflag:s16] =	ssyncadd.s32 $0xFFFFF000  }
0x63: {  	[spmem:s2] =	stream.indirect.scatter.add.f32 [tilespmem:s28], [sflag:$0x5], $0x20, s26, s22, $0xb8;
	[tilespmem:$0x1CA00] =	vst v63  }
0x64: {  	_ =	swait.ge [sflag:s16], $0x1000  }
0x65: {  	[sflag:s16] =	ssyncset.done $0x0  }
0x66: {  	[sflag:s16] =	ssyncadd.s32 $0xFFFFF000  }
0x67: {  	_ =	swait.ge [sflag:s18], $0x100  }
0x68: {  	[sflag:s18] =	ssyncset.done $0x0  }
0x69: {  	[sflag:s18] =	ssyncadd.s32 $0xFFFFFF00  }
0x6a: {  	_ =	swait.ge [sflag:s19], $0x2000  }
0x6b: {  	[sflag:s19] =	ssyncset.done $0x0  }
0x6c: {  	[sflag:s19] =	ssyncadd.s32 $0xFFFFE000  }
0x6d: {  	[tilespmem:s20], [sflag:$0x2] =	stream.linear.gather [hbm4b:s10+s3], $0x100, $0x38;
	[tilespmem:$0x1CA00] =	vst v63  }
0x6e: {  	_ = 	snop  }
0x6f: {  	[tilespmem:s21], [sflag:$0x4] =	stream.linear.gather [hbm4b:s11+s3], $0x2000, $0x38;
	[tilespmem:$0x1CA00] =	vst v63  }
0x70: {  	_ = 	snop  }
0x71: {  	[spmem:s2] =	stream.indirect.scatter.add.f32 [tilespmem:s17], [sflag:$0x5], $0x20, s3, s22, $0xb8;
	[tilespmem:$0x1CA00] =	vst v63  }
0x72: {  	_ =	swait.ge [sflag:s16], $0x1000  }
0x73: {  	[sflag:s16] =	ssyncset.done $0x0  }
0x74: {  	[sflag:s16] =	ssyncadd.s32 $0xFFFFF000  }
0x75: {  	[spmem:s2] =	stream.indirect.scatter.add.f32 [tilespmem:s23], [sflag:$0x5], $0x20, s22, s22, $0xb8;
	[tilespmem:$0x1CA00] =	vst v63  }
0x76: {  	_ =	swait.ge [sflag:s16], $0x1000  }
0x77: {  	[sflag:s16] =	ssyncset.done $0x0  }
0x78: {  	[sflag:s16] =	ssyncadd.s32 $0xFFFFF000  }
0x79: {  	_ =	swait.ge [sflag:s24], $0x100  }
0x7a: {  	[sflag:s24] =	ssyncset.done $0x0  }
0x7b: {  	[sflag:s24] =	ssyncadd.s32 $0xFFFFFF00  }
0x7c: {  	_ =	swait.ge [sflag:s25], $0x2000  }
0x7d: {  	[sflag:s25] =	ssyncset.done $0x0  }
0x7e: {  	[sflag:s25] =	ssyncadd.s32 $0xFFFFE000  }
0x7f: {  	[spmem:s2] =	stream.indirect.scatter.add.f32 [tilespmem:s21], [sflag:$0x5], $0x20, s20, s22, $0xb8;
	[tilespmem:$0x1CA00] =	vst v63  }
0x80: {  	_ =	swait.ge [sflag:s16], $0x1000  }
0x81: {  	[sflag:s16] =	ssyncset.done $0x0  }
0x82: {  	[sflag:s16] =	ssyncadd.s32 $0xFFFFF000  }
0x83: {  	[spmem:s2] =	stream.indirect.scatter.add.f32 [tilespmem:s28], [sflag:$0x5], $0x20, s26, s22, $0xb8;
	[tilespmem:$0x1CA00] =	vst v63  }
0x84: {  	_ =	swait.ge [sflag:s16], $0x1000  }
0x85: {  	s29 =	sadd.s32 $0x1, s29;
	[sflag:s16] =	ssyncset.done $0x0  }
0x86: {  	p0 =	sne.s32 s29, s9;
	[sflag:s16] =	ssyncadd.s32 $0xFFFFF000  }
.Ltmp1:
0x87: {  	[bflag:$0x0] =	sbarrier.arrive $0xFFFF;
	(pc) =	sbr.rel @p0 .LBB2_1-.Ltmp1, $4  }
0x88: {  	[hbm:s8], [sflag:s5] =	dma.local [spmem:s15], $0x3100  }
0x89: {  	_ =	swait.ge [sflag:s16], $0x3100  }
0x8a: {  	[sflag:s16] =	ssyncset.done $0x0  }
0x8b: {  	[sflag:s16] =	ssyncadd.s32 $0xFFFFCF00  }
0x8c: {  	_ =	sfence.sel $0x180000  }
0x8d: {  	[bflag:$0x0] =	sbarrier.arrive $0xFFFF  }
0x8e: {  	_ =	strace $0x90000050  }
0x8f: {  	s0 =	stileid.u32;
	[bflag:$0x2] =	sbarrier.arrive $0xFFFF  }
0x90: {  	p0 =	sne.s32 s0, $0x0;
	s0 =	rddreg [dreg:$0x2]  }
0x91: {  	s0 =	sadd.s32 @!p0 $0x100000, s0  }
0x92: {  	[sflag:s0] =	ssyncadd.tile.s32 @!p0 $0x1;
	_ =	shalt  }
.Lfunc_end2:
_tile_overlayer_lowered:
.L_overlay_start_2:
0x93: {  	(tag) =	ssettag $0x2  }
0x94: {  	s0 =	rddreg [dreg:$0x0];
	s2 =	stileid.u32  }
0x95: {  	s1 =	rddreg [dreg:$0x1];
	p0 =	sne.s32 s2, $0x0  }
0x96: {  	s3 =	rddreg [dreg:$0x2];
	[bflag:$0x3] =	sbarrier.arrive $0xFFFF;
	s2 =	simm.s32 @!p0 $0x1C05  }
0x97: {  	[timem:s3], [sflag:s2] =	dma.local @!p0 [hbm:s0], s1  }
0x98: {  	s0 =	simm.s32 @!p0 $0x5  }
0x99: {  	_ =	swait.ge @!p0 [sflag:s0], s1  }
0x9a: {  	s1 =	ssub.s32 @!p0 $0x0, s1;
	[sflag:s0] =	ssyncset.done @!p0 $0x0  }
0x9b: {  	[sflag:s0] =	ssyncadd.s32 @!p0 s1  }
0x9c: {  	[bflag:$0x3] =	sbarrier.arrive $0xFFFF  }
0x9d: {  	_ =	shalt  }

</sc_bundles>
